<compile_context>
chip_gen: v7x
topology: tpu7x:2x2x1
jax: 0.10.2.dev20260603
libtpu: 0.0.44.dev20260713+nightly
codegen_flags: <defaults>
</compile_context>

<pallas_src>
import functools

import jax
import jax.numpy as jnp
from jax import lax
from jax.experimental import pallas as pl
from jax.experimental.pallas import tpu as pltpu
from jax.experimental.pallas import tpu_sc as plsc

BATCH = 16384
N_HID = 64
N_TAB = 4
LANES = 16
NUM_CORES = 2
NUM_SUBCORES = 16
NW = NUM_CORES * NUM_SUBCORES
BPW = BATCH // NW
GROUP = 4
GBUF = N_TAB * GROUP
NGRP = BPW // GROUP
IDXLEN = BPW + LANES

_mesh = plsc.VectorSubcoreMesh(core_axis_name="c", subcore_axis_name="s")


@functools.partial(
    pl.kernel,
    mesh=_mesh,
    out_type=jax.ShapeDtypeStruct((BATCH, N_HID), jnp.float32),
    scratch_types=[
        pltpu.VMEM((N_TAB, IDXLEN), jnp.int32),
        pltpu.VMEM((GBUF, N_HID), jnp.float32),
        pltpu.VMEM((GBUF, N_HID), jnp.float32),
        pltpu.VMEM((BPW, N_HID), jnp.float32),
        pltpu.SemaphoreType.DMA,
        pltpu.SemaphoreType.DMA,
    ],
)
def _lookup_sum(tT, e0, e1, e2, e3, out, idx_v, rb0, rb1, obuf, sm0, sm1):
    wid = lax.axis_index("s") * NUM_CORES + lax.axis_index("c")
    base = wid * BPW
    tabs = (e0, e1, e2, e3)
    rbs = (rb0, rb1)
    sms = (sm0, sm1)

    for k in range(N_TAB):
        pltpu.sync_copy(tT.at[k, pl.ds(base, BPW)], idx_v.at[k, pl.ds(0, BPW)])
    zeros = jnp.zeros((LANES,), jnp.int32)
    for k in range(N_TAB):
        idx_v[k, pl.ds(BPW, LANES)] = zeros

    def enqueue(base16, lo, rbuf, sem):
        iv = [idx_v[k, pl.ds(base16, LANES)] for k in range(N_TAB)]
        for k in range(N_TAB):
            for r in range(GROUP):
                pltpu.async_copy(tabs[k].at[iv[k][lo + r]],
                                 rbuf.at[k * GROUP + r], sem)

    def drain(rbuf, sem):
        pltpu.make_async_copy(e0.at[pl.ds(0, GBUF)], rbuf, sem).wait()

    def vsum(g, rbuf):
        row0 = g * GROUP
        for r in range(GROUP):
            for j in range(N_HID // LANES):
                o = j * LANES
                v = (rbuf[0 * GROUP + r, pl.ds(o, LANES)]
                     + rbuf[1 * GROUP + r, pl.ds(o, LANES)]
                     + rbuf[2 * GROUP + r, pl.ds(o, LANES)]
                     + rbuf[3 * GROUP + r, pl.ds(o, LANES)])
                obuf[row0 + r, pl.ds(o, LANES)] = v

    PER = LANES // GROUP
    enqueue(0, 0, rb0, sm0)

    def vec_body(gg, _):
        b = gg * PER
        for u in range(PER):
            g = b + u
            enqueue((gg + (u + 1) // PER) * LANES,
                    GROUP * ((u + 1) % PER),
                    rbs[(u + 1) % 2], sms[(u + 1) % 2])
            drain(rbs[u % 2], sms[u % 2])
            vsum(g, rbs[u % 2])
        return 0

    lax.fori_loop(0, NGRP // PER, vec_body, 0)
    drain(rbs[NGRP % 2], sms[NGRP % 2])
    pltpu.sync_copy(obuf, out.at[pl.ds(base, BPW)])


def kernel(t, emb0, emb1, emb2, emb3):
    tT = t.T.reshape(N_TAB, BATCH)
    return _lookup_sum(tT, emb0, emb1, emb2, emb3)

# --- scband reference (transcript-rebuilt; emitter-appended) ---
"""Pipeline reference for scband-multi-dim-rel-encoding-85753317032540 (READ-ONLY COPY).

The authoritative reference and input builder live on the scoring server;
editing this copy changes nothing except your own understanding.
"""

import jax, jax.numpy as jnp
import numpy as np

BATCH = 16384
N_DIM = 4
N_HID = 64
MAX_LEN = 100000

def setup_inputs(seed: int = 0) -> dict:
    key = jax.random.key(seed)
    ks = jax.random.split(key, 5)
    t = jax.random.randint(ks[0], (BATCH, N_DIM), 0, MAX_LEN, dtype=jnp.int32)
    emb0 = jax.random.uniform(ks[1], (MAX_LEN, N_HID), dtype=jnp.float32, minval=-0.1, maxval=0.1)
    emb1 = jax.random.uniform(ks[2], (MAX_LEN, N_HID), dtype=jnp.float32, minval=-0.1, maxval=0.1)
    emb2 = jax.random.uniform(ks[3], (MAX_LEN, N_HID), dtype=jnp.float32, minval=-0.1, maxval=0.1)
    emb3 = jax.random.uniform(ks[4], (MAX_LEN, N_HID), dtype=jnp.float32, minval=-0.1, maxval=0.1)
    return {"t": t, "emb0": emb0, "emb1": emb1, "emb2": emb2, "emb3": emb3}

def reference(t, emb0, emb1, emb2, emb3):
    # out = sum_i embs[i](t[:, i]); dropout is identity in eval mode (p=0.0)
    out = jnp.take(emb0, t[:, 0], axis=0)
    out = out + jnp.take(emb1, t[:, 1], axis=0)
    out = out + jnp.take(emb2, t[:, 2], axis=0)
    out = out + jnp.take(emb3, t[:, 3], axis=0)
    return out

if __name__ == "__main__":
    import jax
    _d = setup_inputs()
    print(jax.jit(kernel)(*tuple(_d.values())))

</pallas_src>

<mosaic_0001>
#map = affine_map<(d0, d1) -> (0, 0)>
module attributes {stable_mosaic.version = 14 : i64} {
  func.func @_lookup_sum(%arg0: i32, %arg1: i32, %arg2: memref<4x16384xi32, #tpu.memory_space<hbm>>, %arg3: memref<100000x64xf32, #tpu.memory_space<hbm>>, %arg4: memref<100000x64xf32, #tpu.memory_space<hbm>>, %arg5: memref<100000x64xf32, #tpu.memory_space<hbm>>, %arg6: memref<100000x64xf32, #tpu.memory_space<hbm>>, %arg7: memref<16384x64xf32, #tpu.memory_space<hbm>>, %arg8: memref<4x528xi32, #tpu.memory_space<vmem>>, %arg9: memref<16x64xf32, #tpu.memory_space<vmem>>, %arg10: memref<16x64xf32, #tpu.memory_space<vmem>>, %arg11: memref<512x64xf32, #tpu.memory_space<vmem>>, %arg12: memref<!tpu.dma_semaphore, #tpu.memory_space<semaphore_mem>>, %arg13: memref<!tpu.dma_semaphore, #tpu.memory_space<semaphore_mem>>) attributes {dimension_semantics = [#tpu.dimension_semantics<core_parallel>, #tpu.dimension_semantics<subcore_parallel>], iteration_bounds = array<i64: 2, 16>, scalar_prefetch = 0 : i64, scratch_operands = 6 : i64, tpu.core_type = #tpu.core_type<sc_vector_subcore>, window_params = [{transform_indices = #map}, {transform_indices = #map}, {transform_indices = #map}, {transform_indices = #map}, {transform_indices = #map}, {transform_indices = #map}]} {
    %mul3A = arith.constant 2 : i32
    %mul3A_0 = arith.muli %arg1, %mul3A : i32
    %add3A = arith.addi %mul3A_0, %arg0 : i32
    %mul3A_1 = arith.constant 512 : i32
    %mul3A_2 = arith.muli %add3A, %mul3A_1 : i32
    %run_scoped3A = arith.constant 0 : i32
    %run_scoped3A_3 = arith.constant 0 : i32
    "tpu.region"() ({
      %run_scoped3A_301 = tpu.sem_alloc : memref<!tpu.dma_semaphore, #tpu.memory_space<semaphore_mem>>
      %dma_start3A_302 = arith.constant 0 : i32
      %dma_start3A_303 = tpu.memref_slice %arg8[%run_scoped3A_3, %dma_start3A_302] : memref<4x528xi32, #tpu.memory_space<vmem>> -> memref<1x512xi32, #tpu.memory_space<vmem>>
      %dma_start3A_304 = tpu.memref_squeeze %dma_start3A_303 : memref<1x512xi32, #tpu.memory_space<vmem>> -> memref<512xi32, #tpu.memory_space<vmem>>
      %dma_start3A_305 = tpu.memref_slice %arg2[%run_scoped3A, %mul3A_2] : memref<4x16384xi32, #tpu.memory_space<hbm>> -> memref<1x512xi32, #tpu.memory_space<hbm>>
      %dma_start3A_306 = tpu.memref_squeeze %dma_start3A_305 : memref<1x512xi32, #tpu.memory_space<hbm>> -> memref<512xi32, #tpu.memory_space<hbm>>
      %dma_start3A_307 = arith.constant 0 : i32
      %dma_start3A_308 = tpu.memref_slice %arg8[%run_scoped3A_3, %dma_start3A_307] : memref<4x528xi32, #tpu.memory_space<vmem>> -> memref<1x512xi32, #tpu.memory_space<vmem>>
      %dma_start3A_309 = tpu.memref_squeeze %dma_start3A_308 : memref<1x512xi32, #tpu.memory_space<vmem>> -> memref<512xi32, #tpu.memory_space<vmem>>
      %dma_start3A_310 = tpu.memref_slice %arg2[%run_scoped3A, %mul3A_2] : memref<4x16384xi32, #tpu.memory_space<hbm>> -> memref<1x512xi32, #tpu.memory_space<hbm>>
      %dma_start3A_311 = tpu.memref_squeeze %dma_start3A_310 : memref<1x512xi32, #tpu.memory_space<hbm>> -> memref<512xi32, #tpu.memory_space<hbm>>
      tpu.enqueue_dma source(%dma_start3A_311 : memref<512xi32, #tpu.memory_space<hbm>>) target(%dma_start3A_309 : memref<512xi32, #tpu.memory_space<vmem>>) target_semaphore(%run_scoped3A_301 : memref<!tpu.dma_semaphore, #tpu.memory_space<semaphore_mem>>)
      %dma_wait3A_312 = arith.constant 0 : i32
      %dma_wait3A_313 = tpu.memref_slice %arg8[%run_scoped3A_3, %dma_wait3A_312] : memref<4x528xi32, #tpu.memory_space<vmem>> -> memref<1x512xi32, #tpu.memory_space<vmem>>
      %dma_wait3A_314 = tpu.memref_squeeze %dma_wait3A_313 : memref<1x512xi32, #tpu.memory_space<vmem>> -> memref<512xi32, #tpu.memory_space<vmem>>
      %dma_wait3A_315 = tpu.memref_slice %arg2[%run_scoped3A, %mul3A_2] : memref<4x16384xi32, #tpu.memory_space<hbm>> -> memref<1x512xi32, #tpu.memory_space<hbm>>
      %dma_wait3A_316 = tpu.memref_squeeze %dma_wait3A_315 : memref<1x512xi32, #tpu.memory_space<hbm>> -> memref<512xi32, #tpu.memory_space<hbm>>
      %dma_wait3A_317 = arith.constant 0 : i32
      %dma_wait3A_318 = tpu.memref_slice %arg8[%run_scoped3A_3, %dma_wait3A_317] : memref<4x528xi32, #tpu.memory_space<vmem>> -> memref<1x512xi32, #tpu.memory_space<vmem>>
      %dma_wait3A_319 = tpu.memref_squeeze %dma_wait3A_318 : memref<1x512xi32, #tpu.memory_space<vmem>> -> memref<512xi32, #tpu.memory_space<vmem>>
      %dma_wait3A_320 = tpu.memref_slice %arg2[%run_scoped3A, %mul3A_2] : memref<4x16384xi32, #tpu.memory_space<hbm>> -> memref<1x512xi32, #tpu.memory_space<hbm>>
      %dma_wait3A_321 = tpu.memref_squeeze %dma_wait3A_320 : memref<1x512xi32, #tpu.memory_space<hbm>> -> memref<512xi32, #tpu.memory_space<hbm>>
      tpu.wait_dma2 semaphore(%run_scoped3A_301 : memref<!tpu.dma_semaphore, #tpu.memory_space<semaphore_mem>>) src(%dma_wait3A_321 : memref<512xi32, #tpu.memory_space<hbm>>) dst(%dma_wait3A_319 : memref<512xi32, #tpu.memory_space<vmem>>)
      tpu.yield
    }) : () -> ()
    %run_scoped3A_4 = arith.constant 1 : i32
    %run_scoped3A_5 = arith.constant 1 : i32
    "tpu.region"() ({
      %run_scoped3A_301 = tpu.sem_alloc : memref<!tpu.dma_semaphore, #tpu.memory_space<semaphore_mem>>
      %dma_start3A_302 = arith.constant 0 : i32
      %dma_start3A_303 = tpu.memref_slice %arg8[%run_scoped3A_5, %dma_start3A_302] : memref<4x528xi32, #tpu.memory_space<vmem>> -> memref<1x512xi32, #tpu.memory_space<vmem>>
      %dma_start3A_304 = tpu.memref_squeeze %dma_start3A_303 : memref<1x512xi32, #tpu.memory_space<vmem>> -> memref<512xi32, #tpu.memory_space<vmem>>
      %dma_start3A_305 = tpu.memref_slice %arg2[%run_scoped3A_4, %mul3A_2] : memref<4x16384xi32, #tpu.memory_space<hbm>> -> memref<1x512xi32, #tpu.memory_space<hbm>>
      %dma_start3A_306 = tpu.memref_squeeze %dma_start3A_305 : memref<1x512xi32, #tpu.memory_space<hbm>> -> memref<512xi32, #tpu.memory_space<hbm>>
      %dma_start3A_307 = arith.constant 0 : i32
      %dma_start3A_308 = tpu.memref_slice %arg8[%run_scoped3A_5, %dma_start3A_307] : memref<4x528xi32, #tpu.memory_space<vmem>> -> memref<1x512xi32, #tpu.memory_space<vmem>>
      %dma_start3A_309 = tpu.memref_squeeze %dma_start3A_308 : memref<1x512xi32, #tpu.memory_space<vmem>> -> memref<512xi32, #tpu.memory_space<vmem>>
      %dma_start3A_310 = tpu.memref_slice %arg2[%run_scoped3A_4, %mul3A_2] : memref<4x16384xi32, #tpu.memory_space<hbm>> -> memref<1x512xi32, #tpu.memory_space<hbm>>
      %dma_start3A_311 = tpu.memref_squeeze %dma_start3A_310 : memref<1x512xi32, #tpu.memory_space<hbm>> -> memref<512xi32, #tpu.memory_space<hbm>>
      tpu.enqueue_dma source(%dma_start3A_311 : memref<512xi32, #tpu.memory_space<hbm>>) target(%dma_start3A_309 : memref<512xi32, #tpu.memory_space<vmem>>) target_semaphore(%run_scoped3A_301 : memref<!tpu.dma_semaphore, #tpu.memory_space<semaphore_mem>>)
      %dma_wait3A_312 = arith.constant 0 : i32
      %dma_wait3A_313 = tpu.memref_slice %arg8[%run_scoped3A_5, %dma_wait3A_312] : memref<4x528xi32, #tpu.memory_space<vmem>> -> memref<1x512xi32, #tpu.memory_space<vmem>>
      %dma_wait3A_314 = tpu.memref_squeeze %dma_wait3A_313 : memref<1x512xi32, #tpu.memory_space<vmem>> -> memref<512xi32, #tpu.memory_space<vmem>>
      %dma_wait3A_315 = tpu.memref_slice %arg2[%run_scoped3A_4, %mul3A_2] : memref<4x16384xi32, #tpu.memory_space<hbm>> -> memref<1x512xi32, #tpu.memory_space<hbm>>
      %dma_wait3A_316 = tpu.memref_squeeze %dma_wait3A_315 : memref<1x512xi32, #tpu.memory_space<hbm>> -> memref<512xi32, #tpu.memory_space<hbm>>
      %dma_wait3A_317 = arith.constant 0 : i32
      %dma_wait3A_318 = tpu.memref_slice %arg8[%run_scoped3A_5, %dma_wait3A_317] : memref<4x528xi32, #tpu.memory_space<vmem>> -> memref<1x512xi32, #tpu.memory_space<vmem>>
      %dma_wait3A_319 = tpu.memref_squeeze %dma_wait3A_318 : memref<1x512xi32, #tpu.memory_space<vmem>> -> memref<512xi32, #tpu.memory_space<vmem>>
      %dma_wait3A_320 = tpu.memref_slice %arg2[%run_scoped3A_4, %mul3A_2] : memref<4x16384xi32, #tpu.memory_space<hbm>> -> memref<1x512xi32, #tpu.memory_space<hbm>>
      %dma_wait3A_321 = tpu.memref_squeeze %dma_wait3A_320 : memref<1x512xi32, #tpu.memory_space<hbm>> -> memref<512xi32, #tpu.memory_space<hbm>>
      tpu.wait_dma2 semaphore(%run_scoped3A_301 : memref<!tpu.dma_semaphore, #tpu.memory_space<semaphore_mem>>) src(%dma_wait3A_321 : memref<512xi32, #tpu.memory_space<hbm>>) dst(%dma_wait3A_319 : memref<512xi32, #tpu.memory_space<vmem>>)
      tpu.yield
    }) : () -> ()
    %run_scoped3A_6 = arith.constant 2 : i32
    %run_scoped3A_7 = arith.constant 2 : i32
    "tpu.region"() ({
      %run_scoped3A_301 = tpu.sem_alloc : memref<!tpu.dma_semaphore, #tpu.memory_space<semaphore_mem>>
      %dma_start3A_302 = arith.constant 0 : i32
      %dma_start3A_303 = tpu.memref_slice %arg8[%run_scoped3A_7, %dma_start3A_302] : memref<4x528xi32, #tpu.memory_space<vmem>> -> memref<1x512xi32, #tpu.memory_space<vmem>>
      %dma_start3A_304 = tpu.memref_squeeze %dma_start3A_303 : memref<1x512xi32, #tpu.memory_space<vmem>> -> memref<512xi32, #tpu.memory_space<vmem>>
      %dma_start3A_305 = tpu.memref_slice %arg2[%run_scoped3A_6, %mul3A_2] : memref<4x16384xi32, #tpu.memory_space<hbm>> -> memref<1x512xi32, #tpu.memory_space<hbm>>
      %dma_start3A_306 = tpu.memref_squeeze %dma_start3A_305 : memref<1x512xi32, #tpu.memory_space<hbm>> -> memref<512xi32, #tpu.memory_space<hbm>>
      %dma_start3A_307 = arith.constant 0 : i32
      %dma_start3A_308 = tpu.memref_slice %arg8[%run_scoped3A_7, %dma_start3A_307] : memref<4x528xi32, #tpu.memory_space<vmem>> -> memref<1x512xi32, #tpu.memory_space<vmem>>
      %dma_start3A_309 = tpu.memref_squeeze %dma_start3A_308 : memref<1x512xi32, #tpu.memory_space<vmem>> -> memref<512xi32, #tpu.memory_space<vmem>>
      %dma_start3A_310 = tpu.memref_slice %arg2[%run_scoped3A_6, %mul3A_2] : memref<4x16384xi32, #tpu.memory_space<hbm>> -> memref<1x512xi32, #tpu.memory_space<hbm>>
      %dma_start3A_311 = tpu.memref_squeeze %dma_start3A_310 : memref<1x512xi32, #tpu.memory_space<hbm>> -> memref<512xi32, #tpu.memory_space<hbm>>
      tpu.enqueue_dma source(%dma_start3A_311 : memref<512xi32, #tpu.memory_space<hbm>>) target(%dma_start3A_309 : memref<512xi32, #tpu.memory_space<vmem>>) target_semaphore(%run_scoped3A_301 : memref<!tpu.dma_semaphore, #tpu.memory_space<semaphore_mem>>)
      %dma_wait3A_312 = arith.constant 0 : i32
      %dma_wait3A_313 = tpu.memref_slice %arg8[%run_scoped3A_7, %dma_wait3A_312] : memref<4x528xi32, #tpu.memory_space<vmem>> -> memref<1x512xi32, #tpu.memory_space<vmem>>
      %dma_wait3A_314 = tpu.memref_squeeze %dma_wait3A_313 : memref<1x512xi32, #tpu.memory_space<vmem>> -> memref<512xi32, #tpu.memory_space<vmem>>
      %dma_wait3A_315 = tpu.memref_slice %arg2[%run_scoped3A_6, %mul3A_2] : memref<4x16384xi32, #tpu.memory_space<hbm>> -> memref<1x512xi32, #tpu.memory_space<hbm>>
      %dma_wait3A_316 = tpu.memref_squeeze %dma_wait3A_315 : memref<1x512xi32, #tpu.memory_space<hbm>> -> memref<512xi32, #tpu.memory_space<hbm>>
      %dma_wait3A_317 = arith.constant 0 : i32
      %dma_wait3A_318 = tpu.memref_slice %arg8[%run_scoped3A_7, %dma_wait3A_317] : memref<4x528xi32, #tpu.memory_space<vmem>> -> memref<1x512xi32, #tpu.memory_space<vmem>>
      %dma_wait3A_319 = tpu.memref_squeeze %dma_wait3A_318 : memref<1x512xi32, #tpu.memory_space<vmem>> -> memref<512xi32, #tpu.memory_space<vmem>>
      %dma_wait3A_320 = tpu.memref_slice %arg2[%run_scoped3A_6, %mul3A_2] : memref<4x16384xi32, #tpu.memory_space<hbm>> -> memref<1x512xi32, #tpu.memory_space<hbm>>
      %dma_wait3A_321 = tpu.memref_squeeze %dma_wait3A_320 : memref<1x512xi32, #tpu.memory_space<hbm>> -> memref<512xi32, #tpu.memory_space<hbm>>
      tpu.wait_dma2 semaphore(%run_scoped3A_301 : memref<!tpu.dma_semaphore, #tpu.memory_space<semaphore_mem>>) src(%dma_wait3A_321 : memref<512xi32, #tpu.memory_space<hbm>>) dst(%dma_wait3A_319 : memref<512xi32, #tpu.memory_space<vmem>>)
      tpu.yield
    }) : () -> ()
    %run_scoped3A_8 = arith.constant 3 : i32
    %run_scoped3A_9 = arith.constant 3 : i32
    "tpu.region"() ({
      %run_scoped3A_301 = tpu.sem_alloc : memref<!tpu.dma_semaphore, #tpu.memory_space<semaphore_mem>>
      %dma_start3A_302 = arith.constant 0 : i32
      %dma_start3A_303 = tpu.memref_slice %arg8[%run_scoped3A_9, %dma_start3A_302] : memref<4x528xi32, #tpu.memory_space<vmem>> -> memref<1x512xi32, #tpu.memory_space<vmem>>
      %dma_start3A_304 = tpu.memref_squeeze %dma_start3A_303 : memref<1x512xi32, #tpu.memory_space<vmem>> -> memref<512xi32, #tpu.memory_space<vmem>>
      %dma_start3A_305 = tpu.memref_slice %arg2[%run_scoped3A_8, %mul3A_2] : memref<4x16384xi32, #tpu.memory_space<hbm>> -> memref<1x512xi32, #tpu.memory_space<hbm>>
      %dma_start3A_306 = tpu.memref_squeeze %dma_start3A_305 : memref<1x512xi32, #tpu.memory_space<hbm>> -> memref<512xi32, #tpu.memory_space<hbm>>
      %dma_start3A_307 = arith.constant 0 : i32
      %dma_start3A_308 = tpu.memref_slice %arg8[%run_scoped3A_9, %dma_start3A_307] : memref<4x528xi32, #tpu.memory_space<vmem>> -> memref<1x512xi32, #tpu.memory_space<vmem>>
      %dma_start3A_309 = tpu.memref_squeeze %dma_start3A_308 : memref<1x512xi32, #tpu.memory_space<vmem>> -> memref<512xi32, #tpu.memory_space<vmem>>
      %dma_start3A_310 = tpu.memref_slice %arg2[%run_scoped3A_8, %mul3A_2] : memref<4x16384xi32, #tpu.memory_space<hbm>> -> memref<1x512xi32, #tpu.memory_space<hbm>>
      %dma_start3A_311 = tpu.memref_squeeze %dma_start3A_310 : memref<1x512xi32, #tpu.memory_space<hbm>> -> memref<512xi32, #tpu.memory_space<hbm>>
      tpu.enqueue_dma source(%dma_start3A_311 : memref<512xi32, #tpu.memory_space<hbm>>) target(%dma_start3A_309 : memref<512xi32, #tpu.memory_space<vmem>>) target_semaphore(%run_scoped3A_301 : memref<!tpu.dma_semaphore, #tpu.memory_space<semaphore_mem>>)
      %dma_wait3A_312 = arith.constant 0 : i32
      %dma_wait3A_313 = tpu.memref_slice %arg8[%run_scoped3A_9, %dma_wait3A_312] : memref<4x528xi32, #tpu.memory_space<vmem>> -> memref<1x512xi32, #tpu.memory_space<vmem>>
      %dma_wait3A_314 = tpu.memref_squeeze %dma_wait3A_313 : memref<1x512xi32, #tpu.memory_space<vmem>> -> memref<512xi32, #tpu.memory_space<vmem>>
      %dma_wait3A_315 = tpu.memref_slice %arg2[%run_scoped3A_8, %mul3A_2] : memref<4x16384xi32, #tpu.memory_space<hbm>> -> memref<1x512xi32, #tpu.memory_space<hbm>>
      %dma_wait3A_316 = tpu.memref_squeeze %dma_wait3A_315 : memref<1x512xi32, #tpu.memory_space<hbm>> -> memref<512xi32, #tpu.memory_space<hbm>>
      %dma_wait3A_317 = arith.constant 0 : i32
      %dma_wait3A_318 = tpu.memref_slice %arg8[%run_scoped3A_9, %dma_wait3A_317] : memref<4x528xi32, #tpu.memory_space<vmem>> -> memref<1x512xi32, #tpu.memory_space<vmem>>
      %dma_wait3A_319 = tpu.memref_squeeze %dma_wait3A_318 : memref<1x512xi32, #tpu.memory_space<vmem>> -> memref<512xi32, #tpu.memory_space<vmem>>
      %dma_wait3A_320 = tpu.memref_slice %arg2[%run_scoped3A_8, %mul3A_2] : memref<4x16384xi32, #tpu.memory_space<hbm>> -> memref<1x512xi32, #tpu.memory_space<hbm>>
      %dma_wait3A_321 = tpu.memref_squeeze %dma_wait3A_320 : memref<1x512xi32, #tpu.memory_space<hbm>> -> memref<512xi32, #tpu.memory_space<hbm>>
      tpu.wait_dma2 semaphore(%run_scoped3A_301 : memref<!tpu.dma_semaphore, #tpu.memory_space<semaphore_mem>>) src(%dma_wait3A_321 : memref<512xi32, #tpu.memory_space<hbm>>) dst(%dma_wait3A_319 : memref<512xi32, #tpu.memory_space<vmem>>)
      tpu.yield
    }) : () -> ()
    %broadcast_in_dim3A = arith.constant 0 : i32
    %broadcast_in_dim3A_10 = vector.broadcast %broadcast_in_dim3A : i32 to vector<16xi32>
    %swap3A = arith.constant 0 : i32
    %swap3A_11 = arith.index_cast %swap3A : i32 to index
    %swap3A_12 = arith.constant 512 : index
    %swap3A_13 = tpu.vector_load %arg8[%swap3A_11, %swap3A_12] {strides = array<i32>} : memref<4x528xi32, #tpu.memory_space<vmem>>, vector<1x16xi32>,
    %swap3A_14 = vector.shape_cast %swap3A_13 : vector<1x16xi32> to vector<16xi32>
    %swap3A_15 = vector.shape_cast %broadcast_in_dim3A_10 : vector<16xi32> to vector<1x16xi32>
    tpu.vector_store %arg8[%swap3A_11, %swap3A_12], %swap3A_15 {strides = array<i32>} : memref<4x528xi32, #tpu.memory_space<vmem>>, vector<1x16xi32>,
    %swap3A_16 = arith.constant 1 : i32
    %swap3A_17 = arith.index_cast %swap3A_16 : i32 to index
    %swap3A_18 = arith.constant 512 : index
    %swap3A_19 = tpu.vector_load %arg8[%swap3A_17, %swap3A_18] {strides = array<i32>} : memref<4x528xi32, #tpu.memory_space<vmem>>, vector<1x16xi32>,
    %swap3A_20 = vector.shape_cast %swap3A_19 : vector<1x16xi32> to vector<16xi32>
    %swap3A_21 = vector.shape_cast %broadcast_in_dim3A_10 : vector<16xi32> to vector<1x16xi32>
    tpu.vector_store %arg8[%swap3A_17, %swap3A_18], %swap3A_21 {strides = array<i32>} : memref<4x528xi32, #tpu.memory_space<vmem>>, vector<1x16xi32>,
    %swap3A_22 = arith.constant 2 : i32
    %swap3A_23 = arith.index_cast %swap3A_22 : i32 to index
    %swap3A_24 = arith.constant 512 : index
    %swap3A_25 = tpu.vector_load %arg8[%swap3A_23, %swap3A_24] {strides = array<i32>} : memref<4x528xi32, #tpu.memory_space<vmem>>, vector<1x16xi32>,
    %swap3A_26 = vector.shape_cast %swap3A_25 : vector<1x16xi32> to vector<16xi32>
    %swap3A_27 = vector.shape_cast %broadcast_in_dim3A_10 : vector<16xi32> to vector<1x16xi32>
    tpu.vector_store %arg8[%swap3A_23, %swap3A_24], %swap3A_27 {strides = array<i32>} : memref<4x528xi32, #tpu.memory_space<vmem>>, vector<1x16xi32>,
    %swap3A_28 = arith.constant 3 : i32
    %swap3A_29 = arith.index_cast %swap3A_28 : i32 to index
    %swap3A_30 = arith.constant 512 : index
    %swap3A_31 = tpu.vector_load %arg8[%swap3A_29, %swap3A_30] {strides = array<i32>} : memref<4x528xi32, #tpu.memory_space<vmem>>, vector<1x16xi32>,
    %swap3A_32 = vector.shape_cast %swap3A_31 : vector<1x16xi32> to vector<16xi32>
    %swap3A_33 = vector.shape_cast %broadcast_in_dim3A_10 : vector<16xi32> to vector<1x16xi32>
    tpu.vector_store %arg8[%swap3A_29, %swap3A_30], %swap3A_33 {strides = array<i32>} : memref<4x528xi32, #tpu.memory_space<vmem>>, vector<1x16xi32>,
    %get3A = arith.constant 0 : i32
    %get3A_34 = arith.index_cast %get3A : i32 to index
    %get3A_35 = arith.constant 0 : index
    %get3A_36 = tpu.vector_load %arg8[%get3A_34, %get3A_35] {strides = array<i32>} : memref<4x528xi32, #tpu.memory_space<vmem>>, vector<1x16xi32>,
    %get3A_37 = vector.shape_cast %get3A_36 : vector<1x16xi32> to vector<16xi32>
    %get3A_38 = arith.constant 1 : i32
    %get3A_39 = arith.index_cast %get3A_38 : i32 to index
    %get3A_40 = arith.constant 0 : index
    %get3A_41 = tpu.vector_load %arg8[%get3A_39, %get3A_40] {strides = array<i32>} : memref<4x528xi32, #tpu.memory_space<vmem>>, vector<1x16xi32>,
    %get3A_42 = vector.shape_cast %get3A_41 : vector<1x16xi32> to vector<16xi32>
    %get3A_43 = arith.constant 2 : i32
    %get3A_44 = arith.index_cast %get3A_43 : i32 to index
    %get3A_45 = arith.constant 0 : index
    %get3A_46 = tpu.vector_load %arg8[%get3A_44, %get3A_45] {strides = array<i32>} : memref<4x528xi32, #tpu.memory_space<vmem>>, vector<1x16xi32>,
    %get3A_47 = vector.shape_cast %get3A_46 : vector<1x16xi32> to vector<16xi32>
    %get3A_48 = arith.constant 3 : i32
    %get3A_49 = arith.index_cast %get3A_48 : i32 to index
    %get3A_50 = arith.constant 0 : index
    %get3A_51 = tpu.vector_load %arg8[%get3A_49, %get3A_50] {strides = array<i32>} : memref<4x528xi32, #tpu.memory_space<vmem>>, vector<1x16xi32>,
    %get3A_52 = vector.shape_cast %get3A_51 : vector<1x16xi32> to vector<16xi32>
    %slice3A = vector.extract_strided_slice %get3A_37 {offsets = [0], sizes = [1], strides = [1]} : vector<16xi32> to vector<1xi32>
    %squeeze3A = vector.extract %slice3A[0] : i32 from vector<1xi32>
    %dma_start3A = arith.constant 0 : i32
    %dma_start3A_53 = arith.constant 0 : i32
    %dma_start3A_54 = tpu.memref_slice %arg9[%dma_start3A, %dma_start3A_53] : memref<16x64xf32, #tpu.memory_space<vmem>> -> memref<1x64xf32, #tpu.memory_space<vmem>>
    %dma_start3A_55 = tpu.memref_squeeze %dma_start3A_54 : memref<1x64xf32, #tpu.memory_space<vmem>> -> memref<64xf32, #tpu.memory_space<vmem>>
    %dma_start3A_56 = arith.constant 0 : i32
    %dma_start3A_57 = tpu.memref_slice %arg3[%squeeze3A, %dma_start3A_56] : memref<100000x64xf32, #tpu.memory_space<hbm>> -> memref<1x64xf32, #tpu.memory_space<hbm>>
    %dma_start3A_58 = tpu.memref_squeeze %dma_start3A_57 : memref<1x64xf32, #tpu.memory_space<hbm>> -> memref<64xf32, #tpu.memory_space<hbm>>
    %dma_start3A_59 = arith.constant 0 : i32
    %dma_start3A_60 = tpu.memref_slice %arg9[%dma_start3A, %dma_start3A_59] : memref<16x64xf32, #tpu.memory_space<vmem>> -> memref<1x64xf32, #tpu.memory_space<vmem>>
    %dma_start3A_61 = tpu.memref_squeeze %dma_start3A_60 : memref<1x64xf32, #tpu.memory_space<vmem>> -> memref<64xf32, #tpu.memory_space<vmem>>
    %dma_start3A_62 = arith.constant 0 : i32
    %dma_start3A_63 = tpu.memref_slice %arg3[%squeeze3A, %dma_start3A_62] : memref<100000x64xf32, #tpu.memory_space<hbm>> -> memref<1x64xf32, #tpu.memory_space<hbm>>
    %dma_start3A_64 = tpu.memref_squeeze %dma_start3A_63 : memref<1x64xf32, #tpu.memory_space<hbm>> -> memref<64xf32, #tpu.memory_space<hbm>>
    tpu.enqueue_dma source(%dma_start3A_64 : memref<64xf32, #tpu.memory_space<hbm>>) target(%dma_start3A_61 : memref<64xf32, #tpu.memory_space<vmem>>) target_semaphore(%arg12 : memref<!tpu.dma_semaphore, #tpu.memory_space<semaphore_mem>>)
    %slice3A_65 = vector.extract_strided_slice %get3A_37 {offsets = [1], sizes = [1], strides = [1]} : vector<16xi32> to vector<1xi32>
    %squeeze3A_66 = vector.extract %slice3A_65[0] : i32 from vector<1xi32>
    %dma_start3A_67 = arith.constant 1 : i32
    %dma_start3A_68 = arith.constant 0 : i32
    %dma_start3A_69 = tpu.memref_slice %arg9[%dma_start3A_67, %dma_start3A_68] : memref<16x64xf32, #tpu.memory_space<vmem>> -> memref<1x64xf32, #tpu.memory_space<vmem>>
    %dma_start3A_70 = tpu.memref_squeeze %dma_start3A_69 : memref<1x64xf32, #tpu.memory_space<vmem>> -> memref<64xf32, #tpu.memory_space<vmem>>
    %dma_start3A_71 = arith.constant 0 : i32
    %dma_start3A_72 = tpu.memref_slice %arg3[%squeeze3A_66, %dma_start3A_71] : memref<100000x64xf32, #tpu.memory_space<hbm>> -> memref<1x64xf32, #tpu.memory_space<hbm>>
    %dma_start3A_73 = tpu.memref_squeeze %dma_start3A_72 : memref<1x64xf32, #tpu.memory_space<hbm>> -> memref<64xf32, #tpu.memory_space<hbm>>
    %dma_start3A_74 = arith.constant 0 : i32
    %dma_start3A_75 = tpu.memref_slice %arg9[%dma_start3A_67, %dma_start3A_74] : memref<16x64xf32, #tpu.memory_space<vmem>> -> memref<1x64xf32, #tpu.memory_space<vmem>>
    %dma_start3A_76 = tpu.memref_squeeze %dma_start3A_75 : memref<1x64xf32, #tpu.memory_space<vmem>> -> memref<64xf32, #tpu.memory_space<vmem>>
    %dma_start3A_77 = arith.constant 0 : i32
    %dma_start3A_78 = tpu.memref_slice %arg3[%squeeze3A_66, %dma_start3A_77] : memref<100000x64xf32, #tpu.memory_space<hbm>> -> memref<1x64xf32, #tpu.memory_space<hbm>>
    %dma_start3A_79 = tpu.memref_squeeze %dma_start3A_78 : memref<1x64xf32, #tpu.memory_space<hbm>> -> memref<64xf32, #tpu.memory_space<hbm>>
    tpu.enqueue_dma source(%dma_start3A_79 : memref<64xf32, #tpu.memory_space<hbm>>) target(%dma_start3A_76 : memref<64xf32, #tpu.memory_space<vmem>>) target_semaphore(%arg12 : memref<!tpu.dma_semaphore, #tpu.memory_space<semaphore_mem>>)
    %slice3A_80 = vector.extract_strided_slice %get3A_37 {offsets = [2], sizes = [1], strides = [1]} : vector<16xi32> to vector<1xi32>
    %squeeze3A_81 = vector.extract %slice3A_80[0] : i32 from vector<1xi32>
    %dma_start3A_82 = arith.constant 2 : i32
    %dma_start3A_83 = arith.constant 0 : i32
    %dma_start3A_84 = tpu.memref_slice %arg9[%dma_start3A_82, %dma_start3A_83] : memref<16x64xf32, #tpu.memory_space<vmem>> -> memref<1x64xf32, #tpu.memory_space<vmem>>
    %dma_start3A_85 = tpu.memref_squeeze %dma_start3A_84 : memref<1x64xf32, #tpu.memory_space<vmem>> -> memref<64xf32, #tpu.memory_space<vmem>>
    %dma_start3A_86 = arith.constant 0 : i32
    %dma_start3A_87 = tpu.memref_slice %arg3[%squeeze3A_81, %dma_start3A_86] : memref<100000x64xf32, #tpu.memory_space<hbm>> -> memref<1x64xf32, #tpu.memory_space<hbm>>
    %dma_start3A_88 = tpu.memref_squeeze %dma_start3A_87 : memref<1x64xf32, #tpu.memory_space<hbm>> -> memref<64xf32, #tpu.memory_space<hbm>>
    %dma_start3A_89 = arith.constant 0 : i32
    %dma_start3A_90 = tpu.memref_slice %arg9[%dma_start3A_82, %dma_start3A_89] : memref<16x64xf32, #tpu.memory_space<vmem>> -> memref<1x64xf32, #tpu.memory_space<vmem>>
    %dma_start3A_91 = tpu.memref_squeeze %dma_start3A_90 : memref<1x64xf32, #tpu.memory_space<vmem>> -> memref<64xf32, #tpu.memory_space<vmem>>
    %dma_start3A_92 = arith.constant 0 : i32
    %dma_start3A_93 = tpu.memref_slice %arg3[%squeeze3A_81, %dma_start3A_92] : memref<100000x64xf32, #tpu.memory_space<hbm>> -> memref<1x64xf32, #tpu.memory_space<hbm>>
    %dma_start3A_94 = tpu.memref_squeeze %dma_start3A_93 : memref<1x64xf32, #tpu.memory_space<hbm>> -> memref<64xf32, #tpu.memory_space<hbm>>
    tpu.enqueue_dma source(%dma_start3A_94 : memref<64xf32, #tpu.memory_space<hbm>>) target(%dma_start3A_91 : memref<64xf32, #tpu.memory_space<vmem>>) target_semaphore(%arg12 : memref<!tpu.dma_semaphore, #tpu.memory_space<semaphore_mem>>)
    %slice3A_95 = vector.extract_strided_slice %get3A_37 {offsets = [3], sizes = [1], strides = [1]} : vector<16xi32> to vector<1xi32>
    %squeeze3A_96 = vector.extract %slice3A_95[0] : i32 from vector<1xi32>
    %dma_start3A_97 = arith.constant 3 : i32
    %dma_start3A_98 = arith.constant 0 : i32
    %dma_start3A_99 = tpu.memref_slice %arg9[%dma_start3A_97, %dma_start3A_98] : memref<16x64xf32, #tpu.memory_space<vmem>> -> memref<1x64xf32, #tpu.memory_space<vmem>>
    %dma_start3A_100 = tpu.memref_squeeze %dma_start3A_99 : memref<1x64xf32, #tpu.memory_space<vmem>> -> memref<64xf32, #tpu.memory_space<vmem>>
    %dma_start3A_101 = arith.constant 0 : i32
    %dma_start3A_102 = tpu.memref_slice %arg3[%squeeze3A_96, %dma_start3A_101] : memref<100000x64xf32, #tpu.memory_space<hbm>> -> memref<1x64xf32, #tpu.memory_space<hbm>>
    %dma_start3A_103 = tpu.memref_squeeze %dma_start3A_102 : memref<1x64xf32, #tpu.memory_space<hbm>> -> memref<64xf32, #tpu.memory_space<hbm>>
    %dma_start3A_104 = arith.constant 0 : i32
    %dma_start3A_105 = tpu.memref_slice %arg9[%dma_start3A_97, %dma_start3A_104] : memref<16x64xf32, #tpu.memory_space<vmem>> -> memref<1x64xf32, #tpu.memory_space<vmem>>
    %dma_start3A_106 = tpu.memref_squeeze %dma_start3A_105 : memref<1x64xf32, #tpu.memory_space<vmem>> -> memref<64xf32, #tpu.memory_space<vmem>>
    %dma_start3A_107 = arith.constant 0 : i32
    %dma_start3A_108 = tpu.memref_slice %arg3[%squeeze3A_96, %dma_start3A_107] : memref<100000x64xf32, #tpu.memory_space<hbm>> -> memref<1x64xf32, #tpu.memory_space<hbm>>
    %dma_start3A_109 = tpu.memref_squeeze %dma_start3A_108 : memref<1x64xf32, #tpu.memory_space<hbm>> -> memref<64xf32, #tpu.memory_space<hbm>>
    tpu.enqueue_dma source(%dma_start3A_109 : memref<64xf32, #tpu.memory_space<hbm>>) target(%dma_start3A_106 : memref<64xf32, #tpu.memory_space<vmem>>) target_semaphore(%arg12 : memref<!tpu.dma_semaphore, #tpu.memory_space<semaphore_mem>>)
    %slice3A_110 = vector.extract_strided_slice %get3A_42 {offsets = [0], sizes = [1], strides = [1]} : vector<16xi32> to vector<1xi32>
    %squeeze3A_111 = vector.extract %slice3A_110[0] : i32 from vector<1xi32>
    %dma_start3A_112 = arith.constant 4 : i32
    %dma_start3A_113 = arith.constant 0 : i32
    %dma_start3A_114 = tpu.memref_slice %arg9[%dma_start3A_112, %dma_start3A_113] : memref<16x64xf32, #tpu.memory_space<vmem>> -> memref<1x64xf32, #tpu.memory_space<vmem>>
    %dma_start3A_115 = tpu.memref_squeeze %dma_start3A_114 : memref<1x64xf32, #tpu.memory_space<vmem>> -> memref<64xf32, #tpu.memory_space<vmem>>
    %dma_start3A_116 = arith.constant 0 : i32
    %dma_start3A_117 = tpu.memref_slice %arg4[%squeeze3A_111, %dma_start3A_116] : memref<100000x64xf32, #tpu.memory_space<hbm>> -> memref<1x64xf32, #tpu.memory_space<hbm>>
    %dma_start3A_118 = tpu.memref_squeeze %dma_start3A_117 : memref<1x64xf32, #tpu.memory_space<hbm>> -> memref<64xf32, #tpu.memory_space<hbm>>
    %dma_start3A_119 = arith.constant 0 : i32
    %dma_start3A_120 = tpu.memref_slice %arg9[%dma_start3A_112, %dma_start3A_119] : memref<16x64xf32, #tpu.memory_space<vmem>> -> memref<1x64xf32, #tpu.memory_space<vmem>>
    %dma_start3A_121 = tpu.memref_squeeze %dma_start3A_120 : memref<1x64xf32, #tpu.memory_space<vmem>> -> memref<64xf32, #tpu.memory_space<vmem>>
    %dma_start3A_122 = arith.constant 0 : i32
    %dma_start3A_123 = tpu.memref_slice %arg4[%squeeze3A_111, %dma_start3A_122] : memref<100000x64xf32, #tpu.memory_space<hbm>> -> memref<1x64xf32, #tpu.memory_space<hbm>>
    %dma_start3A_124 = tpu.memref_squeeze %dma_start3A_123 : memref<1x64xf32, #tpu.memory_space<hbm>> -> memref<64xf32, #tpu.memory_space<hbm>>
    tpu.enqueue_dma source(%dma_start3A_124 : memref<64xf32, #tpu.memory_space<hbm>>) target(%dma_start3A_121 : memref<64xf32, #tpu.memory_space<vmem>>) target_semaphore(%arg12 : memref<!tpu.dma_semaphore, #tpu.memory_space<semaphore_mem>>)
    %slice3A_125 = vector.extract_strided_slice %get3A_42 {offsets = [1], sizes = [1], strides = [1]} : vector<16xi32> to vector<1xi32>
    %squeeze3A_126 = vector.extract %slice3A_125[0] : i32 from vector<1xi32>
    %dma_start3A_127 = arith.constant 5 : i32
    %dma_start3A_128 = arith.constant 0 : i32
    %dma_start3A_129 = tpu.memref_slice %arg9[%dma_start3A_127, %dma_start3A_128] : memref<16x64xf32, #tpu.memory_space<vmem>> -> memref<1x64xf32, #tpu.memory_space<vmem>>
    %dma_start3A_130 = tpu.memref_squeeze %dma_start3A_129 : memref<1x64xf32, #tpu.memory_space<vmem>> -> memref<64xf32, #tpu.memory_space<vmem>>
    %dma_start3A_131 = arith.constant 0 : i32
    %dma_start3A_132 = tpu.memref_slice %arg4[%squeeze3A_126, %dma_start3A_131] : memref<100000x64xf32, #tpu.memory_space<hbm>> -> memref<1x64xf32, #tpu.memory_space<hbm>>
    %dma_start3A_133 = tpu.memref_squeeze %dma_start3A_132 : memref<1x64xf32, #tpu.memory_space<hbm>> -> memref<64xf32, #tpu.memory_space<hbm>>
    %dma_start3A_134 = arith.constant 0 : i32
    %dma_start3A_135 = tpu.memref_slice %arg9[%dma_start3A_127, %dma_start3A_134] : memref<16x64xf32, #tpu.memory_space<vmem>> -> memref<1x64xf32, #tpu.memory_space<vmem>>
    %dma_start3A_136 = tpu.memref_squeeze %dma_start3A_135 : memref<1x64xf32, #tpu.memory_space<vmem>> -> memref<64xf32, #tpu.memory_space<vmem>>
    %dma_start3A_137 = arith.constant 0 : i32
    %dma_start3A_138 = tpu.memref_slice %arg4[%squeeze3A_126, %dma_start3A_137] : memref<100000x64xf32, #tpu.memory_space<hbm>> -> memref<1x64xf32, #tpu.memory_space<hbm>>
    %dma_start3A_139 = tpu.memref_squeeze %dma_start3A_138 : memref<1x64xf32, #tpu.memory_space<hbm>> -> memref<64xf32, #tpu.memory_space<hbm>>
    tpu.enqueue_dma source(%dma_start3A_139 : memref<64xf32, #tpu.memory_space<hbm>>) target(%dma_start3A_136 : memref<64xf32, #tpu.memory_space<vmem>>) target_semaphore(%arg12 : memref<!tpu.dma_semaphore, #tpu.memory_space<semaphore_mem>>)
    %slice3A_140 = vector.extract_strided_slice %get3A_42 {offsets = [2], sizes = [1], strides = [1]} : vector<16xi32> to vector<1xi32>
    %squeeze3A_141 = vector.extract %slice3A_140[0] : i32 from vector<1xi32>
    %dma_start3A_142 = arith.constant 6 : i32
    %dma_start3A_143 = arith.constant 0 : i32
    %dma_start3A_144 = tpu.memref_slice %arg9[%dma_start3A_142, %dma_start3A_143] : memref<16x64xf32, #tpu.memory_space<vmem>> -> memref<1x64xf32, #tpu.memory_space<vmem>>
    %dma_start3A_145 = tpu.memref_squeeze %dma_start3A_144 : memref<1x64xf32, #tpu.memory_space<vmem>> -> memref<64xf32, #tpu.memory_space<vmem>>
    %dma_start3A_146 = arith.constant 0 : i32
    %dma_start3A_147 = tpu.memref_slice %arg4[%squeeze3A_141, %dma_start3A_146] : memref<100000x64xf32, #tpu.memory_space<hbm>> -> memref<1x64xf32, #tpu.memory_space<hbm>>
    %dma_start3A_148 = tpu.memref_squeeze %dma_start3A_147 : memref<1x64xf32, #tpu.memory_space<hbm>> -> memref<64xf32, #tpu.memory_space<hbm>>
    %dma_start3A_149 = arith.constant 0 : i32
    %dma_start3A_150 = tpu.memref_slice %arg9[%dma_start3A_142, %dma_start3A_149] : memref<16x64xf32, #tpu.memory_space<vmem>> -> memref<1x64xf32, #tpu.memory_space<vmem>>
    %dma_start3A_151 = tpu.memref_squeeze %dma_start3A_150 : memref<1x64xf32, #tpu.memory_space<vmem>> -> memref<64xf32, #tpu.memory_space<vmem>>
    %dma_start3A_152 = arith.constant 0 : i32
    %dma_start3A_153 = tpu.memref_slice %arg4[%squeeze3A_141, %dma_start3A_152] : memref<100000x64xf32, #tpu.memory_space<hbm>> -> memref<1x64xf32, #tpu.memory_space<hbm>>
    %dma_start3A_154 = tpu.memref_squeeze %dma_start3A_153 : memref<1x64xf32, #tpu.memory_space<hbm>> -> memref<64xf32, #tpu.memory_space<hbm>>
    tpu.enqueue_dma source(%dma_start3A_154 : memref<64xf32, #tpu.memory_space<hbm>>) target(%dma_start3A_151 : memref<64xf32, #tpu.memory_space<vmem>>) target_semaphore(%arg12 : memref<!tpu.dma_semaphore, #tpu.memory_space<semaphore_mem>>)
    %slice3A_155 = vector.extract_strided_slice %get3A_42 {offsets = [3], sizes = [1], strides = [1]} : vector<16xi32> to vector<1xi32>
    %squeeze3A_156 = vector.extract %slice3A_155[0] : i32 from vector<1xi32>
    %dma_start3A_157 = arith.constant 7 : i32
    %dma_start3A_158 = arith.constant 0 : i32
    %dma_start3A_159 = tpu.memref_slice %arg9[%dma_start3A_157, %dma_start3A_158] : memref<16x64xf32, #tpu.memory_space<vmem>> -> memref<1x64xf32, #tpu.memory_space<vmem>>
    %dma_start3A_160 = tpu.memref_squeeze %dma_start3A_159 : memref<1x64xf32, #tpu.memory_space<vmem>> -> memref<64xf32, #tpu.memory_space<vmem>>
    %dma_start3A_161 = arith.constant 0 : i32
    %dma_start3A_162 = tpu.memref_slice %arg4[%squeeze3A_156, %dma_start3A_161] : memref<100000x64xf32, #tpu.memory_space<hbm>> -> memref<1x64xf32, #tpu.memory_space<hbm>>
    %dma_start3A_163 = tpu.memref_squeeze %dma_start3A_162 : memref<1x64xf32, #tpu.memory_space<hbm>> -> memref<64xf32, #tpu.memory_space<hbm>>
    %dma_start3A_164 = arith.constant 0 : i32
    %dma_start3A_165 = tpu.memref_slice %arg9[%dma_start3A_157, %dma_start3A_164] : memref<16x64xf32, #tpu.memory_space<vmem>> -> memref<1x64xf32, #tpu.memory_space<vmem>>
    %dma_start3A_166 = tpu.memref_squeeze %dma_start3A_165 : memref<1x64xf32, #tpu.memory_space<vmem>> -> memref<64xf32, #tpu.memory_space<vmem>>
    %dma_start3A_167 = arith.constant 0 : i32
    %dma_start3A_168 = tpu.memref_slice %arg4[%squeeze3A_156, %dma_start3A_167] : memref<100000x64xf32, #tpu.memory_space<hbm>> -> memref<1x64xf32, #tpu.memory_space<hbm>>
    %dma_start3A_169 = tpu.memref_squeeze %dma_start3A_168 : memref<1x64xf32, #tpu.memory_space<hbm>> -> memref<64xf32, #tpu.memory_space<hbm>>
    tpu.enqueue_dma source(%dma_start3A_169 : memref<64xf32, #tpu.memory_space<hbm>>) target(%dma_start3A_166 : memref<64xf32, #tpu.memory_space<vmem>>) target_semaphore(%arg12 : memref<!tpu.dma_semaphore, #tpu.memory_space<semaphore_mem>>)
    %slice3A_170 = vector.extract_strided_slice %get3A_47 {offsets = [0], sizes = [1], strides = [1]} : vector<16xi32> to vector<1xi32>
    %squeeze3A_171 = vector.extract %slice3A_170[0] : i32 from vector<1xi32>
    %dma_start3A_172 = arith.constant 8 : i32
    %dma_start3A_173 = arith.constant 0 : i32
    %dma_start3A_174 = tpu.memref_slice %arg9[%dma_start3A_172, %dma_start3A_173] : memref<16x64xf32, #tpu.memory_space<vmem>> -> memref<1x64xf32, #tpu.memory_space<vmem>>
    %dma_start3A_175 = tpu.memref_squeeze %dma_start3A_174 : memref<1x64xf32, #tpu.memory_space<vmem>> -> memref<64xf32, #tpu.memory_space<vmem>>
    %dma_start3A_176 = arith.constant 0 : i32
    %dma_start3A_177 = tpu.memref_slice %arg5[%squeeze3A_171, %dma_start3A_176] : memref<100000x64xf32, #tpu.memory_space<hbm>> -> memref<1x64xf32, #tpu.memory_space<hbm>>
    %dma_start3A_178 = tpu.memref_squeeze %dma_start3A_177 : memref<1x64xf32, #tpu.memory_space<hbm>> -> memref<64xf32, #tpu.memory_space<hbm>>
    %dma_start3A_179 = arith.constant 0 : i32
    %dma_start3A_180 = tpu.memref_slice %arg9[%dma_start3A_172, %dma_start3A_179] : memref<16x64xf32, #tpu.memory_space<vmem>> -> memref<1x64xf32, #tpu.memory_space<vmem>>
    %dma_start3A_181 = tpu.memref_squeeze %dma_start3A_180 : memref<1x64xf32, #tpu.memory_space<vmem>> -> memref<64xf32, #tpu.memory_space<vmem>>
    %dma_start3A_182 = arith.constant 0 : i32
    %dma_start3A_183 = tpu.memref_slice %arg5[%squeeze3A_171, %dma_start3A_182] : memref<100000x64xf32, #tpu.memory_space<hbm>> -> memref<1x64xf32, #tpu.memory_space<hbm>>
    %dma_start3A_184 = tpu.memref_squeeze %dma_start3A_183 : memref<1x64xf32, #tpu.memory_space<hbm>> -> memref<64xf32, #tpu.memory_space<hbm>>
    tpu.enqueue_dma source(%dma_start3A_184 : memref<64xf32, #tpu.memory_space<hbm>>) target(%dma_start3A_181 : memref<64xf32, #tpu.memory_space<vmem>>) target_semaphore(%arg12 : memref<!tpu.dma_semaphore, #tpu.memory_space<semaphore_mem>>)
    %slice3A_185 = vector.extract_strided_slice %get3A_47 {offsets = [1], sizes = [1], strides = [1]} : vector<16xi32> to vector<1xi32>
    %squeeze3A_186 = vector.extract %slice3A_185[0] : i32 from vector<1xi32>
    %dma_start3A_187 = arith.constant 9 : i32
    %dma_start3A_188 = arith.constant 0 : i32
    %dma_start3A_189 = tpu.memref_slice %arg9[%dma_start3A_187, %dma_start3A_188] : memref<16x64xf32, #tpu.memory_space<vmem>> -> memref<1x64xf32, #tpu.memory_space<vmem>>
    %dma_start3A_190 = tpu.memref_squeeze %dma_start3A_189 : memref<1x64xf32, #tpu.memory_space<vmem>> -> memref<64xf32, #tpu.memory_space<vmem>>
    %dma_start3A_191 = arith.constant 0 : i32
    %dma_start3A_192 = tpu.memref_slice %arg5[%squeeze3A_186, %dma_start3A_191] : memref<100000x64xf32, #tpu.memory_space<hbm>> -> memref<1x64xf32, #tpu.memory_space<hbm>>
    %dma_start3A_193 = tpu.memref_squeeze %dma_start3A_192 : memref<1x64xf32, #tpu.memory_space<hbm>> -> memref<64xf32, #tpu.memory_space<hbm>>
    %dma_start3A_194 = arith.constant 0 : i32
    %dma_start3A_195 = tpu.memref_slice %arg9[%dma_start3A_187, %dma_start3A_194] : memref<16x64xf32, #tpu.memory_space<vmem>> -> memref<1x64xf32, #tpu.memory_space<vmem>>
    %dma_start3A_196 = tpu.memref_squeeze %dma_start3A_195 : memref<1x64xf32, #tpu.memory_space<vmem>> -> memref<64xf32, #tpu.memory_space<vmem>>
    %dma_start3A_197 = arith.constant 0 : i32
    %dma_start3A_198 = tpu.memref_slice %arg5[%squeeze3A_186, %dma_start3A_197] : memref<100000x64xf32, #tpu.memory_space<hbm>> -> memref<1x64xf32, #tpu.memory_space<hbm>>
    %dma_start3A_199 = tpu.memref_squeeze %dma_start3A_198 : memref<1x64xf32, #tpu.memory_space<hbm>> -> memref<64xf32, #tpu.memory_space<hbm>>
    tpu.enqueue_dma source(%dma_start3A_199 : memref<64xf32, #tpu.memory_space<hbm>>) target(%dma_start3A_196 : memref<64xf32, #tpu.memory_space<vmem>>) target_semaphore(%arg12 : memref<!tpu.dma_semaphore, #tpu.memory_space<semaphore_mem>>)
    %slice3A_200 = vector.extract_strided_slice %get3A_47 {offsets = [2], sizes = [1], strides = [1]} : vector<16xi32> to vector<1xi32>
    %squeeze3A_201 = vector.extract %slice3A_200[0] : i32 from vector<1xi32>
    %dma_start3A_202 = arith.constant 10 : i32
    %dma_start3A_203 = arith.constant 0 : i32
    %dma_start3A_204 = tpu.memref_slice %arg9[%dma_start3A_202, %dma_start3A_203] : memref<16x64xf32, #tpu.memory_space<vmem>> -> memref<1x64xf32, #tpu.memory_space<vmem>>
    %dma_start3A_205 = tpu.memref_squeeze %dma_start3A_204 : memref<1x64xf32, #tpu.memory_space<vmem>> -> memref<64xf32, #tpu.memory_space<vmem>>
    %dma_start3A_206 = arith.constant 0 : i32
    %dma_start3A_207 = tpu.memref_slice %arg5[%squeeze3A_201, %dma_start3A_206] : memref<100000x64xf32, #tpu.memory_space<hbm>> -> memref<1x64xf32, #tpu.memory_space<hbm>>
    %dma_start3A_208 = tpu.memref_squeeze %dma_start3A_207 : memref<1x64xf32, #tpu.memory_space<hbm>> -> memref<64xf32, #tpu.memory_space<hbm>>
    %dma_start3A_209 = arith.constant 0 : i32
    %dma_start3A_210 = tpu.memref_slice %arg9[%dma_start3A_202, %dma_start3A_209] : memref<16x64xf32, #tpu.memory_space<vmem>> -> memref<1x64xf32, #tpu.memory_space<vmem>>
    %dma_start3A_211 = tpu.memref_squeeze %dma_start3A_210 : memref<1x64xf32, #tpu.memory_space<vmem>> -> memref<64xf32, #tpu.memory_space<vmem>>
    %dma_start3A_212 = arith.constant 0 : i32
    %dma_start3A_213 = tpu.memref_slice %arg5[%squeeze3A_201, %dma_start3A_212] : memref<100000x64xf32, #tpu.memory_space<hbm>> -> memref<1x64xf32, #tpu.memory_space<hbm>>
    %dma_start3A_214 = tpu.memref_squeeze %dma_start3A_213 : memref<1x64xf32, #tpu.memory_space<hbm>> -> memref<64xf32, #tpu.memory_space<hbm>>
    tpu.enqueue_dma source(%dma_start3A_214 : memref<64xf32, #tpu.memory_space<hbm>>) target(%dma_start3A_211 : memref<64xf32, #tpu.memory_space<vmem>>) target_semaphore(%arg12 : memref<!tpu.dma_semaphore, #tpu.memory_space<semaphore_mem>>)
    %slice3A_215 = vector.extract_strided_slice %get3A_47 {offsets = [3], sizes = [1], strides = [1]} : vector<16xi32> to vector<1xi32>
    %squeeze3A_216 = vector.extract %slice3A_215[0] : i32 from vector<1xi32>
    %dma_start3A_217 = arith.constant 11 : i32
    %dma_start3A_218 = arith.constant 0 : i32
    %dma_start3A_219 = tpu.memref_slice %arg9[%dma_start3A_217, %dma_start3A_218] : memref<16x64xf32, #tpu.memory_space<vmem>> -> memref<1x64xf32, #tpu.memory_space<vmem>>
    %dma_start3A_220 = tpu.memref_squeeze %dma_start3A_219 : memref<1x64xf32, #tpu.memory_space<vmem>> -> memref<64xf32, #tpu.memory_space<vmem>>
    %dma_start3A_221 = arith.constant 0 : i32
    %dma_start3A_222 = tpu.memref_slice %arg5[%squeeze3A_216, %dma_start3A_221] : memref<100000x64xf32, #tpu.memory_space<hbm>> -> memref<1x64xf32, #tpu.memory_space<hbm>>
    %dma_start3A_223 = tpu.memref_squeeze %dma_start3A_222 : memref<1x64xf32, #tpu.memory_space<hbm>> -> memref<64xf32, #tpu.memory_space<hbm>>
    %dma_start3A_224 = arith.constant 0 : i32
    %dma_start3A_225 = tpu.memref_slice %arg9[%dma_start3A_217, %dma_start3A_224] : memref<16x64xf32, #tpu.memory_space<vmem>> -> memref<1x64xf32, #tpu.memory_space<vmem>>
    %dma_start3A_226 = tpu.memref_squeeze %dma_start3A_225 : memref<1x64xf32, #tpu.memory_space<vmem>> -> memref<64xf32, #tpu.memory_space<vmem>>
    %dma_start3A_227 = arith.constant 0 : i32
    %dma_start3A_228 = tpu.memref_slice %arg5[%squeeze3A_216, %dma_start3A_227] : memref<100000x64xf32, #tpu.memory_space<hbm>> -> memref<1x64xf32, #tpu.memory_space<hbm>>
    %dma_start3A_229 = tpu.memref_squeeze %dma_start3A_228 : memref<1x64xf32, #tpu.memory_space<hbm>> -> memref<64xf32, #tpu.memory_space<hbm>>
    tpu.enqueue_dma source(%dma_start3A_229 : memref<64xf32, #tpu.memory_space<hbm>>) target(%dma_start3A_226 : memref<64xf32, #tpu.memory_space<vmem>>) target_semaphore(%arg12 : memref<!tpu.dma_semaphore, #tpu.memory_space<semaphore_mem>>)
    %slice3A_230 = vector.extract_strided_slice %get3A_52 {offsets = [0], sizes = [1], strides = [1]} : vector<16xi32> to vector<1xi32>
    %squeeze3A_231 = vector.extract %slice3A_230[0] : i32 from vector<1xi32>
    %dma_start3A_232 = arith.constant 12 : i32
    %dma_start3A_233 = arith.constant 0 : i32
    %dma_start3A_234 = tpu.memref_slice %arg9[%dma_start3A_232, %dma_start3A_233] : memref<16x64xf32, #tpu.memory_space<vmem>> -> memref<1x64xf32, #tpu.memory_space<vmem>>
    %dma_start3A_235 = tpu.memref_squeeze %dma_start3A_234 : memref<1x64xf32, #tpu.memory_space<vmem>> -> memref<64xf32, #tpu.memory_space<vmem>>
    %dma_start3A_236 = arith.constant 0 : i32
    %dma_start3A_237 = tpu.memref_slice %arg6[%squeeze3A_231, %dma_start3A_236] : memref<100000x64xf32, #tpu.memory_space<hbm>> -> memref<1x64xf32, #tpu.memory_space<hbm>>
    %dma_start3A_238 = tpu.memref_squeeze %dma_start3A_237 : memref<1x64xf32, #tpu.memory_space<hbm>> -> memref<64xf32, #tpu.memory_space<hbm>>
    %dma_start3A_239 = arith.constant 0 : i32
    %dma_start3A_240 = tpu.memref_slice %arg9[%dma_start3A_232, %dma_start3A_239] : memref<16x64xf32, #tpu.memory_space<vmem>> -> memref<1x64xf32, #tpu.memory_space<vmem>>
    %dma_start3A_241 = tpu.memref_squeeze %dma_start3A_240 : memref<1x64xf32, #tpu.memory_space<vmem>> -> memref<64xf32, #tpu.memory_space<vmem>>
    %dma_start3A_242 = arith.constant 0 : i32
    %dma_start3A_243 = tpu.memref_slice %arg6[%squeeze3A_231, %dma_start3A_242] : memref<100000x64xf32, #tpu.memory_space<hbm>> -> memref<1x64xf32, #tpu.memory_space<hbm>>
    %dma_start3A_244 = tpu.memref_squeeze %dma_start3A_243 : memref<1x64xf32, #tpu.memory_space<hbm>> -> memref<64xf32, #tpu.memory_space<hbm>>
    tpu.enqueue_dma source(%dma_start3A_244 : memref<64xf32, #tpu.memory_space<hbm>>) target(%dma_start3A_241 : memref<64xf32, #tpu.memory_space<vmem>>) target_semaphore(%arg12 : memref<!tpu.dma_semaphore, #tpu.memory_space<semaphore_mem>>)
    %slice3A_245 = vector.extract_strided_slice %get3A_52 {offsets = [1], sizes = [1], strides = [1]} : vector<16xi32> to vector<1xi32>
    %squeeze3A_246 = vector.extract %slice3A_245[0] : i32 from vector<1xi32>
    %dma_start3A_247 = arith.constant 13 : i32
    %dma_start3A_248 = arith.constant 0 : i32
    %dma_start3A_249 = tpu.memref_slice %arg9[%dma_start3A_247, %dma_start3A_248] : memref<16x64xf32, #tpu.memory_space<vmem>> -> memref<1x64xf32, #tpu.memory_space<vmem>>
    %dma_start3A_250 = tpu.memref_squeeze %dma_start3A_249 : memref<1x64xf32, #tpu.memory_space<vmem>> -> memref<64xf32, #tpu.memory_space<vmem>>
    %dma_start3A_251 = arith.constant 0 : i32
    %dma_start3A_252 = tpu.memref_slice %arg6[%squeeze3A_246, %dma_start3A_251] : memref<100000x64xf32, #tpu.memory_space<hbm>> -> memref<1x64xf32, #tpu.memory_space<hbm>>
    %dma_start3A_253 = tpu.memref_squeeze %dma_start3A_252 : memref<1x64xf32, #tpu.memory_space<hbm>> -> memref<64xf32, #tpu.memory_space<hbm>>
    %dma_start3A_254 = arith.constant 0 : i32
    %dma_start3A_255 = tpu.memref_slice %arg9[%dma_start3A_247, %dma_start3A_254] : memref<16x64xf32, #tpu.memory_space<vmem>> -> memref<1x64xf32, #tpu.memory_space<vmem>>
    %dma_start3A_256 = tpu.memref_squeeze %dma_start3A_255 : memref<1x64xf32, #tpu.memory_space<vmem>> -> memref<64xf32, #tpu.memory_space<vmem>>
    %dma_start3A_257 = arith.constant 0 : i32
    %dma_start3A_258 = tpu.memref_slice %arg6[%squeeze3A_246, %dma_start3A_257] : memref<100000x64xf32, #tpu.memory_space<hbm>> -> memref<1x64xf32, #tpu.memory_space<hbm>>
    %dma_start3A_259 = tpu.memref_squeeze %dma_start3A_258 : memref<1x64xf32, #tpu.memory_space<hbm>> -> memref<64xf32, #tpu.memory_space<hbm>>
    tpu.enqueue_dma source(%dma_start3A_259 : memref<64xf32, #tpu.memory_space<hbm>>) target(%dma_start3A_256 : memref<64xf32, #tpu.memory_space<vmem>>) target_semaphore(%arg12 : memref<!tpu.dma_semaphore, #tpu.memory_space<semaphore_mem>>)
    %slice3A_260 = vector.extract_strided_slice %get3A_52 {offsets = [2], sizes = [1], strides = [1]} : vector<16xi32> to vector<1xi32>
    %squeeze3A_261 = vector.extract %slice3A_260[0] : i32 from vector<1xi32>
    %dma_start3A_262 = arith.constant 14 : i32
    %dma_start3A_263 = arith.constant 0 : i32
    %dma_start3A_264 = tpu.memref_slice %arg9[%dma_start3A_262, %dma_start3A_263] : memref<16x64xf32, #tpu.memory_space<vmem>> -> memref<1x64xf32, #tpu.memory_space<vmem>>
    %dma_start3A_265 = tpu.memref_squeeze %dma_start3A_264 : memref<1x64xf32, #tpu.memory_space<vmem>> -> memref<64xf32, #tpu.memory_space<vmem>>
    %dma_start3A_266 = arith.constant 0 : i32
    %dma_start3A_267 = tpu.memref_slice %arg6[%squeeze3A_261, %dma_start3A_266] : memref<100000x64xf32, #tpu.memory_space<hbm>> -> memref<1x64xf32, #tpu.memory_space<hbm>>
    %dma_start3A_268 = tpu.memref_squeeze %dma_start3A_267 : memref<1x64xf32, #tpu.memory_space<hbm>> -> memref<64xf32, #tpu.memory_space<hbm>>
    %dma_start3A_269 = arith.constant 0 : i32
    %dma_start3A_270 = tpu.memref_slice %arg9[%dma_start3A_262, %dma_start3A_269] : memref<16x64xf32, #tpu.memory_space<vmem>> -> memref<1x64xf32, #tpu.memory_space<vmem>>
    %dma_start3A_271 = tpu.memref_squeeze %dma_start3A_270 : memref<1x64xf32, #tpu.memory_space<vmem>> -> memref<64xf32, #tpu.memory_space<vmem>>
    %dma_start3A_272 = arith.constant 0 : i32
    %dma_start3A_273 = tpu.memref_slice %arg6[%squeeze3A_261, %dma_start3A_272] : memref<100000x64xf32, #tpu.memory_space<hbm>> -> memref<1x64xf32, #tpu.memory_space<hbm>>
    %dma_start3A_274 = tpu.memref_squeeze %dma_start3A_273 : memref<1x64xf32, #tpu.memory_space<hbm>> -> memref<64xf32, #tpu.memory_space<hbm>>
    tpu.enqueue_dma source(%dma_start3A_274 : memref<64xf32, #tpu.memory_space<hbm>>) target(%dma_start3A_271 : memref<64xf32, #tpu.memory_space<vmem>>) target_semaphore(%arg12 : memref<!tpu.dma_semaphore, #tpu.memory_space<semaphore_mem>>)
    %slice3A_275 = vector.extract_strided_slice %get3A_52 {offsets = [3], sizes = [1], strides = [1]} : vector<16xi32> to vector<1xi32>
    %squeeze3A_276 = vector.extract %slice3A_275[0] : i32 from vector<1xi32>
    %dma_start3A_277 = arith.constant 15 : i32
    %dma_start3A_278 = arith.constant 0 : i32
    %dma_start3A_279 = tpu.memref_slice %arg9[%dma_start3A_277, %dma_start3A_278] : memref<16x64xf32, #tpu.memory_space<vmem>> -> memref<1x64xf32, #tpu.memory_space<vmem>>
    %dma_start3A_280 = tpu.memref_squeeze %dma_start3A_279 : memref<1x64xf32, #tpu.memory_space<vmem>> -> memref<64xf32, #tpu.memory_space<vmem>>
    %dma_start3A_281 = arith.constant 0 : i32
    %dma_start3A_282 = tpu.memref_slice %arg6[%squeeze3A_276, %dma_start3A_281] : memref<100000x64xf32, #tpu.memory_space<hbm>> -> memref<1x64xf32, #tpu.memory_space<hbm>>
    %dma_start3A_283 = tpu.memref_squeeze %dma_start3A_282 : memref<1x64xf32, #tpu.memory_space<hbm>> -> memref<64xf32, #tpu.memory_space<hbm>>
    %dma_start3A_284 = arith.constant 0 : i32
    %dma_start3A_285 = tpu.memref_slice %arg9[%dma_start3A_277, %dma_start3A_284] : memref<16x64xf32, #tpu.memory_space<vmem>> -> memref<1x64xf32, #tpu.memory_space<vmem>>
    %dma_start3A_286 = tpu.memref_squeeze %dma_start3A_285 : memref<1x64xf32, #tpu.memory_space<vmem>> -> memref<64xf32, #tpu.memory_space<vmem>>
    %dma_start3A_287 = arith.constant 0 : i32
    %dma_start3A_288 = tpu.memref_slice %arg6[%squeeze3A_276, %dma_start3A_287] : memref<100000x64xf32, #tpu.memory_space<hbm>> -> memref<1x64xf32, #tpu.memory_space<hbm>>
    %dma_start3A_289 = tpu.memref_squeeze %dma_start3A_288 : memref<1x64xf32, #tpu.memory_space<hbm>> -> memref<64xf32, #tpu.memory_space<hbm>>
    tpu.enqueue_dma source(%dma_start3A_289 : memref<64xf32, #tpu.memory_space<hbm>>) target(%dma_start3A_286 : memref<64xf32, #tpu.memory_space<vmem>>) target_semaphore(%arg12 : memref<!tpu.dma_semaphore, #tpu.memory_space<semaphore_mem>>)
    %scan3A = arith.constant 0 : i32
    %scan3A_290 = arith.constant 0 : i32
    %scan3A_291 = arith.constant 32 : i32
    %scan3A_292 = arith.addi %scan3A_290, %scan3A_291 : i32
    %scan3A_293 = arith.constant 1 : i32
    %scan3A_294 = scf.for %scan3A_301 = %scan3A_290 to %scan3A_292 step %scan3A_293 iter_args(%scan3A_302 = %scan3A) -> (i32)  : i32 {
      %mul3A_303 = arith.constant 4 : i32
      %mul3A_304 = arith.muli %scan3A_301, %mul3A_303 : i32
      %add3A_305 = arith.constant 0 : i32
      %add3A_306 = arith.addi %mul3A_304, %add3A_305 : i32
      %add3A_307 = arith.constant 0 : i32
      %add3A_308 = arith.addi %scan3A_301, %add3A_307 : i32
      %mul3A_309 = arith.constant 16 : i32
      %mul3A_310 = arith.muli %add3A_308, %mul3A_309 : i32
      %get3A_311 = arith.constant 0 : i32
      %get3A_312 = arith.index_cast %get3A_311 : i32 to index
      %get3A_313 = arith.index_cast %mul3A_310 : i32 to index
      %get3A_314 = tpu.vector_load %arg8[%get3A_312, %get3A_313] {strides = array<i32>} : memref<4x528xi32, #tpu.memory_space<vmem>>, vector<1x16xi32>,
      %get3A_315 = vector.shape_cast %get3A_314 : vector<1x16xi32> to vector<16xi32>
      %get3A_316 = arith.constant 1 : i32
      %get3A_317 = arith.index_cast %get3A_316 : i32 to index
      %get3A_318 = arith.index_cast %mul3A_310 : i32 to index
      %get3A_319 = tpu.vector_load %arg8[%get3A_317, %get3A_318] {strides = array<i32>} : memref<4x528xi32, #tpu.memory_space<vmem>>, vector<1x16xi32>,
      %get3A_320 = vector.shape_cast %get3A_319 : vector<1x16xi32> to vector<16xi32>
      %get3A_321 = arith.constant 2 : i32
      %get3A_322 = arith.index_cast %get3A_321 : i32 to index
      %get3A_323 = arith.index_cast %mul3A_310 : i32 to index
      %get3A_324 = tpu.vector_load %arg8[%get3A_322, %get3A_323] {strides = array<i32>} : memref<4x528xi32, #tpu.memory_space<vmem>>, vector<1x16xi32>,
      %get3A_325 = vector.shape_cast %get3A_324 : vector<1x16xi32> to vector<16xi32>
      %get3A_326 = arith.constant 3 : i32
      %get3A_327 = arith.index_cast %get3A_326 : i32 to index
      %get3A_328 = arith.index_cast %mul3A_310 : i32 to index
      %get3A_329 = tpu.vector_load %arg8[%get3A_327, %get3A_328] {strides = array<i32>} : memref<4x528xi32, #tpu.memory_space<vmem>>, vector<1x16xi32>,
      %get3A_330 = vector.shape_cast %get3A_329 : vector<1x16xi32> to vector<16xi32>
      %slice3A_331 = vector.extract_strided_slice %get3A_315 {offsets = [4], sizes = [1], strides = [1]} : vector<16xi32> to vector<1xi32>
      %squeeze3A_332 = vector.extract %slice3A_331[0] : i32 from vector<1xi32>
      %dma_start3A_333 = arith.constant 0 : i32
      %dma_start3A_334 = arith.constant 0 : i32
      %dma_start3A_335 = tpu.memref_slice %arg10[%dma_start3A_333, %dma_start3A_334] : memref<16x64xf32, #tpu.memory_space<vmem>> -> memref<1x64xf32, #tpu.memory_space<vmem>>
      %dma_start3A_336 = tpu.memref_squeeze %dma_start3A_335 : memref<1x64xf32, #tpu.memory_space<vmem>> -> memref<64xf32, #tpu.memory_space<vmem>>
      %dma_start3A_337 = arith.constant 0 : i32
      %dma_start3A_338 = tpu.memref_slice %arg3[%squeeze3A_332, %dma_start3A_337] : memref<100000x64xf32, #tpu.memory_space<hbm>> -> memref<1x64xf32, #tpu.memory_space<hbm>>
      %dma_start3A_339 = tpu.memref_squeeze %dma_start3A_338 : memref<1x64xf32, #tpu.memory_space<hbm>> -> memref<64xf32, #tpu.memory_space<hbm>>
      %dma_start3A_340 = arith.constant 0 : i32
      %dma_start3A_341 = tpu.memref_slice %arg10[%dma_start3A_333, %dma_start3A_340] : memref<16x64xf32, #tpu.memory_space<vmem>> -> memref<1x64xf32, #tpu.memory_space<vmem>>
      %dma_start3A_342 = tpu.memref_squeeze %dma_start3A_341 : memref<1x64xf32, #tpu.memory_space<vmem>> -> memref<64xf32, #tpu.memory_space<vmem>>
      %dma_start3A_343 = arith.constant 0 : i32
      %dma_start3A_344 = tpu.memref_slice %arg3[%squeeze3A_332, %dma_start3A_343] : memref<100000x64xf32, #tpu.memory_space<hbm>> -> memref<1x64xf32, #tpu.memory_space<hbm>>
      %dma_start3A_345 = tpu.memref_squeeze %dma_start3A_344 : memref<1x64xf32, #tpu.memory_space<hbm>> -> memref<64xf32, #tpu.memory_space<hbm>>
      tpu.enqueue_dma source(%dma_start3A_345 : memref<64xf32, #tpu.memory_space<hbm>>) target(%dma_start3A_342 : memref<64xf32, #tpu.memory_space<vmem>>) target_semaphore(%arg13 : memref<!tpu.dma_semaphore, #tpu.memory_space<semaphore_mem>>)
      %slice3A_346 = vector.extract_strided_slice %get3A_315 {offsets = [5], sizes = [1], strides = [1]} : vector<16xi32> to vector<1xi32>
      %squeeze3A_347 = vector.extract %slice3A_346[0] : i32 from vector<1xi32>
      %dma_start3A_348 = arith.constant 1 : i32
      %dma_start3A_349 = arith.constant 0 : i32
      %dma_start3A_350 = tpu.memref_slice %arg10[%dma_start3A_348, %dma_start3A_349] : memref<16x64xf32, #tpu.memory_space<vmem>> -> memref<1x64xf32, #tpu.memory_space<vmem>>
      %dma_start3A_351 = tpu.memref_squeeze %dma_start3A_350 : memref<1x64xf32, #tpu.memory_space<vmem>> -> memref<64xf32, #tpu.memory_space<vmem>>
      %dma_start3A_352 = arith.constant 0 : i32
      %dma_start3A_353 = tpu.memref_slice %arg3[%squeeze3A_347, %dma_start3A_352] : memref<100000x64xf32, #tpu.memory_space<hbm>> -> memref<1x64xf32, #tpu.memory_space<hbm>>
      %dma_start3A_354 = tpu.memref_squeeze %dma_start3A_353 : memref<1x64xf32, #tpu.memory_space<hbm>> -> memref<64xf32, #tpu.memory_space<hbm>>
      %dma_start3A_355 = arith.constant 0 : i32
      %dma_start3A_356 = tpu.memref_slice %arg10[%dma_start3A_348, %dma_start3A_355] : memref<16x64xf32, #tpu.memory_space<vmem>> -> memref<1x64xf32, #tpu.memory_space<vmem>>
      %dma_start3A_357 = tpu.memref_squeeze %dma_start3A_356 : memref<1x64xf32, #tpu.memory_space<vmem>> -> memref<64xf32, #tpu.memory_space<vmem>>
      %dma_start3A_358 = arith.constant 0 : i32
      %dma_start3A_359 = tpu.memref_slice %arg3[%squeeze3A_347, %dma_start3A_358] : memref<100000x64xf32, #tpu.memory_space<hbm>> -> memref<1x64xf32, #tpu.memory_space<hbm>>
      %dma_start3A_360 = tpu.memref_squeeze %dma_start3A_359 : memref<1x64xf32, #tpu.memory_space<hbm>> -> memref<64xf32, #tpu.memory_space<hbm>>
      tpu.enqueue_dma source(%dma_start3A_360 : memref<64xf32, #tpu.memory_space<hbm>>) target(%dma_start3A_357 : memref<64xf32, #tpu.memory_space<vmem>>) target_semaphore(%arg13 : memref<!tpu.dma_semaphore, #tpu.memory_space<semaphore_mem>>)
      %slice3A_361 = vector.extract_strided_slice %get3A_315 {offsets = [6], sizes = [1], strides = [1]} : vector<16xi32> to vector<1xi32>
      %squeeze3A_362 = vector.extract %slice3A_361[0] : i32 from vector<1xi32>
      %dma_start3A_363 = arith.constant 2 : i32
      %dma_start3A_364 = arith.constant 0 : i32
      %dma_start3A_365 = tpu.memref_slice %arg10[%dma_start3A_363, %dma_start3A_364] : memref<16x64xf32, #tpu.memory_space<vmem>> -> memref<1x64xf32, #tpu.memory_space<vmem>>
      %dma_start3A_366 = tpu.memref_squeeze %dma_start3A_365 : memref<1x64xf32, #tpu.memory_space<vmem>> -> memref<64xf32, #tpu.memory_space<vmem>>
      %dma_start3A_367 = arith.constant 0 : i32
      %dma_start3A_368 = tpu.memref_slice %arg3[%squeeze3A_362, %dma_start3A_367] : memref<100000x64xf32, #tpu.memory_space<hbm>> -> memref<1x64xf32, #tpu.memory_space<hbm>>
      %dma_start3A_369 = tpu.memref_squeeze %dma_start3A_368 : memref<1x64xf32, #tpu.memory_space<hbm>> -> memref<64xf32, #tpu.memory_space<hbm>>
      %dma_start3A_370 = arith.constant 0 : i32
      %dma_start3A_371 = tpu.memref_slice %arg10[%dma_start3A_363, %dma_start3A_370] : memref<16x64xf32, #tpu.memory_space<vmem>> -> memref<1x64xf32, #tpu.memory_space<vmem>>
      %dma_start3A_372 = tpu.memref_squeeze %dma_start3A_371 : memref<1x64xf32, #tpu.memory_space<vmem>> -> memref<64xf32, #tpu.memory_space<vmem>>
      %dma_start3A_373 = arith.constant 0 : i32
      %dma_start3A_374 = tpu.memref_slice %arg3[%squeeze3A_362, %dma_start3A_373] : memref<100000x64xf32, #tpu.memory_space<hbm>> -> memref<1x64xf32, #tpu.memory_space<hbm>>
      %dma_start3A_375 = tpu.memref_squeeze %dma_start3A_374 : memref<1x64xf32, #tpu.memory_space<hbm>> -> memref<64xf32, #tpu.memory_space<hbm>>
      tpu.enqueue_dma source(%dma_start3A_375 : memref<64xf32, #tpu.memory_space<hbm>>) target(%dma_start3A_372 : memref<64xf32, #tpu.memory_space<vmem>>) target_semaphore(%arg13 : memref<!tpu.dma_semaphore, #tpu.memory_space<semaphore_mem>>)
      %slice3A_376 = vector.extract_strided_slice %get3A_315 {offsets = [7], sizes = [1], strides = [1]} : vector<16xi32> to vector<1xi32>
      %squeeze3A_377 = vector.extract %slice3A_376[0] : i32 from vector<1xi32>
      %dma_start3A_378 = arith.constant 3 : i32
      %dma_start3A_379 = arith.constant 0 : i32
      %dma_start3A_380 = tpu.memref_slice %arg10[%dma_start3A_378, %dma_start3A_379] : memref<16x64xf32, #tpu.memory_space<vmem>> -> memref<1x64xf32, #tpu.memory_space<vmem>>
      %dma_start3A_381 = tpu.memref_squeeze %dma_start3A_380 : memref<1x64xf32, #tpu.memory_space<vmem>> -> memref<64xf32, #tpu.memory_space<vmem>>
      %dma_start3A_382 = arith.constant 0 : i32
      %dma_start3A_383 = tpu.memref_slice %arg3[%squeeze3A_377, %dma_start3A_382] : memref<100000x64xf32, #tpu.memory_space<hbm>> -> memref<1x64xf32, #tpu.memory_space<hbm>>
      %dma_start3A_384 = tpu.memref_squeeze %dma_start3A_383 : memref<1x64xf32, #tpu.memory_space<hbm>> -> memref<64xf32, #tpu.memory_space<hbm>>
      %dma_start3A_385 = arith.constant 0 : i32
      %dma_start3A_386 = tpu.memref_slice %arg10[%dma_start3A_378, %dma_start3A_385] : memref<16x64xf32, #tpu.memory_space<vmem>> -> memref<1x64xf32, #tpu.memory_space<vmem>>
      %dma_start3A_387 = tpu.memref_squeeze %dma_start3A_386 : memref<1x64xf32, #tpu.memory_space<vmem>> -> memref<64xf32, #tpu.memory_space<vmem>>
      %dma_start3A_388 = arith.constant 0 : i32
      %dma_start3A_389 = tpu.memref_slice %arg3[%squeeze3A_377, %dma_start3A_388] : memref<100000x64xf32, #tpu.memory_space<hbm>> -> memref<1x64xf32, #tpu.memory_space<hbm>>
      %dma_start3A_390 = tpu.memref_squeeze %dma_start3A_389 : memref<1x64xf32, #tpu.memory_space<hbm>> -> memref<64xf32, #tpu.memory_space<hbm>>
      tpu.enqueue_dma source(%dma_start3A_390 : memref<64xf32, #tpu.memory_space<hbm>>) target(%dma_start3A_387 : memref<64xf32, #tpu.memory_space<vmem>>) target_semaphore(%arg13 : memref<!tpu.dma_semaphore, #tpu.memory_space<semaphore_mem>>)
      %slice3A_391 = vector.extract_strided_slice %get3A_320 {offsets = [4], sizes = [1], strides = [1]} : vector<16xi32> to vector<1xi32>
      %squeeze3A_392 = vector.extract %slice3A_391[0] : i32 from vector<1xi32>
      %dma_start3A_393 = arith.constant 4 : i32
      %dma_start3A_394 = arith.constant 0 : i32
      %dma_start3A_395 = tpu.memref_slice %arg10[%dma_start3A_393, %dma_start3A_394] : memref<16x64xf32, #tpu.memory_space<vmem>> -> memref<1x64xf32, #tpu.memory_space<vmem>>
      %dma_start3A_396 = tpu.memref_squeeze %dma_start3A_395 : memref<1x64xf32, #tpu.memory_space<vmem>> -> memref<64xf32, #tpu.memory_space<vmem>>
      %dma_start3A_397 = arith.constant 0 : i32
      %dma_start3A_398 = tpu.memref_slice %arg4[%squeeze3A_392, %dma_start3A_397] : memref<100000x64xf32, #tpu.memory_space<hbm>> -> memref<1x64xf32, #tpu.memory_space<hbm>>
      %dma_start3A_399 = tpu.memref_squeeze %dma_start3A_398 : memref<1x64xf32, #tpu.memory_space<hbm>> -> memref<64xf32, #tpu.memory_space<hbm>>
      %dma_start3A_400 = arith.constant 0 : i32
      %dma_start3A_401 = tpu.memref_slice %arg10[%dma_start3A_393, %dma_start3A_400] : memref<16x64xf32, #tpu.memory_space<vmem>> -> memref<1x64xf32, #tpu.memory_space<vmem>>
      %dma_start3A_402 = tpu.memref_squeeze %dma_start3A_401 : memref<1x64xf32, #tpu.memory_space<vmem>> -> memref<64xf32, #tpu.memory_space<vmem>>
      %dma_start3A_403 = arith.constant 0 : i32
      %dma_start3A_404 = tpu.memref_slice %arg4[%squeeze3A_392, %dma_start3A_403] : memref<100000x64xf32, #tpu.memory_space<hbm>> -> memref<1x64xf32, #tpu.memory_space<hbm>>
      %dma_start3A_405 = tpu.memref_squeeze %dma_start3A_404 : memref<1x64xf32, #tpu.memory_space<hbm>> -> memref<64xf32, #tpu.memory_space<hbm>>
      tpu.enqueue_dma source(%dma_start3A_405 : memref<64xf32, #tpu.memory_space<hbm>>) target(%dma_start3A_402 : memref<64xf32, #tpu.memory_space<vmem>>) target_semaphore(%arg13 : memref<!tpu.dma_semaphore, #tpu.memory_space<semaphore_mem>>)
      %slice3A_406 = vector.extract_strided_slice %get3A_320 {offsets = [5], sizes = [1], strides = [1]} : vector<16xi32> to vector<1xi32>
      %squeeze3A_407 = vector.extract %slice3A_406[0] : i32 from vector<1xi32>
      %dma_start3A_408 = arith.constant 5 : i32
      %dma_start3A_409 = arith.constant 0 : i32
      %dma_start3A_410 = tpu.memref_slice %arg10[%dma_start3A_408, %dma_start3A_409] : memref<16x64xf32, #tpu.memory_space<vmem>> -> memref<1x64xf32, #tpu.memory_space<vmem>>
      %dma_start3A_411 = tpu.memref_squeeze %dma_start3A_410 : memref<1x64xf32, #tpu.memory_space<vmem>> -> memref<64xf32, #tpu.memory_space<vmem>>
      %dma_start3A_412 = arith.constant 0 : i32
      %dma_start3A_413 = tpu.memref_slice %arg4[%squeeze3A_407, %dma_start3A_412] : memref<100000x64xf32, #tpu.memory_space<hbm>> -> memref<1x64xf32, #tpu.memory_space<hbm>>
      %dma_start3A_414 = tpu.memref_squeeze %dma_start3A_413 : memref<1x64xf32, #tpu.memory_space<hbm>> -> memref<64xf32, #tpu.memory_space<hbm>>
      %dma_start3A_415 = arith.constant 0 : i32
      %dma_start3A_416 = tpu.memref_slice %arg10[%dma_start3A_408, %dma_start3A_415] : memref<16x64xf32, #tpu.memory_space<vmem>> -> memref<1x64xf32, #tpu.memory_space<vmem>>
      %dma_start3A_417 = tpu.memref_squeeze %dma_start3A_416 : memref<1x64xf32, #tpu.memory_space<vmem>> -> memref<64xf32, #tpu.memory_space<vmem>>
      %dma_start3A_418 = arith.constant 0 : i32
      %dma_start3A_419 = tpu.memref_slice %arg4[%squeeze3A_407, %dma_start3A_418] : memref<100000x64xf32, #tpu.memory_space<hbm>> -> memref<1x64xf32, #tpu.memory_space<hbm>>
      %dma_start3A_420 = tpu.memref_squeeze %dma_start3A_419 : memref<1x64xf32, #tpu.memory_space<hbm>> -> memref<64xf32, #tpu.memory_space<hbm>>
      tpu.enqueue_dma source(%dma_start3A_420 : memref<64xf32, #tpu.memory_space<hbm>>) target(%dma_start3A_417 : memref<64xf32, #tpu.memory_space<vmem>>) target_semaphore(%arg13 : memref<!tpu.dma_semaphore, #tpu.memory_space<semaphore_mem>>)
      %slice3A_421 = vector.extract_strided_slice %get3A_320 {offsets = [6], sizes = [1], strides = [1]} : vector<16xi32> to vector<1xi32>
      %squeeze3A_422 = vector.extract %slice3A_421[0] : i32 from vector<1xi32>
      %dma_start3A_423 = arith.constant 6 : i32
      %dma_start3A_424 = arith.constant 0 : i32
      %dma_start3A_425 = tpu.memref_slice %arg10[%dma_start3A_423, %dma_start3A_424] : memref<16x64xf32, #tpu.memory_space<vmem>> -> memref<1x64xf32, #tpu.memory_space<vmem>>
      %dma_start3A_426 = tpu.memref_squeeze %dma_start3A_425 : memref<1x64xf32, #tpu.memory_space<vmem>> -> memref<64xf32, #tpu.memory_space<vmem>>
      %dma_start3A_427 = arith.constant 0 : i32
      %dma_start3A_428 = tpu.memref_slice %arg4[%squeeze3A_422, %dma_start3A_427] : memref<100000x64xf32, #tpu.memory_space<hbm>> -> memref<1x64xf32, #tpu.memory_space<hbm>>
      %dma_start3A_429 = tpu.memref_squeeze %dma_start3A_428 : memref<1x64xf32, #tpu.memory_space<hbm>> -> memref<64xf32, #tpu.memory_space<hbm>>
      %dma_start3A_430 = arith.constant 0 : i32
      %dma_start3A_431 = tpu.memref_slice %arg10[%dma_start3A_423, %dma_start3A_430] : memref<16x64xf32, #tpu.memory_space<vmem>> -> memref<1x64xf32, #tpu.memory_space<vmem>>
      %dma_start3A_432 = tpu.memref_squeeze %dma_start3A_431 : memref<1x64xf32, #tpu.memory_space<vmem>> -> memref<64xf32, #tpu.memory_space<vmem>>
      %dma_start3A_433 = arith.constant 0 : i32
      %dma_start3A_434 = tpu.memref_slice %arg4[%squeeze3A_422, %dma_start3A_433] : memref<100000x64xf32, #tpu.memory_space<hbm>> -> memref<1x64xf32, #tpu.memory_space<hbm>>
      %dma_start3A_435 = tpu.memref_squeeze %dma_start3A_434 : memref<1x64xf32, #tpu.memory_space<hbm>> -> memref<64xf32, #tpu.memory_space<hbm>>
      tpu.enqueue_dma source(%dma_start3A_435 : memref<64xf32, #tpu.memory_space<hbm>>) target(%dma_start3A_432 : memref<64xf32, #tpu.memory_space<vmem>>) target_semaphore(%arg13 : memref<!tpu.dma_semaphore, #tpu.memory_space<semaphore_mem>>)
      %slice3A_436 = vector.extract_strided_slice %get3A_320 {offsets = [7], sizes = [1], strides = [1]} : vector<16xi32> to vector<1xi32>
      %squeeze3A_437 = vector.extract %slice3A_436[0] : i32 from vector<1xi32>
      %dma_start3A_438 = arith.constant 7 : i32
      %dma_start3A_439 = arith.constant 0 : i32
      %dma_start3A_440 = tpu.memref_slice %arg10[%dma_start3A_438, %dma_start3A_439] : memref<16x64xf32, #tpu.memory_space<vmem>> -> memref<1x64xf32, #tpu.memory_space<vmem>>
      %dma_start3A_441 = tpu.memref_squeeze %dma_start3A_440 : memref<1x64xf32, #tpu.memory_space<vmem>> -> memref<64xf32, #tpu.memory_space<vmem>>
      %dma_start3A_442 = arith.constant 0 : i32
      %dma_start3A_443 = tpu.memref_slice %arg4[%squeeze3A_437, %dma_start3A_442] : memref<100000x64xf32, #tpu.memory_space<hbm>> -> memref<1x64xf32, #tpu.memory_space<hbm>>
      %dma_start3A_444 = tpu.memref_squeeze %dma_start3A_443 : memref<1x64xf32, #tpu.memory_space<hbm>> -> memref<64xf32, #tpu.memory_space<hbm>>
      %dma_start3A_445 = arith.constant 0 : i32
      %dma_start3A_446 = tpu.memref_slice %arg10[%dma_start3A_438, %dma_start3A_445] : memref<16x64xf32, #tpu.memory_space<vmem>> -> memref<1x64xf32, #tpu.memory_space<vmem>>
      %dma_start3A_447 = tpu.memref_squeeze %dma_start3A_446 : memref<1x64xf32, #tpu.memory_space<vmem>> -> memref<64xf32, #tpu.memory_space<vmem>>
      %dma_start3A_448 = arith.constant 0 : i32
      %dma_start3A_449 = tpu.memref_slice %arg4[%squeeze3A_437, %dma_start3A_448] : memref<100000x64xf32, #tpu.memory_space<hbm>> -> memref<1x64xf32, #tpu.memory_space<hbm>>
      %dma_start3A_450 = tpu.memref_squeeze %dma_start3A_449 : memref<1x64xf32, #tpu.memory_space<hbm>> -> memref<64xf32, #tpu.memory_space<hbm>>
      tpu.enqueue_dma source(%dma_start3A_450 : memref<64xf32, #tpu.memory_space<hbm>>) target(%dma_start3A_447 : memref<64xf32, #tpu.memory_space<vmem>>) target_semaphore(%arg13 : memref<!tpu.dma_semaphore, #tpu.memory_space<semaphore_mem>>)
      %slice3A_451 = vector.extract_strided_slice %get3A_325 {offsets = [4], sizes = [1], strides = [1]} : vector<16xi32> to vector<1xi32>
      %squeeze3A_452 = vector.extract %slice3A_451[0] : i32 from vector<1xi32>
      %dma_start3A_453 = arith.constant 8 : i32
      %dma_start3A_454 = arith.constant 0 : i32
      %dma_start3A_455 = tpu.memref_slice %arg10[%dma_start3A_453, %dma_start3A_454] : memref<16x64xf32, #tpu.memory_space<vmem>> -> memref<1x64xf32, #tpu.memory_space<vmem>>
      %dma_start3A_456 = tpu.memref_squeeze %dma_start3A_455 : memref<1x64xf32, #tpu.memory_space<vmem>> -> memref<64xf32, #tpu.memory_space<vmem>>
      %dma_start3A_457 = arith.constant 0 : i32
      %dma_start3A_458 = tpu.memref_slice %arg5[%squeeze3A_452, %dma_start3A_457] : memref<100000x64xf32, #tpu.memory_space<hbm>> -> memref<1x64xf32, #tpu.memory_space<hbm>>
      %dma_start3A_459 = tpu.memref_squeeze %dma_start3A_458 : memref<1x64xf32, #tpu.memory_space<hbm>> -> memref<64xf32, #tpu.memory_space<hbm>>
      %dma_start3A_460 = arith.constant 0 : i32
      %dma_start3A_461 = tpu.memref_slice %arg10[%dma_start3A_453, %dma_start3A_460] : memref<16x64xf32, #tpu.memory_space<vmem>> -> memref<1x64xf32, #tpu.memory_space<vmem>>
      %dma_start3A_462 = tpu.memref_squeeze %dma_start3A_461 : memref<1x64xf32, #tpu.memory_space<vmem>> -> memref<64xf32, #tpu.memory_space<vmem>>
      %dma_start3A_463 = arith.constant 0 : i32
      %dma_start3A_464 = tpu.memref_slice %arg5[%squeeze3A_452, %dma_start3A_463] : memref<100000x64xf32, #tpu.memory_space<hbm>> -> memref<1x64xf32, #tpu.memory_space<hbm>>
      %dma_start3A_465 = tpu.memref_squeeze %dma_start3A_464 : memref<1x64xf32, #tpu.memory_space<hbm>> -> memref<64xf32, #tpu.memory_space<hbm>>
      tpu.enqueue_dma source(%dma_start3A_465 : memref<64xf32, #tpu.memory_space<hbm>>) target(%dma_start3A_462 : memref<64xf32, #tpu.memory_space<vmem>>) target_semaphore(%arg13 : memref<!tpu.dma_semaphore, #tpu.memory_space<semaphore_mem>>)
      %slice3A_466 = vector.extract_strided_slice %get3A_325 {offsets = [5], sizes = [1], strides = [1]} : vector<16xi32> to vector<1xi32>
      %squeeze3A_467 = vector.extract %slice3A_466[0] : i32 from vector<1xi32>
      %dma_start3A_468 = arith.constant 9 : i32
      %dma_start3A_469 = arith.constant 0 : i32
      %dma_start3A_470 = tpu.memref_slice %arg10[%dma_start3A_468, %dma_start3A_469] : memref<16x64xf32, #tpu.memory_space<vmem>> -> memref<1x64xf32, #tpu.memory_space<vmem>>
      %dma_start3A_471 = tpu.memref_squeeze %dma_start3A_470 : memref<1x64xf32, #tpu.memory_space<vmem>> -> memref<64xf32, #tpu.memory_space<vmem>>
      %dma_start3A_472 = arith.constant 0 : i32
      %dma_start3A_473 = tpu.memref_slice %arg5[%squeeze3A_467, %dma_start3A_472] : memref<100000x64xf32, #tpu.memory_space<hbm>> -> memref<1x64xf32, #tpu.memory_space<hbm>>
      %dma_start3A_474 = tpu.memref_squeeze %dma_start3A_473 : memref<1x64xf32, #tpu.memory_space<hbm>> -> memref<64xf32, #tpu.memory_space<hbm>>
      %dma_start3A_475 = arith.constant 0 : i32
      %dma_start3A_476 = tpu.memref_slice %arg10[%dma_start3A_468, %dma_start3A_475] : memref<16x64xf32, #tpu.memory_space<vmem>> -> memref<1x64xf32, #tpu.memory_space<vmem>>
      %dma_start3A_477 = tpu.memref_squeeze %dma_start3A_476 : memref<1x64xf32, #tpu.memory_space<vmem>> -> memref<64xf32, #tpu.memory_space<vmem>>
      %dma_start3A_478 = arith.constant 0 : i32
      %dma_start3A_479 = tpu.memref_slice %arg5[%squeeze3A_467, %dma_start3A_478] : memref<100000x64xf32, #tpu.memory_space<hbm>> -> memref<1x64xf32, #tpu.memory_space<hbm>>
      %dma_start3A_480 = tpu.memref_squeeze %dma_start3A_479 : memref<1x64xf32, #tpu.memory_space<hbm>> -> memref<64xf32, #tpu.memory_space<hbm>>
      tpu.enqueue_dma source(%dma_start3A_480 : memref<64xf32, #tpu.memory_space<hbm>>) target(%dma_start3A_477 : memref<64xf32, #tpu.memory_space<vmem>>) target_semaphore(%arg13 : memref<!tpu.dma_semaphore, #tpu.memory_space<semaphore_mem>>)
      %slice3A_481 = vector.extract_strided_slice %get3A_325 {offsets = [6], sizes = [1], strides = [1]} : vector<16xi32> to vector<1xi32>
      %squeeze3A_482 = vector.extract %slice3A_481[0] : i32 from vector<1xi32>
      %dma_start3A_483 = arith.constant 10 : i32
      %dma_start3A_484 = arith.constant 0 : i32
      %dma_start3A_485 = tpu.memref_slice %arg10[%dma_start3A_483, %dma_start3A_484] : memref<16x64xf32, #tpu.memory_space<vmem>> -> memref<1x64xf32, #tpu.memory_space<vmem>>
      %dma_start3A_486 = tpu.memref_squeeze %dma_start3A_485 : memref<1x64xf32, #tpu.memory_space<vmem>> -> memref<64xf32, #tpu.memory_space<vmem>>
      %dma_start3A_487 = arith.constant 0 : i32
      %dma_start3A_488 = tpu.memref_slice %arg5[%squeeze3A_482, %dma_start3A_487] : memref<100000x64xf32, #tpu.memory_space<hbm>> -> memref<1x64xf32, #tpu.memory_space<hbm>>
      %dma_start3A_489 = tpu.memref_squeeze %dma_start3A_488 : memref<1x64xf32, #tpu.memory_space<hbm>> -> memref<64xf32, #tpu.memory_space<hbm>>
      %dma_start3A_490 = arith.constant 0 : i32
      %dma_start3A_491 = tpu.memref_slice %arg10[%dma_start3A_483, %dma_start3A_490] : memref<16x64xf32, #tpu.memory_space<vmem>> -> memref<1x64xf32, #tpu.memory_space<vmem>>
      %dma_start3A_492 = tpu.memref_squeeze %dma_start3A_491 : memref<1x64xf32, #tpu.memory_space<vmem>> -> memref<64xf32, #tpu.memory_space<vmem>>
      %dma_start3A_493 = arith.constant 0 : i32
      %dma_start3A_494 = tpu.memref_slice %arg5[%squeeze3A_482, %dma_start3A_493] : memref<100000x64xf32, #tpu.memory_space<hbm>> -> memref<1x64xf32, #tpu.memory_space<hbm>>
      %dma_start3A_495 = tpu.memref_squeeze %dma_start3A_494 : memref<1x64xf32, #tpu.memory_space<hbm>> -> memref<64xf32, #tpu.memory_space<hbm>>
      tpu.enqueue_dma source(%dma_start3A_495 : memref<64xf32, #tpu.memory_space<hbm>>) target(%dma_start3A_492 : memref<64xf32, #tpu.memory_space<vmem>>) target_semaphore(%arg13 : memref<!tpu.dma_semaphore, #tpu.memory_space<semaphore_mem>>)
      %slice3A_496 = vector.extract_strided_slice %get3A_325 {offsets = [7], sizes = [1], strides = [1]} : vector<16xi32> to vector<1xi32>
      %squeeze3A_497 = vector.extract %slice3A_496[0] : i32 from vector<1xi32>
      %dma_start3A_498 = arith.constant 11 : i32
      %dma_start3A_499 = arith.constant 0 : i32
      %dma_start3A_500 = tpu.memref_slice %arg10[%dma_start3A_498, %dma_start3A_499] : memref<16x64xf32, #tpu.memory_space<vmem>> -> memref<1x64xf32, #tpu.memory_space<vmem>>
      %dma_start3A_501 = tpu.memref_squeeze %dma_start3A_500 : memref<1x64xf32, #tpu.memory_space<vmem>> -> memref<64xf32, #tpu.memory_space<vmem>>
      %dma_start3A_502 = arith.constant 0 : i32
      %dma_start3A_503 = tpu.memref_slice %arg5[%squeeze3A_497, %dma_start3A_502] : memref<100000x64xf32, #tpu.memory_space<hbm>> -> memref<1x64xf32, #tpu.memory_space<hbm>>
      %dma_start3A_504 = tpu.memref_squeeze %dma_start3A_503 : memref<1x64xf32, #tpu.memory_space<hbm>> -> memref<64xf32, #tpu.memory_space<hbm>>
      %dma_start3A_505 = arith.constant 0 : i32
      %dma_start3A_506 = tpu.memref_slice %arg10[%dma_start3A_498, %dma_start3A_505] : memref<16x64xf32, #tpu.memory_space<vmem>> -> memref<1x64xf32, #tpu.memory_space<vmem>>
      %dma_start3A_507 = tpu.memref_squeeze %dma_start3A_506 : memref<1x64xf32, #tpu.memory_space<vmem>> -> memref<64xf32, #tpu.memory_space<vmem>>
      %dma_start3A_508 = arith.constant 0 : i32
      %dma_start3A_509 = tpu.memref_slice %arg5[%squeeze3A_497, %dma_start3A_508] : memref<100000x64xf32, #tpu.memory_space<hbm>> -> memref<1x64xf32, #tpu.memory_space<hbm>>
      %dma_start3A_510 = tpu.memref_squeeze %dma_start3A_509 : memref<1x64xf32, #tpu.memory_space<hbm>> -> memref<64xf32, #tpu.memory_space<hbm>>
      tpu.enqueue_dma source(%dma_start3A_510 : memref<64xf32, #tpu.memory_space<hbm>>) target(%dma_start3A_507 : memref<64xf32, #tpu.memory_space<vmem>>) target_semaphore(%arg13 : memref<!tpu.dma_semaphore, #tpu.memory_space<semaphore_mem>>)
      %slice3A_511 = vector.extract_strided_slice %get3A_330 {offsets = [4], sizes = [1], strides = [1]} : vector<16xi32> to vector<1xi32>
      %squeeze3A_512 = vector.extract %slice3A_511[0] : i32 from vector<1xi32>
      %dma_start3A_513 = arith.constant 12 : i32
      %dma_start3A_514 = arith.constant 0 : i32
      %dma_start3A_515 = tpu.memref_slice %arg10[%dma_start3A_513, %dma_start3A_514] : memref<16x64xf32, #tpu.memory_space<vmem>> -> memref<1x64xf32, #tpu.memory_space<vmem>>
      %dma_start3A_516 = tpu.memref_squeeze %dma_start3A_515 : memref<1x64xf32, #tpu.memory_space<vmem>> -> memref<64xf32, #tpu.memory_space<vmem>>
      %dma_start3A_517 = arith.constant 0 : i32
      %dma_start3A_518 = tpu.memref_slice %arg6[%squeeze3A_512, %dma_start3A_517] : memref<100000x64xf32, #tpu.memory_space<hbm>> -> memref<1x64xf32, #tpu.memory_space<hbm>>
      %dma_start3A_519 = tpu.memref_squeeze %dma_start3A_518 : memref<1x64xf32, #tpu.memory_space<hbm>> -> memref<64xf32, #tpu.memory_space<hbm>>
      %dma_start3A_520 = arith.constant 0 : i32
      %dma_start3A_521 = tpu.memref_slice %arg10[%dma_start3A_513, %dma_start3A_520] : memref<16x64xf32, #tpu.memory_space<vmem>> -> memref<1x64xf32, #tpu.memory_space<vmem>>
      %dma_start3A_522 = tpu.memref_squeeze %dma_start3A_521 : memref<1x64xf32, #tpu.memory_space<vmem>> -> memref<64xf32, #tpu.memory_space<vmem>>
      %dma_start3A_523 = arith.constant 0 : i32
      %dma_start3A_524 = tpu.memref_slice %arg6[%squeeze3A_512, %dma_start3A_523] : memref<100000x64xf32, #tpu.memory_space<hbm>> -> memref<1x64xf32, #tpu.memory_space<hbm>>
      %dma_start3A_525 = tpu.memref_squeeze %dma_start3A_524 : memref<1x64xf32, #tpu.memory_space<hbm>> -> memref<64xf32, #tpu.memory_space<hbm>>
      tpu.enqueue_dma source(%dma_start3A_525 : memref<64xf32, #tpu.memory_space<hbm>>) target(%dma_start3A_522 : memref<64xf32, #tpu.memory_space<vmem>>) target_semaphore(%arg13 : memref<!tpu.dma_semaphore, #tpu.memory_space<semaphore_mem>>)
      %slice3A_526 = vector.extract_strided_slice %get3A_330 {offsets = [5], sizes = [1], strides = [1]} : vector<16xi32> to vector<1xi32>
      %squeeze3A_527 = vector.extract %slice3A_526[0] : i32 from vector<1xi32>
      %dma_start3A_528 = arith.constant 13 : i32
      %dma_start3A_529 = arith.constant 0 : i32
      %dma_start3A_530 = tpu.memref_slice %arg10[%dma_start3A_528, %dma_start3A_529] : memref<16x64xf32, #tpu.memory_space<vmem>> -> memref<1x64xf32, #tpu.memory_space<vmem>>
      %dma_start3A_531 = tpu.memref_squeeze %dma_start3A_530 : memref<1x64xf32, #tpu.memory_space<vmem>> -> memref<64xf32, #tpu.memory_space<vmem>>
      %dma_start3A_532 = arith.constant 0 : i32
      %dma_start3A_533 = tpu.memref_slice %arg6[%squeeze3A_527, %dma_start3A_532] : memref<100000x64xf32, #tpu.memory_space<hbm>> -> memref<1x64xf32, #tpu.memory_space<hbm>>
      %dma_start3A_534 = tpu.memref_squeeze %dma_start3A_533 : memref<1x64xf32, #tpu.memory_space<hbm>> -> memref<64xf32, #tpu.memory_space<hbm>>
      %dma_start3A_535 = arith.constant 0 : i32
      %dma_start3A_536 = tpu.memref_slice %arg10[%dma_start3A_528, %dma_start3A_535] : memref<16x64xf32, #tpu.memory_space<vmem>> -> memref<1x64xf32, #tpu.memory_space<vmem>>
      %dma_start3A_537 = tpu.memref_squeeze %dma_start3A_536 : memref<1x64xf32, #tpu.memory_space<vmem>> -> memref<64xf32, #tpu.memory_space<vmem>>
      %dma_start3A_538 = arith.constant 0 : i32
      %dma_start3A_539 = tpu.memref_slice %arg6[%squeeze3A_527, %dma_start3A_538] : memref<100000x64xf32, #tpu.memory_space<hbm>> -> memref<1x64xf32, #tpu.memory_space<hbm>>
      %dma_start3A_540 = tpu.memref_squeeze %dma_start3A_539 : memref<1x64xf32, #tpu.memory_space<hbm>> -> memref<64xf32, #tpu.memory_space<hbm>>
      tpu.enqueue_dma source(%dma_start3A_540 : memref<64xf32, #tpu.memory_space<hbm>>) target(%dma_start3A_537 : memref<64xf32, #tpu.memory_space<vmem>>) target_semaphore(%arg13 : memref<!tpu.dma_semaphore, #tpu.memory_space<semaphore_mem>>)
      %slice3A_541 = vector.extract_strided_slice %get3A_330 {offsets = [6], sizes = [1], strides = [1]} : vector<16xi32> to vector<1xi32>
      %squeeze3A_542 = vector.extract %slice3A_541[0] : i32 from vector<1xi32>
      %dma_start3A_543 = arith.constant 14 : i32
      %dma_start3A_544 = arith.constant 0 : i32
      %dma_start3A_545 = tpu.memref_slice %arg10[%dma_start3A_543, %dma_start3A_544] : memref<16x64xf32, #tpu.memory_space<vmem>> -> memref<1x64xf32, #tpu.memory_space<vmem>>
      %dma_start3A_546 = tpu.memref_squeeze %dma_start3A_545 : memref<1x64xf32, #tpu.memory_space<vmem>> -> memref<64xf32, #tpu.memory_space<vmem>>
      %dma_start3A_547 = arith.constant 0 : i32
      %dma_start3A_548 = tpu.memref_slice %arg6[%squeeze3A_542, %dma_start3A_547] : memref<100000x64xf32, #tpu.memory_space<hbm>> -> memref<1x64xf32, #tpu.memory_space<hbm>>
      %dma_start3A_549 = tpu.memref_squeeze %dma_start3A_548 : memref<1x64xf32, #tpu.memory_space<hbm>> -> memref<64xf32, #tpu.memory_space<hbm>>
      %dma_start3A_550 = arith.constant 0 : i32
      %dma_start3A_551 = tpu.memref_slice %arg10[%dma_start3A_543, %dma_start3A_550] : memref<16x64xf32, #tpu.memory_space<vmem>> -> memref<1x64xf32, #tpu.memory_space<vmem>>
      %dma_start3A_552 = tpu.memref_squeeze %dma_start3A_551 : memref<1x64xf32, #tpu.memory_space<vmem>> -> memref<64xf32, #tpu.memory_space<vmem>>
      %dma_start3A_553 = arith.constant 0 : i32
      %dma_start3A_554 = tpu.memref_slice %arg6[%squeeze3A_542, %dma_start3A_553] : memref<100000x64xf32, #tpu.memory_space<hbm>> -> memref<1x64xf32, #tpu.memory_space<hbm>>
      %dma_start3A_555 = tpu.memref_squeeze %dma_start3A_554 : memref<1x64xf32, #tpu.memory_space<hbm>> -> memref<64xf32, #tpu.memory_space<hbm>>
      tpu.enqueue_dma source(%dma_start3A_555 : memref<64xf32, #tpu.memory_space<hbm>>) target(%dma_start3A_552 : memref<64xf32, #tpu.memory_space<vmem>>) target_semaphore(%arg13 : memref<!tpu.dma_semaphore, #tpu.memory_space<semaphore_mem>>)
      %slice3A_556 = vector.extract_strided_slice %get3A_330 {offsets = [7], sizes = [1], strides = [1]} : vector<16xi32> to vector<1xi32>
      %squeeze3A_557 = vector.extract %slice3A_556[0] : i32 from vector<1xi32>
      %dma_start3A_558 = arith.constant 15 : i32
      %dma_start3A_559 = arith.constant 0 : i32
      %dma_start3A_560 = tpu.memref_slice %arg10[%dma_start3A_558, %dma_start3A_559] : memref<16x64xf32, #tpu.memory_space<vmem>> -> memref<1x64xf32, #tpu.memory_space<vmem>>
      %dma_start3A_561 = tpu.memref_squeeze %dma_start3A_560 : memref<1x64xf32, #tpu.memory_space<vmem>> -> memref<64xf32, #tpu.memory_space<vmem>>
      %dma_start3A_562 = arith.constant 0 : i32
      %dma_start3A_563 = tpu.memref_slice %arg6[%squeeze3A_557, %dma_start3A_562] : memref<100000x64xf32, #tpu.memory_space<hbm>> -> memref<1x64xf32, #tpu.memory_space<hbm>>
      %dma_start3A_564 = tpu.memref_squeeze %dma_start3A_563 : memref<1x64xf32, #tpu.memory_space<hbm>> -> memref<64xf32, #tpu.memory_space<hbm>>
      %dma_start3A_565 = arith.constant 0 : i32
      %dma_start3A_566 = tpu.memref_slice %arg10[%dma_start3A_558, %dma_start3A_565] : memref<16x64xf32, #tpu.memory_space<vmem>> -> memref<1x64xf32, #tpu.memory_space<vmem>>
      %dma_start3A_567 = tpu.memref_squeeze %dma_start3A_566 : memref<1x64xf32, #tpu.memory_space<vmem>> -> memref<64xf32, #tpu.memory_space<vmem>>
      %dma_start3A_568 = arith.constant 0 : i32
      %dma_start3A_569 = tpu.memref_slice %arg6[%squeeze3A_557, %dma_start3A_568] : memref<100000x64xf32, #tpu.memory_space<hbm>> -> memref<1x64xf32, #tpu.memory_space<hbm>>
      %dma_start3A_570 = tpu.memref_squeeze %dma_start3A_569 : memref<1x64xf32, #tpu.memory_space<hbm>> -> memref<64xf32, #tpu.memory_space<hbm>>
      tpu.enqueue_dma source(%dma_start3A_570 : memref<64xf32, #tpu.memory_space<hbm>>) target(%dma_start3A_567 : memref<64xf32, #tpu.memory_space<vmem>>) target_semaphore(%arg13 : memref<!tpu.dma_semaphore, #tpu.memory_space<semaphore_mem>>)
      %dma_wait3A_571 = arith.constant 0 : i32
      %dma_wait3A_572 = arith.constant 0 : i32
      %dma_wait3A_573 = tpu.memref_slice %arg3[%dma_wait3A_571, %dma_wait3A_572] : memref<100000x64xf32, #tpu.memory_space<hbm>> -> memref<16x64xf32, #tpu.memory_space<hbm>>
      %dma_wait3A_574 = arith.constant 0 : i32
      %dma_wait3A_575 = arith.constant 0 : i32
      %dma_wait3A_576 = tpu.memref_slice %arg3[%dma_wait3A_574, %dma_wait3A_575] : memref<100000x64xf32, #tpu.memory_space<hbm>> -> memref<16x64xf32, #tpu.memory_space<hbm>>
      tpu.wait_dma2 semaphore(%arg12 : memref<!tpu.dma_semaphore, #tpu.memory_space<semaphore_mem>>) src(%dma_wait3A_576 : memref<16x64xf32, #tpu.memory_space<hbm>>) dst(%arg9 : memref<16x64xf32, #tpu.memory_space<vmem>>)
      %mul3A_577 = arith.constant 4 : i32
      %mul3A_578 = arith.muli %add3A_306, %mul3A_577 : i32
      %get3A_579 = arith.constant 0 : i32
      %get3A_580 = arith.index_cast %get3A_579 : i32 to index
      %get3A_581 = arith.constant 0 : index
      %get3A_582 = tpu.vector_load %arg9[%get3A_580, %get3A_581] {strides = array<i32>} : memref<16x64xf32, #tpu.memory_space<vmem>>, vector<1x16xf32>,
      %get3A_583 = vector.shape_cast %get3A_582 : vector<1x16xf32> to vector<16xf32>
      %get3A_584 = arith.constant 4 : i32
      %get3A_585 = arith.index_cast %get3A_584 : i32 to index
      %get3A_586 = arith.constant 0 : index
      %get3A_587 = tpu.vector_load %arg9[%get3A_585, %get3A_586] {strides = array<i32>} : memref<16x64xf32, #tpu.memory_space<vmem>>, vector<1x16xf32>,
      %get3A_588 = vector.shape_cast %get3A_587 : vector<1x16xf32> to vector<16xf32>
      %add3A_589 = arith.addf %get3A_583, %get3A_588 : vector<16xf32>
      %get3A_590 = arith.constant 8 : i32
      %get3A_591 = arith.index_cast %get3A_590 : i32 to index
      %get3A_592 = arith.constant 0 : index
      %get3A_593 = tpu.vector_load %arg9[%get3A_591, %get3A_592] {strides = array<i32>} : memref<16x64xf32, #tpu.memory_space<vmem>>, vector<1x16xf32>,
      %get3A_594 = vector.shape_cast %get3A_593 : vector<1x16xf32> to vector<16xf32>
      %add3A_595 = arith.addf %add3A_589, %get3A_594 : vector<16xf32>
      %get3A_596 = arith.constant 12 : i32
      %get3A_597 = arith.index_cast %get3A_596 : i32 to index
      %get3A_598 = arith.constant 0 : index
      %get3A_599 = tpu.vector_load %arg9[%get3A_597, %get3A_598] {strides = array<i32>} : memref<16x64xf32, #tpu.memory_space<vmem>>, vector<1x16xf32>,
      %get3A_600 = vector.shape_cast %get3A_599 : vector<1x16xf32> to vector<16xf32>
      %add3A_601 = arith.addf %add3A_595, %get3A_600 : vector<16xf32>
      %add3A_602 = arith.constant 0 : i32
      %add3A_603 = arith.addi %mul3A_578, %add3A_602 : i32
      %swap3A_604 = arith.index_cast %add3A_603 : i32 to index
      %swap3A_605 = arith.constant 0 : index
      %swap3A_606 = tpu.vector_load %arg11[%swap3A_604, %swap3A_605] {strides = array<i32>} : memref<512x64xf32, #tpu.memory_space<vmem>>, vector<1x16xf32>,
      %swap3A_607 = vector.shape_cast %swap3A_606 : vector<1x16xf32> to vector<16xf32>
      %swap3A_608 = vector.shape_cast %add3A_601 : vector<16xf32> to vector<1x16xf32>
      tpu.vector_store %arg11[%swap3A_604, %swap3A_605], %swap3A_608 {strides = array<i32>} : memref<512x64xf32, #tpu.memory_space<vmem>>, vector<1x16xf32>,
      %get3A_609 = arith.constant 0 : i32
      %get3A_610 = arith.index_cast %get3A_609 : i32 to index
      %get3A_611 = arith.constant 16 : index
      %get3A_612 = tpu.vector_load %arg9[%get3A_610, %get3A_611] {strides = array<i32>} : memref<16x64xf32, #tpu.memory_space<vmem>>, vector<1x16xf32>,
      %get3A_613 = vector.shape_cast %get3A_612 : vector<1x16xf32> to vector<16xf32>
      %get3A_614 = arith.constant 4 : i32
      %get3A_615 = arith.index_cast %get3A_614 : i32 to index
      %get3A_616 = arith.constant 16 : index
      %get3A_617 = tpu.vector_load %arg9[%get3A_615, %get3A_616] {strides = array<i32>} : memref<16x64xf32, #tpu.memory_space<vmem>>, vector<1x16xf32>,
      %get3A_618 = vector.shape_cast %get3A_617 : vector<1x16xf32> to vector<16xf32>
      %add3A_619 = arith.addf %get3A_613, %get3A_618 : vector<16xf32>
      %get3A_620 = arith.constant 8 : i32
      %get3A_621 = arith.index_cast %get3A_620 : i32 to index
      %get3A_622 = arith.constant 16 : index
      %get3A_623 = tpu.vector_load %arg9[%get3A_621, %get3A_622] {strides = array<i32>} : memref<16x64xf32, #tpu.memory_space<vmem>>, vector<1x16xf32>,
      %get3A_624 = vector.shape_cast %get3A_623 : vector<1x16xf32> to vector<16xf32>
      %add3A_625 = arith.addf %add3A_619, %get3A_624 : vector<16xf32>
      %get3A_626 = arith.constant 12 : i32
      %get3A_627 = arith.index_cast %get3A_626 : i32 to index
      %get3A_628 = arith.constant 16 : index
      %get3A_629 = tpu.vector_load %arg9[%get3A_627, %get3A_628] {strides = array<i32>} : memref<16x64xf32, #tpu.memory_space<vmem>>, vector<1x16xf32>,
      %get3A_630 = vector.shape_cast %get3A_629 : vector<1x16xf32> to vector<16xf32>
      %add3A_631 = arith.addf %add3A_625, %get3A_630 : vector<16xf32>
      %add3A_632 = arith.constant 0 : i32
      %add3A_633 = arith.addi %mul3A_578, %add3A_632 : i32
      %swap3A_634 = arith.index_cast %add3A_633 : i32 to index
      %swap3A_635 = arith.constant 16 : index
      %swap3A_636 = tpu.vector_load %arg11[%swap3A_634, %swap3A_635] {strides = array<i32>} : memref<512x64xf32, #tpu.memory_space<vmem>>, vector<1x16xf32>,
      %swap3A_637 = vector.shape_cast %swap3A_636 : vector<1x16xf32> to vector<16xf32>
      %swap3A_638 = vector.shape_cast %add3A_631 : vector<16xf32> to vector<1x16xf32>
      tpu.vector_store %arg11[%swap3A_634, %swap3A_635], %swap3A_638 {strides = array<i32>} : memref<512x64xf32, #tpu.memory_space<vmem>>, vector<1x16xf32>,
      %get3A_639 = arith.constant 0 : i32
      %get3A_640 = arith.index_cast %get3A_639 : i32 to index
      %get3A_641 = arith.constant 32 : index
      %get3A_642 = tpu.vector_load %arg9[%get3A_640, %get3A_641] {strides = array<i32>} : memref<16x64xf32, #tpu.memory_space<vmem>>, vector<1x16xf32>,
      %get3A_643 = vector.shape_cast %get3A_642 : vector<1x16xf32> to vector<16xf32>
      %get3A_644 = arith.constant 4 : i32
      %get3A_645 = arith.index_cast %get3A_644 : i32 to index
      %get3A_646 = arith.constant 32 : index
      %get3A_647 = tpu.vector_load %arg9[%get3A_645, %get3A_646] {strides = array<i32>} : memref<16x64xf32, #tpu.memory_space<vmem>>, vector<1x16xf32>,
      %get3A_648 = vector.shape_cast %get3A_647 : vector<1x16xf32> to vector<16xf32>
      %add3A_649 = arith.addf %get3A_643, %get3A_648 : vector<16xf32>
      %get3A_650 = arith.constant 8 : i32
      %get3A_651 = arith.index_cast %get3A_650 : i32 to index
      %get3A_652 = arith.constant 32 : index
      %get3A_653 = tpu.vector_load %arg9[%get3A_651, %get3A_652] {strides = array<i32>} : memref<16x64xf32, #tpu.memory_space<vmem>>, vector<1x16xf32>,
      %get3A_654 = vector.shape_cast %get3A_653 : vector<1x16xf32> to vector<16xf32>
      %add3A_655 = arith.addf %add3A_649, %get3A_654 : vector<16xf32>
      %get3A_656 = arith.constant 12 : i32
      %get3A_657 = arith.index_cast %get3A_656 : i32 to index
      %get3A_658 = arith.constant 32 : index
      %get3A_659 = tpu.vector_load %arg9[%get3A_657, %get3A_658] {strides = array<i32>} : memref<16x64xf32, #tpu.memory_space<vmem>>, vector<1x16xf32>,
      %get3A_660 = vector.shape_cast %get3A_659 : vector<1x16xf32> to vector<16xf32>
      %add3A_661 = arith.addf %add3A_655, %get3A_660 : vector<16xf32>
      %add3A_662 = arith.constant 0 : i32
      %add3A_663 = arith.addi %mul3A_578, %add3A_662 : i32
      %swap3A_664 = arith.index_cast %add3A_663 : i32 to index
      %swap3A_665 = arith.constant 32 : index
      %swap3A_666 = tpu.vector_load %arg11[%swap3A_664, %swap3A_665] {strides = array<i32>} : memref<512x64xf32, #tpu.memory_space<vmem>>, vector<1x16xf32>,
      %swap3A_667 = vector.shape_cast %swap3A_666 : vector<1x16xf32> to vector<16xf32>
      %swap3A_668 = vector.shape_cast %add3A_661 : vector<16xf32> to vector<1x16xf32>
      tpu.vector_store %arg11[%swap3A_664, %swap3A_665], %swap3A_668 {strides = array<i32>} : memref<512x64xf32, #tpu.memory_space<vmem>>, vector<1x16xf32>,
      %get3A_669 = arith.constant 0 : i32
      %get3A_670 = arith.index_cast %get3A_669 : i32 to index
      %get3A_671 = arith.constant 48 : index
      %get3A_672 = tpu.vector_load %arg9[%get3A_670, %get3A_671] {strides = array<i32>} : memref<16x64xf32, #tpu.memory_space<vmem>>, vector<1x16xf32>,
      %get3A_673 = vector.shape_cast %get3A_672 : vector<1x16xf32> to vector<16xf32>
      %get3A_674 = arith.constant 4 : i32
      %get3A_675 = arith.index_cast %get3A_674 : i32 to index
      %get3A_676 = arith.constant 48 : index
      %get3A_677 = tpu.vector_load %arg9[%get3A_675, %get3A_676] {strides = array<i32>} : memref<16x64xf32, #tpu.memory_space<vmem>>, vector<1x16xf32>,
      %get3A_678 = vector.shape_cast %get3A_677 : vector<1x16xf32> to vector<16xf32>
      %add3A_679 = arith.addf %get3A_673, %get3A_678 : vector<16xf32>
      %get3A_680 = arith.constant 8 : i32
      %get3A_681 = arith.index_cast %get3A_680 : i32 to index
      %get3A_682 = arith.constant 48 : index
      %get3A_683 = tpu.vector_load %arg9[%get3A_681, %get3A_682] {strides = array<i32>} : memref<16x64xf32, #tpu.memory_space<vmem>>, vector<1x16xf32>,
      %get3A_684 = vector.shape_cast %get3A_683 : vector<1x16xf32> to vector<16xf32>
      %add3A_685 = arith.addf %add3A_679, %get3A_684 : vector<16xf32>
      %get3A_686 = arith.constant 12 : i32
      %get3A_687 = arith.index_cast %get3A_686 : i32 to index
      %get3A_688 = arith.constant 48 : index
      %get3A_689 = tpu.vector_load %arg9[%get3A_687, %get3A_688] {strides = array<i32>} : memref<16x64xf32, #tpu.memory_space<vmem>>, vector<1x16xf32>,
      %get3A_690 = vector.shape_cast %get3A_689 : vector<1x16xf32> to vector<16xf32>
      %add3A_691 = arith.addf %add3A_685, %get3A_690 : vector<16xf32>
      %add3A_692 = arith.constant 0 : i32
      %add3A_693 = arith.addi %mul3A_578, %add3A_692 : i32
      %swap3A_694 = arith.index_cast %add3A_693 : i32 to index
      %swap3A_695 = arith.constant 48 : index
      %swap3A_696 = tpu.vector_load %arg11[%swap3A_694, %swap3A_695] {strides = array<i32>} : memref<512x64xf32, #tpu.memory_space<vmem>>, vector<1x16xf32>,
      %swap3A_697 = vector.shape_cast %swap3A_696 : vector<1x16xf32> to vector<16xf32>
      %swap3A_698 = vector.shape_cast %add3A_691 : vector<16xf32> to vector<1x16xf32>
      tpu.vector_store %arg11[%swap3A_694, %swap3A_695], %swap3A_698 {strides = array<i32>} : memref<512x64xf32, #tpu.memory_space<vmem>>, vector<1x16xf32>,
      %get3A_699 = arith.constant 1 : i32
      %get3A_700 = arith.index_cast %get3A_699 : i32 to index
      %get3A_701 = arith.constant 0 : index
      %get3A_702 = tpu.vector_load %arg9[%get3A_700, %get3A_701] {strides = array<i32>} : memref<16x64xf32, #tpu.memory_space<vmem>>, vector<1x16xf32>,
      %get3A_703 = vector.shape_cast %get3A_702 : vector<1x16xf32> to vector<16xf32>
      %get3A_704 = arith.constant 5 : i32
      %get3A_705 = arith.index_cast %get3A_704 : i32 to index
      %get3A_706 = arith.constant 0 : index
      %get3A_707 = tpu.vector_load %arg9[%get3A_705, %get3A_706] {strides = array<i32>} : memref<16x64xf32, #tpu.memory_space<vmem>>, vector<1x16xf32>,
      %get3A_708 = vector.shape_cast %get3A_707 : vector<1x16xf32> to vector<16xf32>
      %add3A_709 = arith.addf %get3A_703, %get3A_708 : vector<16xf32>
      %get3A_710 = arith.constant 9 : i32
      %get3A_711 = arith.index_cast %get3A_710 : i32 to index
      %get3A_712 = arith.constant 0 : index
      %get3A_713 = tpu.vector_load %arg9[%get3A_711, %get3A_712] {strides = array<i32>} : memref<16x64xf32, #tpu.memory_space<vmem>>, vector<1x16xf32>,
      %get3A_714 = vector.shape_cast %get3A_713 : vector<1x16xf32> to vector<16xf32>
      %add3A_715 = arith.addf %add3A_709, %get3A_714 : vector<16xf32>
      %get3A_716 = arith.constant 13 : i32
      %get3A_717 = arith.index_cast %get3A_716 : i32 to index
      %get3A_718 = arith.constant 0 : index
      %get3A_719 = tpu.vector_load %arg9[%get3A_717, %get3A_718] {strides = array<i32>} : memref<16x64xf32, #tpu.memory_space<vmem>>, vector<1x16xf32>,
      %get3A_720 = vector.shape_cast %get3A_719 : vector<1x16xf32> to vector<16xf32>
      %add3A_721 = arith.addf %add3A_715, %get3A_720 : vector<16xf32>
      %add3A_722 = arith.constant 1 : i32
      %add3A_723 = arith.addi %mul3A_578, %add3A_722 : i32
      %swap3A_724 = arith.index_cast %add3A_723 : i32 to index
      %swap3A_725 = arith.constant 0 : index
      %swap3A_726 = tpu.vector_load %arg11[%swap3A_724, %swap3A_725] {strides = array<i32>} : memref<512x64xf32, #tpu.memory_space<vmem>>, vector<1x16xf32>,
      %swap3A_727 = vector.shape_cast %swap3A_726 : vector<1x16xf32> to vector<16xf32>
      %swap3A_728 = vector.shape_cast %add3A_721 : vector<16xf32> to vector<1x16xf32>
      tpu.vector_store %arg11[%swap3A_724, %swap3A_725], %swap3A_728 {strides = array<i32>} : memref<512x64xf32, #tpu.memory_space<vmem>>, vector<1x16xf32>,
      %get3A_729 = arith.constant 1 : i32
      %get3A_730 = arith.index_cast %get3A_729 : i32 to index
      %get3A_731 = arith.constant 16 : index
      %get3A_732 = tpu.vector_load %arg9[%get3A_730, %get3A_731] {strides = array<i32>} : memref<16x64xf32, #tpu.memory_space<vmem>>, vector<1x16xf32>,
      %get3A_733 = vector.shape_cast %get3A_732 : vector<1x16xf32> to vector<16xf32>
      %get3A_734 = arith.constant 5 : i32
      %get3A_735 = arith.index_cast %get3A_734 : i32 to index
      %get3A_736 = arith.constant 16 : index
      %get3A_737 = tpu.vector_load %arg9[%get3A_735, %get3A_736] {strides = array<i32>} : memref<16x64xf32, #tpu.memory_space<vmem>>, vector<1x16xf32>,
      %get3A_738 = vector.shape_cast %get3A_737 : vector<1x16xf32> to vector<16xf32>
      %add3A_739 = arith.addf %get3A_733, %get3A_738 : vector<16xf32>
      %get3A_740 = arith.constant 9 : i32
      %get3A_741 = arith.index_cast %get3A_740 : i32 to index
      %get3A_742 = arith.constant 16 : index
      %get3A_743 = tpu.vector_load %arg9[%get3A_741, %get3A_742] {strides = array<i32>} : memref<16x64xf32, #tpu.memory_space<vmem>>, vector<1x16xf32>,
      %get3A_744 = vector.shape_cast %get3A_743 : vector<1x16xf32> to vector<16xf32>
      %add3A_745 = arith.addf %add3A_739, %get3A_744 : vector<16xf32>
      %get3A_746 = arith.constant 13 : i32
      %get3A_747 = arith.index_cast %get3A_746 : i32 to index
      %get3A_748 = arith.constant 16 : index
      %get3A_749 = tpu.vector_load %arg9[%get3A_747, %get3A_748] {strides = array<i32>} : memref<16x64xf32, #tpu.memory_space<vmem>>, vector<1x16xf32>,
      %get3A_750 = vector.shape_cast %get3A_749 : vector<1x16xf32> to vector<16xf32>
      %add3A_751 = arith.addf %add3A_745, %get3A_750 : vector<16xf32>
      %add3A_752 = arith.constant 1 : i32
      %add3A_753 = arith.addi %mul3A_578, %add3A_752 : i32
      %swap3A_754 = arith.index_cast %add3A_753 : i32 to index
      %swap3A_755 = arith.constant 16 : index
      %swap3A_756 = tpu.vector_load %arg11[%swap3A_754, %swap3A_755] {strides = array<i32>} : memref<512x64xf32, #tpu.memory_space<vmem>>, vector<1x16xf32>,
      %swap3A_757 = vector.shape_cast %swap3A_756 : vector<1x16xf32> to vector<16xf32>
      %swap3A_758 = vector.shape_cast %add3A_751 : vector<16xf32> to vector<1x16xf32>
      tpu.vector_store %arg11[%swap3A_754, %swap3A_755], %swap3A_758 {strides = array<i32>} : memref<512x64xf32, #tpu.memory_space<vmem>>, vector<1x16xf32>,
      %get3A_759 = arith.constant 1 : i32
      %get3A_760 = arith.index_cast %get3A_759 : i32 to index
      %get3A_761 = arith.constant 32 : index
      %get3A_762 = tpu.vector_load %arg9[%get3A_760, %get3A_761] {strides = array<i32>} : memref<16x64xf32, #tpu.memory_space<vmem>>, vector<1x16xf32>,
      %get3A_763 = vector.shape_cast %get3A_762 : vector<1x16xf32> to vector<16xf32>
      %get3A_764 = arith.constant 5 : i32
      %get3A_765 = arith.index_cast %get3A_764 : i32 to index
      %get3A_766 = arith.constant 32 : index
      %get3A_767 = tpu.vector_load %arg9[%get3A_765, %get3A_766] {strides = array<i32>} : memref<16x64xf32, #tpu.memory_space<vmem>>, vector<1x16xf32>,
      %get3A_768 = vector.shape_cast %get3A_767 : vector<1x16xf32> to vector<16xf32>
      %add3A_769 = arith.addf %get3A_763, %get3A_768 : vector<16xf32>
      %get3A_770 = arith.constant 9 : i32
      %get3A_771 = arith.index_cast %get3A_770 : i32 to index
      %get3A_772 = arith.constant 32 : index
      %get3A_773 = tpu.vector_load %arg9[%get3A_771, %get3A_772] {strides = array<i32>} : memref<16x64xf32, #tpu.memory_space<vmem>>, vector<1x16xf32>,
      %get3A_774 = vector.shape_cast %get3A_773 : vector<1x16xf32> to vector<16xf32>
      %add3A_775 = arith.addf %add3A_769, %get3A_774 : vector<16xf32>
      %get3A_776 = arith.constant 13 : i32
      %get3A_777 = arith.index_cast %get3A_776 : i32 to index
      %get3A_778 = arith.constant 32 : index
      %get3A_779 = tpu.vector_load %arg9[%get3A_777, %get3A_778] {strides = array<i32>} : memref<16x64xf32, #tpu.memory_space<vmem>>, vector<1x16xf32>,
      %get3A_780 = vector.shape_cast %get3A_779 : vector<1x16xf32> to vector<16xf32>
      %add3A_781 = arith.addf %add3A_775, %get3A_780 : vector<16xf32>
      %add3A_782 = arith.constant 1 : i32
      %add3A_783 = arith.addi %mul3A_578, %add3A_782 : i32
      %swap3A_784 = arith.index_cast %add3A_783 : i32 to index
      %swap3A_785 = arith.constant 32 : index
      %swap3A_786 = tpu.vector_load %arg11[%swap3A_784, %swap3A_785] {strides = array<i32>} : memref<512x64xf32, #tpu.memory_space<vmem>>, vector<1x16xf32>,
      %swap3A_787 = vector.shape_cast %swap3A_786 : vector<1x16xf32> to vector<16xf32>
      %swap3A_788 = vector.shape_cast %add3A_781 : vector<16xf32> to vector<1x16xf32>
      tpu.vector_store %arg11[%swap3A_784, %swap3A_785], %swap3A_788 {strides = array<i32>} : memref<512x64xf32, #tpu.memory_space<vmem>>, vector<1x16xf32>,
      %get3A_789 = arith.constant 1 : i32
      %get3A_790 = arith.index_cast %get3A_789 : i32 to index
      %get3A_791 = arith.constant 48 : index
      %get3A_792 = tpu.vector_load %arg9[%get3A_790, %get3A_791] {strides = array<i32>} : memref<16x64xf32, #tpu.memory_space<vmem>>, vector<1x16xf32>,
      %get3A_793 = vector.shape_cast %get3A_792 : vector<1x16xf32> to vector<16xf32>
      %get3A_794 = arith.constant 5 : i32
      %get3A_795 = arith.index_cast %get3A_794 : i32 to index
      %get3A_796 = arith.constant 48 : index
      %get3A_797 = tpu.vector_load %arg9[%get3A_795, %get3A_796] {strides = array<i32>} : memref<16x64xf32, #tpu.memory_space<vmem>>, vector<1x16xf32>,
      %get3A_798 = vector.shape_cast %get3A_797 : vector<1x16xf32> to vector<16xf32>
      %add3A_799 = arith.addf %get3A_793, %get3A_798 : vector<16xf32>
      %get3A_800 = arith.constant 9 : i32
      %get3A_801 = arith.index_cast %get3A_800 : i32 to index
      %get3A_802 = arith.constant 48 : index
      %get3A_803 = tpu.vector_load %arg9[%get3A_801, %get3A_802] {strides = array<i32>} : memref<16x64xf32, #tpu.memory_space<vmem>>, vector<1x16xf32>,
      %get3A_804 = vector.shape_cast %get3A_803 : vector<1x16xf32> to vector<16xf32>
      %add3A_805 = arith.addf %add3A_799, %get3A_804 : vector<16xf32>
      %get3A_806 = arith.constant 13 : i32
      %get3A_807 = arith.index_cast %get3A_806 : i32 to index
      %get3A_808 = arith.constant 48 : index
      %get3A_809 = tpu.vector_load %arg9[%get3A_807, %get3A_808] {strides = array<i32>} : memref<16x64xf32, #tpu.memory_space<vmem>>, vector<1x16xf32>,
      %get3A_810 = vector.shape_cast %get3A_809 : vector<1x16xf32> to vector<16xf32>
      %add3A_811 = arith.addf %add3A_805, %get3A_810 : vector<16xf32>
      %add3A_812 = arith.constant 1 : i32
      %add3A_813 = arith.addi %mul3A_578, %add3A_812 : i32
      %swap3A_814 = arith.index_cast %add3A_813 : i32 to index
      %swap3A_815 = arith.constant 48 : index
      %swap3A_816 = tpu.vector_load %arg11[%swap3A_814, %swap3A_815] {strides = array<i32>} : memref<512x64xf32, #tpu.memory_space<vmem>>, vector<1x16xf32>,
      %swap3A_817 = vector.shape_cast %swap3A_816 : vector<1x16xf32> to vector<16xf32>
      %swap3A_818 = vector.shape_cast %add3A_811 : vector<16xf32> to vector<1x16xf32>
      tpu.vector_store %arg11[%swap3A_814, %swap3A_815], %swap3A_818 {strides = array<i32>} : memref<512x64xf32, #tpu.memory_space<vmem>>, vector<1x16xf32>,
      %get3A_819 = arith.constant 2 : i32
      %get3A_820 = arith.index_cast %get3A_819 : i32 to index
      %get3A_821 = arith.constant 0 : index
      %get3A_822 = tpu.vector_load %arg9[%get3A_820, %get3A_821] {strides = array<i32>} : memref<16x64xf32, #tpu.memory_space<vmem>>, vector<1x16xf32>,
      %get3A_823 = vector.shape_cast %get3A_822 : vector<1x16xf32> to vector<16xf32>
      %get3A_824 = arith.constant 6 : i32
      %get3A_825 = arith.index_cast %get3A_824 : i32 to index
      %get3A_826 = arith.constant 0 : index
      %get3A_827 = tpu.vector_load %arg9[%get3A_825, %get3A_826] {strides = array<i32>} : memref<16x64xf32, #tpu.memory_space<vmem>>, vector<1x16xf32>,
      %get3A_828 = vector.shape_cast %get3A_827 : vector<1x16xf32> to vector<16xf32>
      %add3A_829 = arith.addf %get3A_823, %get3A_828 : vector<16xf32>
      %get3A_830 = arith.constant 10 : i32
      %get3A_831 = arith.index_cast %get3A_830 : i32 to index
      %get3A_832 = arith.constant 0 : index
      %get3A_833 = tpu.vector_load %arg9[%get3A_831, %get3A_832] {strides = array<i32>} : memref<16x64xf32, #tpu.memory_space<vmem>>, vector<1x16xf32>,
      %get3A_834 = vector.shape_cast %get3A_833 : vector<1x16xf32> to vector<16xf32>
      %add3A_835 = arith.addf %add3A_829, %get3A_834 : vector<16xf32>
      %get3A_836 = arith.constant 14 : i32
      %get3A_837 = arith.index_cast %get3A_836 : i32 to index
      %get3A_838 = arith.constant 0 : index
      %get3A_839 = tpu.vector_load %arg9[%get3A_837, %get3A_838] {strides = array<i32>} : memref<16x64xf32, #tpu.memory_space<vmem>>, vector<1x16xf32>,
      %get3A_840 = vector.shape_cast %get3A_839 : vector<1x16xf32> to vector<16xf32>
      %add3A_841 = arith.addf %add3A_835, %get3A_840 : vector<16xf32>
      %add3A_842 = arith.constant 2 : i32
      %add3A_843 = arith.addi %mul3A_578, %add3A_842 : i32
      %swap3A_844 = arith.index_cast %add3A_843 : i32 to index
      %swap3A_845 = arith.constant 0 : index
      %swap3A_846 = tpu.vector_load %arg11[%swap3A_844, %swap3A_845] {strides = array<i32>} : memref<512x64xf32, #tpu.memory_space<vmem>>, vector<1x16xf32>,
      %swap3A_847 = vector.shape_cast %swap3A_846 : vector<1x16xf32> to vector<16xf32>
      %swap3A_848 = vector.shape_cast %add3A_841 : vector<16xf32> to vector<1x16xf32>
      tpu.vector_store %arg11[%swap3A_844, %swap3A_845], %swap3A_848 {strides = array<i32>} : memref<512x64xf32, #tpu.memory_space<vmem>>, vector<1x16xf32>,
      %get3A_849 = arith.constant 2 : i32
      %get3A_850 = arith.index_cast %get3A_849 : i32 to index
      %get3A_851 = arith.constant 16 : index
      %get3A_852 = tpu.vector_load %arg9[%get3A_850, %get3A_851] {strides = array<i32>} : memref<16x64xf32, #tpu.memory_space<vmem>>, vector<1x16xf32>,
      %get3A_853 = vector.shape_cast %get3A_852 : vector<1x16xf32> to vector<16xf32>
      %get3A_854 = arith.constant 6 : i32
      %get3A_855 = arith.index_cast %get3A_854 : i32 to index
      %get3A_856 = arith.constant 16 : index
      %get3A_857 = tpu.vector_load %arg9[%get3A_855, %get3A_856] {strides = array<i32>} : memref<16x64xf32, #tpu.memory_space<vmem>>, vector<1x16xf32>,
      %get3A_858 = vector.shape_cast %get3A_857 : vector<1x16xf32> to vector<16xf32>
      %add3A_859 = arith.addf %get3A_853, %get3A_858 : vector<16xf32>
      %get3A_860 = arith.constant 10 : i32
      %get3A_861 = arith.index_cast %get3A_860 : i32 to index
      %get3A_862 = arith.constant 16 : index
      %get3A_863 = tpu.vector_load %arg9[%get3A_861, %get3A_862] {strides = array<i32>} : memref<16x64xf32, #tpu.memory_space<vmem>>, vector<1x16xf32>,
      %get3A_864 = vector.shape_cast %get3A_863 : vector<1x16xf32> to vector<16xf32>
      %add3A_865 = arith.addf %add3A_859, %get3A_864 : vector<16xf32>
      %get3A_866 = arith.constant 14 : i32
      %get3A_867 = arith.index_cast %get3A_866 : i32 to index
      %get3A_868 = arith.constant 16 : index
      %get3A_869 = tpu.vector_load %arg9[%get3A_867, %get3A_868] {strides = array<i32>} : memref<16x64xf32, #tpu.memory_space<vmem>>, vector<1x16xf32>,
      %get3A_870 = vector.shape_cast %get3A_869 : vector<1x16xf32> to vector<16xf32>
      %add3A_871 = arith.addf %add3A_865, %get3A_870 : vector<16xf32>
      %add3A_872 = arith.constant 2 : i32
      %add3A_873 = arith.addi %mul3A_578, %add3A_872 : i32
      %swap3A_874 = arith.index_cast %add3A_873 : i32 to index
      %swap3A_875 = arith.constant 16 : index
      %swap3A_876 = tpu.vector_load %arg11[%swap3A_874, %swap3A_875] {strides = array<i32>} : memref<512x64xf32, #tpu.memory_space<vmem>>, vector<1x16xf32>,
      %swap3A_877 = vector.shape_cast %swap3A_876 : vector<1x16xf32> to vector<16xf32>
      %swap3A_878 = vector.shape_cast %add3A_871 : vector<16xf32> to vector<1x16xf32>
      tpu.vector_store %arg11[%swap3A_874, %swap3A_875], %swap3A_878 {strides = array<i32>} : memref<512x64xf32, #tpu.memory_space<vmem>>, vector<1x16xf32>,
      %get3A_879 = arith.constant 2 : i32
      %get3A_880 = arith.index_cast %get3A_879 : i32 to index
      %get3A_881 = arith.constant 32 : index
      %get3A_882 = tpu.vector_load %arg9[%get3A_880, %get3A_881] {strides = array<i32>} : memref<16x64xf32, #tpu.memory_space<vmem>>, vector<1x16xf32>,
      %get3A_883 = vector.shape_cast %get3A_882 : vector<1x16xf32> to vector<16xf32>
      %get3A_884 = arith.constant 6 : i32
      %get3A_885 = arith.index_cast %get3A_884 : i32 to index
      %get3A_886 = arith.constant 32 : index
      %get3A_887 = tpu.vector_load %arg9[%get3A_885, %get3A_886] {strides = array<i32>} : memref<16x64xf32, #tpu.memory_space<vmem>>, vector<1x16xf32>,
      %get3A_888 = vector.shape_cast %get3A_887 : vector<1x16xf32> to vector<16xf32>
      %add3A_889 = arith.addf %get3A_883, %get3A_888 : vector<16xf32>
      %get3A_890 = arith.constant 10 : i32
      %get3A_891 = arith.index_cast %get3A_890 : i32 to index
      %get3A_892 = arith.constant 32 : index
      %get3A_893 = tpu.vector_load %arg9[%get3A_891, %get3A_892] {strides = array<i32>} : memref<16x64xf32, #tpu.memory_space<vmem>>, vector<1x16xf32>,
      %get3A_894 = vector.shape_cast %get3A_893 : vector<1x16xf32> to vector<16xf32>
      %add3A_895 = arith.addf %add3A_889, %get3A_894 : vector<16xf32>
      %get3A_896 = arith.constant 14 : i32
      %get3A_897 = arith.index_cast %get3A_896 : i32 to index
      %get3A_898 = arith.constant 32 : index
      %get3A_899 = tpu.vector_load %arg9[%get3A_897, %get3A_898] {strides = array<i32>} : memref<16x64xf32, #tpu.memory_space<vmem>>, vector<1x16xf32>,
      %get3A_900 = vector.shape_cast %get3A_899 : vector<1x16xf32> to vector<16xf32>
      %add3A_901 = arith.addf %add3A_895, %get3A_900 : vector<16xf32>
      %add3A_902 = arith.constant 2 : i32
      %add3A_903 = arith.addi %mul3A_578, %add3A_902 : i32
      %swap3A_904 = arith.index_cast %add3A_903 : i32 to index
      %swap3A_905 = arith.constant 32 : index
      %swap3A_906 = tpu.vector_load %arg11[%swap3A_904, %swap3A_905] {strides = array<i32>} : memref<512x64xf32, #tpu.memory_space<vmem>>, vector<1x16xf32>,
      %swap3A_907 = vector.shape_cast %swap3A_906 : vector<1x16xf32> to vector<16xf32>
      %swap3A_908 = vector.shape_cast %add3A_901 : vector<16xf32> to vector<1x16xf32>
      tpu.vector_store %arg11[%swap3A_904, %swap3A_905], %swap3A_908 {strides = array<i32>} : memref<512x64xf32, #tpu.memory_space<vmem>>, vector<1x16xf32>,
      %get3A_909 = arith.constant 2 : i32
      %get3A_910 = arith.index_cast %get3A_909 : i32 to index
      %get3A_911 = arith.constant 48 : index
      %get3A_912 = tpu.vector_load %arg9[%get3A_910, %get3A_911] {strides = array<i32>} : memref<16x64xf32, #tpu.memory_space<vmem>>, vector<1x16xf32>,
      %get3A_913 = vector.shape_cast %get3A_912 : vector<1x16xf32> to vector<16xf32>
      %get3A_914 = arith.constant 6 : i32
      %get3A_915 = arith.index_cast %get3A_914 : i32 to index
      %get3A_916 = arith.constant 48 : index
      %get3A_917 = tpu.vector_load %arg9[%get3A_915, %get3A_916] {strides = array<i32>} : memref<16x64xf32, #tpu.memory_space<vmem>>, vector<1x16xf32>,
      %get3A_918 = vector.shape_cast %get3A_917 : vector<1x16xf32> to vector<16xf32>
      %add3A_919 = arith.addf %get3A_913, %get3A_918 : vector<16xf32>
      %get3A_920 = arith.constant 10 : i32
      %get3A_921 = arith.index_cast %get3A_920 : i32 to index
      %get3A_922 = arith.constant 48 : index
      %get3A_923 = tpu.vector_load %arg9[%get3A_921, %get3A_922] {strides = array<i32>} : memref<16x64xf32, #tpu.memory_space<vmem>>, vector<1x16xf32>,
      %get3A_924 = vector.shape_cast %get3A_923 : vector<1x16xf32> to vector<16xf32>
      %add3A_925 = arith.addf %add3A_919, %get3A_924 : vector<16xf32>
      %get3A_926 = arith.constant 14 : i32
      %get3A_927 = arith.index_cast %get3A_926 : i32 to index
      %get3A_928 = arith.constant 48 : index
      %get3A_929 = tpu.vector_load %arg9[%get3A_927, %get3A_928] {strides = array<i32>} : memref<16x64xf32, #tpu.memory_space<vmem>>, vector<1x16xf32>,
      %get3A_930 = vector.shape_cast %get3A_929 : vector<1x16xf32> to vector<16xf32>
      %add3A_931 = arith.addf %add3A_925, %get3A_930 : vector<16xf32>
      %add3A_932 = arith.constant 2 : i32
      %add3A_933 = arith.addi %mul3A_578, %add3A_932 : i32
      %swap3A_934 = arith.index_cast %add3A_933 : i32 to index
      %swap3A_935 = arith.constant 48 : index
      %swap3A_936 = tpu.vector_load %arg11[%swap3A_934, %swap3A_935] {strides = array<i32>} : memref<512x64xf32, #tpu.memory_space<vmem>>, vector<1x16xf32>,
      %swap3A_937 = vector.shape_cast %swap3A_936 : vector<1x16xf32> to vector<16xf32>
      %swap3A_938 = vector.shape_cast %add3A_931 : vector<16xf32> to vector<1x16xf32>
      tpu.vector_store %arg11[%swap3A_934, %swap3A_935], %swap3A_938 {strides = array<i32>} : memref<512x64xf32, #tpu.memory_space<vmem>>, vector<1x16xf32>,
      %get3A_939 = arith.constant 3 : i32
      %get3A_940 = arith.index_cast %get3A_939 : i32 to index
      %get3A_941 = arith.constant 0 : index
      %get3A_942 = tpu.vector_load %arg9[%get3A_940, %get3A_941] {strides = array<i32>} : memref<16x64xf32, #tpu.memory_space<vmem>>, vector<1x16xf32>,
      %get3A_943 = vector.shape_cast %get3A_942 : vector<1x16xf32> to vector<16xf32>
      %get3A_944 = arith.constant 7 : i32
      %get3A_945 = arith.index_cast %get3A_944 : i32 to index
      %get3A_946 = arith.constant 0 : index
      %get3A_947 = tpu.vector_load %arg9[%get3A_945, %get3A_946] {strides = array<i32>} : memref<16x64xf32, #tpu.memory_space<vmem>>, vector<1x16xf32>,
      %get3A_948 = vector.shape_cast %get3A_947 : vector<1x16xf32> to vector<16xf32>
      %add3A_949 = arith.addf %get3A_943, %get3A_948 : vector<16xf32>
      %get3A_950 = arith.constant 11 : i32
      %get3A_951 = arith.index_cast %get3A_950 : i32 to index
      %get3A_952 = arith.constant 0 : index
      %get3A_953 = tpu.vector_load %arg9[%get3A_951, %get3A_952] {strides = array<i32>} : memref<16x64xf32, #tpu.memory_space<vmem>>, vector<1x16xf32>,
      %get3A_954 = vector.shape_cast %get3A_953 : vector<1x16xf32> to vector<16xf32>
      %add3A_955 = arith.addf %add3A_949, %get3A_954 : vector<16xf32>
      %get3A_956 = arith.constant 15 : i32
      %get3A_957 = arith.index_cast %get3A_956 : i32 to index
      %get3A_958 = arith.constant 0 : index
      %get3A_959 = tpu.vector_load %arg9[%get3A_957, %get3A_958] {strides = array<i32>} : memref<16x64xf32, #tpu.memory_space<vmem>>, vector<1x16xf32>,
      %get3A_960 = vector.shape_cast %get3A_959 : vector<1x16xf32> to vector<16xf32>
      %add3A_961 = arith.addf %add3A_955, %get3A_960 : vector<16xf32>
      %add3A_962 = arith.constant 3 : i32
      %add3A_963 = arith.addi %mul3A_578, %add3A_962 : i32
      %swap3A_964 = arith.index_cast %add3A_963 : i32 to index
      %swap3A_965 = arith.constant 0 : index
      %swap3A_966 = tpu.vector_load %arg11[%swap3A_964, %swap3A_965] {strides = array<i32>} : memref<512x64xf32, #tpu.memory_space<vmem>>, vector<1x16xf32>,
      %swap3A_967 = vector.shape_cast %swap3A_966 : vector<1x16xf32> to vector<16xf32>
      %swap3A_968 = vector.shape_cast %add3A_961 : vector<16xf32> to vector<1x16xf32>
      tpu.vector_store %arg11[%swap3A_964, %swap3A_965], %swap3A_968 {strides = array<i32>} : memref<512x64xf32, #tpu.memory_space<vmem>>, vector<1x16xf32>,
      %get3A_969 = arith.constant 3 : i32
      %get3A_970 = arith.index_cast %get3A_969 : i32 to index
      %get3A_971 = arith.constant 16 : index
      %get3A_972 = tpu.vector_load %arg9[%get3A_970, %get3A_971] {strides = array<i32>} : memref<16x64xf32, #tpu.memory_space<vmem>>, vector<1x16xf32>,
      %get3A_973 = vector.shape_cast %get3A_972 : vector<1x16xf32> to vector<16xf32>
      %get3A_974 = arith.constant 7 : i32
      %get3A_975 = arith.index_cast %get3A_974 : i32 to index
      %get3A_976 = arith.constant 16 : index
      %get3A_977 = tpu.vector_load %arg9[%get3A_975, %get3A_976] {strides = array<i32>} : memref<16x64xf32, #tpu.memory_space<vmem>>, vector<1x16xf32>,
      %get3A_978 = vector.shape_cast %get3A_977 : vector<1x16xf32> to vector<16xf32>
      %add3A_979 = arith.addf %get3A_973, %get3A_978 : vector<16xf32>
      %get3A_980 = arith.constant 11 : i32
      %get3A_981 = arith.index_cast %get3A_980 : i32 to index
      %get3A_982 = arith.constant 16 : index
      %get3A_983 = tpu.vector_load %arg9[%get3A_981, %get3A_982] {strides = array<i32>} : memref<16x64xf32, #tpu.memory_space<vmem>>, vector<1x16xf32>,
      %get3A_984 = vector.shape_cast %get3A_983 : vector<1x16xf32> to vector<16xf32>
      %add3A_985 = arith.addf %add3A_979, %get3A_984 : vector<16xf32>
      %get3A_986 = arith.constant 15 : i32
      %get3A_987 = arith.index_cast %get3A_986 : i32 to index
      %get3A_988 = arith.constant 16 : index
      %get3A_989 = tpu.vector_load %arg9[%get3A_987, %get3A_988] {strides = array<i32>} : memref<16x64xf32, #tpu.memory_space<vmem>>, vector<1x16xf32>,
      %get3A_990 = vector.shape_cast %get3A_989 : vector<1x16xf32> to vector<16xf32>
      %add3A_991 = arith.addf %add3A_985, %get3A_990 : vector<16xf32>
      %add3A_992 = arith.constant 3 : i32
      %add3A_993 = arith.addi %mul3A_578, %add3A_992 : i32
      %swap3A_994 = arith.index_cast %add3A_993 : i32 to index
      %swap3A_995 = arith.constant 16 : index
      %swap3A_996 = tpu.vector_load %arg11[%swap3A_994, %swap3A_995] {strides = array<i32>} : memref<512x64xf32, #tpu.memory_space<vmem>>, vector<1x16xf32>,
      %swap3A_997 = vector.shape_cast %swap3A_996 : vector<1x16xf32> to vector<16xf32>
      %swap3A_998 = vector.shape_cast %add3A_991 : vector<16xf32> to vector<1x16xf32>
      tpu.vector_store %arg11[%swap3A_994, %swap3A_995], %swap3A_998 {strides = array<i32>} : memref<512x64xf32, #tpu.memory_space<vmem>>, vector<1x16xf32>,
      %get3A_999 = arith.constant 3 : i32
      %get3A_1000 = arith.index_cast %get3A_999 : i32 to index
      %get3A_1001 = arith.constant 32 : index
      %get3A_1002 = tpu.vector_load %arg9[%get3A_1000, %get3A_1001] {strides = array<i32>} : memref<16x64xf32, #tpu.memory_space<vmem>>, vector<1x16xf32>,
      %get3A_1003 = vector.shape_cast %get3A_1002 : vector<1x16xf32> to vector<16xf32>
      %get3A_1004 = arith.constant 7 : i32
      %get3A_1005 = arith.index_cast %get3A_1004 : i32 to index
      %get3A_1006 = arith.constant 32 : index
      %get3A_1007 = tpu.vector_load %arg9[%get3A_1005, %get3A_1006] {strides = array<i32>} : memref<16x64xf32, #tpu.memory_space<vmem>>, vector<1x16xf32>,
      %get3A_1008 = vector.shape_cast %get3A_1007 : vector<1x16xf32> to vector<16xf32>
      %add3A_1009 = arith.addf %get3A_1003, %get3A_1008 : vector<16xf32>
      %get3A_1010 = arith.constant 11 : i32
      %get3A_1011 = arith.index_cast %get3A_1010 : i32 to index
      %get3A_1012 = arith.constant 32 : index
      %get3A_1013 = tpu.vector_load %arg9[%get3A_1011, %get3A_1012] {strides = array<i32>} : memref<16x64xf32, #tpu.memory_space<vmem>>, vector<1x16xf32>,
      %get3A_1014 = vector.shape_cast %get3A_1013 : vector<1x16xf32> to vector<16xf32>
      %add3A_1015 = arith.addf %add3A_1009, %get3A_1014 : vector<16xf32>
      %get3A_1016 = arith.constant 15 : i32
      %get3A_1017 = arith.index_cast %get3A_1016 : i32 to index
      %get3A_1018 = arith.constant 32 : index
      %get3A_1019 = tpu.vector_load %arg9[%get3A_1017, %get3A_1018] {strides = array<i32>} : memref<16x64xf32, #tpu.memory_space<vmem>>, vector<1x16xf32>,
      %get3A_1020 = vector.shape_cast %get3A_1019 : vector<1x16xf32> to vector<16xf32>
      %add3A_1021 = arith.addf %add3A_1015, %get3A_1020 : vector<16xf32>
      %add3A_1022 = arith.constant 3 : i32
      %add3A_1023 = arith.addi %mul3A_578, %add3A_1022 : i32
      %swap3A_1024 = arith.index_cast %add3A_1023 : i32 to index
      %swap3A_1025 = arith.constant 32 : index
      %swap3A_1026 = tpu.vector_load %arg11[%swap3A_1024, %swap3A_1025] {strides = array<i32>} : memref<512x64xf32, #tpu.memory_space<vmem>>, vector<1x16xf32>,
      %swap3A_1027 = vector.shape_cast %swap3A_1026 : vector<1x16xf32> to vector<16xf32>
      %swap3A_1028 = vector.shape_cast %add3A_1021 : vector<16xf32> to vector<1x16xf32>
      tpu.vector_store %arg11[%swap3A_1024, %swap3A_1025], %swap3A_1028 {strides = array<i32>} : memref<512x64xf32, #tpu.memory_space<vmem>>, vector<1x16xf32>,
      %get3A_1029 = arith.constant 3 : i32
      %get3A_1030 = arith.index_cast %get3A_1029 : i32 to index
      %get3A_1031 = arith.constant 48 : index
      %get3A_1032 = tpu.vector_load %arg9[%get3A_1030, %get3A_1031] {strides = array<i32>} : memref<16x64xf32, #tpu.memory_space<vmem>>, vector<1x16xf32>,
      %get3A_1033 = vector.shape_cast %get3A_1032 : vector<1x16xf32> to vector<16xf32>
      %get3A_1034 = arith.constant 7 : i32
      %get3A_1035 = arith.index_cast %get3A_1034 : i32 to index
      %get3A_1036 = arith.constant 48 : index
      %get3A_1037 = tpu.vector_load %arg9[%get3A_1035, %get3A_1036] {strides = array<i32>} : memref<16x64xf32, #tpu.memory_space<vmem>>, vector<1x16xf32>,
      %get3A_1038 = vector.shape_cast %get3A_1037 : vector<1x16xf32> to vector<16xf32>
      %add3A_1039 = arith.addf %get3A_1033, %get3A_1038 : vector<16xf32>
      %get3A_1040 = arith.constant 11 : i32
      %get3A_1041 = arith.index_cast %get3A_1040 : i32 to index
      %get3A_1042 = arith.constant 48 : index
      %get3A_1043 = tpu.vector_load %arg9[%get3A_1041, %get3A_1042] {strides = array<i32>} : memref<16x64xf32, #tpu.memory_space<vmem>>, vector<1x16xf32>,
      %get3A_1044 = vector.shape_cast %get3A_1043 : vector<1x16xf32> to vector<16xf32>
      %add3A_1045 = arith.addf %add3A_1039, %get3A_1044 : vector<16xf32>
      %get3A_1046 = arith.constant 15 : i32
      %get3A_1047 = arith.index_cast %get3A_1046 : i32 to index
      %get3A_1048 = arith.constant 48 : index
      %get3A_1049 = tpu.vector_load %arg9[%get3A_1047, %get3A_1048] {strides = array<i32>} : memref<16x64xf32, #tpu.memory_space<vmem>>, vector<1x16xf32>,
      %get3A_1050 = vector.shape_cast %get3A_1049 : vector<1x16xf32> to vector<16xf32>
      %add3A_1051 = arith.addf %add3A_1045, %get3A_1050 : vector<16xf32>
      %add3A_1052 = arith.constant 3 : i32
      %add3A_1053 = arith.addi %mul3A_578, %add3A_1052 : i32
      %swap3A_1054 = arith.index_cast %add3A_1053 : i32 to index
      %swap3A_1055 = arith.constant 48 : index
      %swap3A_1056 = tpu.vector_load %arg11[%swap3A_1054, %swap3A_1055] {strides = array<i32>} : memref<512x64xf32, #tpu.memory_space<vmem>>, vector<1x16xf32>,
      %swap3A_1057 = vector.shape_cast %swap3A_1056 : vector<1x16xf32> to vector<16xf32>
      %swap3A_1058 = vector.shape_cast %add3A_1051 : vector<16xf32> to vector<1x16xf32>
      tpu.vector_store %arg11[%swap3A_1054, %swap3A_1055], %swap3A_1058 {strides = array<i32>} : memref<512x64xf32, #tpu.memory_space<vmem>>, vector<1x16xf32>,
      %add3A_1059 = arith.constant 1 : i32
      %add3A_1060 = arith.addi %mul3A_304, %add3A_1059 : i32
      %add3A_1061 = arith.constant 0 : i32
      %add3A_1062 = arith.addi %scan3A_301, %add3A_1061 : i32
      %mul3A_1063 = arith.constant 16 : i32
      %mul3A_1064 = arith.muli %add3A_1062, %mul3A_1063 : i32
      %get3A_1065 = arith.constant 0 : i32
      %get3A_1066 = arith.index_cast %get3A_1065 : i32 to index
      %get3A_1067 = arith.index_cast %mul3A_1064 : i32 to index
      %get3A_1068 = tpu.vector_load %arg8[%get3A_1066, %get3A_1067] {strides = array<i32>} : memref<4x528xi32, #tpu.memory_space<vmem>>, vector<1x16xi32>,
      %get3A_1069 = vector.shape_cast %get3A_1068 : vector<1x16xi32> to vector<16xi32>
      %get3A_1070 = arith.constant 1 : i32
      %get3A_1071 = arith.index_cast %get3A_1070 : i32 to index
      %get3A_1072 = arith.index_cast %mul3A_1064 : i32 to index
      %get3A_1073 = tpu.vector_load %arg8[%get3A_1071, %get3A_1072] {strides = array<i32>} : memref<4x528xi32, #tpu.memory_space<vmem>>, vector<1x16xi32>,
      %get3A_1074 = vector.shape_cast %get3A_1073 : vector<1x16xi32> to vector<16xi32>
      %get3A_1075 = arith.constant 2 : i32
      %get3A_1076 = arith.index_cast %get3A_1075 : i32 to index
      %get3A_1077 = arith.index_cast %mul3A_1064 : i32 to index
      %get3A_1078 = tpu.vector_load %arg8[%get3A_1076, %get3A_1077] {strides = array<i32>} : memref<4x528xi32, #tpu.memory_space<vmem>>, vector<1x16xi32>,
      %get3A_1079 = vector.shape_cast %get3A_1078 : vector<1x16xi32> to vector<16xi32>
      %get3A_1080 = arith.constant 3 : i32
      %get3A_1081 = arith.index_cast %get3A_1080 : i32 to index
      %get3A_1082 = arith.index_cast %mul3A_1064 : i32 to index
      %get3A_1083 = tpu.vector_load %arg8[%get3A_1081, %get3A_1082] {strides = array<i32>} : memref<4x528xi32, #tpu.memory_space<vmem>>, vector<1x16xi32>,
      %get3A_1084 = vector.shape_cast %get3A_1083 : vector<1x16xi32> to vector<16xi32>
      %slice3A_1085 = vector.extract_strided_slice %get3A_1069 {offsets = [8], sizes = [1], strides = [1]} : vector<16xi32> to vector<1xi32>
      %squeeze3A_1086 = vector.extract %slice3A_1085[0] : i32 from vector<1xi32>
      %dma_start3A_1087 = arith.constant 0 : i32
      %dma_start3A_1088 = arith.constant 0 : i32
      %dma_start3A_1089 = tpu.memref_slice %arg9[%dma_start3A_1087, %dma_start3A_1088] : memref<16x64xf32, #tpu.memory_space<vmem>> -> memref<1x64xf32, #tpu.memory_space<vmem>>
      %dma_start3A_1090 = tpu.memref_squeeze %dma_start3A_1089 : memref<1x64xf32, #tpu.memory_space<vmem>> -> memref<64xf32, #tpu.memory_space<vmem>>
      %dma_start3A_1091 = arith.constant 0 : i32
      %dma_start3A_1092 = tpu.memref_slice %arg3[%squeeze3A_1086, %dma_start3A_1091] : memref<100000x64xf32, #tpu.memory_space<hbm>> -> memref<1x64xf32, #tpu.memory_space<hbm>>
      %dma_start3A_1093 = tpu.memref_squeeze %dma_start3A_1092 : memref<1x64xf32, #tpu.memory_space<hbm>> -> memref<64xf32, #tpu.memory_space<hbm>>
      %dma_start3A_1094 = arith.constant 0 : i32
      %dma_start3A_1095 = tpu.memref_slice %arg9[%dma_start3A_1087, %dma_start3A_1094] : memref<16x64xf32, #tpu.memory_space<vmem>> -> memref<1x64xf32, #tpu.memory_space<vmem>>
      %dma_start3A_1096 = tpu.memref_squeeze %dma_start3A_1095 : memref<1x64xf32, #tpu.memory_space<vmem>> -> memref<64xf32, #tpu.memory_space<vmem>>
      %dma_start3A_1097 = arith.constant 0 : i32
      %dma_start3A_1098 = tpu.memref_slice %arg3[%squeeze3A_1086, %dma_start3A_1097] : memref<100000x64xf32, #tpu.memory_space<hbm>> -> memref<1x64xf32, #tpu.memory_space<hbm>>
      %dma_start3A_1099 = tpu.memref_squeeze %dma_start3A_1098 : memref<1x64xf32, #tpu.memory_space<hbm>> -> memref<64xf32, #tpu.memory_space<hbm>>
      tpu.enqueue_dma source(%dma_start3A_1099 : memref<64xf32, #tpu.memory_space<hbm>>) target(%dma_start3A_1096 : memref<64xf32, #tpu.memory_space<vmem>>) target_semaphore(%arg12 : memref<!tpu.dma_semaphore, #tpu.memory_space<semaphore_mem>>)
      %slice3A_1100 = vector.extract_strided_slice %get3A_1069 {offsets = [9], sizes = [1], strides = [1]} : vector<16xi32> to vector<1xi32>
      %squeeze3A_1101 = vector.extract %slice3A_1100[0] : i32 from vector<1xi32>
      %dma_start3A_1102 = arith.constant 1 : i32
      %dma_start3A_1103 = arith.constant 0 : i32
      %dma_start3A_1104 = tpu.memref_slice %arg9[%dma_start3A_1102, %dma_start3A_1103] : memref<16x64xf32, #tpu.memory_space<vmem>> -> memref<1x64xf32, #tpu.memory_space<vmem>>
      %dma_start3A_1105 = tpu.memref_squeeze %dma_start3A_1104 : memref<1x64xf32, #tpu.memory_space<vmem>> -> memref<64xf32, #tpu.memory_space<vmem>>
      %dma_start3A_1106 = arith.constant 0 : i32
      %dma_start3A_1107 = tpu.memref_slice %arg3[%squeeze3A_1101, %dma_start3A_1106] : memref<100000x64xf32, #tpu.memory_space<hbm>> -> memref<1x64xf32, #tpu.memory_space<hbm>>
      %dma_start3A_1108 = tpu.memref_squeeze %dma_start3A_1107 : memref<1x64xf32, #tpu.memory_space<hbm>> -> memref<64xf32, #tpu.memory_space<hbm>>
      %dma_start3A_1109 = arith.constant 0 : i32
      %dma_start3A_1110 = tpu.memref_slice %arg9[%dma_start3A_1102, %dma_start3A_1109] : memref<16x64xf32, #tpu.memory_space<vmem>> -> memref<1x64xf32, #tpu.memory_space<vmem>>
      %dma_start3A_1111 = tpu.memref_squeeze %dma_start3A_1110 : memref<1x64xf32, #tpu.memory_space<vmem>> -> memref<64xf32, #tpu.memory_space<vmem>>
      %dma_start3A_1112 = arith.constant 0 : i32
      %dma_start3A_1113 = tpu.memref_slice %arg3[%squeeze3A_1101, %dma_start3A_1112] : memref<100000x64xf32, #tpu.memory_space<hbm>> -> memref<1x64xf32, #tpu.memory_space<hbm>>
      %dma_start3A_1114 = tpu.memref_squeeze %dma_start3A_1113 : memref<1x64xf32, #tpu.memory_space<hbm>> -> memref<64xf32, #tpu.memory_space<hbm>>
      tpu.enqueue_dma source(%dma_start3A_1114 : memref<64xf32, #tpu.memory_space<hbm>>) target(%dma_start3A_1111 : memref<64xf32, #tpu.memory_space<vmem>>) target_semaphore(%arg12 : memref<!tpu.dma_semaphore, #tpu.memory_space<semaphore_mem>>)
      %slice3A_1115 = vector.extract_strided_slice %get3A_1069 {offsets = [10], sizes = [1], strides = [1]} : vector<16xi32> to vector<1xi32>
      %squeeze3A_1116 = vector.extract %slice3A_1115[0] : i32 from vector<1xi32>
      %dma_start3A_1117 = arith.constant 2 : i32
      %dma_start3A_1118 = arith.constant 0 : i32
      %dma_start3A_1119 = tpu.memref_slice %arg9[%dma_start3A_1117, %dma_start3A_1118] : memref<16x64xf32, #tpu.memory_space<vmem>> -> memref<1x64xf32, #tpu.memory_space<vmem>>
      %dma_start3A_1120 = tpu.memref_squeeze %dma_start3A_1119 : memref<1x64xf32, #tpu.memory_space<vmem>> -> memref<64xf32, #tpu.memory_space<vmem>>
      %dma_start3A_1121 = arith.constant 0 : i32
      %dma_start3A_1122 = tpu.memref_slice %arg3[%squeeze3A_1116, %dma_start3A_1121] : memref<100000x64xf32, #tpu.memory_space<hbm>> -> memref<1x64xf32, #tpu.memory_space<hbm>>
      %dma_start3A_1123 = tpu.memref_squeeze %dma_start3A_1122 : memref<1x64xf32, #tpu.memory_space<hbm>> -> memref<64xf32, #tpu.memory_space<hbm>>
      %dma_start3A_1124 = arith.constant 0 : i32
      %dma_start3A_1125 = tpu.memref_slice %arg9[%dma_start3A_1117, %dma_start3A_1124] : memref<16x64xf32, #tpu.memory_space<vmem>> -> memref<1x64xf32, #tpu.memory_space<vmem>>
      %dma_start3A_1126 = tpu.memref_squeeze %dma_start3A_1125 : memref<1x64xf32, #tpu.memory_space<vmem>> -> memref<64xf32, #tpu.memory_space<vmem>>
      %dma_start3A_1127 = arith.constant 0 : i32
      %dma_start3A_1128 = tpu.memref_slice %arg3[%squeeze3A_1116, %dma_start3A_1127] : memref<100000x64xf32, #tpu.memory_space<hbm>> -> memref<1x64xf32, #tpu.memory_space<hbm>>
      %dma_start3A_1129 = tpu.memref_squeeze %dma_start3A_1128 : memref<1x64xf32, #tpu.memory_space<hbm>> -> memref<64xf32, #tpu.memory_space<hbm>>
      tpu.enqueue_dma source(%dma_start3A_1129 : memref<64xf32, #tpu.memory_space<hbm>>) target(%dma_start3A_1126 : memref<64xf32, #tpu.memory_space<vmem>>) target_semaphore(%arg12 : memref<!tpu.dma_semaphore, #tpu.memory_space<semaphore_mem>>)
      %slice3A_1130 = vector.extract_strided_slice %get3A_1069 {offsets = [11], sizes = [1], strides = [1]} : vector<16xi32> to vector<1xi32>
      %squeeze3A_1131 = vector.extract %slice3A_1130[0] : i32 from vector<1xi32>
      %dma_start3A_1132 = arith.constant 3 : i32
      %dma_start3A_1133 = arith.constant 0 : i32
      %dma_start3A_1134 = tpu.memref_slice %arg9[%dma_start3A_1132, %dma_start3A_1133] : memref<16x64xf32, #tpu.memory_space<vmem>> -> memref<1x64xf32, #tpu.memory_space<vmem>>
      %dma_start3A_1135 = tpu.memref_squeeze %dma_start3A_1134 : memref<1x64xf32, #tpu.memory_space<vmem>> -> memref<64xf32, #tpu.memory_space<vmem>>
      %dma_start3A_1136 = arith.constant 0 : i32
      %dma_start3A_1137 = tpu.memref_slice %arg3[%squeeze3A_1131, %dma_start3A_1136] : memref<100000x64xf32, #tpu.memory_space<hbm>> -> memref<1x64xf32, #tpu.memory_space<hbm>>
      %dma_start3A_1138 = tpu.memref_squeeze %dma_start3A_1137 : memref<1x64xf32, #tpu.memory_space<hbm>> -> memref<64xf32, #tpu.memory_space<hbm>>
      %dma_start3A_1139 = arith.constant 0 : i32
      %dma_start3A_1140 = tpu.memref_slice %arg9[%dma_start3A_1132, %dma_start3A_1139] : memref<16x64xf32, #tpu.memory_space<vmem>> -> memref<1x64xf32, #tpu.memory_space<vmem>>
      %dma_start3A_1141 = tpu.memref_squeeze %dma_start3A_1140 : memref<1x64xf32, #tpu.memory_space<vmem>> -> memref<64xf32, #tpu.memory_space<vmem>>
      %dma_start3A_1142 = arith.constant 0 : i32
      %dma_start3A_1143 = tpu.memref_slice %arg3[%squeeze3A_1131, %dma_start3A_1142] : memref<100000x64xf32, #tpu.memory_space<hbm>> -> memref<1x64xf32, #tpu.memory_space<hbm>>
      %dma_start3A_1144 = tpu.memref_squeeze %dma_start3A_1143 : memref<1x64xf32, #tpu.memory_space<hbm>> -> memref<64xf32, #tpu.memory_space<hbm>>
      tpu.enqueue_dma source(%dma_start3A_1144 : memref<64xf32, #tpu.memory_space<hbm>>) target(%dma_start3A_1141 : memref<64xf32, #tpu.memory_space<vmem>>) target_semaphore(%arg12 : memref<!tpu.dma_semaphore, #tpu.memory_space<semaphore_mem>>)
      %slice3A_1145 = vector.extract_strided_slice %get3A_1074 {offsets = [8], sizes = [1], strides = [1]} : vector<16xi32> to vector<1xi32>
      %squeeze3A_1146 = vector.extract %slice3A_1145[0] : i32 from vector<1xi32>
      %dma_start3A_1147 = arith.constant 4 : i32
      %dma_start3A_1148 = arith.constant 0 : i32
      %dma_start3A_1149 = tpu.memref_slice %arg9[%dma_start3A_1147, %dma_start3A_1148] : memref<16x64xf32, #tpu.memory_space<vmem>> -> memref<1x64xf32, #tpu.memory_space<vmem>>
      %dma_start3A_1150 = tpu.memref_squeeze %dma_start3A_1149 : memref<1x64xf32, #tpu.memory_space<vmem>> -> memref<64xf32, #tpu.memory_space<vmem>>
      %dma_start3A_1151 = arith.constant 0 : i32
      %dma_start3A_1152 = tpu.memref_slice %arg4[%squeeze3A_1146, %dma_start3A_1151] : memref<100000x64xf32, #tpu.memory_space<hbm>> -> memref<1x64xf32, #tpu.memory_space<hbm>>
      %dma_start3A_1153 = tpu.memref_squeeze %dma_start3A_1152 : memref<1x64xf32, #tpu.memory_space<hbm>> -> memref<64xf32, #tpu.memory_space<hbm>>
      %dma_start3A_1154 = arith.constant 0 : i32
      %dma_start3A_1155 = tpu.memref_slice %arg9[%dma_start3A_1147, %dma_start3A_1154] : memref<16x64xf32, #tpu.memory_space<vmem>> -> memref<1x64xf32, #tpu.memory_space<vmem>>
      %dma_start3A_1156 = tpu.memref_squeeze %dma_start3A_1155 : memref<1x64xf32, #tpu.memory_space<vmem>> -> memref<64xf32, #tpu.memory_space<vmem>>
      %dma_start3A_1157 = arith.constant 0 : i32
      %dma_start3A_1158 = tpu.memref_slice %arg4[%squeeze3A_1146, %dma_start3A_1157] : memref<100000x64xf32, #tpu.memory_space<hbm>> -> memref<1x64xf32, #tpu.memory_space<hbm>>
      %dma_start3A_1159 = tpu.memref_squeeze %dma_start3A_1158 : memref<1x64xf32, #tpu.memory_space<hbm>> -> memref<64xf32, #tpu.memory_space<hbm>>
      tpu.enqueue_dma source(%dma_start3A_1159 : memref<64xf32, #tpu.memory_space<hbm>>) target(%dma_start3A_1156 : memref<64xf32, #tpu.memory_space<vmem>>) target_semaphore(%arg12 : memref<!tpu.dma_semaphore, #tpu.memory_space<semaphore_mem>>)
      %slice3A_1160 = vector.extract_strided_slice %get3A_1074 {offsets = [9], sizes = [1], strides = [1]} : vector<16xi32> to vector<1xi32>
      %squeeze3A_1161 = vector.extract %slice3A_1160[0] : i32 from vector<1xi32>
      %dma_start3A_1162 = arith.constant 5 : i32
      %dma_start3A_1163 = arith.constant 0 : i32
      %dma_start3A_1164 = tpu.memref_slice %arg9[%dma_start3A_1162, %dma_start3A_1163] : memref<16x64xf32, #tpu.memory_space<vmem>> -> memref<1x64xf32, #tpu.memory_space<vmem>>
      %dma_start3A_1165 = tpu.memref_squeeze %dma_start3A_1164 : memref<1x64xf32, #tpu.memory_space<vmem>> -> memref<64xf32, #tpu.memory_space<vmem>>
      %dma_start3A_1166 = arith.constant 0 : i32
      %dma_start3A_1167 = tpu.memref_slice %arg4[%squeeze3A_1161, %dma_start3A_1166] : memref<100000x64xf32, #tpu.memory_space<hbm>> -> memref<1x64xf32, #tpu.memory_space<hbm>>
      %dma_start3A_1168 = tpu.memref_squeeze %dma_start3A_1167 : memref<1x64xf32, #tpu.memory_space<hbm>> -> memref<64xf32, #tpu.memory_space<hbm>>
      %dma_start3A_1169 = arith.constant 0 : i32
      %dma_start3A_1170 = tpu.memref_slice %arg9[%dma_start3A_1162, %dma_start3A_1169] : memref<16x64xf32, #tpu.memory_space<vmem>> -> memref<1x64xf32, #tpu.memory_space<vmem>>
      %dma_start3A_1171 = tpu.memref_squeeze %dma_start3A_1170 : memref<1x64xf32, #tpu.memory_space<vmem>> -> memref<64xf32, #tpu.memory_space<vmem>>
      %dma_start3A_1172 = arith.constant 0 : i32
      %dma_start3A_1173 = tpu.memref_slice %arg4[%squeeze3A_1161, %dma_start3A_1172] : memref<100000x64xf32, #tpu.memory_space<hbm>> -> memref<1x64xf32, #tpu.memory_space<hbm>>
      %dma_start3A_1174 = tpu.memref_squeeze %dma_start3A_1173 : memref<1x64xf32, #tpu.memory_space<hbm>> -> memref<64xf32, #tpu.memory_space<hbm>>
      tpu.enqueue_dma source(%dma_start3A_1174 : memref<64xf32, #tpu.memory_space<hbm>>) target(%dma_start3A_1171 : memref<64xf32, #tpu.memory_space<vmem>>) target_semaphore(%arg12 : memref<!tpu.dma_semaphore, #tpu.memory_space<semaphore_mem>>)
      %slice3A_1175 = vector.extract_strided_slice %get3A_1074 {offsets = [10], sizes = [1], strides = [1]} : vector<16xi32> to vector<1xi32>
      %squeeze3A_1176 = vector.extract %slice3A_1175[0] : i32 from vector<1xi32>
      %dma_start3A_1177 = arith.constant 6 : i32
      %dma_start3A_1178 = arith.constant 0 : i32
      %dma_start3A_1179 = tpu.memref_slice %arg9[%dma_start3A_1177, %dma_start3A_1178] : memref<16x64xf32, #tpu.memory_space<vmem>> -> memref<1x64xf32, #tpu.memory_space<vmem>>
      %dma_start3A_1180 = tpu.memref_squeeze %dma_start3A_1179 : memref<1x64xf32, #tpu.memory_space<vmem>> -> memref<64xf32, #tpu.memory_space<vmem>>
      %dma_start3A_1181 = arith.constant 0 : i32
      %dma_start3A_1182 = tpu.memref_slice %arg4[%squeeze3A_1176, %dma_start3A_1181] : memref<100000x64xf32, #tpu.memory_space<hbm>> -> memref<1x64xf32, #tpu.memory_space<hbm>>
      %dma_start3A_1183 = tpu.memref_squeeze %dma_start3A_1182 : memref<1x64xf32, #tpu.memory_space<hbm>> -> memref<64xf32, #tpu.memory_space<hbm>>
      %dma_start3A_1184 = arith.constant 0 : i32
      %dma_start3A_1185 = tpu.memref_slice %arg9[%dma_start3A_1177, %dma_start3A_1184] : memref<16x64xf32, #tpu.memory_space<vmem>> -> memref<1x64xf32, #tpu.memory_space<vmem>>
      %dma_start3A_1186 = tpu.memref_squeeze %dma_start3A_1185 : memref<1x64xf32, #tpu.memory_space<vmem>> -> memref<64xf32, #tpu.memory_space<vmem>>
      %dma_start3A_1187 = arith.constant 0 : i32
      %dma_start3A_1188 = tpu.memref_slice %arg4[%squeeze3A_1176, %dma_start3A_1187] : memref<100000x64xf32, #tpu.memory_space<hbm>> -> memref<1x64xf32, #tpu.memory_space<hbm>>
      %dma_start3A_1189 = tpu.memref_squeeze %dma_start3A_1188 : memref<1x64xf32, #tpu.memory_space<hbm>> -> memref<64xf32, #tpu.memory_space<hbm>>
      tpu.enqueue_dma source(%dma_start3A_1189 : memref<64xf32, #tpu.memory_space<hbm>>) target(%dma_start3A_1186 : memref<64xf32, #tpu.memory_space<vmem>>) target_semaphore(%arg12 : memref<!tpu.dma_semaphore, #tpu.memory_space<semaphore_mem>>)
      %slice3A_1190 = vector.extract_strided_slice %get3A_1074 {offsets = [11], sizes = [1], strides = [1]} : vector<16xi32> to vector<1xi32>
      %squeeze3A_1191 = vector.extract %slice3A_1190[0] : i32 from vector<1xi32>
      %dma_start3A_1192 = arith.constant 7 : i32
      %dma_start3A_1193 = arith.constant 0 : i32
      %dma_start3A_1194 = tpu.memref_slice %arg9[%dma_start3A_1192, %dma_start3A_1193] : memref<16x64xf32, #tpu.memory_space<vmem>> -> memref<1x64xf32, #tpu.memory_space<vmem>>
      %dma_start3A_1195 = tpu.memref_squeeze %dma_start3A_1194 : memref<1x64xf32, #tpu.memory_space<vmem>> -> memref<64xf32, #tpu.memory_space<vmem>>
      %dma_start3A_1196 = arith.constant 0 : i32
      %dma_start3A_1197 = tpu.memref_slice %arg4[%squeeze3A_1191, %dma_start3A_1196] : memref<100000x64xf32, #tpu.memory_space<hbm>> -> memref<1x64xf32, #tpu.memory_space<hbm>>
      %dma_start3A_1198 = tpu.memref_squeeze %dma_start3A_1197 : memref<1x64xf32, #tpu.memory_space<hbm>> -> memref<64xf32, #tpu.memory_space<hbm>>
      %dma_start3A_1199 = arith.constant 0 : i32
      %dma_start3A_1200 = tpu.memref_slice %arg9[%dma_start3A_1192, %dma_start3A_1199] : memref<16x64xf32, #tpu.memory_space<vmem>> -> memref<1x64xf32, #tpu.memory_space<vmem>>
      %dma_start3A_1201 = tpu.memref_squeeze %dma_start3A_1200 : memref<1x64xf32, #tpu.memory_space<vmem>> -> memref<64xf32, #tpu.memory_space<vmem>>
      %dma_start3A_1202 = arith.constant 0 : i32
      %dma_start3A_1203 = tpu.memref_slice %arg4[%squeeze3A_1191, %dma_start3A_1202] : memref<100000x64xf32, #tpu.memory_space<hbm>> -> memref<1x64xf32, #tpu.memory_space<hbm>>
      %dma_start3A_1204 = tpu.memref_squeeze %dma_start3A_1203 : memref<1x64xf32, #tpu.memory_space<hbm>> -> memref<64xf32, #tpu.memory_space<hbm>>
      tpu.enqueue_dma source(%dma_start3A_1204 : memref<64xf32, #tpu.memory_space<hbm>>) target(%dma_start3A_1201 : memref<64xf32, #tpu.memory_space<vmem>>) target_semaphore(%arg12 : memref<!tpu.dma_semaphore, #tpu.memory_space<semaphore_mem>>)
      %slice3A_1205 = vector.extract_strided_slice %get3A_1079 {offsets = [8], sizes = [1], strides = [1]} : vector<16xi32> to vector<1xi32>
      %squeeze3A_1206 = vector.extract %slice3A_1205[0] : i32 from vector<1xi32>
      %dma_start3A_1207 = arith.constant 8 : i32
      %dma_start3A_1208 = arith.constant 0 : i32
      %dma_start3A_1209 = tpu.memref_slice %arg9[%dma_start3A_1207, %dma_start3A_1208] : memref<16x64xf32, #tpu.memory_space<vmem>> -> memref<1x64xf32, #tpu.memory_space<vmem>>
      %dma_start3A_1210 = tpu.memref_squeeze %dma_start3A_1209 : memref<1x64xf32, #tpu.memory_space<vmem>> -> memref<64xf32, #tpu.memory_space<vmem>>
      %dma_start3A_1211 = arith.constant 0 : i32
      %dma_start3A_1212 = tpu.memref_slice %arg5[%squeeze3A_1206, %dma_start3A_1211] : memref<100000x64xf32, #tpu.memory_space<hbm>> -> memref<1x64xf32, #tpu.memory_space<hbm>>
      %dma_start3A_1213 = tpu.memref_squeeze %dma_start3A_1212 : memref<1x64xf32, #tpu.memory_space<hbm>> -> memref<64xf32, #tpu.memory_space<hbm>>
      %dma_start3A_1214 = arith.constant 0 : i32
      %dma_start3A_1215 = tpu.memref_slice %arg9[%dma_start3A_1207, %dma_start3A_1214] : memref<16x64xf32, #tpu.memory_space<vmem>> -> memref<1x64xf32, #tpu.memory_space<vmem>>
      %dma_start3A_1216 = tpu.memref_squeeze %dma_start3A_1215 : memref<1x64xf32, #tpu.memory_space<vmem>> -> memref<64xf32, #tpu.memory_space<vmem>>
      %dma_start3A_1217 = arith.constant 0 : i32
      %dma_start3A_1218 = tpu.memref_slice %arg5[%squeeze3A_1206, %dma_start3A_1217] : memref<100000x64xf32, #tpu.memory_space<hbm>> -> memref<1x64xf32, #tpu.memory_space<hbm>>
      %dma_start3A_1219 = tpu.memref_squeeze %dma_start3A_1218 : memref<1x64xf32, #tpu.memory_space<hbm>> -> memref<64xf32, #tpu.memory_space<hbm>>
      tpu.enqueue_dma source(%dma_start3A_1219 : memref<64xf32, #tpu.memory_space<hbm>>) target(%dma_start3A_1216 : memref<64xf32, #tpu.memory_space<vmem>>) target_semaphore(%arg12 : memref<!tpu.dma_semaphore, #tpu.memory_space<semaphore_mem>>)
      %slice3A_1220 = vector.extract_strided_slice %get3A_1079 {offsets = [9], sizes = [1], strides = [1]} : vector<16xi32> to vector<1xi32>
      %squeeze3A_1221 = vector.extract %slice3A_1220[0] : i32 from vector<1xi32>
      %dma_start3A_1222 = arith.constant 9 : i32
      %dma_start3A_1223 = arith.constant 0 : i32
      %dma_start3A_1224 = tpu.memref_slice %arg9[%dma_start3A_1222, %dma_start3A_1223] : memref<16x64xf32, #tpu.memory_space<vmem>> -> memref<1x64xf32, #tpu.memory_space<vmem>>
      %dma_start3A_1225 = tpu.memref_squeeze %dma_start3A_1224 : memref<1x64xf32, #tpu.memory_space<vmem>> -> memref<64xf32, #tpu.memory_space<vmem>>
      %dma_start3A_1226 = arith.constant 0 : i32
      %dma_start3A_1227 = tpu.memref_slice %arg5[%squeeze3A_1221, %dma_start3A_1226] : memref<100000x64xf32, #tpu.memory_space<hbm>> -> memref<1x64xf32, #tpu.memory_space<hbm>>
      %dma_start3A_1228 = tpu.memref_squeeze %dma_start3A_1227 : memref<1x64xf32, #tpu.memory_space<hbm>> -> memref<64xf32, #tpu.memory_space<hbm>>
      %dma_start3A_1229 = arith.constant 0 : i32
      %dma_start3A_1230 = tpu.memref_slice %arg9[%dma_start3A_1222, %dma_start3A_1229] : memref<16x64xf32, #tpu.memory_space<vmem>> -> memref<1x64xf32, #tpu.memory_space<vmem>>
      %dma_start3A_1231 = tpu.memref_squeeze %dma_start3A_1230 : memref<1x64xf32, #tpu.memory_space<vmem>> -> memref<64xf32, #tpu.memory_space<vmem>>
      %dma_start3A_1232 = arith.constant 0 : i32
      %dma_start3A_1233 = tpu.memref_slice %arg5[%squeeze3A_1221, %dma_start3A_1232] : memref<100000x64xf32, #tpu.memory_space<hbm>> -> memref<1x64xf32, #tpu.memory_space<hbm>>
      %dma_start3A_1234 = tpu.memref_squeeze %dma_start3A_1233 : memref<1x64xf32, #tpu.memory_space<hbm>> -> memref<64xf32, #tpu.memory_space<hbm>>
      tpu.enqueue_dma source(%dma_start3A_1234 : memref<64xf32, #tpu.memory_space<hbm>>) target(%dma_start3A_1231 : memref<64xf32, #tpu.memory_space<vmem>>) target_semaphore(%arg12 : memref<!tpu.dma_semaphore, #tpu.memory_space<semaphore_mem>>)
      %slice3A_1235 = vector.extract_strided_slice %get3A_1079 {offsets = [10], sizes = [1], strides = [1]} : vector<16xi32> to vector<1xi32>
      %squeeze3A_1236 = vector.extract %slice3A_1235[0] : i32 from vector<1xi32>
      %dma_start3A_1237 = arith.constant 10 : i32
      %dma_start3A_1238 = arith.constant 0 : i32
      %dma_start3A_1239 = tpu.memref_slice %arg9[%dma_start3A_1237, %dma_start3A_1238] : memref<16x64xf32, #tpu.memory_space<vmem>> -> memref<1x64xf32, #tpu.memory_space<vmem>>
      %dma_start3A_1240 = tpu.memref_squeeze %dma_start3A_1239 : memref<1x64xf32, #tpu.memory_space<vmem>> -> memref<64xf32, #tpu.memory_space<vmem>>
      %dma_start3A_1241 = arith.constant 0 : i32
      %dma_start3A_1242 = tpu.memref_slice %arg5[%squeeze3A_1236, %dma_start3A_1241] : memref<100000x64xf32, #tpu.memory_space<hbm>> -> memref<1x64xf32, #tpu.memory_space<hbm>>
      %dma_start3A_1243 = tpu.memref_squeeze %dma_start3A_1242 : memref<1x64xf32, #tpu.memory_space<hbm>> -> memref<64xf32, #tpu.memory_space<hbm>>
      %dma_start3A_1244 = arith.constant 0 : i32
      %dma_start3A_1245 = tpu.memref_slice %arg9[%dma_start3A_1237, %dma_start3A_1244] : memref<16x64xf32, #tpu.memory_space<vmem>> -> memref<1x64xf32, #tpu.memory_space<vmem>>
      %dma_start3A_1246 = tpu.memref_squeeze %dma_start3A_1245 : memref<1x64xf32, #tpu.memory_space<vmem>> -> memref<64xf32, #tpu.memory_space<vmem>>
      %dma_start3A_1247 = arith.constant 0 : i32
      %dma_start3A_1248 = tpu.memref_slice %arg5[%squeeze3A_1236, %dma_start3A_1247] : memref<100000x64xf32, #tpu.memory_space<hbm>> -> memref<1x64xf32, #tpu.memory_space<hbm>>
      %dma_start3A_1249 = tpu.memref_squeeze %dma_start3A_1248 : memref<1x64xf32, #tpu.memory_space<hbm>> -> memref<64xf32, #tpu.memory_space<hbm>>
      tpu.enqueue_dma source(%dma_start3A_1249 : memref<64xf32, #tpu.memory_space<hbm>>) target(%dma_start3A_1246 : memref<64xf32, #tpu.memory_space<vmem>>) target_semaphore(%arg12 : memref<!tpu.dma_semaphore, #tpu.memory_space<semaphore_mem>>)
      %slice3A_1250 = vector.extract_strided_slice %get3A_1079 {offsets = [11], sizes = [1], strides = [1]} : vector<16xi32> to vector<1xi32>
      %squeeze3A_1251 = vector.extract %slice3A_1250[0] : i32 from vector<1xi32>
      %dma_start3A_1252 = arith.constant 11 : i32
      %dma_start3A_1253 = arith.constant 0 : i32
      %dma_start3A_1254 = tpu.memref_slice %arg9[%dma_start3A_1252, %dma_start3A_1253] : memref<16x64xf32, #tpu.memory_space<vmem>> -> memref<1x64xf32, #tpu.memory_space<vmem>>
      %dma_start3A_1255 = tpu.memref_squeeze %dma_start3A_1254 : memref<1x64xf32, #tpu.memory_space<vmem>> -> memref<64xf32, #tpu.memory_space<vmem>>
      %dma_start3A_1256 = arith.constant 0 : i32
      %dma_start3A_1257 = tpu.memref_slice %arg5[%squeeze3A_1251, %dma_start3A_1256] : memref<100000x64xf32, #tpu.memory_space<hbm>> -> memref<1x64xf32, #tpu.memory_space<hbm>>
      %dma_start3A_1258 = tpu.memref_squeeze %dma_start3A_1257 : memref<1x64xf32, #tpu.memory_space<hbm>> -> memref<64xf32, #tpu.memory_space<hbm>>
      %dma_start3A_1259 = arith.constant 0 : i32
      %dma_start3A_1260 = tpu.memref_slice %arg9[%dma_start3A_1252, %dma_start3A_1259] : memref<16x64xf32, #tpu.memory_space<vmem>> -> memref<1x64xf32, #tpu.memory_space<vmem>>
      %dma_start3A_1261 = tpu.memref_squeeze %dma_start3A_1260 : memref<1x64xf32, #tpu.memory_space<vmem>> -> memref<64xf32, #tpu.memory_space<vmem>>
      %dma_start3A_1262 = arith.constant 0 : i32
      %dma_start3A_1263 = tpu.memref_slice %arg5[%squeeze3A_1251, %dma_start3A_1262] : memref<100000x64xf32, #tpu.memory_space<hbm>> -> memref<1x64xf32, #tpu.memory_space<hbm>>
      %dma_start3A_1264 = tpu.memref_squeeze %dma_start3A_1263 : memref<1x64xf32, #tpu.memory_space<hbm>> -> memref<64xf32, #tpu.memory_space<hbm>>
      tpu.enqueue_dma source(%dma_start3A_1264 : memref<64xf32, #tpu.memory_space<hbm>>) target(%dma_start3A_1261 : memref<64xf32, #tpu.memory_space<vmem>>) target_semaphore(%arg12 : memref<!tpu.dma_semaphore, #tpu.memory_space<semaphore_mem>>)
      %slice3A_1265 = vector.extract_strided_slice %get3A_1084 {offsets = [8], sizes = [1], strides = [1]} : vector<16xi32> to vector<1xi32>
      %squeeze3A_1266 = vector.extract %slice3A_1265[0] : i32 from vector<1xi32>
      %dma_start3A_1267 = arith.constant 12 : i32
      %dma_start3A_1268 = arith.constant 0 : i32
      %dma_start3A_1269 = tpu.memref_slice %arg9[%dma_start3A_1267, %dma_start3A_1268] : memref<16x64xf32, #tpu.memory_space<vmem>> -> memref<1x64xf32, #tpu.memory_space<vmem>>
      %dma_start3A_1270 = tpu.memref_squeeze %dma_start3A_1269 : memref<1x64xf32, #tpu.memory_space<vmem>> -> memref<64xf32, #tpu.memory_space<vmem>>
      %dma_start3A_1271 = arith.constant 0 : i32
      %dma_start3A_1272 = tpu.memref_slice %arg6[%squeeze3A_1266, %dma_start3A_1271] : memref<100000x64xf32, #tpu.memory_space<hbm>> -> memref<1x64xf32, #tpu.memory_space<hbm>>
      %dma_start3A_1273 = tpu.memref_squeeze %dma_start3A_1272 : memref<1x64xf32, #tpu.memory_space<hbm>> -> memref<64xf32, #tpu.memory_space<hbm>>
      %dma_start3A_1274 = arith.constant 0 : i32
      %dma_start3A_1275 = tpu.memref_slice %arg9[%dma_start3A_1267, %dma_start3A_1274] : memref<16x64xf32, #tpu.memory_space<vmem>> -> memref<1x64xf32, #tpu.memory_space<vmem>>
      %dma_start3A_1276 = tpu.memref_squeeze %dma_start3A_1275 : memref<1x64xf32, #tpu.memory_space<vmem>> -> memref<64xf32, #tpu.memory_space<vmem>>
      %dma_start3A_1277 = arith.constant 0 : i32
      %dma_start3A_1278 = tpu.memref_slice %arg6[%squeeze3A_1266, %dma_start3A_1277] : memref<100000x64xf32, #tpu.memory_space<hbm>> -> memref<1x64xf32, #tpu.memory_space<hbm>>
      %dma_start3A_1279 = tpu.memref_squeeze %dma_start3A_1278 : memref<1x64xf32, #tpu.memory_space<hbm>> -> memref<64xf32, #tpu.memory_space<hbm>>
      tpu.enqueue_dma source(%dma_start3A_1279 : memref<64xf32, #tpu.memory_space<hbm>>) target(%dma_start3A_1276 : memref<64xf32, #tpu.memory_space<vmem>>) target_semaphore(%arg12 : memref<!tpu.dma_semaphore, #tpu.memory_space<semaphore_mem>>)
      %slice3A_1280 = vector.extract_strided_slice %get3A_1084 {offsets = [9], sizes = [1], strides = [1]} : vector<16xi32> to vector<1xi32>
      %squeeze3A_1281 = vector.extract %slice3A_1280[0] : i32 from vector<1xi32>
      %dma_start3A_1282 = arith.constant 13 : i32
      %dma_start3A_1283 = arith.constant 0 : i32
      %dma_start3A_1284 = tpu.memref_slice %arg9[%dma_start3A_1282, %dma_start3A_1283] : memref<16x64xf32, #tpu.memory_space<vmem>> -> memref<1x64xf32, #tpu.memory_space<vmem>>
      %dma_start3A_1285 = tpu.memref_squeeze %dma_start3A_1284 : memref<1x64xf32, #tpu.memory_space<vmem>> -> memref<64xf32, #tpu.memory_space<vmem>>
      %dma_start3A_1286 = arith.constant 0 : i32
      %dma_start3A_1287 = tpu.memref_slice %arg6[%squeeze3A_1281, %dma_start3A_1286] : memref<100000x64xf32, #tpu.memory_space<hbm>> -> memref<1x64xf32, #tpu.memory_space<hbm>>
      %dma_start3A_1288 = tpu.memref_squeeze %dma_start3A_1287 : memref<1x64xf32, #tpu.memory_space<hbm>> -> memref<64xf32, #tpu.memory_space<hbm>>
      %dma_start3A_1289 = arith.constant 0 : i32
      %dma_start3A_1290 = tpu.memref_slice %arg9[%dma_start3A_1282, %dma_start3A_1289] : memref<16x64xf32, #tpu.memory_space<vmem>> -> memref<1x64xf32, #tpu.memory_space<vmem>>
      %dma_start3A_1291 = tpu.memref_squeeze %dma_start3A_1290 : memref<1x64xf32, #tpu.memory_space<vmem>> -> memref<64xf32, #tpu.memory_space<vmem>>
      %dma_start3A_1292 = arith.constant 0 : i32
      %dma_start3A_1293 = tpu.memref_slice %arg6[%squeeze3A_1281, %dma_start3A_1292] : memref<100000x64xf32, #tpu.memory_space<hbm>> -> memref<1x64xf32, #tpu.memory_space<hbm>>
      %dma_start3A_1294 = tpu.memref_squeeze %dma_start3A_1293 : memref<1x64xf32, #tpu.memory_space<hbm>> -> memref<64xf32, #tpu.memory_space<hbm>>
      tpu.enqueue_dma source(%dma_start3A_1294 : memref<64xf32, #tpu.memory_space<hbm>>) target(%dma_start3A_1291 : memref<64xf32, #tpu.memory_space<vmem>>) target_semaphore(%arg12 : memref<!tpu.dma_semaphore, #tpu.memory_space<semaphore_mem>>)
      %slice3A_1295 = vector.extract_strided_slice %get3A_1084 {offsets = [10], sizes = [1], strides = [1]} : vector<16xi32> to vector<1xi32>
      %squeeze3A_1296 = vector.extract %slice3A_1295[0] : i32 from vector<1xi32>
      %dma_start3A_1297 = arith.constant 14 : i32
      %dma_start3A_1298 = arith.constant 0 : i32
      %dma_start3A_1299 = tpu.memref_slice %arg9[%dma_start3A_1297, %dma_start3A_1298] : memref<16x64xf32, #tpu.memory_space<vmem>> -> memref<1x64xf32, #tpu.memory_space<vmem>>
      %dma_start3A_1300 = tpu.memref_squeeze %dma_start3A_1299 : memref<1x64xf32, #tpu.memory_space<vmem>> -> memref<64xf32, #tpu.memory_space<vmem>>
      %dma_start3A_1301 = arith.constant 0 : i32
      %dma_start3A_1302 = tpu.memref_slice %arg6[%squeeze3A_1296, %dma_start3A_1301] : memref<100000x64xf32, #tpu.memory_space<hbm>> -> memref<1x64xf32, #tpu.memory_space<hbm>>
      %dma_start3A_1303 = tpu.memref_squeeze %dma_start3A_1302 : memref<1x64xf32, #tpu.memory_space<hbm>> -> memref<64xf32, #tpu.memory_space<hbm>>
      %dma_start3A_1304 = arith.constant 0 : i32
      %dma_start3A_1305 = tpu.memref_slice %arg9[%dma_start3A_1297, %dma_start3A_1304] : memref<16x64xf32, #tpu.memory_space<vmem>> -> memref<1x64xf32, #tpu.memory_space<vmem>>
      %dma_start3A_1306 = tpu.memref_squeeze %dma_start3A_1305 : memref<1x64xf32, #tpu.memory_space<vmem>> -> memref<64xf32, #tpu.memory_space<vmem>>
      %dma_start3A_1307 = arith.constant 0 : i32
      %dma_start3A_1308 = tpu.memref_slice %arg6[%squeeze3A_1296, %dma_start3A_1307] : memref<100000x64xf32, #tpu.memory_space<hbm>> -> memref<1x64xf32, #tpu.memory_space<hbm>>
      %dma_start3A_1309 = tpu.memref_squeeze %dma_start3A_1308 : memref<1x64xf32, #tpu.memory_space<hbm>> -> memref<64xf32, #tpu.memory_space<hbm>>
      tpu.enqueue_dma source(%dma_start3A_1309 : memref<64xf32, #tpu.memory_space<hbm>>) target(%dma_start3A_1306 : memref<64xf32, #tpu.memory_space<vmem>>) target_semaphore(%arg12 : memref<!tpu.dma_semaphore, #tpu.memory_space<semaphore_mem>>)
      %slice3A_1310 = vector.extract_strided_slice %get3A_1084 {offsets = [11], sizes = [1], strides = [1]} : vector<16xi32> to vector<1xi32>
      %squeeze3A_1311 = vector.extract %slice3A_1310[0] : i32 from vector<1xi32>
      %dma_start3A_1312 = arith.constant 15 : i32
      %dma_start3A_1313 = arith.constant 0 : i32
      %dma_start3A_1314 = tpu.memref_slice %arg9[%dma_start3A_1312, %dma_start3A_1313] : memref<16x64xf32, #tpu.memory_space<vmem>> -> memref<1x64xf32, #tpu.memory_space<vmem>>
      %dma_start3A_1315 = tpu.memref_squeeze %dma_start3A_1314 : memref<1x64xf32, #tpu.memory_space<vmem>> -> memref<64xf32, #tpu.memory_space<vmem>>
      %dma_start3A_1316 = arith.constant 0 : i32
      %dma_start3A_1317 = tpu.memref_slice %arg6[%squeeze3A_1311, %dma_start3A_1316] : memref<100000x64xf32, #tpu.memory_space<hbm>> -> memref<1x64xf32, #tpu.memory_space<hbm>>
      %dma_start3A_1318 = tpu.memref_squeeze %dma_start3A_1317 : memref<1x64xf32, #tpu.memory_space<hbm>> -> memref<64xf32, #tpu.memory_space<hbm>>
      %dma_start3A_1319 = arith.constant 0 : i32
      %dma_start3A_1320 = tpu.memref_slice %arg9[%dma_start3A_1312, %dma_start3A_1319] : memref<16x64xf32, #tpu.memory_space<vmem>> -> memref<1x64xf32, #tpu.memory_space<vmem>>
      %dma_start3A_1321 = tpu.memref_squeeze %dma_start3A_1320 : memref<1x64xf32, #tpu.memory_space<vmem>> -> memref<64xf32, #tpu.memory_space<vmem>>
      %dma_start3A_1322 = arith.constant 0 : i32
      %dma_start3A_1323 = tpu.memref_slice %arg6[%squeeze3A_1311, %dma_start3A_1322] : memref<100000x64xf32, #tpu.memory_space<hbm>> -> memref<1x64xf32, #tpu.memory_space<hbm>>
      %dma_start3A_1324 = tpu.memref_squeeze %dma_start3A_1323 : memref<1x64xf32, #tpu.memory_space<hbm>> -> memref<64xf32, #tpu.memory_space<hbm>>
      tpu.enqueue_dma source(%dma_start3A_1324 : memref<64xf32, #tpu.memory_space<hbm>>) target(%dma_start3A_1321 : memref<64xf32, #tpu.memory_space<vmem>>) target_semaphore(%arg12 : memref<!tpu.dma_semaphore, #tpu.memory_space<semaphore_mem>>)
      %dma_wait3A_1325 = arith.constant 0 : i32
      %dma_wait3A_1326 = arith.constant 0 : i32
      %dma_wait3A_1327 = tpu.memref_slice %arg3[%dma_wait3A_1325, %dma_wait3A_1326] : memref<100000x64xf32, #tpu.memory_space<hbm>> -> memref<16x64xf32, #tpu.memory_space<hbm>>
      %dma_wait3A_1328 = arith.constant 0 : i32
      %dma_wait3A_1329 = arith.constant 0 : i32
      %dma_wait3A_1330 = tpu.memref_slice %arg3[%dma_wait3A_1328, %dma_wait3A_1329] : memref<100000x64xf32, #tpu.memory_space<hbm>> -> memref<16x64xf32, #tpu.memory_space<hbm>>
      tpu.wait_dma2 semaphore(%arg13 : memref<!tpu.dma_semaphore, #tpu.memory_space<semaphore_mem>>) src(%dma_wait3A_1330 : memref<16x64xf32, #tpu.memory_space<hbm>>) dst(%arg10 : memref<16x64xf32, #tpu.memory_space<vmem>>)
      %mul3A_1331 = arith.constant 4 : i32
      %mul3A_1332 = arith.muli %add3A_1060, %mul3A_1331 : i32
      %get3A_1333 = arith.constant 0 : i32
      %get3A_1334 = arith.index_cast %get3A_1333 : i32 to index
      %get3A_1335 = arith.constant 0 : index
      %get3A_1336 = tpu.vector_load %arg10[%get3A_1334, %get3A_1335] {strides = array<i32>} : memref<16x64xf32, #tpu.memory_space<vmem>>, vector<1x16xf32>,
      %get3A_1337 = vector.shape_cast %get3A_1336 : vector<1x16xf32> to vector<16xf32>
      %get3A_1338 = arith.constant 4 : i32
      %get3A_1339 = arith.index_cast %get3A_1338 : i32 to index
      %get3A_1340 = arith.constant 0 : index
      %get3A_1341 = tpu.vector_load %arg10[%get3A_1339, %get3A_1340] {strides = array<i32>} : memref<16x64xf32, #tpu.memory_space<vmem>>, vector<1x16xf32>,
      %get3A_1342 = vector.shape_cast %get3A_1341 : vector<1x16xf32> to vector<16xf32>
      %add3A_1343 = arith.addf %get3A_1337, %get3A_1342 : vector<16xf32>
      %get3A_1344 = arith.constant 8 : i32
      %get3A_1345 = arith.index_cast %get3A_1344 : i32 to index
      %get3A_1346 = arith.constant 0 : index
      %get3A_1347 = tpu.vector_load %arg10[%get3A_1345, %get3A_1346] {strides = array<i32>} : memref<16x64xf32, #tpu.memory_space<vmem>>, vector<1x16xf32>,
      %get3A_1348 = vector.shape_cast %get3A_1347 : vector<1x16xf32> to vector<16xf32>
      %add3A_1349 = arith.addf %add3A_1343, %get3A_1348 : vector<16xf32>
      %get3A_1350 = arith.constant 12 : i32
      %get3A_1351 = arith.index_cast %get3A_1350 : i32 to index
      %get3A_1352 = arith.constant 0 : index
      %get3A_1353 = tpu.vector_load %arg10[%get3A_1351, %get3A_1352] {strides = array<i32>} : memref<16x64xf32, #tpu.memory_space<vmem>>, vector<1x16xf32>,
      %get3A_1354 = vector.shape_cast %get3A_1353 : vector<1x16xf32> to vector<16xf32>
      %add3A_1355 = arith.addf %add3A_1349, %get3A_1354 : vector<16xf32>
      %add3A_1356 = arith.constant 0 : i32
      %add3A_1357 = arith.addi %mul3A_1332, %add3A_1356 : i32
      %swap3A_1358 = arith.index_cast %add3A_1357 : i32 to index
      %swap3A_1359 = arith.constant 0 : index
      %swap3A_1360 = tpu.vector_load %arg11[%swap3A_1358, %swap3A_1359] {strides = array<i32>} : memref<512x64xf32, #tpu.memory_space<vmem>>, vector<1x16xf32>,
      %swap3A_1361 = vector.shape_cast %swap3A_1360 : vector<1x16xf32> to vector<16xf32>
      %swap3A_1362 = vector.shape_cast %add3A_1355 : vector<16xf32> to vector<1x16xf32>
      tpu.vector_store %arg11[%swap3A_1358, %swap3A_1359], %swap3A_1362 {strides = array<i32>} : memref<512x64xf32, #tpu.memory_space<vmem>>, vector<1x16xf32>,
      %get3A_1363 = arith.constant 0 : i32
      %get3A_1364 = arith.index_cast %get3A_1363 : i32 to index
      %get3A_1365 = arith.constant 16 : index
      %get3A_1366 = tpu.vector_load %arg10[%get3A_1364, %get3A_1365] {strides = array<i32>} : memref<16x64xf32, #tpu.memory_space<vmem>>, vector<1x16xf32>,
      %get3A_1367 = vector.shape_cast %get3A_1366 : vector<1x16xf32> to vector<16xf32>
      %get3A_1368 = arith.constant 4 : i32
      %get3A_1369 = arith.index_cast %get3A_1368 : i32 to index
      %get3A_1370 = arith.constant 16 : index
      %get3A_1371 = tpu.vector_load %arg10[%get3A_1369, %get3A_1370] {strides = array<i32>} : memref<16x64xf32, #tpu.memory_space<vmem>>, vector<1x16xf32>,
      %get3A_1372 = vector.shape_cast %get3A_1371 : vector<1x16xf32> to vector<16xf32>
      %add3A_1373 = arith.addf %get3A_1367, %get3A_1372 : vector<16xf32>
      %get3A_1374 = arith.constant 8 : i32
      %get3A_1375 = arith.index_cast %get3A_1374 : i32 to index
      %get3A_1376 = arith.constant 16 : index
      %get3A_1377 = tpu.vector_load %arg10[%get3A_1375, %get3A_1376] {strides = array<i32>} : memref<16x64xf32, #tpu.memory_space<vmem>>, vector<1x16xf32>,
      %get3A_1378 = vector.shape_cast %get3A_1377 : vector<1x16xf32> to vector<16xf32>
      %add3A_1379 = arith.addf %add3A_1373, %get3A_1378 : vector<16xf32>
      %get3A_1380 = arith.constant 12 : i32
      %get3A_1381 = arith.index_cast %get3A_1380 : i32 to index
      %get3A_1382 = arith.constant 16 : index
      %get3A_1383 = tpu.vector_load %arg10[%get3A_1381, %get3A_1382] {strides = array<i32>} : memref<16x64xf32, #tpu.memory_space<vmem>>, vector<1x16xf32>,
      %get3A_1384 = vector.shape_cast %get3A_1383 : vector<1x16xf32> to vector<16xf32>
      %add3A_1385 = arith.addf %add3A_1379, %get3A_1384 : vector<16xf32>
      %add3A_1386 = arith.constant 0 : i32
      %add3A_1387 = arith.addi %mul3A_1332, %add3A_1386 : i32
      %swap3A_1388 = arith.index_cast %add3A_1387 : i32 to index
      %swap3A_1389 = arith.constant 16 : index
      %swap3A_1390 = tpu.vector_load %arg11[%swap3A_1388, %swap3A_1389] {strides = array<i32>} : memref<512x64xf32, #tpu.memory_space<vmem>>, vector<1x16xf32>,
      %swap3A_1391 = vector.shape_cast %swap3A_1390 : vector<1x16xf32> to vector<16xf32>
      %swap3A_1392 = vector.shape_cast %add3A_1385 : vector<16xf32> to vector<1x16xf32>
      tpu.vector_store %arg11[%swap3A_1388, %swap3A_1389], %swap3A_1392 {strides = array<i32>} : memref<512x64xf32, #tpu.memory_space<vmem>>, vector<1x16xf32>,
      %get3A_1393 = arith.constant 0 : i32
      %get3A_1394 = arith.index_cast %get3A_1393 : i32 to index
      %get3A_1395 = arith.constant 32 : index
      %get3A_1396 = tpu.vector_load %arg10[%get3A_1394, %get3A_1395] {strides = array<i32>} : memref<16x64xf32, #tpu.memory_space<vmem>>, vector<1x16xf32>,
      %get3A_1397 = vector.shape_cast %get3A_1396 : vector<1x16xf32> to vector<16xf32>
      %get3A_1398 = arith.constant 4 : i32
      %get3A_1399 = arith.index_cast %get3A_1398 : i32 to index
      %get3A_1400 = arith.constant 32 : index
      %get3A_1401 = tpu.vector_load %arg10[%get3A_1399, %get3A_1400] {strides = array<i32>} : memref<16x64xf32, #tpu.memory_space<vmem>>, vector<1x16xf32>,
      %get3A_1402 = vector.shape_cast %get3A_1401 : vector<1x16xf32> to vector<16xf32>
      %add3A_1403 = arith.addf %get3A_1397, %get3A_1402 : vector<16xf32>
      %get3A_1404 = arith.constant 8 : i32
      %get3A_1405 = arith.index_cast %get3A_1404 : i32 to index
      %get3A_1406 = arith.constant 32 : index
      %get3A_1407 = tpu.vector_load %arg10[%get3A_1405, %get3A_1406] {strides = array<i32>} : memref<16x64xf32, #tpu.memory_space<vmem>>, vector<1x16xf32>,
      %get3A_1408 = vector.shape_cast %get3A_1407 : vector<1x16xf32> to vector<16xf32>
      %add3A_1409 = arith.addf %add3A_1403, %get3A_1408 : vector<16xf32>
      %get3A_1410 = arith.constant 12 : i32
      %get3A_1411 = arith.index_cast %get3A_1410 : i32 to index
      %get3A_1412 = arith.constant 32 : index
      %get3A_1413 = tpu.vector_load %arg10[%get3A_1411, %get3A_1412] {strides = array<i32>} : memref<16x64xf32, #tpu.memory_space<vmem>>, vector<1x16xf32>,
      %get3A_1414 = vector.shape_cast %get3A_1413 : vector<1x16xf32> to vector<16xf32>
      %add3A_1415 = arith.addf %add3A_1409, %get3A_1414 : vector<16xf32>
      %add3A_1416 = arith.constant 0 : i32
      %add3A_1417 = arith.addi %mul3A_1332, %add3A_1416 : i32
      %swap3A_1418 = arith.index_cast %add3A_1417 : i32 to index
      %swap3A_1419 = arith.constant 32 : index
      %swap3A_1420 = tpu.vector_load %arg11[%swap3A_1418, %swap3A_1419] {strides = array<i32>} : memref<512x64xf32, #tpu.memory_space<vmem>>, vector<1x16xf32>,
      %swap3A_1421 = vector.shape_cast %swap3A_1420 : vector<1x16xf32> to vector<16xf32>
      %swap3A_1422 = vector.shape_cast %add3A_1415 : vector<16xf32> to vector<1x16xf32>
      tpu.vector_store %arg11[%swap3A_1418, %swap3A_1419], %swap3A_1422 {strides = array<i32>} : memref<512x64xf32, #tpu.memory_space<vmem>>, vector<1x16xf32>,
      %get3A_1423 = arith.constant 0 : i32
      %get3A_1424 = arith.index_cast %get3A_1423 : i32 to index
      %get3A_1425 = arith.constant 48 : index
      %get3A_1426 = tpu.vector_load %arg10[%get3A_1424, %get3A_1425] {strides = array<i32>} : memref<16x64xf32, #tpu.memory_space<vmem>>, vector<1x16xf32>,
      %get3A_1427 = vector.shape_cast %get3A_1426 : vector<1x16xf32> to vector<16xf32>
      %get3A_1428 = arith.constant 4 : i32
      %get3A_1429 = arith.index_cast %get3A_1428 : i32 to index
      %get3A_1430 = arith.constant 48 : index
      %get3A_1431 = tpu.vector_load %arg10[%get3A_1429, %get3A_1430] {strides = array<i32>} : memref<16x64xf32, #tpu.memory_space<vmem>>, vector<1x16xf32>,
      %get3A_1432 = vector.shape_cast %get3A_1431 : vector<1x16xf32> to vector<16xf32>
      %add3A_1433 = arith.addf %get3A_1427, %get3A_1432 : vector<16xf32>
      %get3A_1434 = arith.constant 8 : i32
      %get3A_1435 = arith.index_cast %get3A_1434 : i32 to index
      %get3A_1436 = arith.constant 48 : index
      %get3A_1437 = tpu.vector_load %arg10[%get3A_1435, %get3A_1436] {strides = array<i32>} : memref<16x64xf32, #tpu.memory_space<vmem>>, vector<1x16xf32>,
      %get3A_1438 = vector.shape_cast %get3A_1437 : vector<1x16xf32> to vector<16xf32>
      %add3A_1439 = arith.addf %add3A_1433, %get3A_1438 : vector<16xf32>
      %get3A_1440 = arith.constant 12 : i32
      %get3A_1441 = arith.index_cast %get3A_1440 : i32 to index
      %get3A_1442 = arith.constant 48 : index
      %get3A_1443 = tpu.vector_load %arg10[%get3A_1441, %get3A_1442] {strides = array<i32>} : memref<16x64xf32, #tpu.memory_space<vmem>>, vector<1x16xf32>,
      %get3A_1444 = vector.shape_cast %get3A_1443 : vector<1x16xf32> to vector<16xf32>
      %add3A_1445 = arith.addf %add3A_1439, %get3A_1444 : vector<16xf32>
      %add3A_1446 = arith.constant 0 : i32
      %add3A_1447 = arith.addi %mul3A_1332, %add3A_1446 : i32
      %swap3A_1448 = arith.index_cast %add3A_1447 : i32 to index
      %swap3A_1449 = arith.constant 48 : index
      %swap3A_1450 = tpu.vector_load %arg11[%swap3A_1448, %swap3A_1449] {strides = array<i32>} : memref<512x64xf32, #tpu.memory_space<vmem>>, vector<1x16xf32>,
      %swap3A_1451 = vector.shape_cast %swap3A_1450 : vector<1x16xf32> to vector<16xf32>
      %swap3A_1452 = vector.shape_cast %add3A_1445 : vector<16xf32> to vector<1x16xf32>
      tpu.vector_store %arg11[%swap3A_1448, %swap3A_1449], %swap3A_1452 {strides = array<i32>} : memref<512x64xf32, #tpu.memory_space<vmem>>, vector<1x16xf32>,
      %get3A_1453 = arith.constant 1 : i32
      %get3A_1454 = arith.index_cast %get3A_1453 : i32 to index
      %get3A_1455 = arith.constant 0 : index
      %get3A_1456 = tpu.vector_load %arg10[%get3A_1454, %get3A_1455] {strides = array<i32>} : memref<16x64xf32, #tpu.memory_space<vmem>>, vector<1x16xf32>,
      %get3A_1457 = vector.shape_cast %get3A_1456 : vector<1x16xf32> to vector<16xf32>
      %get3A_1458 = arith.constant 5 : i32
      %get3A_1459 = arith.index_cast %get3A_1458 : i32 to index
      %get3A_1460 = arith.constant 0 : index
      %get3A_1461 = tpu.vector_load %arg10[%get3A_1459, %get3A_1460] {strides = array<i32>} : memref<16x64xf32, #tpu.memory_space<vmem>>, vector<1x16xf32>,
      %get3A_1462 = vector.shape_cast %get3A_1461 : vector<1x16xf32> to vector<16xf32>
      %add3A_1463 = arith.addf %get3A_1457, %get3A_1462 : vector<16xf32>
      %get3A_1464 = arith.constant 9 : i32
      %get3A_1465 = arith.index_cast %get3A_1464 : i32 to index
      %get3A_1466 = arith.constant 0 : index
      %get3A_1467 = tpu.vector_load %arg10[%get3A_1465, %get3A_1466] {strides = array<i32>} : memref<16x64xf32, #tpu.memory_space<vmem>>, vector<1x16xf32>,
      %get3A_1468 = vector.shape_cast %get3A_1467 : vector<1x16xf32> to vector<16xf32>
      %add3A_1469 = arith.addf %add3A_1463, %get3A_1468 : vector<16xf32>
      %get3A_1470 = arith.constant 13 : i32
      %get3A_1471 = arith.index_cast %get3A_1470 : i32 to index
      %get3A_1472 = arith.constant 0 : index
      %get3A_1473 = tpu.vector_load %arg10[%get3A_1471, %get3A_1472] {strides = array<i32>} : memref<16x64xf32, #tpu.memory_space<vmem>>, vector<1x16xf32>,
      %get3A_1474 = vector.shape_cast %get3A_1473 : vector<1x16xf32> to vector<16xf32>
      %add3A_1475 = arith.addf %add3A_1469, %get3A_1474 : vector<16xf32>
      %add3A_1476 = arith.constant 1 : i32
      %add3A_1477 = arith.addi %mul3A_1332, %add3A_1476 : i32
      %swap3A_1478 = arith.index_cast %add3A_1477 : i32 to index
      %swap3A_1479 = arith.constant 0 : index
      %swap3A_1480 = tpu.vector_load %arg11[%swap3A_1478, %swap3A_1479] {strides = array<i32>} : memref<512x64xf32, #tpu.memory_space<vmem>>, vector<1x16xf32>,
      %swap3A_1481 = vector.shape_cast %swap3A_1480 : vector<1x16xf32> to vector<16xf32>
      %swap3A_1482 = vector.shape_cast %add3A_1475 : vector<16xf32> to vector<1x16xf32>
      tpu.vector_store %arg11[%swap3A_1478, %swap3A_1479], %swap3A_1482 {strides = array<i32>} : memref<512x64xf32, #tpu.memory_space<vmem>>, vector<1x16xf32>,
      %get3A_1483 = arith.constant 1 : i32
      %get3A_1484 = arith.index_cast %get3A_1483 : i32 to index
      %get3A_1485 = arith.constant 16 : index
      %get3A_1486 = tpu.vector_load %arg10[%get3A_1484, %get3A_1485] {strides = array<i32>} : memref<16x64xf32, #tpu.memory_space<vmem>>, vector<1x16xf32>,
      %get3A_1487 = vector.shape_cast %get3A_1486 : vector<1x16xf32> to vector<16xf32>
      %get3A_1488 = arith.constant 5 : i32
      %get3A_1489 = arith.index_cast %get3A_1488 : i32 to index
      %get3A_1490 = arith.constant 16 : index
      %get3A_1491 = tpu.vector_load %arg10[%get3A_1489, %get3A_1490] {strides = array<i32>} : memref<16x64xf32, #tpu.memory_space<vmem>>, vector<1x16xf32>,
      %get3A_1492 = vector.shape_cast %get3A_1491 : vector<1x16xf32> to vector<16xf32>
      %add3A_1493 = arith.addf %get3A_1487, %get3A_1492 : vector<16xf32>
      %get3A_1494 = arith.constant 9 : i32
      %get3A_1495 = arith.index_cast %get3A_1494 : i32 to index
      %get3A_1496 = arith.constant 16 : index
      %get3A_1497 = tpu.vector_load %arg10[%get3A_1495, %get3A_1496] {strides = array<i32>} : memref<16x64xf32, #tpu.memory_space<vmem>>, vector<1x16xf32>,
      %get3A_1498 = vector.shape_cast %get3A_1497 : vector<1x16xf32> to vector<16xf32>
      %add3A_1499 = arith.addf %add3A_1493, %get3A_1498 : vector<16xf32>
      %get3A_1500 = arith.constant 13 : i32
      %get3A_1501 = arith.index_cast %get3A_1500 : i32 to index
      %get3A_1502 = arith.constant 16 : index
      %get3A_1503 = tpu.vector_load %arg10[%get3A_1501, %get3A_1502] {strides = array<i32>} : memref<16x64xf32, #tpu.memory_space<vmem>>, vector<1x16xf32>,
      %get3A_1504 = vector.shape_cast %get3A_1503 : vector<1x16xf32> to vector<16xf32>
      %add3A_1505 = arith.addf %add3A_1499, %get3A_1504 : vector<16xf32>
      %add3A_1506 = arith.constant 1 : i32
      %add3A_1507 = arith.addi %mul3A_1332, %add3A_1506 : i32
      %swap3A_1508 = arith.index_cast %add3A_1507 : i32 to index
      %swap3A_1509 = arith.constant 16 : index
      %swap3A_1510 = tpu.vector_load %arg11[%swap3A_1508, %swap3A_1509] {strides = array<i32>} : memref<512x64xf32, #tpu.memory_space<vmem>>, vector<1x16xf32>,
      %swap3A_1511 = vector.shape_cast %swap3A_1510 : vector<1x16xf32> to vector<16xf32>
      %swap3A_1512 = vector.shape_cast %add3A_1505 : vector<16xf32> to vector<1x16xf32>
      tpu.vector_store %arg11[%swap3A_1508, %swap3A_1509], %swap3A_1512 {strides = array<i32>} : memref<512x64xf32, #tpu.memory_space<vmem>>, vector<1x16xf32>,
      %get3A_1513 = arith.constant 1 : i32
      %get3A_1514 = arith.index_cast %get3A_1513 : i32 to index
      %get3A_1515 = arith.constant 32 : index
      %get3A_1516 = tpu.vector_load %arg10[%get3A_1514, %get3A_1515] {strides = array<i32>} : memref<16x64xf32, #tpu.memory_space<vmem>>, vector<1x16xf32>,
      %get3A_1517 = vector.shape_cast %get3A_1516 : vector<1x16xf32> to vector<16xf32>
      %get3A_1518 = arith.constant 5 : i32
      %get3A_1519 = arith.index_cast %get3A_1518 : i32 to index
      %get3A_1520 = arith.constant 32 : index
      %get3A_1521 = tpu.vector_load %arg10[%get3A_1519, %get3A_1520] {strides = array<i32>} : memref<16x64xf32, #tpu.memory_space<vmem>>, vector<1x16xf32>,
      %get3A_1522 = vector.shape_cast %get3A_1521 : vector<1x16xf32> to vector<16xf32>
      %add3A_1523 = arith.addf %get3A_1517, %get3A_1522 : vector<16xf32>
      %get3A_1524 = arith.constant 9 : i32
      %get3A_1525 = arith.index_cast %get3A_1524 : i32 to index
      %get3A_1526 = arith.constant 32 : index
      %get3A_1527 = tpu.vector_load %arg10[%get3A_1525, %get3A_1526] {strides = array<i32>} : memref<16x64xf32, #tpu.memory_space<vmem>>, vector<1x16xf32>,
      %get3A_1528 = vector.shape_cast %get3A_1527 : vector<1x16xf32> to vector<16xf32>
      %add3A_1529 = arith.addf %add3A_1523, %get3A_1528 : vector<16xf32>
      %get3A_1530 = arith.constant 13 : i32
      %get3A_1531 = arith.index_cast %get3A_1530 : i32 to index
      %get3A_1532 = arith.constant 32 : index
      %get3A_1533 = tpu.vector_load %arg10[%get3A_1531, %get3A_1532] {strides = array<i32>} : memref<16x64xf32, #tpu.memory_space<vmem>>, vector<1x16xf32>,
      %get3A_1534 = vector.shape_cast %get3A_1533 : vector<1x16xf32> to vector<16xf32>
      %add3A_1535 = arith.addf %add3A_1529, %get3A_1534 : vector<16xf32>
      %add3A_1536 = arith.constant 1 : i32
      %add3A_1537 = arith.addi %mul3A_1332, %add3A_1536 : i32
      %swap3A_1538 = arith.index_cast %add3A_1537 : i32 to index
      %swap3A_1539 = arith.constant 32 : index
      %swap3A_1540 = tpu.vector_load %arg11[%swap3A_1538, %swap3A_1539] {strides = array<i32>} : memref<512x64xf32, #tpu.memory_space<vmem>>, vector<1x16xf32>,
      %swap3A_1541 = vector.shape_cast %swap3A_1540 : vector<1x16xf32> to vector<16xf32>
      %swap3A_1542 = vector.shape_cast %add3A_1535 : vector<16xf32> to vector<1x16xf32>
      tpu.vector_store %arg11[%swap3A_1538, %swap3A_1539], %swap3A_1542 {strides = array<i32>} : memref<512x64xf32, #tpu.memory_space<vmem>>, vector<1x16xf32>,
      %get3A_1543 = arith.constant 1 : i32
      %get3A_1544 = arith.index_cast %get3A_1543 : i32 to index
      %get3A_1545 = arith.constant 48 : index
      %get3A_1546 = tpu.vector_load %arg10[%get3A_1544, %get3A_1545] {strides = array<i32>} : memref<16x64xf32, #tpu.memory_space<vmem>>, vector<1x16xf32>,
      %get3A_1547 = vector.shape_cast %get3A_1546 : vector<1x16xf32> to vector<16xf32>
      %get3A_1548 = arith.constant 5 : i32
      %get3A_1549 = arith.index_cast %get3A_1548 : i32 to index
      %get3A_1550 = arith.constant 48 : index
      %get3A_1551 = tpu.vector_load %arg10[%get3A_1549, %get3A_1550] {strides = array<i32>} : memref<16x64xf32, #tpu.memory_space<vmem>>, vector<1x16xf32>,
      %get3A_1552 = vector.shape_cast %get3A_1551 : vector<1x16xf32> to vector<16xf32>
      %add3A_1553 = arith.addf %get3A_1547, %get3A_1552 : vector<16xf32>
      %get3A_1554 = arith.constant 9 : i32
      %get3A_1555 = arith.index_cast %get3A_1554 : i32 to index
      %get3A_1556 = arith.constant 48 : index
      %get3A_1557 = tpu.vector_load %arg10[%get3A_1555, %get3A_1556] {strides = array<i32>} : memref<16x64xf32, #tpu.memory_space<vmem>>, vector<1x16xf32>,
      %get3A_1558 = vector.shape_cast %get3A_1557 : vector<1x16xf32> to vector<16xf32>
      %add3A_1559 = arith.addf %add3A_1553, %get3A_1558 : vector<16xf32>
      %get3A_1560 = arith.constant 13 : i32
      %get3A_1561 = arith.index_cast %get3A_1560 : i32 to index
      %get3A_1562 = arith.constant 48 : index
      %get3A_1563 = tpu.vector_load %arg10[%get3A_1561, %get3A_1562] {strides = array<i32>} : memref<16x64xf32, #tpu.memory_space<vmem>>, vector<1x16xf32>,
      %get3A_1564 = vector.shape_cast %get3A_1563 : vector<1x16xf32> to vector<16xf32>
      %add3A_1565 = arith.addf %add3A_1559, %get3A_1564 : vector<16xf32>
      %add3A_1566 = arith.constant 1 : i32
      %add3A_1567 = arith.addi %mul3A_1332, %add3A_1566 : i32
      %swap3A_1568 = arith.index_cast %add3A_1567 : i32 to index
      %swap3A_1569 = arith.constant 48 : index
      %swap3A_1570 = tpu.vector_load %arg11[%swap3A_1568, %swap3A_1569] {strides = array<i32>} : memref<512x64xf32, #tpu.memory_space<vmem>>, vector<1x16xf32>,
      %swap3A_1571 = vector.shape_cast %swap3A_1570 : vector<1x16xf32> to vector<16xf32>
      %swap3A_1572 = vector.shape_cast %add3A_1565 : vector<16xf32> to vector<1x16xf32>
      tpu.vector_store %arg11[%swap3A_1568, %swap3A_1569], %swap3A_1572 {strides = array<i32>} : memref<512x64xf32, #tpu.memory_space<vmem>>, vector<1x16xf32>,
      %get3A_1573 = arith.constant 2 : i32
      %get3A_1574 = arith.index_cast %get3A_1573 : i32 to index
      %get3A_1575 = arith.constant 0 : index
      %get3A_1576 = tpu.vector_load %arg10[%get3A_1574, %get3A_1575] {strides = array<i32>} : memref<16x64xf32, #tpu.memory_space<vmem>>, vector<1x16xf32>,
      %get3A_1577 = vector.shape_cast %get3A_1576 : vector<1x16xf32> to vector<16xf32>
      %get3A_1578 = arith.constant 6 : i32
      %get3A_1579 = arith.index_cast %get3A_1578 : i32 to index
      %get3A_1580 = arith.constant 0 : index
      %get3A_1581 = tpu.vector_load %arg10[%get3A_1579, %get3A_1580] {strides = array<i32>} : memref<16x64xf32, #tpu.memory_space<vmem>>, vector<1x16xf32>,
      %get3A_1582 = vector.shape_cast %get3A_1581 : vector<1x16xf32> to vector<16xf32>
      %add3A_1583 = arith.addf %get3A_1577, %get3A_1582 : vector<16xf32>
      %get3A_1584 = arith.constant 10 : i32
      %get3A_1585 = arith.index_cast %get3A_1584 : i32 to index
      %get3A_1586 = arith.constant 0 : index
      %get3A_1587 = tpu.vector_load %arg10[%get3A_1585, %get3A_1586] {strides = array<i32>} : memref<16x64xf32, #tpu.memory_space<vmem>>, vector<1x16xf32>,
      %get3A_1588 = vector.shape_cast %get3A_1587 : vector<1x16xf32> to vector<16xf32>
      %add3A_1589 = arith.addf %add3A_1583, %get3A_1588 : vector<16xf32>
      %get3A_1590 = arith.constant 14 : i32
      %get3A_1591 = arith.index_cast %get3A_1590 : i32 to index
      %get3A_1592 = arith.constant 0 : index
      %get3A_1593 = tpu.vector_load %arg10[%get3A_1591, %get3A_1592] {strides = array<i32>} : memref<16x64xf32, #tpu.memory_space<vmem>>, vector<1x16xf32>,
      %get3A_1594 = vector.shape_cast %get3A_1593 : vector<1x16xf32> to vector<16xf32>
      %add3A_1595 = arith.addf %add3A_1589, %get3A_1594 : vector<16xf32>
      %add3A_1596 = arith.constant 2 : i32
      %add3A_1597 = arith.addi %mul3A_1332, %add3A_1596 : i32
      %swap3A_1598 = arith.index_cast %add3A_1597 : i32 to index
      %swap3A_1599 = arith.constant 0 : index
      %swap3A_1600 = tpu.vector_load %arg11[%swap3A_1598, %swap3A_1599] {strides = array<i32>} : memref<512x64xf32, #tpu.memory_space<vmem>>, vector<1x16xf32>,
      %swap3A_1601 = vector.shape_cast %swap3A_1600 : vector<1x16xf32> to vector<16xf32>
      %swap3A_1602 = vector.shape_cast %add3A_1595 : vector<16xf32> to vector<1x16xf32>
      tpu.vector_store %arg11[%swap3A_1598, %swap3A_1599], %swap3A_1602 {strides = array<i32>} : memref<512x64xf32, #tpu.memory_space<vmem>>, vector<1x16xf32>,
      %get3A_1603 = arith.constant 2 : i32
      %get3A_1604 = arith.index_cast %get3A_1603 : i32 to index
      %get3A_1605 = arith.constant 16 : index
      %get3A_1606 = tpu.vector_load %arg10[%get3A_1604, %get3A_1605] {strides = array<i32>} : memref<16x64xf32, #tpu.memory_space<vmem>>, vector<1x16xf32>,
      %get3A_1607 = vector.shape_cast %get3A_1606 : vector<1x16xf32> to vector<16xf32>
      %get3A_1608 = arith.constant 6 : i32
      %get3A_1609 = arith.index_cast %get3A_1608 : i32 to index
      %get3A_1610 = arith.constant 16 : index
      %get3A_1611 = tpu.vector_load %arg10[%get3A_1609, %get3A_1610] {strides = array<i32>} : memref<16x64xf32, #tpu.memory_space<vmem>>, vector<1x16xf32>,
      %get3A_1612 = vector.shape_cast %get3A_1611 : vector<1x16xf32> to vector<16xf32>
      %add3A_1613 = arith.addf %get3A_1607, %get3A_1612 : vector<16xf32>
      %get3A_1614 = arith.constant 10 : i32
      %get3A_1615 = arith.index_cast %get3A_1614 : i32 to index
      %get3A_1616 = arith.constant 16 : index
      %get3A_1617 = tpu.vector_load %arg10[%get3A_1615, %get3A_1616] {strides = array<i32>} : memref<16x64xf32, #tpu.memory_space<vmem>>, vector<1x16xf32>,
      %get3A_1618 = vector.shape_cast %get3A_1617 : vector<1x16xf32> to vector<16xf32>
      %add3A_1619 = arith.addf %add3A_1613, %get3A_1618 : vector<16xf32>
      %get3A_1620 = arith.constant 14 : i32
      %get3A_1621 = arith.index_cast %get3A_1620 : i32 to index
      %get3A_1622 = arith.constant 16 : index
      %get3A_1623 = tpu.vector_load %arg10[%get3A_1621, %get3A_1622] {strides = array<i32>} : memref<16x64xf32, #tpu.memory_space<vmem>>, vector<1x16xf32>,
      %get3A_1624 = vector.shape_cast %get3A_1623 : vector<1x16xf32> to vector<16xf32>
      %add3A_1625 = arith.addf %add3A_1619, %get3A_1624 : vector<16xf32>
      %add3A_1626 = arith.constant 2 : i32
      %add3A_1627 = arith.addi %mul3A_1332, %add3A_1626 : i32
      %swap3A_1628 = arith.index_cast %add3A_1627 : i32 to index
      %swap3A_1629 = arith.constant 16 : index
      %swap3A_1630 = tpu.vector_load %arg11[%swap3A_1628, %swap3A_1629] {strides = array<i32>} : memref<512x64xf32, #tpu.memory_space<vmem>>, vector<1x16xf32>,
      %swap3A_1631 = vector.shape_cast %swap3A_1630 : vector<1x16xf32> to vector<16xf32>
      %swap3A_1632 = vector.shape_cast %add3A_1625 : vector<16xf32> to vector<1x16xf32>
      tpu.vector_store %arg11[%swap3A_1628, %swap3A_1629], %swap3A_1632 {strides = array<i32>} : memref<512x64xf32, #tpu.memory_space<vmem>>, vector<1x16xf32>,
      %get3A_1633 = arith.constant 2 : i32
      %get3A_1634 = arith.index_cast %get3A_1633 : i32 to index
      %get3A_1635 = arith.constant 32 : index
      %get3A_1636 = tpu.vector_load %arg10[%get3A_1634, %get3A_1635] {strides = array<i32>} : memref<16x64xf32, #tpu.memory_space<vmem>>, vector<1x16xf32>,
      %get3A_1637 = vector.shape_cast %get3A_1636 : vector<1x16xf32> to vector<16xf32>
      %get3A_1638 = arith.constant 6 : i32
      %get3A_1639 = arith.index_cast %get3A_1638 : i32 to index
      %get3A_1640 = arith.constant 32 : index
      %get3A_1641 = tpu.vector_load %arg10[%get3A_1639, %get3A_1640] {strides = array<i32>} : memref<16x64xf32, #tpu.memory_space<vmem>>, vector<1x16xf32>,
      %get3A_1642 = vector.shape_cast %get3A_1641 : vector<1x16xf32> to vector<16xf32>
      %add3A_1643 = arith.addf %get3A_1637, %get3A_1642 : vector<16xf32>
      %get3A_1644 = arith.constant 10 : i32
      %get3A_1645 = arith.index_cast %get3A_1644 : i32 to index
      %get3A_1646 = arith.constant 32 : index
      %get3A_1647 = tpu.vector_load %arg10[%get3A_1645, %get3A_1646] {strides = array<i32>} : memref<16x64xf32, #tpu.memory_space<vmem>>, vector<1x16xf32>,
      %get3A_1648 = vector.shape_cast %get3A_1647 : vector<1x16xf32> to vector<16xf32>
      %add3A_1649 = arith.addf %add3A_1643, %get3A_1648 : vector<16xf32>
      %get3A_1650 = arith.constant 14 : i32
      %get3A_1651 = arith.index_cast %get3A_1650 : i32 to index
      %get3A_1652 = arith.constant 32 : index
      %get3A_1653 = tpu.vector_load %arg10[%get3A_1651, %get3A_1652] {strides = array<i32>} : memref<16x64xf32, #tpu.memory_space<vmem>>, vector<1x16xf32>,
      %get3A_1654 = vector.shape_cast %get3A_1653 : vector<1x16xf32> to vector<16xf32>
      %add3A_1655 = arith.addf %add3A_1649, %get3A_1654 : vector<16xf32>
      %add3A_1656 = arith.constant 2 : i32
      %add3A_1657 = arith.addi %mul3A_1332, %add3A_1656 : i32
      %swap3A_1658 = arith.index_cast %add3A_1657 : i32 to index
      %swap3A_1659 = arith.constant 32 : index
      %swap3A_1660 = tpu.vector_load %arg11[%swap3A_1658, %swap3A_1659] {strides = array<i32>} : memref<512x64xf32, #tpu.memory_space<vmem>>, vector<1x16xf32>,
      %swap3A_1661 = vector.shape_cast %swap3A_1660 : vector<1x16xf32> to vector<16xf32>
      %swap3A_1662 = vector.shape_cast %add3A_1655 : vector<16xf32> to vector<1x16xf32>
      tpu.vector_store %arg11[%swap3A_1658, %swap3A_1659], %swap3A_1662 {strides = array<i32>} : memref<512x64xf32, #tpu.memory_space<vmem>>, vector<1x16xf32>,
      %get3A_1663 = arith.constant 2 : i32
      %get3A_1664 = arith.index_cast %get3A_1663 : i32 to index
      %get3A_1665 = arith.constant 48 : index
      %get3A_1666 = tpu.vector_load %arg10[%get3A_1664, %get3A_1665] {strides = array<i32>} : memref<16x64xf32, #tpu.memory_space<vmem>>, vector<1x16xf32>,
      %get3A_1667 = vector.shape_cast %get3A_1666 : vector<1x16xf32> to vector<16xf32>
      %get3A_1668 = arith.constant 6 : i32
      %get3A_1669 = arith.index_cast %get3A_1668 : i32 to index
      %get3A_1670 = arith.constant 48 : index
      %get3A_1671 = tpu.vector_load %arg10[%get3A_1669, %get3A_1670] {strides = array<i32>} : memref<16x64xf32, #tpu.memory_space<vmem>>, vector<1x16xf32>,
      %get3A_1672 = vector.shape_cast %get3A_1671 : vector<1x16xf32> to vector<16xf32>
      %add3A_1673 = arith.addf %get3A_1667, %get3A_1672 : vector<16xf32>
      %get3A_1674 = arith.constant 10 : i32
      %get3A_1675 = arith.index_cast %get3A_1674 : i32 to index
      %get3A_1676 = arith.constant 48 : index
      %get3A_1677 = tpu.vector_load %arg10[%get3A_1675, %get3A_1676] {strides = array<i32>} : memref<16x64xf32, #tpu.memory_space<vmem>>, vector<1x16xf32>,
      %get3A_1678 = vector.shape_cast %get3A_1677 : vector<1x16xf32> to vector<16xf32>
      %add3A_1679 = arith.addf %add3A_1673, %get3A_1678 : vector<16xf32>
      %get3A_1680 = arith.constant 14 : i32
      %get3A_1681 = arith.index_cast %get3A_1680 : i32 to index
      %get3A_1682 = arith.constant 48 : index
      %get3A_1683 = tpu.vector_load %arg10[%get3A_1681, %get3A_1682] {strides = array<i32>} : memref<16x64xf32, #tpu.memory_space<vmem>>, vector<1x16xf32>,
      %get3A_1684 = vector.shape_cast %get3A_1683 : vector<1x16xf32> to vector<16xf32>
      %add3A_1685 = arith.addf %add3A_1679, %get3A_1684 : vector<16xf32>
      %add3A_1686 = arith.constant 2 : i32
      %add3A_1687 = arith.addi %mul3A_1332, %add3A_1686 : i32
      %swap3A_1688 = arith.index_cast %add3A_1687 : i32 to index
      %swap3A_1689 = arith.constant 48 : index
      %swap3A_1690 = tpu.vector_load %arg11[%swap3A_1688, %swap3A_1689] {strides = array<i32>} : memref<512x64xf32, #tpu.memory_space<vmem>>, vector<1x16xf32>,
      %swap3A_1691 = vector.shape_cast %swap3A_1690 : vector<1x16xf32> to vector<16xf32>
      %swap3A_1692 = vector.shape_cast %add3A_1685 : vector<16xf32> to vector<1x16xf32>
      tpu.vector_store %arg11[%swap3A_1688, %swap3A_1689], %swap3A_1692 {strides = array<i32>} : memref<512x64xf32, #tpu.memory_space<vmem>>, vector<1x16xf32>,
      %get3A_1693 = arith.constant 3 : i32
      %get3A_1694 = arith.index_cast %get3A_1693 : i32 to index
      %get3A_1695 = arith.constant 0 : index
      %get3A_1696 = tpu.vector_load %arg10[%get3A_1694, %get3A_1695] {strides = array<i32>} : memref<16x64xf32, #tpu.memory_space<vmem>>, vector<1x16xf32>,
      %get3A_1697 = vector.shape_cast %get3A_1696 : vector<1x16xf32> to vector<16xf32>
      %get3A_1698 = arith.constant 7 : i32
      %get3A_1699 = arith.index_cast %get3A_1698 : i32 to index
      %get3A_1700 = arith.constant 0 : index
      %get3A_1701 = tpu.vector_load %arg10[%get3A_1699, %get3A_1700] {strides = array<i32>} : memref<16x64xf32, #tpu.memory_space<vmem>>, vector<1x16xf32>,
      %get3A_1702 = vector.shape_cast %get3A_1701 : vector<1x16xf32> to vector<16xf32>
      %add3A_1703 = arith.addf %get3A_1697, %get3A_1702 : vector<16xf32>
      %get3A_1704 = arith.constant 11 : i32
      %get3A_1705 = arith.index_cast %get3A_1704 : i32 to index
      %get3A_1706 = arith.constant 0 : index
      %get3A_1707 = tpu.vector_load %arg10[%get3A_1705, %get3A_1706] {strides = array<i32>} : memref<16x64xf32, #tpu.memory_space<vmem>>, vector<1x16xf32>,
      %get3A_1708 = vector.shape_cast %get3A_1707 : vector<1x16xf32> to vector<16xf32>
      %add3A_1709 = arith.addf %add3A_1703, %get3A_1708 : vector<16xf32>
      %get3A_1710 = arith.constant 15 : i32
      %get3A_1711 = arith.index_cast %get3A_1710 : i32 to index
      %get3A_1712 = arith.constant 0 : index
      %get3A_1713 = tpu.vector_load %arg10[%get3A_1711, %get3A_1712] {strides = array<i32>} : memref<16x64xf32, #tpu.memory_space<vmem>>, vector<1x16xf32>,
      %get3A_1714 = vector.shape_cast %get3A_1713 : vector<1x16xf32> to vector<16xf32>
      %add3A_1715 = arith.addf %add3A_1709, %get3A_1714 : vector<16xf32>
      %add3A_1716 = arith.constant 3 : i32
      %add3A_1717 = arith.addi %mul3A_1332, %add3A_1716 : i32
      %swap3A_1718 = arith.index_cast %add3A_1717 : i32 to index
      %swap3A_1719 = arith.constant 0 : index
      %swap3A_1720 = tpu.vector_load %arg11[%swap3A_1718, %swap3A_1719] {strides = array<i32>} : memref<512x64xf32, #tpu.memory_space<vmem>>, vector<1x16xf32>,
      %swap3A_1721 = vector.shape_cast %swap3A_1720 : vector<1x16xf32> to vector<16xf32>
      %swap3A_1722 = vector.shape_cast %add3A_1715 : vector<16xf32> to vector<1x16xf32>
      tpu.vector_store %arg11[%swap3A_1718, %swap3A_1719], %swap3A_1722 {strides = array<i32>} : memref<512x64xf32, #tpu.memory_space<vmem>>, vector<1x16xf32>,
      %get3A_1723 = arith.constant 3 : i32
      %get3A_1724 = arith.index_cast %get3A_1723 : i32 to index
      %get3A_1725 = arith.constant 16 : index
      %get3A_1726 = tpu.vector_load %arg10[%get3A_1724, %get3A_1725] {strides = array<i32>} : memref<16x64xf32, #tpu.memory_space<vmem>>, vector<1x16xf32>,
      %get3A_1727 = vector.shape_cast %get3A_1726 : vector<1x16xf32> to vector<16xf32>
      %get3A_1728 = arith.constant 7 : i32
      %get3A_1729 = arith.index_cast %get3A_1728 : i32 to index
      %get3A_1730 = arith.constant 16 : index
      %get3A_1731 = tpu.vector_load %arg10[%get3A_1729, %get3A_1730] {strides = array<i32>} : memref<16x64xf32, #tpu.memory_space<vmem>>, vector<1x16xf32>,
      %get3A_1732 = vector.shape_cast %get3A_1731 : vector<1x16xf32> to vector<16xf32>
      %add3A_1733 = arith.addf %get3A_1727, %get3A_1732 : vector<16xf32>
      %get3A_1734 = arith.constant 11 : i32
      %get3A_1735 = arith.index_cast %get3A_1734 : i32 to index
      %get3A_1736 = arith.constant 16 : index
      %get3A_1737 = tpu.vector_load %arg10[%get3A_1735, %get3A_1736] {strides = array<i32>} : memref<16x64xf32, #tpu.memory_space<vmem>>, vector<1x16xf32>,
      %get3A_1738 = vector.shape_cast %get3A_1737 : vector<1x16xf32> to vector<16xf32>
      %add3A_1739 = arith.addf %add3A_1733, %get3A_1738 : vector<16xf32>
      %get3A_1740 = arith.constant 15 : i32
      %get3A_1741 = arith.index_cast %get3A_1740 : i32 to index
      %get3A_1742 = arith.constant 16 : index
      %get3A_1743 = tpu.vector_load %arg10[%get3A_1741, %get3A_1742] {strides = array<i32>} : memref<16x64xf32, #tpu.memory_space<vmem>>, vector<1x16xf32>,
      %get3A_1744 = vector.shape_cast %get3A_1743 : vector<1x16xf32> to vector<16xf32>
      %add3A_1745 = arith.addf %add3A_1739, %get3A_1744 : vector<16xf32>
      %add3A_1746 = arith.constant 3 : i32
      %add3A_1747 = arith.addi %mul3A_1332, %add3A_1746 : i32
      %swap3A_1748 = arith.index_cast %add3A_1747 : i32 to index
      %swap3A_1749 = arith.constant 16 : index
      %swap3A_1750 = tpu.vector_load %arg11[%swap3A_1748, %swap3A_1749] {strides = array<i32>} : memref<512x64xf32, #tpu.memory_space<vmem>>, vector<1x16xf32>,
      %swap3A_1751 = vector.shape_cast %swap3A_1750 : vector<1x16xf32> to vector<16xf32>
      %swap3A_1752 = vector.shape_cast %add3A_1745 : vector<16xf32> to vector<1x16xf32>
      tpu.vector_store %arg11[%swap3A_1748, %swap3A_1749], %swap3A_1752 {strides = array<i32>} : memref<512x64xf32, #tpu.memory_space<vmem>>, vector<1x16xf32>,
      %get3A_1753 = arith.constant 3 : i32
      %get3A_1754 = arith.index_cast %get3A_1753 : i32 to index
      %get3A_1755 = arith.constant 32 : index
      %get3A_1756 = tpu.vector_load %arg10[%get3A_1754, %get3A_1755] {strides = array<i32>} : memref<16x64xf32, #tpu.memory_space<vmem>>, vector<1x16xf32>,
      %get3A_1757 = vector.shape_cast %get3A_1756 : vector<1x16xf32> to vector<16xf32>
      %get3A_1758 = arith.constant 7 : i32
      %get3A_1759 = arith.index_cast %get3A_1758 : i32 to index
      %get3A_1760 = arith.constant 32 : index
      %get3A_1761 = tpu.vector_load %arg10[%get3A_1759, %get3A_1760] {strides = array<i32>} : memref<16x64xf32, #tpu.memory_space<vmem>>, vector<1x16xf32>,
      %get3A_1762 = vector.shape_cast %get3A_1761 : vector<1x16xf32> to vector<16xf32>
      %add3A_1763 = arith.addf %get3A_1757, %get3A_1762 : vector<16xf32>
      %get3A_1764 = arith.constant 11 : i32
      %get3A_1765 = arith.index_cast %get3A_1764 : i32 to index
      %get3A_1766 = arith.constant 32 : index
      %get3A_1767 = tpu.vector_load %arg10[%get3A_1765, %get3A_1766] {strides = array<i32>} : memref<16x64xf32, #tpu.memory_space<vmem>>, vector<1x16xf32>,
      %get3A_1768 = vector.shape_cast %get3A_1767 : vector<1x16xf32> to vector<16xf32>
      %add3A_1769 = arith.addf %add3A_1763, %get3A_1768 : vector<16xf32>
      %get3A_1770 = arith.constant 15 : i32
      %get3A_1771 = arith.index_cast %get3A_1770 : i32 to index
      %get3A_1772 = arith.constant 32 : index
      %get3A_1773 = tpu.vector_load %arg10[%get3A_1771, %get3A_1772] {strides = array<i32>} : memref<16x64xf32, #tpu.memory_space<vmem>>, vector<1x16xf32>,
      %get3A_1774 = vector.shape_cast %get3A_1773 : vector<1x16xf32> to vector<16xf32>
      %add3A_1775 = arith.addf %add3A_1769, %get3A_1774 : vector<16xf32>
      %add3A_1776 = arith.constant 3 : i32
      %add3A_1777 = arith.addi %mul3A_1332, %add3A_1776 : i32
      %swap3A_1778 = arith.index_cast %add3A_1777 : i32 to index
      %swap3A_1779 = arith.constant 32 : index
      %swap3A_1780 = tpu.vector_load %arg11[%swap3A_1778, %swap3A_1779] {strides = array<i32>} : memref<512x64xf32, #tpu.memory_space<vmem>>, vector<1x16xf32>,
      %swap3A_1781 = vector.shape_cast %swap3A_1780 : vector<1x16xf32> to vector<16xf32>
      %swap3A_1782 = vector.shape_cast %add3A_1775 : vector<16xf32> to vector<1x16xf32>
      tpu.vector_store %arg11[%swap3A_1778, %swap3A_1779], %swap3A_1782 {strides = array<i32>} : memref<512x64xf32, #tpu.memory_space<vmem>>, vector<1x16xf32>,
      %get3A_1783 = arith.constant 3 : i32
      %get3A_1784 = arith.index_cast %get3A_1783 : i32 to index
      %get3A_1785 = arith.constant 48 : index
      %get3A_1786 = tpu.vector_load %arg10[%get3A_1784, %get3A_1785] {strides = array<i32>} : memref<16x64xf32, #tpu.memory_space<vmem>>, vector<1x16xf32>,
      %get3A_1787 = vector.shape_cast %get3A_1786 : vector<1x16xf32> to vector<16xf32>
      %get3A_1788 = arith.constant 7 : i32
      %get3A_1789 = arith.index_cast %get3A_1788 : i32 to index
      %get3A_1790 = arith.constant 48 : index
      %get3A_1791 = tpu.vector_load %arg10[%get3A_1789, %get3A_1790] {strides = array<i32>} : memref<16x64xf32, #tpu.memory_space<vmem>>, vector<1x16xf32>,
      %get3A_1792 = vector.shape_cast %get3A_1791 : vector<1x16xf32> to vector<16xf32>
      %add3A_1793 = arith.addf %get3A_1787, %get3A_1792 : vector<16xf32>
      %get3A_1794 = arith.constant 11 : i32
      %get3A_1795 = arith.index_cast %get3A_1794 : i32 to index
      %get3A_1796 = arith.constant 48 : index
      %get3A_1797 = tpu.vector_load %arg10[%get3A_1795, %get3A_1796] {strides = array<i32>} : memref<16x64xf32, #tpu.memory_space<vmem>>, vector<1x16xf32>,
      %get3A_1798 = vector.shape_cast %get3A_1797 : vector<1x16xf32> to vector<16xf32>
      %add3A_1799 = arith.addf %add3A_1793, %get3A_1798 : vector<16xf32>
      %get3A_1800 = arith.constant 15 : i32
      %get3A_1801 = arith.index_cast %get3A_1800 : i32 to index
      %get3A_1802 = arith.constant 48 : index
      %get3A_1803 = tpu.vector_load %arg10[%get3A_1801, %get3A_1802] {strides = array<i32>} : memref<16x64xf32, #tpu.memory_space<vmem>>, vector<1x16xf32>,
      %get3A_1804 = vector.shape_cast %get3A_1803 : vector<1x16xf32> to vector<16xf32>
      %add3A_1805 = arith.addf %add3A_1799, %get3A_1804 : vector<16xf32>
      %add3A_1806 = arith.constant 3 : i32
      %add3A_1807 = arith.addi %mul3A_1332, %add3A_1806 : i32
      %swap3A_1808 = arith.index_cast %add3A_1807 : i32 to index
      %swap3A_1809 = arith.constant 48 : index
      %swap3A_1810 = tpu.vector_load %arg11[%swap3A_1808, %swap3A_1809] {strides = array<i32>} : memref<512x64xf32, #tpu.memory_space<vmem>>, vector<1x16xf32>,
      %swap3A_1811 = vector.shape_cast %swap3A_1810 : vector<1x16xf32> to vector<16xf32>
      %swap3A_1812 = vector.shape_cast %add3A_1805 : vector<16xf32> to vector<1x16xf32>
      tpu.vector_store %arg11[%swap3A_1808, %swap3A_1809], %swap3A_1812 {strides = array<i32>} : memref<512x64xf32, #tpu.memory_space<vmem>>, vector<1x16xf32>,
      %add3A_1813 = arith.constant 2 : i32
      %add3A_1814 = arith.addi %mul3A_304, %add3A_1813 : i32
      %add3A_1815 = arith.constant 0 : i32
      %add3A_1816 = arith.addi %scan3A_301, %add3A_1815 : i32
      %mul3A_1817 = arith.constant 16 : i32
      %mul3A_1818 = arith.muli %add3A_1816, %mul3A_1817 : i32
      %get3A_1819 = arith.constant 0 : i32
      %get3A_1820 = arith.index_cast %get3A_1819 : i32 to index
      %get3A_1821 = arith.index_cast %mul3A_1818 : i32 to index
      %get3A_1822 = tpu.vector_load %arg8[%get3A_1820, %get3A_1821] {strides = array<i32>} : memref<4x528xi32, #tpu.memory_space<vmem>>, vector<1x16xi32>,
      %get3A_1823 = vector.shape_cast %get3A_1822 : vector<1x16xi32> to vector<16xi32>
      %get3A_1824 = arith.constant 1 : i32
      %get3A_1825 = arith.index_cast %get3A_1824 : i32 to index
      %get3A_1826 = arith.index_cast %mul3A_1818 : i32 to index
      %get3A_1827 = tpu.vector_load %arg8[%get3A_1825, %get3A_1826] {strides = array<i32>} : memref<4x528xi32, #tpu.memory_space<vmem>>, vector<1x16xi32>,
      %get3A_1828 = vector.shape_cast %get3A_1827 : vector<1x16xi32> to vector<16xi32>
      %get3A_1829 = arith.constant 2 : i32
      %get3A_1830 = arith.index_cast %get3A_1829 : i32 to index
      %get3A_1831 = arith.index_cast %mul3A_1818 : i32 to index
      %get3A_1832 = tpu.vector_load %arg8[%get3A_1830, %get3A_1831] {strides = array<i32>} : memref<4x528xi32, #tpu.memory_space<vmem>>, vector<1x16xi32>,
      %get3A_1833 = vector.shape_cast %get3A_1832 : vector<1x16xi32> to vector<16xi32>
      %get3A_1834 = arith.constant 3 : i32
      %get3A_1835 = arith.index_cast %get3A_1834 : i32 to index
      %get3A_1836 = arith.index_cast %mul3A_1818 : i32 to index
      %get3A_1837 = tpu.vector_load %arg8[%get3A_1835, %get3A_1836] {strides = array<i32>} : memref<4x528xi32, #tpu.memory_space<vmem>>, vector<1x16xi32>,
      %get3A_1838 = vector.shape_cast %get3A_1837 : vector<1x16xi32> to vector<16xi32>
      %slice3A_1839 = vector.extract_strided_slice %get3A_1823 {offsets = [12], sizes = [1], strides = [1]} : vector<16xi32> to vector<1xi32>
      %squeeze3A_1840 = vector.extract %slice3A_1839[0] : i32 from vector<1xi32>
      %dma_start3A_1841 = arith.constant 0 : i32
      %dma_start3A_1842 = arith.constant 0 : i32
      %dma_start3A_1843 = tpu.memref_slice %arg10[%dma_start3A_1841, %dma_start3A_1842] : memref<16x64xf32, #tpu.memory_space<vmem>> -> memref<1x64xf32, #tpu.memory_space<vmem>>
      %dma_start3A_1844 = tpu.memref_squeeze %dma_start3A_1843 : memref<1x64xf32, #tpu.memory_space<vmem>> -> memref<64xf32, #tpu.memory_space<vmem>>
      %dma_start3A_1845 = arith.constant 0 : i32
      %dma_start3A_1846 = tpu.memref_slice %arg3[%squeeze3A_1840, %dma_start3A_1845] : memref<100000x64xf32, #tpu.memory_space<hbm>> -> memref<1x64xf32, #tpu.memory_space<hbm>>
      %dma_start3A_1847 = tpu.memref_squeeze %dma_start3A_1846 : memref<1x64xf32, #tpu.memory_space<hbm>> -> memref<64xf32, #tpu.memory_space<hbm>>
      %dma_start3A_1848 = arith.constant 0 : i32
      %dma_start3A_1849 = tpu.memref_slice %arg10[%dma_start3A_1841, %dma_start3A_1848] : memref<16x64xf32, #tpu.memory_space<vmem>> -> memref<1x64xf32, #tpu.memory_space<vmem>>
      %dma_start3A_1850 = tpu.memref_squeeze %dma_start3A_1849 : memref<1x64xf32, #tpu.memory_space<vmem>> -> memref<64xf32, #tpu.memory_space<vmem>>
      %dma_start3A_1851 = arith.constant 0 : i32
      %dma_start3A_1852 = tpu.memref_slice %arg3[%squeeze3A_1840, %dma_start3A_1851] : memref<100000x64xf32, #tpu.memory_space<hbm>> -> memref<1x64xf32, #tpu.memory_space<hbm>>
      %dma_start3A_1853 = tpu.memref_squeeze %dma_start3A_1852 : memref<1x64xf32, #tpu.memory_space<hbm>> -> memref<64xf32, #tpu.memory_space<hbm>>
      tpu.enqueue_dma source(%dma_start3A_1853 : memref<64xf32, #tpu.memory_space<hbm>>) target(%dma_start3A_1850 : memref<64xf32, #tpu.memory_space<vmem>>) target_semaphore(%arg13 : memref<!tpu.dma_semaphore, #tpu.memory_space<semaphore_mem>>)
      %slice3A_1854 = vector.extract_strided_slice %get3A_1823 {offsets = [13], sizes = [1], strides = [1]} : vector<16xi32> to vector<1xi32>
      %squeeze3A_1855 = vector.extract %slice3A_1854[0] : i32 from vector<1xi32>
      %dma_start3A_1856 = arith.constant 1 : i32
      %dma_start3A_1857 = arith.constant 0 : i32
      %dma_start3A_1858 = tpu.memref_slice %arg10[%dma_start3A_1856, %dma_start3A_1857] : memref<16x64xf32, #tpu.memory_space<vmem>> -> memref<1x64xf32, #tpu.memory_space<vmem>>
      %dma_start3A_1859 = tpu.memref_squeeze %dma_start3A_1858 : memref<1x64xf32, #tpu.memory_space<vmem>> -> memref<64xf32, #tpu.memory_space<vmem>>
      %dma_start3A_1860 = arith.constant 0 : i32
      %dma_start3A_1861 = tpu.memref_slice %arg3[%squeeze3A_1855, %dma_start3A_1860] : memref<100000x64xf32, #tpu.memory_space<hbm>> -> memref<1x64xf32, #tpu.memory_space<hbm>>
      %dma_start3A_1862 = tpu.memref_squeeze %dma_start3A_1861 : memref<1x64xf32, #tpu.memory_space<hbm>> -> memref<64xf32, #tpu.memory_space<hbm>>
      %dma_start3A_1863 = arith.constant 0 : i32
      %dma_start3A_1864 = tpu.memref_slice %arg10[%dma_start3A_1856, %dma_start3A_1863] : memref<16x64xf32, #tpu.memory_space<vmem>> -> memref<1x64xf32, #tpu.memory_space<vmem>>
      %dma_start3A_1865 = tpu.memref_squeeze %dma_start3A_1864 : memref<1x64xf32, #tpu.memory_space<vmem>> -> memref<64xf32, #tpu.memory_space<vmem>>
      %dma_start3A_1866 = arith.constant 0 : i32
      %dma_start3A_1867 = tpu.memref_slice %arg3[%squeeze3A_1855, %dma_start3A_1866] : memref<100000x64xf32, #tpu.memory_space<hbm>> -> memref<1x64xf32, #tpu.memory_space<hbm>>
      %dma_start3A_1868 = tpu.memref_squeeze %dma_start3A_1867 : memref<1x64xf32, #tpu.memory_space<hbm>> -> memref<64xf32, #tpu.memory_space<hbm>>
      tpu.enqueue_dma source(%dma_start3A_1868 : memref<64xf32, #tpu.memory_space<hbm>>) target(%dma_start3A_1865 : memref<64xf32, #tpu.memory_space<vmem>>) target_semaphore(%arg13 : memref<!tpu.dma_semaphore, #tpu.memory_space<semaphore_mem>>)
      %slice3A_1869 = vector.extract_strided_slice %get3A_1823 {offsets = [14], sizes = [1], strides = [1]} : vector<16xi32> to vector<1xi32>
      %squeeze3A_1870 = vector.extract %slice3A_1869[0] : i32 from vector<1xi32>
      %dma_start3A_1871 = arith.constant 2 : i32
      %dma_start3A_1872 = arith.constant 0 : i32
      %dma_start3A_1873 = tpu.memref_slice %arg10[%dma_start3A_1871, %dma_start3A_1872] : memref<16x64xf32, #tpu.memory_space<vmem>> -> memref<1x64xf32, #tpu.memory_space<vmem>>
      %dma_start3A_1874 = tpu.memref_squeeze %dma_start3A_1873 : memref<1x64xf32, #tpu.memory_space<vmem>> -> memref<64xf32, #tpu.memory_space<vmem>>
      %dma_start3A_1875 = arith.constant 0 : i32
      %dma_start3A_1876 = tpu.memref_slice %arg3[%squeeze3A_1870, %dma_start3A_1875] : memref<100000x64xf32, #tpu.memory_space<hbm>> -> memref<1x64xf32, #tpu.memory_space<hbm>>
      %dma_start3A_1877 = tpu.memref_squeeze %dma_start3A_1876 : memref<1x64xf32, #tpu.memory_space<hbm>> -> memref<64xf32, #tpu.memory_space<hbm>>
      %dma_start3A_1878 = arith.constant 0 : i32
      %dma_start3A_1879 = tpu.memref_slice %arg10[%dma_start3A_1871, %dma_start3A_1878] : memref<16x64xf32, #tpu.memory_space<vmem>> -> memref<1x64xf32, #tpu.memory_space<vmem>>
      %dma_start3A_1880 = tpu.memref_squeeze %dma_start3A_1879 : memref<1x64xf32, #tpu.memory_space<vmem>> -> memref<64xf32, #tpu.memory_space<vmem>>
      %dma_start3A_1881 = arith.constant 0 : i32
      %dma_start3A_1882 = tpu.memref_slice %arg3[%squeeze3A_1870, %dma_start3A_1881] : memref<100000x64xf32, #tpu.memory_space<hbm>> -> memref<1x64xf32, #tpu.memory_space<hbm>>
      %dma_start3A_1883 = tpu.memref_squeeze %dma_start3A_1882 : memref<1x64xf32, #tpu.memory_space<hbm>> -> memref<64xf32, #tpu.memory_space<hbm>>
      tpu.enqueue_dma source(%dma_start3A_1883 : memref<64xf32, #tpu.memory_space<hbm>>) target(%dma_start3A_1880 : memref<64xf32, #tpu.memory_space<vmem>>) target_semaphore(%arg13 : memref<!tpu.dma_semaphore, #tpu.memory_space<semaphore_mem>>)
      %slice3A_1884 = vector.extract_strided_slice %get3A_1823 {offsets = [15], sizes = [1], strides = [1]} : vector<16xi32> to vector<1xi32>
      %squeeze3A_1885 = vector.extract %slice3A_1884[0] : i32 from vector<1xi32>
      %dma_start3A_1886 = arith.constant 3 : i32
      %dma_start3A_1887 = arith.constant 0 : i32
      %dma_start3A_1888 = tpu.memref_slice %arg10[%dma_start3A_1886, %dma_start3A_1887] : memref<16x64xf32, #tpu.memory_space<vmem>> -> memref<1x64xf32, #tpu.memory_space<vmem>>
      %dma_start3A_1889 = tpu.memref_squeeze %dma_start3A_1888 : memref<1x64xf32, #tpu.memory_space<vmem>> -> memref<64xf32, #tpu.memory_space<vmem>>
      %dma_start3A_1890 = arith.constant 0 : i32
      %dma_start3A_1891 = tpu.memref_slice %arg3[%squeeze3A_1885, %dma_start3A_1890] : memref<100000x64xf32, #tpu.memory_space<hbm>> -> memref<1x64xf32, #tpu.memory_space<hbm>>
      %dma_start3A_1892 = tpu.memref_squeeze %dma_start3A_1891 : memref<1x64xf32, #tpu.memory_space<hbm>> -> memref<64xf32, #tpu.memory_space<hbm>>
      %dma_start3A_1893 = arith.constant 0 : i32
      %dma_start3A_1894 = tpu.memref_slice %arg10[%dma_start3A_1886, %dma_start3A_1893] : memref<16x64xf32, #tpu.memory_space<vmem>> -> memref<1x64xf32, #tpu.memory_space<vmem>>
      %dma_start3A_1895 = tpu.memref_squeeze %dma_start3A_1894 : memref<1x64xf32, #tpu.memory_space<vmem>> -> memref<64xf32, #tpu.memory_space<vmem>>
      %dma_start3A_1896 = arith.constant 0 : i32
      %dma_start3A_1897 = tpu.memref_slice %arg3[%squeeze3A_1885, %dma_start3A_1896] : memref<100000x64xf32, #tpu.memory_space<hbm>> -> memref<1x64xf32, #tpu.memory_space<hbm>>
      %dma_start3A_1898 = tpu.memref_squeeze %dma_start3A_1897 : memref<1x64xf32, #tpu.memory_space<hbm>> -> memref<64xf32, #tpu.memory_space<hbm>>
      tpu.enqueue_dma source(%dma_start3A_1898 : memref<64xf32, #tpu.memory_space<hbm>>) target(%dma_start3A_1895 : memref<64xf32, #tpu.memory_space<vmem>>) target_semaphore(%arg13 : memref<!tpu.dma_semaphore, #tpu.memory_space<semaphore_mem>>)
      %slice3A_1899 = vector.extract_strided_slice %get3A_1828 {offsets = [12], sizes = [1], strides = [1]} : vector<16xi32> to vector<1xi32>
      %squeeze3A_1900 = vector.extract %slice3A_1899[0] : i32 from vector<1xi32>
      %dma_start3A_1901 = arith.constant 4 : i32
      %dma_start3A_1902 = arith.constant 0 : i32
      %dma_start3A_1903 = tpu.memref_slice %arg10[%dma_start3A_1901, %dma_start3A_1902] : memref<16x64xf32, #tpu.memory_space<vmem>> -> memref<1x64xf32, #tpu.memory_space<vmem>>
      %dma_start3A_1904 = tpu.memref_squeeze %dma_start3A_1903 : memref<1x64xf32, #tpu.memory_space<vmem>> -> memref<64xf32, #tpu.memory_space<vmem>>
      %dma_start3A_1905 = arith.constant 0 : i32
      %dma_start3A_1906 = tpu.memref_slice %arg4[%squeeze3A_1900, %dma_start3A_1905] : memref<100000x64xf32, #tpu.memory_space<hbm>> -> memref<1x64xf32, #tpu.memory_space<hbm>>
      %dma_start3A_1907 = tpu.memref_squeeze %dma_start3A_1906 : memref<1x64xf32, #tpu.memory_space<hbm>> -> memref<64xf32, #tpu.memory_space<hbm>>
      %dma_start3A_1908 = arith.constant 0 : i32
      %dma_start3A_1909 = tpu.memref_slice %arg10[%dma_start3A_1901, %dma_start3A_1908] : memref<16x64xf32, #tpu.memory_space<vmem>> -> memref<1x64xf32, #tpu.memory_space<vmem>>
      %dma_start3A_1910 = tpu.memref_squeeze %dma_start3A_1909 : memref<1x64xf32, #tpu.memory_space<vmem>> -> memref<64xf32, #tpu.memory_space<vmem>>
      %dma_start3A_1911 = arith.constant 0 : i32
      %dma_start3A_1912 = tpu.memref_slice %arg4[%squeeze3A_1900, %dma_start3A_1911] : memref<100000x64xf32, #tpu.memory_space<hbm>> -> memref<1x64xf32, #tpu.memory_space<hbm>>
      %dma_start3A_1913 = tpu.memref_squeeze %dma_start3A_1912 : memref<1x64xf32, #tpu.memory_space<hbm>> -> memref<64xf32, #tpu.memory_space<hbm>>
      tpu.enqueue_dma source(%dma_start3A_1913 : memref<64xf32, #tpu.memory_space<hbm>>) target(%dma_start3A_1910 : memref<64xf32, #tpu.memory_space<vmem>>) target_semaphore(%arg13 : memref<!tpu.dma_semaphore, #tpu.memory_space<semaphore_mem>>)
      %slice3A_1914 = vector.extract_strided_slice %get3A_1828 {offsets = [13], sizes = [1], strides = [1]} : vector<16xi32> to vector<1xi32>
      %squeeze3A_1915 = vector.extract %slice3A_1914[0] : i32 from vector<1xi32>
      %dma_start3A_1916 = arith.constant 5 : i32
      %dma_start3A_1917 = arith.constant 0 : i32
      %dma_start3A_1918 = tpu.memref_slice %arg10[%dma_start3A_1916, %dma_start3A_1917] : memref<16x64xf32, #tpu.memory_space<vmem>> -> memref<1x64xf32, #tpu.memory_space<vmem>>
      %dma_start3A_1919 = tpu.memref_squeeze %dma_start3A_1918 : memref<1x64xf32, #tpu.memory_space<vmem>> -> memref<64xf32, #tpu.memory_space<vmem>>
      %dma_start3A_1920 = arith.constant 0 : i32
      %dma_start3A_1921 = tpu.memref_slice %arg4[%squeeze3A_1915, %dma_start3A_1920] : memref<100000x64xf32, #tpu.memory_space<hbm>> -> memref<1x64xf32, #tpu.memory_space<hbm>>
      %dma_start3A_1922 = tpu.memref_squeeze %dma_start3A_1921 : memref<1x64xf32, #tpu.memory_space<hbm>> -> memref<64xf32, #tpu.memory_space<hbm>>
      %dma_start3A_1923 = arith.constant 0 : i32
      %dma_start3A_1924 = tpu.memref_slice %arg10[%dma_start3A_1916, %dma_start3A_1923] : memref<16x64xf32, #tpu.memory_space<vmem>> -> memref<1x64xf32, #tpu.memory_space<vmem>>
      %dma_start3A_1925 = tpu.memref_squeeze %dma_start3A_1924 : memref<1x64xf32, #tpu.memory_space<vmem>> -> memref<64xf32, #tpu.memory_space<vmem>>
      %dma_start3A_1926 = arith.constant 0 : i32
      %dma_start3A_1927 = tpu.memref_slice %arg4[%squeeze3A_1915, %dma_start3A_1926] : memref<100000x64xf32, #tpu.memory_space<hbm>> -> memref<1x64xf32, #tpu.memory_space<hbm>>
      %dma_start3A_1928 = tpu.memref_squeeze %dma_start3A_1927 : memref<1x64xf32, #tpu.memory_space<hbm>> -> memref<64xf32, #tpu.memory_space<hbm>>
      tpu.enqueue_dma source(%dma_start3A_1928 : memref<64xf32, #tpu.memory_space<hbm>>) target(%dma_start3A_1925 : memref<64xf32, #tpu.memory_space<vmem>>) target_semaphore(%arg13 : memref<!tpu.dma_semaphore, #tpu.memory_space<semaphore_mem>>)
      %slice3A_1929 = vector.extract_strided_slice %get3A_1828 {offsets = [14], sizes = [1], strides = [1]} : vector<16xi32> to vector<1xi32>
      %squeeze3A_1930 = vector.extract %slice3A_1929[0] : i32 from vector<1xi32>
      %dma_start3A_1931 = arith.constant 6 : i32
      %dma_start3A_1932 = arith.constant 0 : i32
      %dma_start3A_1933 = tpu.memref_slice %arg10[%dma_start3A_1931, %dma_start3A_1932] : memref<16x64xf32, #tpu.memory_space<vmem>> -> memref<1x64xf32, #tpu.memory_space<vmem>>
      %dma_start3A_1934 = tpu.memref_squeeze %dma_start3A_1933 : memref<1x64xf32, #tpu.memory_space<vmem>> -> memref<64xf32, #tpu.memory_space<vmem>>
      %dma_start3A_1935 = arith.constant 0 : i32
      %dma_start3A_1936 = tpu.memref_slice %arg4[%squeeze3A_1930, %dma_start3A_1935] : memref<100000x64xf32, #tpu.memory_space<hbm>> -> memref<1x64xf32, #tpu.memory_space<hbm>>
      %dma_start3A_1937 = tpu.memref_squeeze %dma_start3A_1936 : memref<1x64xf32, #tpu.memory_space<hbm>> -> memref<64xf32, #tpu.memory_space<hbm>>
      %dma_start3A_1938 = arith.constant 0 : i32
      %dma_start3A_1939 = tpu.memref_slice %arg10[%dma_start3A_1931, %dma_start3A_1938] : memref<16x64xf32, #tpu.memory_space<vmem>> -> memref<1x64xf32, #tpu.memory_space<vmem>>
      %dma_start3A_1940 = tpu.memref_squeeze %dma_start3A_1939 : memref<1x64xf32, #tpu.memory_space<vmem>> -> memref<64xf32, #tpu.memory_space<vmem>>
      %dma_start3A_1941 = arith.constant 0 : i32
      %dma_start3A_1942 = tpu.memref_slice %arg4[%squeeze3A_1930, %dma_start3A_1941] : memref<100000x64xf32, #tpu.memory_space<hbm>> -> memref<1x64xf32, #tpu.memory_space<hbm>>
      %dma_start3A_1943 = tpu.memref_squeeze %dma_start3A_1942 : memref<1x64xf32, #tpu.memory_space<hbm>> -> memref<64xf32, #tpu.memory_space<hbm>>
      tpu.enqueue_dma source(%dma_start3A_1943 : memref<64xf32, #tpu.memory_space<hbm>>) target(%dma_start3A_1940 : memref<64xf32, #tpu.memory_space<vmem>>) target_semaphore(%arg13 : memref<!tpu.dma_semaphore, #tpu.memory_space<semaphore_mem>>)
      %slice3A_1944 = vector.extract_strided_slice %get3A_1828 {offsets = [15], sizes = [1], strides = [1]} : vector<16xi32> to vector<1xi32>
      %squeeze3A_1945 = vector.extract %slice3A_1944[0] : i32 from vector<1xi32>
      %dma_start3A_1946 = arith.constant 7 : i32
      %dma_start3A_1947 = arith.constant 0 : i32
      %dma_start3A_1948 = tpu.memref_slice %arg10[%dma_start3A_1946, %dma_start3A_1947] : memref<16x64xf32, #tpu.memory_space<vmem>> -> memref<1x64xf32, #tpu.memory_space<vmem>>
      %dma_start3A_1949 = tpu.memref_squeeze %dma_start3A_1948 : memref<1x64xf32, #tpu.memory_space<vmem>> -> memref<64xf32, #tpu.memory_space<vmem>>
      %dma_start3A_1950 = arith.constant 0 : i32
      %dma_start3A_1951 = tpu.memref_slice %arg4[%squeeze3A_1945, %dma_start3A_1950] : memref<100000x64xf32, #tpu.memory_space<hbm>> -> memref<1x64xf32, #tpu.memory_space<hbm>>
      %dma_start3A_1952 = tpu.memref_squeeze %dma_start3A_1951 : memref<1x64xf32, #tpu.memory_space<hbm>> -> memref<64xf32, #tpu.memory_space<hbm>>
      %dma_start3A_1953 = arith.constant 0 : i32
      %dma_start3A_1954 = tpu.memref_slice %arg10[%dma_start3A_1946, %dma_start3A_1953] : memref<16x64xf32, #tpu.memory_space<vmem>> -> memref<1x64xf32, #tpu.memory_space<vmem>>
      %dma_start3A_1955 = tpu.memref_squeeze %dma_start3A_1954 : memref<1x64xf32, #tpu.memory_space<vmem>> -> memref<64xf32, #tpu.memory_space<vmem>>
      %dma_start3A_1956 = arith.constant 0 : i32
      %dma_start3A_1957 = tpu.memref_slice %arg4[%squeeze3A_1945, %dma_start3A_1956] : memref<100000x64xf32, #tpu.memory_space<hbm>> -> memref<1x64xf32, #tpu.memory_space<hbm>>
      %dma_start3A_1958 = tpu.memref_squeeze %dma_start3A_1957 : memref<1x64xf32, #tpu.memory_space<hbm>> -> memref<64xf32, #tpu.memory_space<hbm>>
      tpu.enqueue_dma source(%dma_start3A_1958 : memref<64xf32, #tpu.memory_space<hbm>>) target(%dma_start3A_1955 : memref<64xf32, #tpu.memory_space<vmem>>) target_semaphore(%arg13 : memref<!tpu.dma_semaphore, #tpu.memory_space<semaphore_mem>>)
      %slice3A_1959 = vector.extract_strided_slice %get3A_1833 {offsets = [12], sizes = [1], strides = [1]} : vector<16xi32> to vector<1xi32>
      %squeeze3A_1960 = vector.extract %slice3A_1959[0] : i32 from vector<1xi32>
      %dma_start3A_1961 = arith.constant 8 : i32
      %dma_start3A_1962 = arith.constant 0 : i32
      %dma_start3A_1963 = tpu.memref_slice %arg10[%dma_start3A_1961, %dma_start3A_1962] : memref<16x64xf32, #tpu.memory_space<vmem>> -> memref<1x64xf32, #tpu.memory_space<vmem>>
      %dma_start3A_1964 = tpu.memref_squeeze %dma_start3A_1963 : memref<1x64xf32, #tpu.memory_space<vmem>> -> memref<64xf32, #tpu.memory_space<vmem>>
      %dma_start3A_1965 = arith.constant 0 : i32
      %dma_start3A_1966 = tpu.memref_slice %arg5[%squeeze3A_1960, %dma_start3A_1965] : memref<100000x64xf32, #tpu.memory_space<hbm>> -> memref<1x64xf32, #tpu.memory_space<hbm>>
      %dma_start3A_1967 = tpu.memref_squeeze %dma_start3A_1966 : memref<1x64xf32, #tpu.memory_space<hbm>> -> memref<64xf32, #tpu.memory_space<hbm>>
      %dma_start3A_1968 = arith.constant 0 : i32
      %dma_start3A_1969 = tpu.memref_slice %arg10[%dma_start3A_1961, %dma_start3A_1968] : memref<16x64xf32, #tpu.memory_space<vmem>> -> memref<1x64xf32, #tpu.memory_space<vmem>>
      %dma_start3A_1970 = tpu.memref_squeeze %dma_start3A_1969 : memref<1x64xf32, #tpu.memory_space<vmem>> -> memref<64xf32, #tpu.memory_space<vmem>>
      %dma_start3A_1971 = arith.constant 0 : i32
      %dma_start3A_1972 = tpu.memref_slice %arg5[%squeeze3A_1960, %dma_start3A_1971] : memref<100000x64xf32, #tpu.memory_space<hbm>> -> memref<1x64xf32, #tpu.memory_space<hbm>>
      %dma_start3A_1973 = tpu.memref_squeeze %dma_start3A_1972 : memref<1x64xf32, #tpu.memory_space<hbm>> -> memref<64xf32, #tpu.memory_space<hbm>>
      tpu.enqueue_dma source(%dma_start3A_1973 : memref<64xf32, #tpu.memory_space<hbm>>) target(%dma_start3A_1970 : memref<64xf32, #tpu.memory_space<vmem>>) target_semaphore(%arg13 : memref<!tpu.dma_semaphore, #tpu.memory_space<semaphore_mem>>)
      %slice3A_1974 = vector.extract_strided_slice %get3A_1833 {offsets = [13], sizes = [1], strides = [1]} : vector<16xi32> to vector<1xi32>
      %squeeze3A_1975 = vector.extract %slice3A_1974[0] : i32 from vector<1xi32>
      %dma_start3A_1976 = arith.constant 9 : i32
      %dma_start3A_1977 = arith.constant 0 : i32
      %dma_start3A_1978 = tpu.memref_slice %arg10[%dma_start3A_1976, %dma_start3A_1977] : memref<16x64xf32, #tpu.memory_space<vmem>> -> memref<1x64xf32, #tpu.memory_space<vmem>>
      %dma_start3A_1979 = tpu.memref_squeeze %dma_start3A_1978 : memref<1x64xf32, #tpu.memory_space<vmem>> -> memref<64xf32, #tpu.memory_space<vmem>>
      %dma_start3A_1980 = arith.constant 0 : i32
      %dma_start3A_1981 = tpu.memref_slice %arg5[%squeeze3A_1975, %dma_start3A_1980] : memref<100000x64xf32, #tpu.memory_space<hbm>> -> memref<1x64xf32, #tpu.memory_space<hbm>>
      %dma_start3A_1982 = tpu.memref_squeeze %dma_start3A_1981 : memref<1x64xf32, #tpu.memory_space<hbm>> -> memref<64xf32, #tpu.memory_space<hbm>>
      %dma_start3A_1983 = arith.constant 0 : i32
      %dma_start3A_1984 = tpu.memref_slice %arg10[%dma_start3A_1976, %dma_start3A_1983] : memref<16x64xf32, #tpu.memory_space<vmem>> -> memref<1x64xf32, #tpu.memory_space<vmem>>
      %dma_start3A_1985 = tpu.memref_squeeze %dma_start3A_1984 : memref<1x64xf32, #tpu.memory_space<vmem>> -> memref<64xf32, #tpu.memory_space<vmem>>
      %dma_start3A_1986 = arith.constant 0 : i32
      %dma_start3A_1987 = tpu.memref_slice %arg5[%squeeze3A_1975, %dma_start3A_1986] : memref<100000x64xf32, #tpu.memory_space<hbm>> -> memref<1x64xf32, #tpu.memory_space<hbm>>
      %dma_start3A_1988 = tpu.memref_squeeze %dma_start3A_1987 : memref<1x64xf32, #tpu.memory_space<hbm>> -> memref<64xf32, #tpu.memory_space<hbm>>
      tpu.enqueue_dma source(%dma_start3A_1988 : memref<64xf32, #tpu.memory_space<hbm>>) target(%dma_start3A_1985 : memref<64xf32, #tpu.memory_space<vmem>>) target_semaphore(%arg13 : memref<!tpu.dma_semaphore, #tpu.memory_space<semaphore_mem>>)
      %slice3A_1989 = vector.extract_strided_slice %get3A_1833 {offsets = [14], sizes = [1], strides = [1]} : vector<16xi32> to vector<1xi32>
      %squeeze3A_1990 = vector.extract %slice3A_1989[0] : i32 from vector<1xi32>
      %dma_start3A_1991 = arith.constant 10 : i32
      %dma_start3A_1992 = arith.constant 0 : i32
      %dma_start3A_1993 = tpu.memref_slice %arg10[%dma_start3A_1991, %dma_start3A_1992] : memref<16x64xf32, #tpu.memory_space<vmem>> -> memref<1x64xf32, #tpu.memory_space<vmem>>
      %dma_start3A_1994 = tpu.memref_squeeze %dma_start3A_1993 : memref<1x64xf32, #tpu.memory_space<vmem>> -> memref<64xf32, #tpu.memory_space<vmem>>
      %dma_start3A_1995 = arith.constant 0 : i32
      %dma_start3A_1996 = tpu.memref_slice %arg5[%squeeze3A_1990, %dma_start3A_1995] : memref<100000x64xf32, #tpu.memory_space<hbm>> -> memref<1x64xf32, #tpu.memory_space<hbm>>
      %dma_start3A_1997 = tpu.memref_squeeze %dma_start3A_1996 : memref<1x64xf32, #tpu.memory_space<hbm>> -> memref<64xf32, #tpu.memory_space<hbm>>
      %dma_start3A_1998 = arith.constant 0 : i32
      %dma_start3A_1999 = tpu.memref_slice %arg10[%dma_start3A_1991, %dma_start3A_1998] : memref<16x64xf32, #tpu.memory_space<vmem>> -> memref<1x64xf32, #tpu.memory_space<vmem>>
      %dma_start3A_2000 = tpu.memref_squeeze %dma_start3A_1999 : memref<1x64xf32, #tpu.memory_space<vmem>> -> memref<64xf32, #tpu.memory_space<vmem>>
      %dma_start3A_2001 = arith.constant 0 : i32
      %dma_start3A_2002 = tpu.memref_slice %arg5[%squeeze3A_1990, %dma_start3A_2001] : memref<100000x64xf32, #tpu.memory_space<hbm>> -> memref<1x64xf32, #tpu.memory_space<hbm>>
      %dma_start3A_2003 = tpu.memref_squeeze %dma_start3A_2002 : memref<1x64xf32, #tpu.memory_space<hbm>> -> memref<64xf32, #tpu.memory_space<hbm>>
      tpu.enqueue_dma source(%dma_start3A_2003 : memref<64xf32, #tpu.memory_space<hbm>>) target(%dma_start3A_2000 : memref<64xf32, #tpu.memory_space<vmem>>) target_semaphore(%arg13 : memref<!tpu.dma_semaphore, #tpu.memory_space<semaphore_mem>>)
      %slice3A_2004 = vector.extract_strided_slice %get3A_1833 {offsets = [15], sizes = [1], strides = [1]} : vector<16xi32> to vector<1xi32>
      %squeeze3A_2005 = vector.extract %slice3A_2004[0] : i32 from vector<1xi32>
      %dma_start3A_2006 = arith.constant 11 : i32
      %dma_start3A_2007 = arith.constant 0 : i32
      %dma_start3A_2008 = tpu.memref_slice %arg10[%dma_start3A_2006, %dma_start3A_2007] : memref<16x64xf32, #tpu.memory_space<vmem>> -> memref<1x64xf32, #tpu.memory_space<vmem>>
      %dma_start3A_2009 = tpu.memref_squeeze %dma_start3A_2008 : memref<1x64xf32, #tpu.memory_space<vmem>> -> memref<64xf32, #tpu.memory_space<vmem>>
      %dma_start3A_2010 = arith.constant 0 : i32
      %dma_start3A_2011 = tpu.memref_slice %arg5[%squeeze3A_2005, %dma_start3A_2010] : memref<100000x64xf32, #tpu.memory_space<hbm>> -> memref<1x64xf32, #tpu.memory_space<hbm>>
      %dma_start3A_2012 = tpu.memref_squeeze %dma_start3A_2011 : memref<1x64xf32, #tpu.memory_space<hbm>> -> memref<64xf32, #tpu.memory_space<hbm>>
      %dma_start3A_2013 = arith.constant 0 : i32
      %dma_start3A_2014 = tpu.memref_slice %arg10[%dma_start3A_2006, %dma_start3A_2013] : memref<16x64xf32, #tpu.memory_space<vmem>> -> memref<1x64xf32, #tpu.memory_space<vmem>>
      %dma_start3A_2015 = tpu.memref_squeeze %dma_start3A_2014 : memref<1x64xf32, #tpu.memory_space<vmem>> -> memref<64xf32, #tpu.memory_space<vmem>>
      %dma_start3A_2016 = arith.constant 0 : i32
      %dma_start3A_2017 = tpu.memref_slice %arg5[%squeeze3A_2005, %dma_start3A_2016] : memref<100000x64xf32, #tpu.memory_space<hbm>> -> memref<1x64xf32, #tpu.memory_space<hbm>>
      %dma_start3A_2018 = tpu.memref_squeeze %dma_start3A_2017 : memref<1x64xf32, #tpu.memory_space<hbm>> -> memref<64xf32, #tpu.memory_space<hbm>>
      tpu.enqueue_dma source(%dma_start3A_2018 : memref<64xf32, #tpu.memory_space<hbm>>) target(%dma_start3A_2015 : memref<64xf32, #tpu.memory_space<vmem>>) target_semaphore(%arg13 : memref<!tpu.dma_semaphore, #tpu.memory_space<semaphore_mem>>)
      %slice3A_2019 = vector.extract_strided_slice %get3A_1838 {offsets = [12], sizes = [1], strides = [1]} : vector<16xi32> to vector<1xi32>
      %squeeze3A_2020 = vector.extract %slice3A_2019[0] : i32 from vector<1xi32>
      %dma_start3A_2021 = arith.constant 12 : i32
      %dma_start3A_2022 = arith.constant 0 : i32
      %dma_start3A_2023 = tpu.memref_slice %arg10[%dma_start3A_2021, %dma_start3A_2022] : memref<16x64xf32, #tpu.memory_space<vmem>> -> memref<1x64xf32, #tpu.memory_space<vmem>>
      %dma_start3A_2024 = tpu.memref_squeeze %dma_start3A_2023 : memref<1x64xf32, #tpu.memory_space<vmem>> -> memref<64xf32, #tpu.memory_space<vmem>>
      %dma_start3A_2025 = arith.constant 0 : i32
      %dma_start3A_2026 = tpu.memref_slice %arg6[%squeeze3A_2020, %dma_start3A_2025] : memref<100000x64xf32, #tpu.memory_space<hbm>> -> memref<1x64xf32, #tpu.memory_space<hbm>>
      %dma_start3A_2027 = tpu.memref_squeeze %dma_start3A_2026 : memref<1x64xf32, #tpu.memory_space<hbm>> -> memref<64xf32, #tpu.memory_space<hbm>>
      %dma_start3A_2028 = arith.constant 0 : i32
      %dma_start3A_2029 = tpu.memref_slice %arg10[%dma_start3A_2021, %dma_start3A_2028] : memref<16x64xf32, #tpu.memory_space<vmem>> -> memref<1x64xf32, #tpu.memory_space<vmem>>
      %dma_start3A_2030 = tpu.memref_squeeze %dma_start3A_2029 : memref<1x64xf32, #tpu.memory_space<vmem>> -> memref<64xf32, #tpu.memory_space<vmem>>
      %dma_start3A_2031 = arith.constant 0 : i32
      %dma_start3A_2032 = tpu.memref_slice %arg6[%squeeze3A_2020, %dma_start3A_2031] : memref<100000x64xf32, #tpu.memory_space<hbm>> -> memref<1x64xf32, #tpu.memory_space<hbm>>
      %dma_start3A_2033 = tpu.memref_squeeze %dma_start3A_2032 : memref<1x64xf32, #tpu.memory_space<hbm>> -> memref<64xf32, #tpu.memory_space<hbm>>
      tpu.enqueue_dma source(%dma_start3A_2033 : memref<64xf32, #tpu.memory_space<hbm>>) target(%dma_start3A_2030 : memref<64xf32, #tpu.memory_space<vmem>>) target_semaphore(%arg13 : memref<!tpu.dma_semaphore, #tpu.memory_space<semaphore_mem>>)
      %slice3A_2034 = vector.extract_strided_slice %get3A_1838 {offsets = [13], sizes = [1], strides = [1]} : vector<16xi32> to vector<1xi32>
      %squeeze3A_2035 = vector.extract %slice3A_2034[0] : i32 from vector<1xi32>
      %dma_start3A_2036 = arith.constant 13 : i32
      %dma_start3A_2037 = arith.constant 0 : i32
      %dma_start3A_2038 = tpu.memref_slice %arg10[%dma_start3A_2036, %dma_start3A_2037] : memref<16x64xf32, #tpu.memory_space<vmem>> -> memref<1x64xf32, #tpu.memory_space<vmem>>
      %dma_start3A_2039 = tpu.memref_squeeze %dma_start3A_2038 : memref<1x64xf32, #tpu.memory_space<vmem>> -> memref<64xf32, #tpu.memory_space<vmem>>
      %dma_start3A_2040 = arith.constant 0 : i32
      %dma_start3A_2041 = tpu.memref_slice %arg6[%squeeze3A_2035, %dma_start3A_2040] : memref<100000x64xf32, #tpu.memory_space<hbm>> -> memref<1x64xf32, #tpu.memory_space<hbm>>
      %dma_start3A_2042 = tpu.memref_squeeze %dma_start3A_2041 : memref<1x64xf32, #tpu.memory_space<hbm>> -> memref<64xf32, #tpu.memory_space<hbm>>
      %dma_start3A_2043 = arith.constant 0 : i32
      %dma_start3A_2044 = tpu.memref_slice %arg10[%dma_start3A_2036, %dma_start3A_2043] : memref<16x64xf32, #tpu.memory_space<vmem>> -> memref<1x64xf32, #tpu.memory_space<vmem>>
      %dma_start3A_2045 = tpu.memref_squeeze %dma_start3A_2044 : memref<1x64xf32, #tpu.memory_space<vmem>> -> memref<64xf32, #tpu.memory_space<vmem>>
      %dma_start3A_2046 = arith.constant 0 : i32
      %dma_start3A_2047 = tpu.memref_slice %arg6[%squeeze3A_2035, %dma_start3A_2046] : memref<100000x64xf32, #tpu.memory_space<hbm>> -> memref<1x64xf32, #tpu.memory_space<hbm>>
      %dma_start3A_2048 = tpu.memref_squeeze %dma_start3A_2047 : memref<1x64xf32, #tpu.memory_space<hbm>> -> memref<64xf32, #tpu.memory_space<hbm>>
      tpu.enqueue_dma source(%dma_start3A_2048 : memref<64xf32, #tpu.memory_space<hbm>>) target(%dma_start3A_2045 : memref<64xf32, #tpu.memory_space<vmem>>) target_semaphore(%arg13 : memref<!tpu.dma_semaphore, #tpu.memory_space<semaphore_mem>>)
      %slice3A_2049 = vector.extract_strided_slice %get3A_1838 {offsets = [14], sizes = [1], strides = [1]} : vector<16xi32> to vector<1xi32>
      %squeeze3A_2050 = vector.extract %slice3A_2049[0] : i32 from vector<1xi32>
      %dma_start3A_2051 = arith.constant 14 : i32
      %dma_start3A_2052 = arith.constant 0 : i32
      %dma_start3A_2053 = tpu.memref_slice %arg10[%dma_start3A_2051, %dma_start3A_2052] : memref<16x64xf32, #tpu.memory_space<vmem>> -> memref<1x64xf32, #tpu.memory_space<vmem>>
      %dma_start3A_2054 = tpu.memref_squeeze %dma_start3A_2053 : memref<1x64xf32, #tpu.memory_space<vmem>> -> memref<64xf32, #tpu.memory_space<vmem>>
      %dma_start3A_2055 = arith.constant 0 : i32
      %dma_start3A_2056 = tpu.memref_slice %arg6[%squeeze3A_2050, %dma_start3A_2055] : memref<100000x64xf32, #tpu.memory_space<hbm>> -> memref<1x64xf32, #tpu.memory_space<hbm>>
      %dma_start3A_2057 = tpu.memref_squeeze %dma_start3A_2056 : memref<1x64xf32, #tpu.memory_space<hbm>> -> memref<64xf32, #tpu.memory_space<hbm>>
      %dma_start3A_2058 = arith.constant 0 : i32
      %dma_start3A_2059 = tpu.memref_slice %arg10[%dma_start3A_2051, %dma_start3A_2058] : memref<16x64xf32, #tpu.memory_space<vmem>> -> memref<1x64xf32, #tpu.memory_space<vmem>>
      %dma_start3A_2060 = tpu.memref_squeeze %dma_start3A_2059 : memref<1x64xf32, #tpu.memory_space<vmem>> -> memref<64xf32, #tpu.memory_space<vmem>>
      %dma_start3A_2061 = arith.constant 0 : i32
      %dma_start3A_2062 = tpu.memref_slice %arg6[%squeeze3A_2050, %dma_start3A_2061] : memref<100000x64xf32, #tpu.memory_space<hbm>> -> memref<1x64xf32, #tpu.memory_space<hbm>>
      %dma_start3A_2063 = tpu.memref_squeeze %dma_start3A_2062 : memref<1x64xf32, #tpu.memory_space<hbm>> -> memref<64xf32, #tpu.memory_space<hbm>>
      tpu.enqueue_dma source(%dma_start3A_2063 : memref<64xf32, #tpu.memory_space<hbm>>) target(%dma_start3A_2060 : memref<64xf32, #tpu.memory_space<vmem>>) target_semaphore(%arg13 : memref<!tpu.dma_semaphore, #tpu.memory_space<semaphore_mem>>)
      %slice3A_2064 = vector.extract_strided_slice %get3A_1838 {offsets = [15], sizes = [1], strides = [1]} : vector<16xi32> to vector<1xi32>
      %squeeze3A_2065 = vector.extract %slice3A_2064[0] : i32 from vector<1xi32>
      %dma_start3A_2066 = arith.constant 15 : i32
      %dma_start3A_2067 = arith.constant 0 : i32
      %dma_start3A_2068 = tpu.memref_slice %arg10[%dma_start3A_2066, %dma_start3A_2067] : memref<16x64xf32, #tpu.memory_space<vmem>> -> memref<1x64xf32, #tpu.memory_space<vmem>>
      %dma_start3A_2069 = tpu.memref_squeeze %dma_start3A_2068 : memref<1x64xf32, #tpu.memory_space<vmem>> -> memref<64xf32, #tpu.memory_space<vmem>>
      %dma_start3A_2070 = arith.constant 0 : i32
      %dma_start3A_2071 = tpu.memref_slice %arg6[%squeeze3A_2065, %dma_start3A_2070] : memref<100000x64xf32, #tpu.memory_space<hbm>> -> memref<1x64xf32, #tpu.memory_space<hbm>>
      %dma_start3A_2072 = tpu.memref_squeeze %dma_start3A_2071 : memref<1x64xf32, #tpu.memory_space<hbm>> -> memref<64xf32, #tpu.memory_space<hbm>>
      %dma_start3A_2073 = arith.constant 0 : i32
      %dma_start3A_2074 = tpu.memref_slice %arg10[%dma_start3A_2066, %dma_start3A_2073] : memref<16x64xf32, #tpu.memory_space<vmem>> -> memref<1x64xf32, #tpu.memory_space<vmem>>
      %dma_start3A_2075 = tpu.memref_squeeze %dma_start3A_2074 : memref<1x64xf32, #tpu.memory_space<vmem>> -> memref<64xf32, #tpu.memory_space<vmem>>
      %dma_start3A_2076 = arith.constant 0 : i32
      %dma_start3A_2077 = tpu.memref_slice %arg6[%squeeze3A_2065, %dma_start3A_2076] : memref<100000x64xf32, #tpu.memory_space<hbm>> -> memref<1x64xf32, #tpu.memory_space<hbm>>
      %dma_start3A_2078 = tpu.memref_squeeze %dma_start3A_2077 : memref<1x64xf32, #tpu.memory_space<hbm>> -> memref<64xf32, #tpu.memory_space<hbm>>
      tpu.enqueue_dma source(%dma_start3A_2078 : memref<64xf32, #tpu.memory_space<hbm>>) target(%dma_start3A_2075 : memref<64xf32, #tpu.memory_space<vmem>>) target_semaphore(%arg13 : memref<!tpu.dma_semaphore, #tpu.memory_space<semaphore_mem>>)
      %dma_wait3A_2079 = arith.constant 0 : i32
      %dma_wait3A_2080 = arith.constant 0 : i32
      %dma_wait3A_2081 = tpu.memref_slice %arg3[%dma_wait3A_2079, %dma_wait3A_2080] : memref<100000x64xf32, #tpu.memory_space<hbm>> -> memref<16x64xf32, #tpu.memory_space<hbm>>
      %dma_wait3A_2082 = arith.constant 0 : i32
      %dma_wait3A_2083 = arith.constant 0 : i32
      %dma_wait3A_2084 = tpu.memref_slice %arg3[%dma_wait3A_2082, %dma_wait3A_2083] : memref<100000x64xf32, #tpu.memory_space<hbm>> -> memref<16x64xf32, #tpu.memory_space<hbm>>
      tpu.wait_dma2 semaphore(%arg12 : memref<!tpu.dma_semaphore, #tpu.memory_space<semaphore_mem>>) src(%dma_wait3A_2084 : memref<16x64xf32, #tpu.memory_space<hbm>>) dst(%arg9 : memref<16x64xf32, #tpu.memory_space<vmem>>)
      %mul3A_2085 = arith.constant 4 : i32
      %mul3A_2086 = arith.muli %add3A_1814, %mul3A_2085 : i32
      %get3A_2087 = arith.constant 0 : i32
      %get3A_2088 = arith.index_cast %get3A_2087 : i32 to index
      %get3A_2089 = arith.constant 0 : index
      %get3A_2090 = tpu.vector_load %arg9[%get3A_2088, %get3A_2089] {strides = array<i32>} : memref<16x64xf32, #tpu.memory_space<vmem>>, vector<1x16xf32>,
      %get3A_2091 = vector.shape_cast %get3A_2090 : vector<1x16xf32> to vector<16xf32>
      %get3A_2092 = arith.constant 4 : i32
      %get3A_2093 = arith.index_cast %get3A_2092 : i32 to index
      %get3A_2094 = arith.constant 0 : index
      %get3A_2095 = tpu.vector_load %arg9[%get3A_2093, %get3A_2094] {strides = array<i32>} : memref<16x64xf32, #tpu.memory_space<vmem>>, vector<1x16xf32>,
      %get3A_2096 = vector.shape_cast %get3A_2095 : vector<1x16xf32> to vector<16xf32>
      %add3A_2097 = arith.addf %get3A_2091, %get3A_2096 : vector<16xf32>
      %get3A_2098 = arith.constant 8 : i32
      %get3A_2099 = arith.index_cast %get3A_2098 : i32 to index
      %get3A_2100 = arith.constant 0 : index
      %get3A_2101 = tpu.vector_load %arg9[%get3A_2099, %get3A_2100] {strides = array<i32>} : memref<16x64xf32, #tpu.memory_space<vmem>>, vector<1x16xf32>,
      %get3A_2102 = vector.shape_cast %get3A_2101 : vector<1x16xf32> to vector<16xf32>
      %add3A_2103 = arith.addf %add3A_2097, %get3A_2102 : vector<16xf32>
      %get3A_2104 = arith.constant 12 : i32
      %get3A_2105 = arith.index_cast %get3A_2104 : i32 to index
      %get3A_2106 = arith.constant 0 : index
      %get3A_2107 = tpu.vector_load %arg9[%get3A_2105, %get3A_2106] {strides = array<i32>} : memref<16x64xf32, #tpu.memory_space<vmem>>, vector<1x16xf32>,
      %get3A_2108 = vector.shape_cast %get3A_2107 : vector<1x16xf32> to vector<16xf32>
      %add3A_2109 = arith.addf %add3A_2103, %get3A_2108 : vector<16xf32>
      %add3A_2110 = arith.constant 0 : i32
      %add3A_2111 = arith.addi %mul3A_2086, %add3A_2110 : i32
      %swap3A_2112 = arith.index_cast %add3A_2111 : i32 to index
      %swap3A_2113 = arith.constant 0 : index
      %swap3A_2114 = tpu.vector_load %arg11[%swap3A_2112, %swap3A_2113] {strides = array<i32>} : memref<512x64xf32, #tpu.memory_space<vmem>>, vector<1x16xf32>,
      %swap3A_2115 = vector.shape_cast %swap3A_2114 : vector<1x16xf32> to vector<16xf32>
      %swap3A_2116 = vector.shape_cast %add3A_2109 : vector<16xf32> to vector<1x16xf32>
      tpu.vector_store %arg11[%swap3A_2112, %swap3A_2113], %swap3A_2116 {strides = array<i32>} : memref<512x64xf32, #tpu.memory_space<vmem>>, vector<1x16xf32>,
      %get3A_2117 = arith.constant 0 : i32
      %get3A_2118 = arith.index_cast %get3A_2117 : i32 to index
      %get3A_2119 = arith.constant 16 : index
      %get3A_2120 = tpu.vector_load %arg9[%get3A_2118, %get3A_2119] {strides = array<i32>} : memref<16x64xf32, #tpu.memory_space<vmem>>, vector<1x16xf32>,
      %get3A_2121 = vector.shape_cast %get3A_2120 : vector<1x16xf32> to vector<16xf32>
      %get3A_2122 = arith.constant 4 : i32
      %get3A_2123 = arith.index_cast %get3A_2122 : i32 to index
      %get3A_2124 = arith.constant 16 : index
      %get3A_2125 = tpu.vector_load %arg9[%get3A_2123, %get3A_2124] {strides = array<i32>} : memref<16x64xf32, #tpu.memory_space<vmem>>, vector<1x16xf32>,
      %get3A_2126 = vector.shape_cast %get3A_2125 : vector<1x16xf32> to vector<16xf32>
      %add3A_2127 = arith.addf %get3A_2121, %get3A_2126 : vector<16xf32>
      %get3A_2128 = arith.constant 8 : i32
      %get3A_2129 = arith.index_cast %get3A_2128 : i32 to index
      %get3A_2130 = arith.constant 16 : index
      %get3A_2131 = tpu.vector_load %arg9[%get3A_2129, %get3A_2130] {strides = array<i32>} : memref<16x64xf32, #tpu.memory_space<vmem>>, vector<1x16xf32>,
      %get3A_2132 = vector.shape_cast %get3A_2131 : vector<1x16xf32> to vector<16xf32>
      %add3A_2133 = arith.addf %add3A_2127, %get3A_2132 : vector<16xf32>
      %get3A_2134 = arith.constant 12 : i32
      %get3A_2135 = arith.index_cast %get3A_2134 : i32 to index
      %get3A_2136 = arith.constant 16 : index
      %get3A_2137 = tpu.vector_load %arg9[%get3A_2135, %get3A_2136] {strides = array<i32>} : memref<16x64xf32, #tpu.memory_space<vmem>>, vector<1x16xf32>,
      %get3A_2138 = vector.shape_cast %get3A_2137 : vector<1x16xf32> to vector<16xf32>
      %add3A_2139 = arith.addf %add3A_2133, %get3A_2138 : vector<16xf32>
      %add3A_2140 = arith.constant 0 : i32
      %add3A_2141 = arith.addi %mul3A_2086, %add3A_2140 : i32
      %swap3A_2142 = arith.index_cast %add3A_2141 : i32 to index
      %swap3A_2143 = arith.constant 16 : index
      %swap3A_2144 = tpu.vector_load %arg11[%swap3A_2142, %swap3A_2143] {strides = array<i32>} : memref<512x64xf32, #tpu.memory_space<vmem>>, vector<1x16xf32>,
      %swap3A_2145 = vector.shape_cast %swap3A_2144 : vector<1x16xf32> to vector<16xf32>
      %swap3A_2146 = vector.shape_cast %add3A_2139 : vector<16xf32> to vector<1x16xf32>
      tpu.vector_store %arg11[%swap3A_2142, %swap3A_2143], %swap3A_2146 {strides = array<i32>} : memref<512x64xf32, #tpu.memory_space<vmem>>, vector<1x16xf32>,
      %get3A_2147 = arith.constant 0 : i32
      %get3A_2148 = arith.index_cast %get3A_2147 : i32 to index
      %get3A_2149 = arith.constant 32 : index
      %get3A_2150 = tpu.vector_load %arg9[%get3A_2148, %get3A_2149] {strides = array<i32>} : memref<16x64xf32, #tpu.memory_space<vmem>>, vector<1x16xf32>,
      %get3A_2151 = vector.shape_cast %get3A_2150 : vector<1x16xf32> to vector<16xf32>
      %get3A_2152 = arith.constant 4 : i32
      %get3A_2153 = arith.index_cast %get3A_2152 : i32 to index
      %get3A_2154 = arith.constant 32 : index
      %get3A_2155 = tpu.vector_load %arg9[%get3A_2153, %get3A_2154] {strides = array<i32>} : memref<16x64xf32, #tpu.memory_space<vmem>>, vector<1x16xf32>,
      %get3A_2156 = vector.shape_cast %get3A_2155 : vector<1x16xf32> to vector<16xf32>
      %add3A_2157 = arith.addf %get3A_2151, %get3A_2156 : vector<16xf32>
      %get3A_2158 = arith.constant 8 : i32
      %get3A_2159 = arith.index_cast %get3A_2158 : i32 to index
      %get3A_2160 = arith.constant 32 : index
      %get3A_2161 = tpu.vector_load %arg9[%get3A_2159, %get3A_2160] {strides = array<i32>} : memref<16x64xf32, #tpu.memory_space<vmem>>, vector<1x16xf32>,
      %get3A_2162 = vector.shape_cast %get3A_2161 : vector<1x16xf32> to vector<16xf32>
      %add3A_2163 = arith.addf %add3A_2157, %get3A_2162 : vector<16xf32>
      %get3A_2164 = arith.constant 12 : i32
      %get3A_2165 = arith.index_cast %get3A_2164 : i32 to index
      %get3A_2166 = arith.constant 32 : index
      %get3A_2167 = tpu.vector_load %arg9[%get3A_2165, %get3A_2166] {strides = array<i32>} : memref<16x64xf32, #tpu.memory_space<vmem>>, vector<1x16xf32>,
      %get3A_2168 = vector.shape_cast %get3A_2167 : vector<1x16xf32> to vector<16xf32>
      %add3A_2169 = arith.addf %add3A_2163, %get3A_2168 : vector<16xf32>
      %add3A_2170 = arith.constant 0 : i32
      %add3A_2171 = arith.addi %mul3A_2086, %add3A_2170 : i32
      %swap3A_2172 = arith.index_cast %add3A_2171 : i32 to index
      %swap3A_2173 = arith.constant 32 : index
      %swap3A_2174 = tpu.vector_load %arg11[%swap3A_2172, %swap3A_2173] {strides = array<i32>} : memref<512x64xf32, #tpu.memory_space<vmem>>, vector<1x16xf32>,
      %swap3A_2175 = vector.shape_cast %swap3A_2174 : vector<1x16xf32> to vector<16xf32>
      %swap3A_2176 = vector.shape_cast %add3A_2169 : vector<16xf32> to vector<1x16xf32>
      tpu.vector_store %arg11[%swap3A_2172, %swap3A_2173], %swap3A_2176 {strides = array<i32>} : memref<512x64xf32, #tpu.memory_space<vmem>>, vector<1x16xf32>,
      %get3A_2177 = arith.constant 0 : i32
      %get3A_2178 = arith.index_cast %get3A_2177 : i32 to index
      %get3A_2179 = arith.constant 48 : index
      %get3A_2180 = tpu.vector_load %arg9[%get3A_2178, %get3A_2179] {strides = array<i32>} : memref<16x64xf32, #tpu.memory_space<vmem>>, vector<1x16xf32>,
      %get3A_2181 = vector.shape_cast %get3A_2180 : vector<1x16xf32> to vector<16xf32>
      %get3A_2182 = arith.constant 4 : i32
      %get3A_2183 = arith.index_cast %get3A_2182 : i32 to index
      %get3A_2184 = arith.constant 48 : index
      %get3A_2185 = tpu.vector_load %arg9[%get3A_2183, %get3A_2184] {strides = array<i32>} : memref<16x64xf32, #tpu.memory_space<vmem>>, vector<1x16xf32>,
      %get3A_2186 = vector.shape_cast %get3A_2185 : vector<1x16xf32> to vector<16xf32>
      %add3A_2187 = arith.addf %get3A_2181, %get3A_2186 : vector<16xf32>
      %get3A_2188 = arith.constant 8 : i32
      %get3A_2189 = arith.index_cast %get3A_2188 : i32 to index
      %get3A_2190 = arith.constant 48 : index
      %get3A_2191 = tpu.vector_load %arg9[%get3A_2189, %get3A_2190] {strides = array<i32>} : memref<16x64xf32, #tpu.memory_space<vmem>>, vector<1x16xf32>,
      %get3A_2192 = vector.shape_cast %get3A_2191 : vector<1x16xf32> to vector<16xf32>
      %add3A_2193 = arith.addf %add3A_2187, %get3A_2192 : vector<16xf32>
      %get3A_2194 = arith.constant 12 : i32
      %get3A_2195 = arith.index_cast %get3A_2194 : i32 to index
      %get3A_2196 = arith.constant 48 : index
      %get3A_2197 = tpu.vector_load %arg9[%get3A_2195, %get3A_2196] {strides = array<i32>} : memref<16x64xf32, #tpu.memory_space<vmem>>, vector<1x16xf32>,
      %get3A_2198 = vector.shape_cast %get3A_2197 : vector<1x16xf32> to vector<16xf32>
      %add3A_2199 = arith.addf %add3A_2193, %get3A_2198 : vector<16xf32>
      %add3A_2200 = arith.constant 0 : i32
      %add3A_2201 = arith.addi %mul3A_2086, %add3A_2200 : i32
      %swap3A_2202 = arith.index_cast %add3A_2201 : i32 to index
      %swap3A_2203 = arith.constant 48 : index
      %swap3A_2204 = tpu.vector_load %arg11[%swap3A_2202, %swap3A_2203] {strides = array<i32>} : memref<512x64xf32, #tpu.memory_space<vmem>>, vector<1x16xf32>,
      %swap3A_2205 = vector.shape_cast %swap3A_2204 : vector<1x16xf32> to vector<16xf32>
      %swap3A_2206 = vector.shape_cast %add3A_2199 : vector<16xf32> to vector<1x16xf32>
      tpu.vector_store %arg11[%swap3A_2202, %swap3A_2203], %swap3A_2206 {strides = array<i32>} : memref<512x64xf32, #tpu.memory_space<vmem>>, vector<1x16xf32>,
      %get3A_2207 = arith.constant 1 : i32
      %get3A_2208 = arith.index_cast %get3A_2207 : i32 to index
      %get3A_2209 = arith.constant 0 : index
      %get3A_2210 = tpu.vector_load %arg9[%get3A_2208, %get3A_2209] {strides = array<i32>} : memref<16x64xf32, #tpu.memory_space<vmem>>, vector<1x16xf32>,
      %get3A_2211 = vector.shape_cast %get3A_2210 : vector<1x16xf32> to vector<16xf32>
      %get3A_2212 = arith.constant 5 : i32
      %get3A_2213 = arith.index_cast %get3A_2212 : i32 to index
      %get3A_2214 = arith.constant 0 : index
      %get3A_2215 = tpu.vector_load %arg9[%get3A_2213, %get3A_2214] {strides = array<i32>} : memref<16x64xf32, #tpu.memory_space<vmem>>, vector<1x16xf32>,
      %get3A_2216 = vector.shape_cast %get3A_2215 : vector<1x16xf32> to vector<16xf32>
      %add3A_2217 = arith.addf %get3A_2211, %get3A_2216 : vector<16xf32>
      %get3A_2218 = arith.constant 9 : i32
      %get3A_2219 = arith.index_cast %get3A_2218 : i32 to index
      %get3A_2220 = arith.constant 0 : index
      %get3A_2221 = tpu.vector_load %arg9[%get3A_2219, %get3A_2220] {strides = array<i32>} : memref<16x64xf32, #tpu.memory_space<vmem>>, vector<1x16xf32>,
      %get3A_2222 = vector.shape_cast %get3A_2221 : vector<1x16xf32> to vector<16xf32>
      %add3A_2223 = arith.addf %add3A_2217, %get3A_2222 : vector<16xf32>
      %get3A_2224 = arith.constant 13 : i32
      %get3A_2225 = arith.index_cast %get3A_2224 : i32 to index
      %get3A_2226 = arith.constant 0 : index
      %get3A_2227 = tpu.vector_load %arg9[%get3A_2225, %get3A_2226] {strides = array<i32>} : memref<16x64xf32, #tpu.memory_space<vmem>>, vector<1x16xf32>,
      %get3A_2228 = vector.shape_cast %get3A_2227 : vector<1x16xf32> to vector<16xf32>
      %add3A_2229 = arith.addf %add3A_2223, %get3A_2228 : vector<16xf32>
      %add3A_2230 = arith.constant 1 : i32
      %add3A_2231 = arith.addi %mul3A_2086, %add3A_2230 : i32
      %swap3A_2232 = arith.index_cast %add3A_2231 : i32 to index
      %swap3A_2233 = arith.constant 0 : index
      %swap3A_2234 = tpu.vector_load %arg11[%swap3A_2232, %swap3A_2233] {strides = array<i32>} : memref<512x64xf32, #tpu.memory_space<vmem>>, vector<1x16xf32>,
      %swap3A_2235 = vector.shape_cast %swap3A_2234 : vector<1x16xf32> to vector<16xf32>
      %swap3A_2236 = vector.shape_cast %add3A_2229 : vector<16xf32> to vector<1x16xf32>
      tpu.vector_store %arg11[%swap3A_2232, %swap3A_2233], %swap3A_2236 {strides = array<i32>} : memref<512x64xf32, #tpu.memory_space<vmem>>, vector<1x16xf32>,
      %get3A_2237 = arith.constant 1 : i32
      %get3A_2238 = arith.index_cast %get3A_2237 : i32 to index
      %get3A_2239 = arith.constant 16 : index
      %get3A_2240 = tpu.vector_load %arg9[%get3A_2238, %get3A_2239] {strides = array<i32>} : memref<16x64xf32, #tpu.memory_space<vmem>>, vector<1x16xf32>,
      %get3A_2241 = vector.shape_cast %get3A_2240 : vector<1x16xf32> to vector<16xf32>
      %get3A_2242 = arith.constant 5 : i32
      %get3A_2243 = arith.index_cast %get3A_2242 : i32 to index
      %get3A_2244 = arith.constant 16 : index
      %get3A_2245 = tpu.vector_load %arg9[%get3A_2243, %get3A_2244] {strides = array<i32>} : memref<16x64xf32, #tpu.memory_space<vmem>>, vector<1x16xf32>,
      %get3A_2246 = vector.shape_cast %get3A_2245 : vector<1x16xf32> to vector<16xf32>
      %add3A_2247 = arith.addf %get3A_2241, %get3A_2246 : vector<16xf32>
      %get3A_2248 = arith.constant 9 : i32
      %get3A_2249 = arith.index_cast %get3A_2248 : i32 to index
      %get3A_2250 = arith.constant 16 : index
      %get3A_2251 = tpu.vector_load %arg9[%get3A_2249, %get3A_2250] {strides = array<i32>} : memref<16x64xf32, #tpu.memory_space<vmem>>, vector<1x16xf32>,
      %get3A_2252 = vector.shape_cast %get3A_2251 : vector<1x16xf32> to vector<16xf32>
      %add3A_2253 = arith.addf %add3A_2247, %get3A_2252 : vector<16xf32>
      %get3A_2254 = arith.constant 13 : i32
      %get3A_2255 = arith.index_cast %get3A_2254 : i32 to index
      %get3A_2256 = arith.constant 16 : index
      %get3A_2257 = tpu.vector_load %arg9[%get3A_2255, %get3A_2256] {strides = array<i32>} : memref<16x64xf32, #tpu.memory_space<vmem>>, vector<1x16xf32>,
      %get3A_2258 = vector.shape_cast %get3A_2257 : vector<1x16xf32> to vector<16xf32>
      %add3A_2259 = arith.addf %add3A_2253, %get3A_2258 : vector<16xf32>
      %add3A_2260 = arith.constant 1 : i32
      %add3A_2261 = arith.addi %mul3A_2086, %add3A_2260 : i32
      %swap3A_2262 = arith.index_cast %add3A_2261 : i32 to index
      %swap3A_2263 = arith.constant 16 : index
      %swap3A_2264 = tpu.vector_load %arg11[%swap3A_2262, %swap3A_2263] {strides = array<i32>} : memref<512x64xf32, #tpu.memory_space<vmem>>, vector<1x16xf32>,
      %swap3A_2265 = vector.shape_cast %swap3A_2264 : vector<1x16xf32> to vector<16xf32>
      %swap3A_2266 = vector.shape_cast %add3A_2259 : vector<16xf32> to vector<1x16xf32>
      tpu.vector_store %arg11[%swap3A_2262, %swap3A_2263], %swap3A_2266 {strides = array<i32>} : memref<512x64xf32, #tpu.memory_space<vmem>>, vector<1x16xf32>,
      %get3A_2267 = arith.constant 1 : i32
      %get3A_2268 = arith.index_cast %get3A_2267 : i32 to index
      %get3A_2269 = arith.constant 32 : index
      %get3A_2270 = tpu.vector_load %arg9[%get3A_2268, %get3A_2269] {strides = array<i32>} : memref<16x64xf32, #tpu.memory_space<vmem>>, vector<1x16xf32>,
      %get3A_2271 = vector.shape_cast %get3A_2270 : vector<1x16xf32> to vector<16xf32>
      %get3A_2272 = arith.constant 5 : i32
      %get3A_2273 = arith.index_cast %get3A_2272 : i32 to index
      %get3A_2274 = arith.constant 32 : index
      %get3A_2275 = tpu.vector_load %arg9[%get3A_2273, %get3A_2274] {strides = array<i32>} : memref<16x64xf32, #tpu.memory_space<vmem>>, vector<1x16xf32>,
      %get3A_2276 = vector.shape_cast %get3A_2275 : vector<1x16xf32> to vector<16xf32>
      %add3A_2277 = arith.addf %get3A_2271, %get3A_2276 : vector<16xf32>
      %get3A_2278 = arith.constant 9 : i32
      %get3A_2279 = arith.index_cast %get3A_2278 : i32 to index
      %get3A_2280 = arith.constant 32 : index
      %get3A_2281 = tpu.vector_load %arg9[%get3A_2279, %get3A_2280] {strides = array<i32>} : memref<16x64xf32, #tpu.memory_space<vmem>>, vector<1x16xf32>,
      %get3A_2282 = vector.shape_cast %get3A_2281 : vector<1x16xf32> to vector<16xf32>
      %add3A_2283 = arith.addf %add3A_2277, %get3A_2282 : vector<16xf32>
      %get3A_2284 = arith.constant 13 : i32
      %get3A_2285 = arith.index_cast %get3A_2284 : i32 to index
      %get3A_2286 = arith.constant 32 : index
      %get3A_2287 = tpu.vector_load %arg9[%get3A_2285, %get3A_2286] {strides = array<i32>} : memref<16x64xf32, #tpu.memory_space<vmem>>, vector<1x16xf32>,
      %get3A_2288 = vector.shape_cast %get3A_2287 : vector<1x16xf32> to vector<16xf32>
      %add3A_2289 = arith.addf %add3A_2283, %get3A_2288 : vector<16xf32>
      %add3A_2290 = arith.constant 1 : i32
      %add3A_2291 = arith.addi %mul3A_2086, %add3A_2290 : i32
      %swap3A_2292 = arith.index_cast %add3A_2291 : i32 to index
      %swap3A_2293 = arith.constant 32 : index
      %swap3A_2294 = tpu.vector_load %arg11[%swap3A_2292, %swap3A_2293] {strides = array<i32>} : memref<512x64xf32, #tpu.memory_space<vmem>>, vector<1x16xf32>,
      %swap3A_2295 = vector.shape_cast %swap3A_2294 : vector<1x16xf32> to vector<16xf32>
      %swap3A_2296 = vector.shape_cast %add3A_2289 : vector<16xf32> to vector<1x16xf32>
      tpu.vector_store %arg11[%swap3A_2292, %swap3A_2293], %swap3A_2296 {strides = array<i32>} : memref<512x64xf32, #tpu.memory_space<vmem>>, vector<1x16xf32>,
      %get3A_2297 = arith.constant 1 : i32
      %get3A_2298 = arith.index_cast %get3A_2297 : i32 to index
      %get3A_2299 = arith.constant 48 : index
      %get3A_2300 = tpu.vector_load %arg9[%get3A_2298, %get3A_2299] {strides = array<i32>} : memref<16x64xf32, #tpu.memory_space<vmem>>, vector<1x16xf32>,
      %get3A_2301 = vector.shape_cast %get3A_2300 : vector<1x16xf32> to vector<16xf32>
      %get3A_2302 = arith.constant 5 : i32
      %get3A_2303 = arith.index_cast %get3A_2302 : i32 to index
      %get3A_2304 = arith.constant 48 : index
      %get3A_2305 = tpu.vector_load %arg9[%get3A_2303, %get3A_2304] {strides = array<i32>} : memref<16x64xf32, #tpu.memory_space<vmem>>, vector<1x16xf32>,
      %get3A_2306 = vector.shape_cast %get3A_2305 : vector<1x16xf32> to vector<16xf32>
      %add3A_2307 = arith.addf %get3A_2301, %get3A_2306 : vector<16xf32>
      %get3A_2308 = arith.constant 9 : i32
      %get3A_2309 = arith.index_cast %get3A_2308 : i32 to index
      %get3A_2310 = arith.constant 48 : index
      %get3A_2311 = tpu.vector_load %arg9[%get3A_2309, %get3A_2310] {strides = array<i32>} : memref<16x64xf32, #tpu.memory_space<vmem>>, vector<1x16xf32>,
      %get3A_2312 = vector.shape_cast %get3A_2311 : vector<1x16xf32> to vector<16xf32>
      %add3A_2313 = arith.addf %add3A_2307, %get3A_2312 : vector<16xf32>
      %get3A_2314 = arith.constant 13 : i32
      %get3A_2315 = arith.index_cast %get3A_2314 : i32 to index
      %get3A_2316 = arith.constant 48 : index
      %get3A_2317 = tpu.vector_load %arg9[%get3A_2315, %get3A_2316] {strides = array<i32>} : memref<16x64xf32, #tpu.memory_space<vmem>>, vector<1x16xf32>,
      %get3A_2318 = vector.shape_cast %get3A_2317 : vector<1x16xf32> to vector<16xf32>
      %add3A_2319 = arith.addf %add3A_2313, %get3A_2318 : vector<16xf32>
      %add3A_2320 = arith.constant 1 : i32
      %add3A_2321 = arith.addi %mul3A_2086, %add3A_2320 : i32
      %swap3A_2322 = arith.index_cast %add3A_2321 : i32 to index
      %swap3A_2323 = arith.constant 48 : index
      %swap3A_2324 = tpu.vector_load %arg11[%swap3A_2322, %swap3A_2323] {strides = array<i32>} : memref<512x64xf32, #tpu.memory_space<vmem>>, vector<1x16xf32>,
      %swap3A_2325 = vector.shape_cast %swap3A_2324 : vector<1x16xf32> to vector<16xf32>
      %swap3A_2326 = vector.shape_cast %add3A_2319 : vector<16xf32> to vector<1x16xf32>
      tpu.vector_store %arg11[%swap3A_2322, %swap3A_2323], %swap3A_2326 {strides = array<i32>} : memref<512x64xf32, #tpu.memory_space<vmem>>, vector<1x16xf32>,
      %get3A_2327 = arith.constant 2 : i32
      %get3A_2328 = arith.index_cast %get3A_2327 : i32 to index
      %get3A_2329 = arith.constant 0 : index
      %get3A_2330 = tpu.vector_load %arg9[%get3A_2328, %get3A_2329] {strides = array<i32>} : memref<16x64xf32, #tpu.memory_space<vmem>>, vector<1x16xf32>,
      %get3A_2331 = vector.shape_cast %get3A_2330 : vector<1x16xf32> to vector<16xf32>
      %get3A_2332 = arith.constant 6 : i32
      %get3A_2333 = arith.index_cast %get3A_2332 : i32 to index
      %get3A_2334 = arith.constant 0 : index
      %get3A_2335 = tpu.vector_load %arg9[%get3A_2333, %get3A_2334] {strides = array<i32>} : memref<16x64xf32, #tpu.memory_space<vmem>>, vector<1x16xf32>,
      %get3A_2336 = vector.shape_cast %get3A_2335 : vector<1x16xf32> to vector<16xf32>
      %add3A_2337 = arith.addf %get3A_2331, %get3A_2336 : vector<16xf32>
      %get3A_2338 = arith.constant 10 : i32
      %get3A_2339 = arith.index_cast %get3A_2338 : i32 to index
      %get3A_2340 = arith.constant 0 : index
      %get3A_2341 = tpu.vector_load %arg9[%get3A_2339, %get3A_2340] {strides = array<i32>} : memref<16x64xf32, #tpu.memory_space<vmem>>, vector<1x16xf32>,
      %get3A_2342 = vector.shape_cast %get3A_2341 : vector<1x16xf32> to vector<16xf32>
      %add3A_2343 = arith.addf %add3A_2337, %get3A_2342 : vector<16xf32>
      %get3A_2344 = arith.constant 14 : i32
      %get3A_2345 = arith.index_cast %get3A_2344 : i32 to index
      %get3A_2346 = arith.constant 0 : index
      %get3A_2347 = tpu.vector_load %arg9[%get3A_2345, %get3A_2346] {strides = array<i32>} : memref<16x64xf32, #tpu.memory_space<vmem>>, vector<1x16xf32>,
      %get3A_2348 = vector.shape_cast %get3A_2347 : vector<1x16xf32> to vector<16xf32>
      %add3A_2349 = arith.addf %add3A_2343, %get3A_2348 : vector<16xf32>
      %add3A_2350 = arith.constant 2 : i32
      %add3A_2351 = arith.addi %mul3A_2086, %add3A_2350 : i32
      %swap3A_2352 = arith.index_cast %add3A_2351 : i32 to index
      %swap3A_2353 = arith.constant 0 : index
      %swap3A_2354 = tpu.vector_load %arg11[%swap3A_2352, %swap3A_2353] {strides = array<i32>} : memref<512x64xf32, #tpu.memory_space<vmem>>, vector<1x16xf32>,
      %swap3A_2355 = vector.shape_cast %swap3A_2354 : vector<1x16xf32> to vector<16xf32>
      %swap3A_2356 = vector.shape_cast %add3A_2349 : vector<16xf32> to vector<1x16xf32>
      tpu.vector_store %arg11[%swap3A_2352, %swap3A_2353], %swap3A_2356 {strides = array<i32>} : memref<512x64xf32, #tpu.memory_space<vmem>>, vector<1x16xf32>,
      %get3A_2357 = arith.constant 2 : i32
      %get3A_2358 = arith.index_cast %get3A_2357 : i32 to index
      %get3A_2359 = arith.constant 16 : index
      %get3A_2360 = tpu.vector_load %arg9[%get3A_2358, %get3A_2359] {strides = array<i32>} : memref<16x64xf32, #tpu.memory_space<vmem>>, vector<1x16xf32>,
      %get3A_2361 = vector.shape_cast %get3A_2360 : vector<1x16xf32> to vector<16xf32>
      %get3A_2362 = arith.constant 6 : i32
      %get3A_2363 = arith.index_cast %get3A_2362 : i32 to index
      %get3A_2364 = arith.constant 16 : index
      %get3A_2365 = tpu.vector_load %arg9[%get3A_2363, %get3A_2364] {strides = array<i32>} : memref<16x64xf32, #tpu.memory_space<vmem>>, vector<1x16xf32>,
      %get3A_2366 = vector.shape_cast %get3A_2365 : vector<1x16xf32> to vector<16xf32>
      %add3A_2367 = arith.addf %get3A_2361, %get3A_2366 : vector<16xf32>
      %get3A_2368 = arith.constant 10 : i32
      %get3A_2369 = arith.index_cast %get3A_2368 : i32 to index
      %get3A_2370 = arith.constant 16 : index
      %get3A_2371 = tpu.vector_load %arg9[%get3A_2369, %get3A_2370] {strides = array<i32>} : memref<16x64xf32, #tpu.memory_space<vmem>>, vector<1x16xf32>,
      %get3A_2372 = vector.shape_cast %get3A_2371 : vector<1x16xf32> to vector<16xf32>
      %add3A_2373 = arith.addf %add3A_2367, %get3A_2372 : vector<16xf32>
      %get3A_2374 = arith.constant 14 : i32
      %get3A_2375 = arith.index_cast %get3A_2374 : i32 to index
      %get3A_2376 = arith.constant 16 : index
      %get3A_2377 = tpu.vector_load %arg9[%get3A_2375, %get3A_2376] {strides = array<i32>} : memref<16x64xf32, #tpu.memory_space<vmem>>, vector<1x16xf32>,
      %get3A_2378 = vector.shape_cast %get3A_2377 : vector<1x16xf32> to vector<16xf32>
      %add3A_2379 = arith.addf %add3A_2373, %get3A_2378 : vector<16xf32>
      %add3A_2380 = arith.constant 2 : i32
      %add3A_2381 = arith.addi %mul3A_2086, %add3A_2380 : i32
      %swap3A_2382 = arith.index_cast %add3A_2381 : i32 to index
      %swap3A_2383 = arith.constant 16 : index
      %swap3A_2384 = tpu.vector_load %arg11[%swap3A_2382, %swap3A_2383] {strides = array<i32>} : memref<512x64xf32, #tpu.memory_space<vmem>>, vector<1x16xf32>,
      %swap3A_2385 = vector.shape_cast %swap3A_2384 : vector<1x16xf32> to vector<16xf32>
      %swap3A_2386 = vector.shape_cast %add3A_2379 : vector<16xf32> to vector<1x16xf32>
      tpu.vector_store %arg11[%swap3A_2382, %swap3A_2383], %swap3A_2386 {strides = array<i32>} : memref<512x64xf32, #tpu.memory_space<vmem>>, vector<1x16xf32>,
      %get3A_2387 = arith.constant 2 : i32
      %get3A_2388 = arith.index_cast %get3A_2387 : i32 to index
      %get3A_2389 = arith.constant 32 : index
      %get3A_2390 = tpu.vector_load %arg9[%get3A_2388, %get3A_2389] {strides = array<i32>} : memref<16x64xf32, #tpu.memory_space<vmem>>, vector<1x16xf32>,
      %get3A_2391 = vector.shape_cast %get3A_2390 : vector<1x16xf32> to vector<16xf32>
      %get3A_2392 = arith.constant 6 : i32
      %get3A_2393 = arith.index_cast %get3A_2392 : i32 to index
      %get3A_2394 = arith.constant 32 : index
      %get3A_2395 = tpu.vector_load %arg9[%get3A_2393, %get3A_2394] {strides = array<i32>} : memref<16x64xf32, #tpu.memory_space<vmem>>, vector<1x16xf32>,
      %get3A_2396 = vector.shape_cast %get3A_2395 : vector<1x16xf32> to vector<16xf32>
      %add3A_2397 = arith.addf %get3A_2391, %get3A_2396 : vector<16xf32>
      %get3A_2398 = arith.constant 10 : i32
      %get3A_2399 = arith.index_cast %get3A_2398 : i32 to index
      %get3A_2400 = arith.constant 32 : index
      %get3A_2401 = tpu.vector_load %arg9[%get3A_2399, %get3A_2400] {strides = array<i32>} : memref<16x64xf32, #tpu.memory_space<vmem>>, vector<1x16xf32>,
      %get3A_2402 = vector.shape_cast %get3A_2401 : vector<1x16xf32> to vector<16xf32>
      %add3A_2403 = arith.addf %add3A_2397, %get3A_2402 : vector<16xf32>
      %get3A_2404 = arith.constant 14 : i32
      %get3A_2405 = arith.index_cast %get3A_2404 : i32 to index
      %get3A_2406 = arith.constant 32 : index
      %get3A_2407 = tpu.vector_load %arg9[%get3A_2405, %get3A_2406] {strides = array<i32>} : memref<16x64xf32, #tpu.memory_space<vmem>>, vector<1x16xf32>,
      %get3A_2408 = vector.shape_cast %get3A_2407 : vector<1x16xf32> to vector<16xf32>
      %add3A_2409 = arith.addf %add3A_2403, %get3A_2408 : vector<16xf32>
      %add3A_2410 = arith.constant 2 : i32
      %add3A_2411 = arith.addi %mul3A_2086, %add3A_2410 : i32
      %swap3A_2412 = arith.index_cast %add3A_2411 : i32 to index
      %swap3A_2413 = arith.constant 32 : index
      %swap3A_2414 = tpu.vector_load %arg11[%swap3A_2412, %swap3A_2413] {strides = array<i32>} : memref<512x64xf32, #tpu.memory_space<vmem>>, vector<1x16xf32>,
      %swap3A_2415 = vector.shape_cast %swap3A_2414 : vector<1x16xf32> to vector<16xf32>
      %swap3A_2416 = vector.shape_cast %add3A_2409 : vector<16xf32> to vector<1x16xf32>
      tpu.vector_store %arg11[%swap3A_2412, %swap3A_2413], %swap3A_2416 {strides = array<i32>} : memref<512x64xf32, #tpu.memory_space<vmem>>, vector<1x16xf32>,
      %get3A_2417 = arith.constant 2 : i32
      %get3A_2418 = arith.index_cast %get3A_2417 : i32 to index
      %get3A_2419 = arith.constant 48 : index
      %get3A_2420 = tpu.vector_load %arg9[%get3A_2418, %get3A_2419] {strides = array<i32>} : memref<16x64xf32, #tpu.memory_space<vmem>>, vector<1x16xf32>,
      %get3A_2421 = vector.shape_cast %get3A_2420 : vector<1x16xf32> to vector<16xf32>
      %get3A_2422 = arith.constant 6 : i32
      %get3A_2423 = arith.index_cast %get3A_2422 : i32 to index
      %get3A_2424 = arith.constant 48 : index
      %get3A_2425 = tpu.vector_load %arg9[%get3A_2423, %get3A_2424] {strides = array<i32>} : memref<16x64xf32, #tpu.memory_space<vmem>>, vector<1x16xf32>,
      %get3A_2426 = vector.shape_cast %get3A_2425 : vector<1x16xf32> to vector<16xf32>
      %add3A_2427 = arith.addf %get3A_2421, %get3A_2426 : vector<16xf32>
      %get3A_2428 = arith.constant 10 : i32
      %get3A_2429 = arith.index_cast %get3A_2428 : i32 to index
      %get3A_2430 = arith.constant 48 : index
      %get3A_2431 = tpu.vector_load %arg9[%get3A_2429, %get3A_2430] {strides = array<i32>} : memref<16x64xf32, #tpu.memory_space<vmem>>, vector<1x16xf32>,
      %get3A_2432 = vector.shape_cast %get3A_2431 : vector<1x16xf32> to vector<16xf32>
      %add3A_2433 = arith.addf %add3A_2427, %get3A_2432 : vector<16xf32>
      %get3A_2434 = arith.constant 14 : i32
      %get3A_2435 = arith.index_cast %get3A_2434 : i32 to index
      %get3A_2436 = arith.constant 48 : index
      %get3A_2437 = tpu.vector_load %arg9[%get3A_2435, %get3A_2436] {strides = array<i32>} : memref<16x64xf32, #tpu.memory_space<vmem>>, vector<1x16xf32>,
      %get3A_2438 = vector.shape_cast %get3A_2437 : vector<1x16xf32> to vector<16xf32>
      %add3A_2439 = arith.addf %add3A_2433, %get3A_2438 : vector<16xf32>
      %add3A_2440 = arith.constant 2 : i32
      %add3A_2441 = arith.addi %mul3A_2086, %add3A_2440 : i32
      %swap3A_2442 = arith.index_cast %add3A_2441 : i32 to index
      %swap3A_2443 = arith.constant 48 : index
      %swap3A_2444 = tpu.vector_load %arg11[%swap3A_2442, %swap3A_2443] {strides = array<i32>} : memref<512x64xf32, #tpu.memory_space<vmem>>, vector<1x16xf32>,
      %swap3A_2445 = vector.shape_cast %swap3A_2444 : vector<1x16xf32> to vector<16xf32>
      %swap3A_2446 = vector.shape_cast %add3A_2439 : vector<16xf32> to vector<1x16xf32>
      tpu.vector_store %arg11[%swap3A_2442, %swap3A_2443], %swap3A_2446 {strides = array<i32>} : memref<512x64xf32, #tpu.memory_space<vmem>>, vector<1x16xf32>,
      %get3A_2447 = arith.constant 3 : i32
      %get3A_2448 = arith.index_cast %get3A_2447 : i32 to index
      %get3A_2449 = arith.constant 0 : index
      %get3A_2450 = tpu.vector_load %arg9[%get3A_2448, %get3A_2449] {strides = array<i32>} : memref<16x64xf32, #tpu.memory_space<vmem>>, vector<1x16xf32>,
      %get3A_2451 = vector.shape_cast %get3A_2450 : vector<1x16xf32> to vector<16xf32>
      %get3A_2452 = arith.constant 7 : i32
      %get3A_2453 = arith.index_cast %get3A_2452 : i32 to index
      %get3A_2454 = arith.constant 0 : index
      %get3A_2455 = tpu.vector_load %arg9[%get3A_2453, %get3A_2454] {strides = array<i32>} : memref<16x64xf32, #tpu.memory_space<vmem>>, vector<1x16xf32>,
      %get3A_2456 = vector.shape_cast %get3A_2455 : vector<1x16xf32> to vector<16xf32>
      %add3A_2457 = arith.addf %get3A_2451, %get3A_2456 : vector<16xf32>
      %get3A_2458 = arith.constant 11 : i32
      %get3A_2459 = arith.index_cast %get3A_2458 : i32 to index
      %get3A_2460 = arith.constant 0 : index
      %get3A_2461 = tpu.vector_load %arg9[%get3A_2459, %get3A_2460] {strides = array<i32>} : memref<16x64xf32, #tpu.memory_space<vmem>>, vector<1x16xf32>,
      %get3A_2462 = vector.shape_cast %get3A_2461 : vector<1x16xf32> to vector<16xf32>
      %add3A_2463 = arith.addf %add3A_2457, %get3A_2462 : vector<16xf32>
      %get3A_2464 = arith.constant 15 : i32
      %get3A_2465 = arith.index_cast %get3A_2464 : i32 to index
      %get3A_2466 = arith.constant 0 : index
      %get3A_2467 = tpu.vector_load %arg9[%get3A_2465, %get3A_2466] {strides = array<i32>} : memref<16x64xf32, #tpu.memory_space<vmem>>, vector<1x16xf32>,
      %get3A_2468 = vector.shape_cast %get3A_2467 : vector<1x16xf32> to vector<16xf32>
      %add3A_2469 = arith.addf %add3A_2463, %get3A_2468 : vector<16xf32>
      %add3A_2470 = arith.constant 3 : i32
      %add3A_2471 = arith.addi %mul3A_2086, %add3A_2470 : i32
      %swap3A_2472 = arith.index_cast %add3A_2471 : i32 to index
      %swap3A_2473 = arith.constant 0 : index
      %swap3A_2474 = tpu.vector_load %arg11[%swap3A_2472, %swap3A_2473] {strides = array<i32>} : memref<512x64xf32, #tpu.memory_space<vmem>>, vector<1x16xf32>,
      %swap3A_2475 = vector.shape_cast %swap3A_2474 : vector<1x16xf32> to vector<16xf32>
      %swap3A_2476 = vector.shape_cast %add3A_2469 : vector<16xf32> to vector<1x16xf32>
      tpu.vector_store %arg11[%swap3A_2472, %swap3A_2473], %swap3A_2476 {strides = array<i32>} : memref<512x64xf32, #tpu.memory_space<vmem>>, vector<1x16xf32>,
      %get3A_2477 = arith.constant 3 : i32
      %get3A_2478 = arith.index_cast %get3A_2477 : i32 to index
      %get3A_2479 = arith.constant 16 : index
      %get3A_2480 = tpu.vector_load %arg9[%get3A_2478, %get3A_2479] {strides = array<i32>} : memref<16x64xf32, #tpu.memory_space<vmem>>, vector<1x16xf32>,
      %get3A_2481 = vector.shape_cast %get3A_2480 : vector<1x16xf32> to vector<16xf32>
      %get3A_2482 = arith.constant 7 : i32
      %get3A_2483 = arith.index_cast %get3A_2482 : i32 to index
      %get3A_2484 = arith.constant 16 : index
      %get3A_2485 = tpu.vector_load %arg9[%get3A_2483, %get3A_2484] {strides = array<i32>} : memref<16x64xf32, #tpu.memory_space<vmem>>, vector<1x16xf32>,
      %get3A_2486 = vector.shape_cast %get3A_2485 : vector<1x16xf32> to vector<16xf32>
      %add3A_2487 = arith.addf %get3A_2481, %get3A_2486 : vector<16xf32>
      %get3A_2488 = arith.constant 11 : i32
      %get3A_2489 = arith.index_cast %get3A_2488 : i32 to index
      %get3A_2490 = arith.constant 16 : index
      %get3A_2491 = tpu.vector_load %arg9[%get3A_2489, %get3A_2490] {strides = array<i32>} : memref<16x64xf32, #tpu.memory_space<vmem>>, vector<1x16xf32>,
      %get3A_2492 = vector.shape_cast %get3A_2491 : vector<1x16xf32> to vector<16xf32>
      %add3A_2493 = arith.addf %add3A_2487, %get3A_2492 : vector<16xf32>
      %get3A_2494 = arith.constant 15 : i32
      %get3A_2495 = arith.index_cast %get3A_2494 : i32 to index
      %get3A_2496 = arith.constant 16 : index
      %get3A_2497 = tpu.vector_load %arg9[%get3A_2495, %get3A_2496] {strides = array<i32>} : memref<16x64xf32, #tpu.memory_space<vmem>>, vector<1x16xf32>,
      %get3A_2498 = vector.shape_cast %get3A_2497 : vector<1x16xf32> to vector<16xf32>
      %add3A_2499 = arith.addf %add3A_2493, %get3A_2498 : vector<16xf32>
      %add3A_2500 = arith.constant 3 : i32
      %add3A_2501 = arith.addi %mul3A_2086, %add3A_2500 : i32
      %swap3A_2502 = arith.index_cast %add3A_2501 : i32 to index
      %swap3A_2503 = arith.constant 16 : index
      %swap3A_2504 = tpu.vector_load %arg11[%swap3A_2502, %swap3A_2503] {strides = array<i32>} : memref<512x64xf32, #tpu.memory_space<vmem>>, vector<1x16xf32>,
      %swap3A_2505 = vector.shape_cast %swap3A_2504 : vector<1x16xf32> to vector<16xf32>
      %swap3A_2506 = vector.shape_cast %add3A_2499 : vector<16xf32> to vector<1x16xf32>
      tpu.vector_store %arg11[%swap3A_2502, %swap3A_2503], %swap3A_2506 {strides = array<i32>} : memref<512x64xf32, #tpu.memory_space<vmem>>, vector<1x16xf32>,
      %get3A_2507 = arith.constant 3 : i32
      %get3A_2508 = arith.index_cast %get3A_2507 : i32 to index
      %get3A_2509 = arith.constant 32 : index
      %get3A_2510 = tpu.vector_load %arg9[%get3A_2508, %get3A_2509] {strides = array<i32>} : memref<16x64xf32, #tpu.memory_space<vmem>>, vector<1x16xf32>,
      %get3A_2511 = vector.shape_cast %get3A_2510 : vector<1x16xf32> to vector<16xf32>
      %get3A_2512 = arith.constant 7 : i32
      %get3A_2513 = arith.index_cast %get3A_2512 : i32 to index
      %get3A_2514 = arith.constant 32 : index
      %get3A_2515 = tpu.vector_load %arg9[%get3A_2513, %get3A_2514] {strides = array<i32>} : memref<16x64xf32, #tpu.memory_space<vmem>>, vector<1x16xf32>,
      %get3A_2516 = vector.shape_cast %get3A_2515 : vector<1x16xf32> to vector<16xf32>
      %add3A_2517 = arith.addf %get3A_2511, %get3A_2516 : vector<16xf32>
      %get3A_2518 = arith.constant 11 : i32
      %get3A_2519 = arith.index_cast %get3A_2518 : i32 to index
      %get3A_2520 = arith.constant 32 : index
      %get3A_2521 = tpu.vector_load %arg9[%get3A_2519, %get3A_2520] {strides = array<i32>} : memref<16x64xf32, #tpu.memory_space<vmem>>, vector<1x16xf32>,
      %get3A_2522 = vector.shape_cast %get3A_2521 : vector<1x16xf32> to vector<16xf32>
      %add3A_2523 = arith.addf %add3A_2517, %get3A_2522 : vector<16xf32>
      %get3A_2524 = arith.constant 15 : i32
      %get3A_2525 = arith.index_cast %get3A_2524 : i32 to index
      %get3A_2526 = arith.constant 32 : index
      %get3A_2527 = tpu.vector_load %arg9[%get3A_2525, %get3A_2526] {strides = array<i32>} : memref<16x64xf32, #tpu.memory_space<vmem>>, vector<1x16xf32>,
      %get3A_2528 = vector.shape_cast %get3A_2527 : vector<1x16xf32> to vector<16xf32>
      %add3A_2529 = arith.addf %add3A_2523, %get3A_2528 : vector<16xf32>
      %add3A_2530 = arith.constant 3 : i32
      %add3A_2531 = arith.addi %mul3A_2086, %add3A_2530 : i32
      %swap3A_2532 = arith.index_cast %add3A_2531 : i32 to index
      %swap3A_2533 = arith.constant 32 : index
      %swap3A_2534 = tpu.vector_load %arg11[%swap3A_2532, %swap3A_2533] {strides = array<i32>} : memref<512x64xf32, #tpu.memory_space<vmem>>, vector<1x16xf32>,
      %swap3A_2535 = vector.shape_cast %swap3A_2534 : vector<1x16xf32> to vector<16xf32>
      %swap3A_2536 = vector.shape_cast %add3A_2529 : vector<16xf32> to vector<1x16xf32>
      tpu.vector_store %arg11[%swap3A_2532, %swap3A_2533], %swap3A_2536 {strides = array<i32>} : memref<512x64xf32, #tpu.memory_space<vmem>>, vector<1x16xf32>,
      %get3A_2537 = arith.constant 3 : i32
      %get3A_2538 = arith.index_cast %get3A_2537 : i32 to index
      %get3A_2539 = arith.constant 48 : index
      %get3A_2540 = tpu.vector_load %arg9[%get3A_2538, %get3A_2539] {strides = array<i32>} : memref<16x64xf32, #tpu.memory_space<vmem>>, vector<1x16xf32>,
      %get3A_2541 = vector.shape_cast %get3A_2540 : vector<1x16xf32> to vector<16xf32>
      %get3A_2542 = arith.constant 7 : i32
      %get3A_2543 = arith.index_cast %get3A_2542 : i32 to index
      %get3A_2544 = arith.constant 48 : index
      %get3A_2545 = tpu.vector_load %arg9[%get3A_2543, %get3A_2544] {strides = array<i32>} : memref<16x64xf32, #tpu.memory_space<vmem>>, vector<1x16xf32>,
      %get3A_2546 = vector.shape_cast %get3A_2545 : vector<1x16xf32> to vector<16xf32>
      %add3A_2547 = arith.addf %get3A_2541, %get3A_2546 : vector<16xf32>
      %get3A_2548 = arith.constant 11 : i32
      %get3A_2549 = arith.index_cast %get3A_2548 : i32 to index
      %get3A_2550 = arith.constant 48 : index
      %get3A_2551 = tpu.vector_load %arg9[%get3A_2549, %get3A_2550] {strides = array<i32>} : memref<16x64xf32, #tpu.memory_space<vmem>>, vector<1x16xf32>,
      %get3A_2552 = vector.shape_cast %get3A_2551 : vector<1x16xf32> to vector<16xf32>
      %add3A_2553 = arith.addf %add3A_2547, %get3A_2552 : vector<16xf32>
      %get3A_2554 = arith.constant 15 : i32
      %get3A_2555 = arith.index_cast %get3A_2554 : i32 to index
      %get3A_2556 = arith.constant 48 : index
      %get3A_2557 = tpu.vector_load %arg9[%get3A_2555, %get3A_2556] {strides = array<i32>} : memref<16x64xf32, #tpu.memory_space<vmem>>, vector<1x16xf32>,
      %get3A_2558 = vector.shape_cast %get3A_2557 : vector<1x16xf32> to vector<16xf32>
      %add3A_2559 = arith.addf %add3A_2553, %get3A_2558 : vector<16xf32>
      %add3A_2560 = arith.constant 3 : i32
      %add3A_2561 = arith.addi %mul3A_2086, %add3A_2560 : i32
      %swap3A_2562 = arith.index_cast %add3A_2561 : i32 to index
      %swap3A_2563 = arith.constant 48 : index
      %swap3A_2564 = tpu.vector_load %arg11[%swap3A_2562, %swap3A_2563] {strides = array<i32>} : memref<512x64xf32, #tpu.memory_space<vmem>>, vector<1x16xf32>,
      %swap3A_2565 = vector.shape_cast %swap3A_2564 : vector<1x16xf32> to vector<16xf32>
      %swap3A_2566 = vector.shape_cast %add3A_2559 : vector<16xf32> to vector<1x16xf32>
      tpu.vector_store %arg11[%swap3A_2562, %swap3A_2563], %swap3A_2566 {strides = array<i32>} : memref<512x64xf32, #tpu.memory_space<vmem>>, vector<1x16xf32>,
      %add3A_2567 = arith.constant 3 : i32
      %add3A_2568 = arith.addi %mul3A_304, %add3A_2567 : i32
      %add3A_2569 = arith.constant 1 : i32
      %add3A_2570 = arith.addi %scan3A_301, %add3A_2569 : i32
      %mul3A_2571 = arith.constant 16 : i32
      %mul3A_2572 = arith.muli %add3A_2570, %mul3A_2571 : i32
      %get3A_2573 = arith.constant 0 : i32
      %get3A_2574 = arith.index_cast %get3A_2573 : i32 to index
      %get3A_2575 = arith.index_cast %mul3A_2572 : i32 to index
      %get3A_2576 = tpu.vector_load %arg8[%get3A_2574, %get3A_2575] {strides = array<i32>} : memref<4x528xi32, #tpu.memory_space<vmem>>, vector<1x16xi32>,
      %get3A_2577 = vector.shape_cast %get3A_2576 : vector<1x16xi32> to vector<16xi32>
      %get3A_2578 = arith.constant 1 : i32
      %get3A_2579 = arith.index_cast %get3A_2578 : i32 to index
      %get3A_2580 = arith.index_cast %mul3A_2572 : i32 to index
      %get3A_2581 = tpu.vector_load %arg8[%get3A_2579, %get3A_2580] {strides = array<i32>} : memref<4x528xi32, #tpu.memory_space<vmem>>, vector<1x16xi32>,
      %get3A_2582 = vector.shape_cast %get3A_2581 : vector<1x16xi32> to vector<16xi32>
      %get3A_2583 = arith.constant 2 : i32
      %get3A_2584 = arith.index_cast %get3A_2583 : i32 to index
      %get3A_2585 = arith.index_cast %mul3A_2572 : i32 to index
      %get3A_2586 = tpu.vector_load %arg8[%get3A_2584, %get3A_2585] {strides = array<i32>} : memref<4x528xi32, #tpu.memory_space<vmem>>, vector<1x16xi32>,
      %get3A_2587 = vector.shape_cast %get3A_2586 : vector<1x16xi32> to vector<16xi32>
      %get3A_2588 = arith.constant 3 : i32
      %get3A_2589 = arith.index_cast %get3A_2588 : i32 to index
      %get3A_2590 = arith.index_cast %mul3A_2572 : i32 to index
      %get3A_2591 = tpu.vector_load %arg8[%get3A_2589, %get3A_2590] {strides = array<i32>} : memref<4x528xi32, #tpu.memory_space<vmem>>, vector<1x16xi32>,
      %get3A_2592 = vector.shape_cast %get3A_2591 : vector<1x16xi32> to vector<16xi32>
      %slice3A_2593 = vector.extract_strided_slice %get3A_2577 {offsets = [0], sizes = [1], strides = [1]} : vector<16xi32> to vector<1xi32>
      %squeeze3A_2594 = vector.extract %slice3A_2593[0] : i32 from vector<1xi32>
      %dma_start3A_2595 = arith.constant 0 : i32
      %dma_start3A_2596 = arith.constant 0 : i32
      %dma_start3A_2597 = tpu.memref_slice %arg9[%dma_start3A_2595, %dma_start3A_2596] : memref<16x64xf32, #tpu.memory_space<vmem>> -> memref<1x64xf32, #tpu.memory_space<vmem>>
      %dma_start3A_2598 = tpu.memref_squeeze %dma_start3A_2597 : memref<1x64xf32, #tpu.memory_space<vmem>> -> memref<64xf32, #tpu.memory_space<vmem>>
      %dma_start3A_2599 = arith.constant 0 : i32
      %dma_start3A_2600 = tpu.memref_slice %arg3[%squeeze3A_2594, %dma_start3A_2599] : memref<100000x64xf32, #tpu.memory_space<hbm>> -> memref<1x64xf32, #tpu.memory_space<hbm>>
      %dma_start3A_2601 = tpu.memref_squeeze %dma_start3A_2600 : memref<1x64xf32, #tpu.memory_space<hbm>> -> memref<64xf32, #tpu.memory_space<hbm>>
      %dma_start3A_2602 = arith.constant 0 : i32
      %dma_start3A_2603 = tpu.memref_slice %arg9[%dma_start3A_2595, %dma_start3A_2602] : memref<16x64xf32, #tpu.memory_space<vmem>> -> memref<1x64xf32, #tpu.memory_space<vmem>>
      %dma_start3A_2604 = tpu.memref_squeeze %dma_start3A_2603 : memref<1x64xf32, #tpu.memory_space<vmem>> -> memref<64xf32, #tpu.memory_space<vmem>>
      %dma_start3A_2605 = arith.constant 0 : i32
      %dma_start3A_2606 = tpu.memref_slice %arg3[%squeeze3A_2594, %dma_start3A_2605] : memref<100000x64xf32, #tpu.memory_space<hbm>> -> memref<1x64xf32, #tpu.memory_space<hbm>>
      %dma_start3A_2607 = tpu.memref_squeeze %dma_start3A_2606 : memref<1x64xf32, #tpu.memory_space<hbm>> -> memref<64xf32, #tpu.memory_space<hbm>>
      tpu.enqueue_dma source(%dma_start3A_2607 : memref<64xf32, #tpu.memory_space<hbm>>) target(%dma_start3A_2604 : memref<64xf32, #tpu.memory_space<vmem>>) target_semaphore(%arg12 : memref<!tpu.dma_semaphore, #tpu.memory_space<semaphore_mem>>)
      %slice3A_2608 = vector.extract_strided_slice %get3A_2577 {offsets = [1], sizes = [1], strides = [1]} : vector<16xi32> to vector<1xi32>
      %squeeze3A_2609 = vector.extract %slice3A_2608[0] : i32 from vector<1xi32>
      %dma_start3A_2610 = arith.constant 1 : i32
      %dma_start3A_2611 = arith.constant 0 : i32
      %dma_start3A_2612 = tpu.memref_slice %arg9[%dma_start3A_2610, %dma_start3A_2611] : memref<16x64xf32, #tpu.memory_space<vmem>> -> memref<1x64xf32, #tpu.memory_space<vmem>>
      %dma_start3A_2613 = tpu.memref_squeeze %dma_start3A_2612 : memref<1x64xf32, #tpu.memory_space<vmem>> -> memref<64xf32, #tpu.memory_space<vmem>>
      %dma_start3A_2614 = arith.constant 0 : i32
      %dma_start3A_2615 = tpu.memref_slice %arg3[%squeeze3A_2609, %dma_start3A_2614] : memref<100000x64xf32, #tpu.memory_space<hbm>> -> memref<1x64xf32, #tpu.memory_space<hbm>>
      %dma_start3A_2616 = tpu.memref_squeeze %dma_start3A_2615 : memref<1x64xf32, #tpu.memory_space<hbm>> -> memref<64xf32, #tpu.memory_space<hbm>>
      %dma_start3A_2617 = arith.constant 0 : i32
      %dma_start3A_2618 = tpu.memref_slice %arg9[%dma_start3A_2610, %dma_start3A_2617] : memref<16x64xf32, #tpu.memory_space<vmem>> -> memref<1x64xf32, #tpu.memory_space<vmem>>
      %dma_start3A_2619 = tpu.memref_squeeze %dma_start3A_2618 : memref<1x64xf32, #tpu.memory_space<vmem>> -> memref<64xf32, #tpu.memory_space<vmem>>
      %dma_start3A_2620 = arith.constant 0 : i32
      %dma_start3A_2621 = tpu.memref_slice %arg3[%squeeze3A_2609, %dma_start3A_2620] : memref<100000x64xf32, #tpu.memory_space<hbm>> -> memref<1x64xf32, #tpu.memory_space<hbm>>
      %dma_start3A_2622 = tpu.memref_squeeze %dma_start3A_2621 : memref<1x64xf32, #tpu.memory_space<hbm>> -> memref<64xf32, #tpu.memory_space<hbm>>
      tpu.enqueue_dma source(%dma_start3A_2622 : memref<64xf32, #tpu.memory_space<hbm>>) target(%dma_start3A_2619 : memref<64xf32, #tpu.memory_space<vmem>>) target_semaphore(%arg12 : memref<!tpu.dma_semaphore, #tpu.memory_space<semaphore_mem>>)
      %slice3A_2623 = vector.extract_strided_slice %get3A_2577 {offsets = [2], sizes = [1], strides = [1]} : vector<16xi32> to vector<1xi32>
      %squeeze3A_2624 = vector.extract %slice3A_2623[0] : i32 from vector<1xi32>
      %dma_start3A_2625 = arith.constant 2 : i32
      %dma_start3A_2626 = arith.constant 0 : i32
      %dma_start3A_2627 = tpu.memref_slice %arg9[%dma_start3A_2625, %dma_start3A_2626] : memref<16x64xf32, #tpu.memory_space<vmem>> -> memref<1x64xf32, #tpu.memory_space<vmem>>
      %dma_start3A_2628 = tpu.memref_squeeze %dma_start3A_2627 : memref<1x64xf32, #tpu.memory_space<vmem>> -> memref<64xf32, #tpu.memory_space<vmem>>
      %dma_start3A_2629 = arith.constant 0 : i32
      %dma_start3A_2630 = tpu.memref_slice %arg3[%squeeze3A_2624, %dma_start3A_2629] : memref<100000x64xf32, #tpu.memory_space<hbm>> -> memref<1x64xf32, #tpu.memory_space<hbm>>
      %dma_start3A_2631 = tpu.memref_squeeze %dma_start3A_2630 : memref<1x64xf32, #tpu.memory_space<hbm>> -> memref<64xf32, #tpu.memory_space<hbm>>
      %dma_start3A_2632 = arith.constant 0 : i32
      %dma_start3A_2633 = tpu.memref_slice %arg9[%dma_start3A_2625, %dma_start3A_2632] : memref<16x64xf32, #tpu.memory_space<vmem>> -> memref<1x64xf32, #tpu.memory_space<vmem>>
      %dma_start3A_2634 = tpu.memref_squeeze %dma_start3A_2633 : memref<1x64xf32, #tpu.memory_space<vmem>> -> memref<64xf32, #tpu.memory_space<vmem>>
      %dma_start3A_2635 = arith.constant 0 : i32
      %dma_start3A_2636 = tpu.memref_slice %arg3[%squeeze3A_2624, %dma_start3A_2635] : memref<100000x64xf32, #tpu.memory_space<hbm>> -> memref<1x64xf32, #tpu.memory_space<hbm>>
      %dma_start3A_2637 = tpu.memref_squeeze %dma_start3A_2636 : memref<1x64xf32, #tpu.memory_space<hbm>> -> memref<64xf32, #tpu.memory_space<hbm>>
      tpu.enqueue_dma source(%dma_start3A_2637 : memref<64xf32, #tpu.memory_space<hbm>>) target(%dma_start3A_2634 : memref<64xf32, #tpu.memory_space<vmem>>) target_semaphore(%arg12 : memref<!tpu.dma_semaphore, #tpu.memory_space<semaphore_mem>>)
      %slice3A_2638 = vector.extract_strided_slice %get3A_2577 {offsets = [3], sizes = [1], strides = [1]} : vector<16xi32> to vector<1xi32>
      %squeeze3A_2639 = vector.extract %slice3A_2638[0] : i32 from vector<1xi32>
      %dma_start3A_2640 = arith.constant 3 : i32
      %dma_start3A_2641 = arith.constant 0 : i32
      %dma_start3A_2642 = tpu.memref_slice %arg9[%dma_start3A_2640, %dma_start3A_2641] : memref<16x64xf32, #tpu.memory_space<vmem>> -> memref<1x64xf32, #tpu.memory_space<vmem>>
      %dma_start3A_2643 = tpu.memref_squeeze %dma_start3A_2642 : memref<1x64xf32, #tpu.memory_space<vmem>> -> memref<64xf32, #tpu.memory_space<vmem>>
      %dma_start3A_2644 = arith.constant 0 : i32
      %dma_start3A_2645 = tpu.memref_slice %arg3[%squeeze3A_2639, %dma_start3A_2644] : memref<100000x64xf32, #tpu.memory_space<hbm>> -> memref<1x64xf32, #tpu.memory_space<hbm>>
      %dma_start3A_2646 = tpu.memref_squeeze %dma_start3A_2645 : memref<1x64xf32, #tpu.memory_space<hbm>> -> memref<64xf32, #tpu.memory_space<hbm>>
      %dma_start3A_2647 = arith.constant 0 : i32
      %dma_start3A_2648 = tpu.memref_slice %arg9[%dma_start3A_2640, %dma_start3A_2647] : memref<16x64xf32, #tpu.memory_space<vmem>> -> memref<1x64xf32, #tpu.memory_space<vmem>>
      %dma_start3A_2649 = tpu.memref_squeeze %dma_start3A_2648 : memref<1x64xf32, #tpu.memory_space<vmem>> -> memref<64xf32, #tpu.memory_space<vmem>>
      %dma_start3A_2650 = arith.constant 0 : i32
      %dma_start3A_2651 = tpu.memref_slice %arg3[%squeeze3A_2639, %dma_start3A_2650] : memref<100000x64xf32, #tpu.memory_space<hbm>> -> memref<1x64xf32, #tpu.memory_space<hbm>>
      %dma_start3A_2652 = tpu.memref_squeeze %dma_start3A_2651 : memref<1x64xf32, #tpu.memory_space<hbm>> -> memref<64xf32, #tpu.memory_space<hbm>>
      tpu.enqueue_dma source(%dma_start3A_2652 : memref<64xf32, #tpu.memory_space<hbm>>) target(%dma_start3A_2649 : memref<64xf32, #tpu.memory_space<vmem>>) target_semaphore(%arg12 : memref<!tpu.dma_semaphore, #tpu.memory_space<semaphore_mem>>)
      %slice3A_2653 = vector.extract_strided_slice %get3A_2582 {offsets = [0], sizes = [1], strides = [1]} : vector<16xi32> to vector<1xi32>
      %squeeze3A_2654 = vector.extract %slice3A_2653[0] : i32 from vector<1xi32>
      %dma_start3A_2655 = arith.constant 4 : i32
      %dma_start3A_2656 = arith.constant 0 : i32
      %dma_start3A_2657 = tpu.memref_slice %arg9[%dma_start3A_2655, %dma_start3A_2656] : memref<16x64xf32, #tpu.memory_space<vmem>> -> memref<1x64xf32, #tpu.memory_space<vmem>>
      %dma_start3A_2658 = tpu.memref_squeeze %dma_start3A_2657 : memref<1x64xf32, #tpu.memory_space<vmem>> -> memref<64xf32, #tpu.memory_space<vmem>>
      %dma_start3A_2659 = arith.constant 0 : i32
      %dma_start3A_2660 = tpu.memref_slice %arg4[%squeeze3A_2654, %dma_start3A_2659] : memref<100000x64xf32, #tpu.memory_space<hbm>> -> memref<1x64xf32, #tpu.memory_space<hbm>>
      %dma_start3A_2661 = tpu.memref_squeeze %dma_start3A_2660 : memref<1x64xf32, #tpu.memory_space<hbm>> -> memref<64xf32, #tpu.memory_space<hbm>>
      %dma_start3A_2662 = arith.constant 0 : i32
      %dma_start3A_2663 = tpu.memref_slice %arg9[%dma_start3A_2655, %dma_start3A_2662] : memref<16x64xf32, #tpu.memory_space<vmem>> -> memref<1x64xf32, #tpu.memory_space<vmem>>
      %dma_start3A_2664 = tpu.memref_squeeze %dma_start3A_2663 : memref<1x64xf32, #tpu.memory_space<vmem>> -> memref<64xf32, #tpu.memory_space<vmem>>
      %dma_start3A_2665 = arith.constant 0 : i32
      %dma_start3A_2666 = tpu.memref_slice %arg4[%squeeze3A_2654, %dma_start3A_2665] : memref<100000x64xf32, #tpu.memory_space<hbm>> -> memref<1x64xf32, #tpu.memory_space<hbm>>
      %dma_start3A_2667 = tpu.memref_squeeze %dma_start3A_2666 : memref<1x64xf32, #tpu.memory_space<hbm>> -> memref<64xf32, #tpu.memory_space<hbm>>
      tpu.enqueue_dma source(%dma_start3A_2667 : memref<64xf32, #tpu.memory_space<hbm>>) target(%dma_start3A_2664 : memref<64xf32, #tpu.memory_space<vmem>>) target_semaphore(%arg12 : memref<!tpu.dma_semaphore, #tpu.memory_space<semaphore_mem>>)
      %slice3A_2668 = vector.extract_strided_slice %get3A_2582 {offsets = [1], sizes = [1], strides = [1]} : vector<16xi32> to vector<1xi32>
      %squeeze3A_2669 = vector.extract %slice3A_2668[0] : i32 from vector<1xi32>
      %dma_start3A_2670 = arith.constant 5 : i32
      %dma_start3A_2671 = arith.constant 0 : i32
      %dma_start3A_2672 = tpu.memref_slice %arg9[%dma_start3A_2670, %dma_start3A_2671] : memref<16x64xf32, #tpu.memory_space<vmem>> -> memref<1x64xf32, #tpu.memory_space<vmem>>
      %dma_start3A_2673 = tpu.memref_squeeze %dma_start3A_2672 : memref<1x64xf32, #tpu.memory_space<vmem>> -> memref<64xf32, #tpu.memory_space<vmem>>
      %dma_start3A_2674 = arith.constant 0 : i32
      %dma_start3A_2675 = tpu.memref_slice %arg4[%squeeze3A_2669, %dma_start3A_2674] : memref<100000x64xf32, #tpu.memory_space<hbm>> -> memref<1x64xf32, #tpu.memory_space<hbm>>
      %dma_start3A_2676 = tpu.memref_squeeze %dma_start3A_2675 : memref<1x64xf32, #tpu.memory_space<hbm>> -> memref<64xf32, #tpu.memory_space<hbm>>
      %dma_start3A_2677 = arith.constant 0 : i32
      %dma_start3A_2678 = tpu.memref_slice %arg9[%dma_start3A_2670, %dma_start3A_2677] : memref<16x64xf32, #tpu.memory_space<vmem>> -> memref<1x64xf32, #tpu.memory_space<vmem>>
      %dma_start3A_2679 = tpu.memref_squeeze %dma_start3A_2678 : memref<1x64xf32, #tpu.memory_space<vmem>> -> memref<64xf32, #tpu.memory_space<vmem>>
      %dma_start3A_2680 = arith.constant 0 : i32
      %dma_start3A_2681 = tpu.memref_slice %arg4[%squeeze3A_2669, %dma_start3A_2680] : memref<100000x64xf32, #tpu.memory_space<hbm>> -> memref<1x64xf32, #tpu.memory_space<hbm>>
      %dma_start3A_2682 = tpu.memref_squeeze %dma_start3A_2681 : memref<1x64xf32, #tpu.memory_space<hbm>> -> memref<64xf32, #tpu.memory_space<hbm>>
      tpu.enqueue_dma source(%dma_start3A_2682 : memref<64xf32, #tpu.memory_space<hbm>>) target(%dma_start3A_2679 : memref<64xf32, #tpu.memory_space<vmem>>) target_semaphore(%arg12 : memref<!tpu.dma_semaphore, #tpu.memory_space<semaphore_mem>>)
      %slice3A_2683 = vector.extract_strided_slice %get3A_2582 {offsets = [2], sizes = [1], strides = [1]} : vector<16xi32> to vector<1xi32>
      %squeeze3A_2684 = vector.extract %slice3A_2683[0] : i32 from vector<1xi32>
      %dma_start3A_2685 = arith.constant 6 : i32
      %dma_start3A_2686 = arith.constant 0 : i32
      %dma_start3A_2687 = tpu.memref_slice %arg9[%dma_start3A_2685, %dma_start3A_2686] : memref<16x64xf32, #tpu.memory_space<vmem>> -> memref<1x64xf32, #tpu.memory_space<vmem>>
      %dma_start3A_2688 = tpu.memref_squeeze %dma_start3A_2687 : memref<1x64xf32, #tpu.memory_space<vmem>> -> memref<64xf32, #tpu.memory_space<vmem>>
      %dma_start3A_2689 = arith.constant 0 : i32
      %dma_start3A_2690 = tpu.memref_slice %arg4[%squeeze3A_2684, %dma_start3A_2689] : memref<100000x64xf32, #tpu.memory_space<hbm>> -> memref<1x64xf32, #tpu.memory_space<hbm>>
      %dma_start3A_2691 = tpu.memref_squeeze %dma_start3A_2690 : memref<1x64xf32, #tpu.memory_space<hbm>> -> memref<64xf32, #tpu.memory_space<hbm>>
      %dma_start3A_2692 = arith.constant 0 : i32
      %dma_start3A_2693 = tpu.memref_slice %arg9[%dma_start3A_2685, %dma_start3A_2692] : memref<16x64xf32, #tpu.memory_space<vmem>> -> memref<1x64xf32, #tpu.memory_space<vmem>>
      %dma_start3A_2694 = tpu.memref_squeeze %dma_start3A_2693 : memref<1x64xf32, #tpu.memory_space<vmem>> -> memref<64xf32, #tpu.memory_space<vmem>>
      %dma_start3A_2695 = arith.constant 0 : i32
      %dma_start3A_2696 = tpu.memref_slice %arg4[%squeeze3A_2684, %dma_start3A_2695] : memref<100000x64xf32, #tpu.memory_space<hbm>> -> memref<1x64xf32, #tpu.memory_space<hbm>>
      %dma_start3A_2697 = tpu.memref_squeeze %dma_start3A_2696 : memref<1x64xf32, #tpu.memory_space<hbm>> -> memref<64xf32, #tpu.memory_space<hbm>>
      tpu.enqueue_dma source(%dma_start3A_2697 : memref<64xf32, #tpu.memory_space<hbm>>) target(%dma_start3A_2694 : memref<64xf32, #tpu.memory_space<vmem>>) target_semaphore(%arg12 : memref<!tpu.dma_semaphore, #tpu.memory_space<semaphore_mem>>)
      %slice3A_2698 = vector.extract_strided_slice %get3A_2582 {offsets = [3], sizes = [1], strides = [1]} : vector<16xi32> to vector<1xi32>
      %squeeze3A_2699 = vector.extract %slice3A_2698[0] : i32 from vector<1xi32>
      %dma_start3A_2700 = arith.constant 7 : i32
      %dma_start3A_2701 = arith.constant 0 : i32
      %dma_start3A_2702 = tpu.memref_slice %arg9[%dma_start3A_2700, %dma_start3A_2701] : memref<16x64xf32, #tpu.memory_space<vmem>> -> memref<1x64xf32, #tpu.memory_space<vmem>>
      %dma_start3A_2703 = tpu.memref_squeeze %dma_start3A_2702 : memref<1x64xf32, #tpu.memory_space<vmem>> -> memref<64xf32, #tpu.memory_space<vmem>>
      %dma_start3A_2704 = arith.constant 0 : i32
      %dma_start3A_2705 = tpu.memref_slice %arg4[%squeeze3A_2699, %dma_start3A_2704] : memref<100000x64xf32, #tpu.memory_space<hbm>> -> memref<1x64xf32, #tpu.memory_space<hbm>>
      %dma_start3A_2706 = tpu.memref_squeeze %dma_start3A_2705 : memref<1x64xf32, #tpu.memory_space<hbm>> -> memref<64xf32, #tpu.memory_space<hbm>>
      %dma_start3A_2707 = arith.constant 0 : i32
      %dma_start3A_2708 = tpu.memref_slice %arg9[%dma_start3A_2700, %dma_start3A_2707] : memref<16x64xf32, #tpu.memory_space<vmem>> -> memref<1x64xf32, #tpu.memory_space<vmem>>
      %dma_start3A_2709 = tpu.memref_squeeze %dma_start3A_2708 : memref<1x64xf32, #tpu.memory_space<vmem>> -> memref<64xf32, #tpu.memory_space<vmem>>
      %dma_start3A_2710 = arith.constant 0 : i32
      %dma_start3A_2711 = tpu.memref_slice %arg4[%squeeze3A_2699, %dma_start3A_2710] : memref<100000x64xf32, #tpu.memory_space<hbm>> -> memref<1x64xf32, #tpu.memory_space<hbm>>
      %dma_start3A_2712 = tpu.memref_squeeze %dma_start3A_2711 : memref<1x64xf32, #tpu.memory_space<hbm>> -> memref<64xf32, #tpu.memory_space<hbm>>
      tpu.enqueue_dma source(%dma_start3A_2712 : memref<64xf32, #tpu.memory_space<hbm>>) target(%dma_start3A_2709 : memref<64xf32, #tpu.memory_space<vmem>>) target_semaphore(%arg12 : memref<!tpu.dma_semaphore, #tpu.memory_space<semaphore_mem>>)
      %slice3A_2713 = vector.extract_strided_slice %get3A_2587 {offsets = [0], sizes = [1], strides = [1]} : vector<16xi32> to vector<1xi32>
      %squeeze3A_2714 = vector.extract %slice3A_2713[0] : i32 from vector<1xi32>
      %dma_start3A_2715 = arith.constant 8 : i32
      %dma_start3A_2716 = arith.constant 0 : i32
      %dma_start3A_2717 = tpu.memref_slice %arg9[%dma_start3A_2715, %dma_start3A_2716] : memref<16x64xf32, #tpu.memory_space<vmem>> -> memref<1x64xf32, #tpu.memory_space<vmem>>
      %dma_start3A_2718 = tpu.memref_squeeze %dma_start3A_2717 : memref<1x64xf32, #tpu.memory_space<vmem>> -> memref<64xf32, #tpu.memory_space<vmem>>
      %dma_start3A_2719 = arith.constant 0 : i32
      %dma_start3A_2720 = tpu.memref_slice %arg5[%squeeze3A_2714, %dma_start3A_2719] : memref<100000x64xf32, #tpu.memory_space<hbm>> -> memref<1x64xf32, #tpu.memory_space<hbm>>
      %dma_start3A_2721 = tpu.memref_squeeze %dma_start3A_2720 : memref<1x64xf32, #tpu.memory_space<hbm>> -> memref<64xf32, #tpu.memory_space<hbm>>
      %dma_start3A_2722 = arith.constant 0 : i32
      %dma_start3A_2723 = tpu.memref_slice %arg9[%dma_start3A_2715, %dma_start3A_2722] : memref<16x64xf32, #tpu.memory_space<vmem>> -> memref<1x64xf32, #tpu.memory_space<vmem>>
      %dma_start3A_2724 = tpu.memref_squeeze %dma_start3A_2723 : memref<1x64xf32, #tpu.memory_space<vmem>> -> memref<64xf32, #tpu.memory_space<vmem>>
      %dma_start3A_2725 = arith.constant 0 : i32
      %dma_start3A_2726 = tpu.memref_slice %arg5[%squeeze3A_2714, %dma_start3A_2725] : memref<100000x64xf32, #tpu.memory_space<hbm>> -> memref<1x64xf32, #tpu.memory_space<hbm>>
      %dma_start3A_2727 = tpu.memref_squeeze %dma_start3A_2726 : memref<1x64xf32, #tpu.memory_space<hbm>> -> memref<64xf32, #tpu.memory_space<hbm>>
      tpu.enqueue_dma source(%dma_start3A_2727 : memref<64xf32, #tpu.memory_space<hbm>>) target(%dma_start3A_2724 : memref<64xf32, #tpu.memory_space<vmem>>) target_semaphore(%arg12 : memref<!tpu.dma_semaphore, #tpu.memory_space<semaphore_mem>>)
      %slice3A_2728 = vector.extract_strided_slice %get3A_2587 {offsets = [1], sizes = [1], strides = [1]} : vector<16xi32> to vector<1xi32>
      %squeeze3A_2729 = vector.extract %slice3A_2728[0] : i32 from vector<1xi32>
      %dma_start3A_2730 = arith.constant 9 : i32
      %dma_start3A_2731 = arith.constant 0 : i32
      %dma_start3A_2732 = tpu.memref_slice %arg9[%dma_start3A_2730, %dma_start3A_2731] : memref<16x64xf32, #tpu.memory_space<vmem>> -> memref<1x64xf32, #tpu.memory_space<vmem>>
      %dma_start3A_2733 = tpu.memref_squeeze %dma_start3A_2732 : memref<1x64xf32, #tpu.memory_space<vmem>> -> memref<64xf32, #tpu.memory_space<vmem>>
      %dma_start3A_2734 = arith.constant 0 : i32
      %dma_start3A_2735 = tpu.memref_slice %arg5[%squeeze3A_2729, %dma_start3A_2734] : memref<100000x64xf32, #tpu.memory_space<hbm>> -> memref<1x64xf32, #tpu.memory_space<hbm>>
      %dma_start3A_2736 = tpu.memref_squeeze %dma_start3A_2735 : memref<1x64xf32, #tpu.memory_space<hbm>> -> memref<64xf32, #tpu.memory_space<hbm>>
      %dma_start3A_2737 = arith.constant 0 : i32
      %dma_start3A_2738 = tpu.memref_slice %arg9[%dma_start3A_2730, %dma_start3A_2737] : memref<16x64xf32, #tpu.memory_space<vmem>> -> memref<1x64xf32, #tpu.memory_space<vmem>>
      %dma_start3A_2739 = tpu.memref_squeeze %dma_start3A_2738 : memref<1x64xf32, #tpu.memory_space<vmem>> -> memref<64xf32, #tpu.memory_space<vmem>>
      %dma_start3A_2740 = arith.constant 0 : i32
      %dma_start3A_2741 = tpu.memref_slice %arg5[%squeeze3A_2729, %dma_start3A_2740] : memref<100000x64xf32, #tpu.memory_space<hbm>> -> memref<1x64xf32, #tpu.memory_space<hbm>>
      %dma_start3A_2742 = tpu.memref_squeeze %dma_start3A_2741 : memref<1x64xf32, #tpu.memory_space<hbm>> -> memref<64xf32, #tpu.memory_space<hbm>>
      tpu.enqueue_dma source(%dma_start3A_2742 : memref<64xf32, #tpu.memory_space<hbm>>) target(%dma_start3A_2739 : memref<64xf32, #tpu.memory_space<vmem>>) target_semaphore(%arg12 : memref<!tpu.dma_semaphore, #tpu.memory_space<semaphore_mem>>)
      %slice3A_2743 = vector.extract_strided_slice %get3A_2587 {offsets = [2], sizes = [1], strides = [1]} : vector<16xi32> to vector<1xi32>
      %squeeze3A_2744 = vector.extract %slice3A_2743[0] : i32 from vector<1xi32>
      %dma_start3A_2745 = arith.constant 10 : i32
      %dma_start3A_2746 = arith.constant 0 : i32
      %dma_start3A_2747 = tpu.memref_slice %arg9[%dma_start3A_2745, %dma_start3A_2746] : memref<16x64xf32, #tpu.memory_space<vmem>> -> memref<1x64xf32, #tpu.memory_space<vmem>>
      %dma_start3A_2748 = tpu.memref_squeeze %dma_start3A_2747 : memref<1x64xf32, #tpu.memory_space<vmem>> -> memref<64xf32, #tpu.memory_space<vmem>>
      %dma_start3A_2749 = arith.constant 0 : i32
      %dma_start3A_2750 = tpu.memref_slice %arg5[%squeeze3A_2744, %dma_start3A_2749] : memref<100000x64xf32, #tpu.memory_space<hbm>> -> memref<1x64xf32, #tpu.memory_space<hbm>>
      %dma_start3A_2751 = tpu.memref_squeeze %dma_start3A_2750 : memref<1x64xf32, #tpu.memory_space<hbm>> -> memref<64xf32, #tpu.memory_space<hbm>>
      %dma_start3A_2752 = arith.constant 0 : i32
      %dma_start3A_2753 = tpu.memref_slice %arg9[%dma_start3A_2745, %dma_start3A_2752] : memref<16x64xf32, #tpu.memory_space<vmem>> -> memref<1x64xf32, #tpu.memory_space<vmem>>
      %dma_start3A_2754 = tpu.memref_squeeze %dma_start3A_2753 : memref<1x64xf32, #tpu.memory_space<vmem>> -> memref<64xf32, #tpu.memory_space<vmem>>
      %dma_start3A_2755 = arith.constant 0 : i32
      %dma_start3A_2756 = tpu.memref_slice %arg5[%squeeze3A_2744, %dma_start3A_2755] : memref<100000x64xf32, #tpu.memory_space<hbm>> -> memref<1x64xf32, #tpu.memory_space<hbm>>
      %dma_start3A_2757 = tpu.memref_squeeze %dma_start3A_2756 : memref<1x64xf32, #tpu.memory_space<hbm>> -> memref<64xf32, #tpu.memory_space<hbm>>
      tpu.enqueue_dma source(%dma_start3A_2757 : memref<64xf32, #tpu.memory_space<hbm>>) target(%dma_start3A_2754 : memref<64xf32, #tpu.memory_space<vmem>>) target_semaphore(%arg12 : memref<!tpu.dma_semaphore, #tpu.memory_space<semaphore_mem>>)
      %slice3A_2758 = vector.extract_strided_slice %get3A_2587 {offsets = [3], sizes = [1], strides = [1]} : vector<16xi32> to vector<1xi32>
      %squeeze3A_2759 = vector.extract %slice3A_2758[0] : i32 from vector<1xi32>
      %dma_start3A_2760 = arith.constant 11 : i32
      %dma_start3A_2761 = arith.constant 0 : i32
      %dma_start3A_2762 = tpu.memref_slice %arg9[%dma_start3A_2760, %dma_start3A_2761] : memref<16x64xf32, #tpu.memory_space<vmem>> -> memref<1x64xf32, #tpu.memory_space<vmem>>
      %dma_start3A_2763 = tpu.memref_squeeze %dma_start3A_2762 : memref<1x64xf32, #tpu.memory_space<vmem>> -> memref<64xf32, #tpu.memory_space<vmem>>
      %dma_start3A_2764 = arith.constant 0 : i32
      %dma_start3A_2765 = tpu.memref_slice %arg5[%squeeze3A_2759, %dma_start3A_2764] : memref<100000x64xf32, #tpu.memory_space<hbm>> -> memref<1x64xf32, #tpu.memory_space<hbm>>
      %dma_start3A_2766 = tpu.memref_squeeze %dma_start3A_2765 : memref<1x64xf32, #tpu.memory_space<hbm>> -> memref<64xf32, #tpu.memory_space<hbm>>
      %dma_start3A_2767 = arith.constant 0 : i32
      %dma_start3A_2768 = tpu.memref_slice %arg9[%dma_start3A_2760, %dma_start3A_2767] : memref<16x64xf32, #tpu.memory_space<vmem>> -> memref<1x64xf32, #tpu.memory_space<vmem>>
      %dma_start3A_2769 = tpu.memref_squeeze %dma_start3A_2768 : memref<1x64xf32, #tpu.memory_space<vmem>> -> memref<64xf32, #tpu.memory_space<vmem>>
      %dma_start3A_2770 = arith.constant 0 : i32
      %dma_start3A_2771 = tpu.memref_slice %arg5[%squeeze3A_2759, %dma_start3A_2770] : memref<100000x64xf32, #tpu.memory_space<hbm>> -> memref<1x64xf32, #tpu.memory_space<hbm>>
      %dma_start3A_2772 = tpu.memref_squeeze %dma_start3A_2771 : memref<1x64xf32, #tpu.memory_space<hbm>> -> memref<64xf32, #tpu.memory_space<hbm>>
      tpu.enqueue_dma source(%dma_start3A_2772 : memref<64xf32, #tpu.memory_space<hbm>>) target(%dma_start3A_2769 : memref<64xf32, #tpu.memory_space<vmem>>) target_semaphore(%arg12 : memref<!tpu.dma_semaphore, #tpu.memory_space<semaphore_mem>>)
      %slice3A_2773 = vector.extract_strided_slice %get3A_2592 {offsets = [0], sizes = [1], strides = [1]} : vector<16xi32> to vector<1xi32>
      %squeeze3A_2774 = vector.extract %slice3A_2773[0] : i32 from vector<1xi32>
      %dma_start3A_2775 = arith.constant 12 : i32
      %dma_start3A_2776 = arith.constant 0 : i32
      %dma_start3A_2777 = tpu.memref_slice %arg9[%dma_start3A_2775, %dma_start3A_2776] : memref<16x64xf32, #tpu.memory_space<vmem>> -> memref<1x64xf32, #tpu.memory_space<vmem>>
      %dma_start3A_2778 = tpu.memref_squeeze %dma_start3A_2777 : memref<1x64xf32, #tpu.memory_space<vmem>> -> memref<64xf32, #tpu.memory_space<vmem>>
      %dma_start3A_2779 = arith.constant 0 : i32
      %dma_start3A_2780 = tpu.memref_slice %arg6[%squeeze3A_2774, %dma_start3A_2779] : memref<100000x64xf32, #tpu.memory_space<hbm>> -> memref<1x64xf32, #tpu.memory_space<hbm>>
      %dma_start3A_2781 = tpu.memref_squeeze %dma_start3A_2780 : memref<1x64xf32, #tpu.memory_space<hbm>> -> memref<64xf32, #tpu.memory_space<hbm>>
      %dma_start3A_2782 = arith.constant 0 : i32
      %dma_start3A_2783 = tpu.memref_slice %arg9[%dma_start3A_2775, %dma_start3A_2782] : memref<16x64xf32, #tpu.memory_space<vmem>> -> memref<1x64xf32, #tpu.memory_space<vmem>>
      %dma_start3A_2784 = tpu.memref_squeeze %dma_start3A_2783 : memref<1x64xf32, #tpu.memory_space<vmem>> -> memref<64xf32, #tpu.memory_space<vmem>>
      %dma_start3A_2785 = arith.constant 0 : i32
      %dma_start3A_2786 = tpu.memref_slice %arg6[%squeeze3A_2774, %dma_start3A_2785] : memref<100000x64xf32, #tpu.memory_space<hbm>> -> memref<1x64xf32, #tpu.memory_space<hbm>>
      %dma_start3A_2787 = tpu.memref_squeeze %dma_start3A_2786 : memref<1x64xf32, #tpu.memory_space<hbm>> -> memref<64xf32, #tpu.memory_space<hbm>>
      tpu.enqueue_dma source(%dma_start3A_2787 : memref<64xf32, #tpu.memory_space<hbm>>) target(%dma_start3A_2784 : memref<64xf32, #tpu.memory_space<vmem>>) target_semaphore(%arg12 : memref<!tpu.dma_semaphore, #tpu.memory_space<semaphore_mem>>)
      %slice3A_2788 = vector.extract_strided_slice %get3A_2592 {offsets = [1], sizes = [1], strides = [1]} : vector<16xi32> to vector<1xi32>
      %squeeze3A_2789 = vector.extract %slice3A_2788[0] : i32 from vector<1xi32>
      %dma_start3A_2790 = arith.constant 13 : i32
      %dma_start3A_2791 = arith.constant 0 : i32
      %dma_start3A_2792 = tpu.memref_slice %arg9[%dma_start3A_2790, %dma_start3A_2791] : memref<16x64xf32, #tpu.memory_space<vmem>> -> memref<1x64xf32, #tpu.memory_space<vmem>>
      %dma_start3A_2793 = tpu.memref_squeeze %dma_start3A_2792 : memref<1x64xf32, #tpu.memory_space<vmem>> -> memref<64xf32, #tpu.memory_space<vmem>>
      %dma_start3A_2794 = arith.constant 0 : i32
      %dma_start3A_2795 = tpu.memref_slice %arg6[%squeeze3A_2789, %dma_start3A_2794] : memref<100000x64xf32, #tpu.memory_space<hbm>> -> memref<1x64xf32, #tpu.memory_space<hbm>>
      %dma_start3A_2796 = tpu.memref_squeeze %dma_start3A_2795 : memref<1x64xf32, #tpu.memory_space<hbm>> -> memref<64xf32, #tpu.memory_space<hbm>>
      %dma_start3A_2797 = arith.constant 0 : i32
      %dma_start3A_2798 = tpu.memref_slice %arg9[%dma_start3A_2790, %dma_start3A_2797] : memref<16x64xf32, #tpu.memory_space<vmem>> -> memref<1x64xf32, #tpu.memory_space<vmem>>
      %dma_start3A_2799 = tpu.memref_squeeze %dma_start3A_2798 : memref<1x64xf32, #tpu.memory_space<vmem>> -> memref<64xf32, #tpu.memory_space<vmem>>
      %dma_start3A_2800 = arith.constant 0 : i32
      %dma_start3A_2801 = tpu.memref_slice %arg6[%squeeze3A_2789, %dma_start3A_2800] : memref<100000x64xf32, #tpu.memory_space<hbm>> -> memref<1x64xf32, #tpu.memory_space<hbm>>
      %dma_start3A_2802 = tpu.memref_squeeze %dma_start3A_2801 : memref<1x64xf32, #tpu.memory_space<hbm>> -> memref<64xf32, #tpu.memory_space<hbm>>
      tpu.enqueue_dma source(%dma_start3A_2802 : memref<64xf32, #tpu.memory_space<hbm>>) target(%dma_start3A_2799 : memref<64xf32, #tpu.memory_space<vmem>>) target_semaphore(%arg12 : memref<!tpu.dma_semaphore, #tpu.memory_space<semaphore_mem>>)
      %slice3A_2803 = vector.extract_strided_slice %get3A_2592 {offsets = [2], sizes = [1], strides = [1]} : vector<16xi32> to vector<1xi32>
      %squeeze3A_2804 = vector.extract %slice3A_2803[0] : i32 from vector<1xi32>
      %dma_start3A_2805 = arith.constant 14 : i32
      %dma_start3A_2806 = arith.constant 0 : i32
      %dma_start3A_2807 = tpu.memref_slice %arg9[%dma_start3A_2805, %dma_start3A_2806] : memref<16x64xf32, #tpu.memory_space<vmem>> -> memref<1x64xf32, #tpu.memory_space<vmem>>
      %dma_start3A_2808 = tpu.memref_squeeze %dma_start3A_2807 : memref<1x64xf32, #tpu.memory_space<vmem>> -> memref<64xf32, #tpu.memory_space<vmem>>
      %dma_start3A_2809 = arith.constant 0 : i32
      %dma_start3A_2810 = tpu.memref_slice %arg6[%squeeze3A_2804, %dma_start3A_2809] : memref<100000x64xf32, #tpu.memory_space<hbm>> -> memref<1x64xf32, #tpu.memory_space<hbm>>
      %dma_start3A_2811 = tpu.memref_squeeze %dma_start3A_2810 : memref<1x64xf32, #tpu.memory_space<hbm>> -> memref<64xf32, #tpu.memory_space<hbm>>
      %dma_start3A_2812 = arith.constant 0 : i32
      %dma_start3A_2813 = tpu.memref_slice %arg9[%dma_start3A_2805, %dma_start3A_2812] : memref<16x64xf32, #tpu.memory_space<vmem>> -> memref<1x64xf32, #tpu.memory_space<vmem>>
      %dma_start3A_2814 = tpu.memref_squeeze %dma_start3A_2813 : memref<1x64xf32, #tpu.memory_space<vmem>> -> memref<64xf32, #tpu.memory_space<vmem>>
      %dma_start3A_2815 = arith.constant 0 : i32
      %dma_start3A_2816 = tpu.memref_slice %arg6[%squeeze3A_2804, %dma_start3A_2815] : memref<100000x64xf32, #tpu.memory_space<hbm>> -> memref<1x64xf32, #tpu.memory_space<hbm>>
      %dma_start3A_2817 = tpu.memref_squeeze %dma_start3A_2816 : memref<1x64xf32, #tpu.memory_space<hbm>> -> memref<64xf32, #tpu.memory_space<hbm>>
      tpu.enqueue_dma source(%dma_start3A_2817 : memref<64xf32, #tpu.memory_space<hbm>>) target(%dma_start3A_2814 : memref<64xf32, #tpu.memory_space<vmem>>) target_semaphore(%arg12 : memref<!tpu.dma_semaphore, #tpu.memory_space<semaphore_mem>>)
      %slice3A_2818 = vector.extract_strided_slice %get3A_2592 {offsets = [3], sizes = [1], strides = [1]} : vector<16xi32> to vector<1xi32>
      %squeeze3A_2819 = vector.extract %slice3A_2818[0] : i32 from vector<1xi32>
      %dma_start3A_2820 = arith.constant 15 : i32
      %dma_start3A_2821 = arith.constant 0 : i32
      %dma_start3A_2822 = tpu.memref_slice %arg9[%dma_start3A_2820, %dma_start3A_2821] : memref<16x64xf32, #tpu.memory_space<vmem>> -> memref<1x64xf32, #tpu.memory_space<vmem>>
      %dma_start3A_2823 = tpu.memref_squeeze %dma_start3A_2822 : memref<1x64xf32, #tpu.memory_space<vmem>> -> memref<64xf32, #tpu.memory_space<vmem>>
      %dma_start3A_2824 = arith.constant 0 : i32
      %dma_start3A_2825 = tpu.memref_slice %arg6[%squeeze3A_2819, %dma_start3A_2824] : memref<100000x64xf32, #tpu.memory_space<hbm>> -> memref<1x64xf32, #tpu.memory_space<hbm>>
      %dma_start3A_2826 = tpu.memref_squeeze %dma_start3A_2825 : memref<1x64xf32, #tpu.memory_space<hbm>> -> memref<64xf32, #tpu.memory_space<hbm>>
      %dma_start3A_2827 = arith.constant 0 : i32
      %dma_start3A_2828 = tpu.memref_slice %arg9[%dma_start3A_2820, %dma_start3A_2827] : memref<16x64xf32, #tpu.memory_space<vmem>> -> memref<1x64xf32, #tpu.memory_space<vmem>>
      %dma_start3A_2829 = tpu.memref_squeeze %dma_start3A_2828 : memref<1x64xf32, #tpu.memory_space<vmem>> -> memref<64xf32, #tpu.memory_space<vmem>>
      %dma_start3A_2830 = arith.constant 0 : i32
      %dma_start3A_2831 = tpu.memref_slice %arg6[%squeeze3A_2819, %dma_start3A_2830] : memref<100000x64xf32, #tpu.memory_space<hbm>> -> memref<1x64xf32, #tpu.memory_space<hbm>>
      %dma_start3A_2832 = tpu.memref_squeeze %dma_start3A_2831 : memref<1x64xf32, #tpu.memory_space<hbm>> -> memref<64xf32, #tpu.memory_space<hbm>>
      tpu.enqueue_dma source(%dma_start3A_2832 : memref<64xf32, #tpu.memory_space<hbm>>) target(%dma_start3A_2829 : memref<64xf32, #tpu.memory_space<vmem>>) target_semaphore(%arg12 : memref<!tpu.dma_semaphore, #tpu.memory_space<semaphore_mem>>)
      %dma_wait3A_2833 = arith.constant 0 : i32
      %dma_wait3A_2834 = arith.constant 0 : i32
      %dma_wait3A_2835 = tpu.memref_slice %arg3[%dma_wait3A_2833, %dma_wait3A_2834] : memref<100000x64xf32, #tpu.memory_space<hbm>> -> memref<16x64xf32, #tpu.memory_space<hbm>>
      %dma_wait3A_2836 = arith.constant 0 : i32
      %dma_wait3A_2837 = arith.constant 0 : i32
      %dma_wait3A_2838 = tpu.memref_slice %arg3[%dma_wait3A_2836, %dma_wait3A_2837] : memref<100000x64xf32, #tpu.memory_space<hbm>> -> memref<16x64xf32, #tpu.memory_space<hbm>>
      tpu.wait_dma2 semaphore(%arg13 : memref<!tpu.dma_semaphore, #tpu.memory_space<semaphore_mem>>) src(%dma_wait3A_2838 : memref<16x64xf32, #tpu.memory_space<hbm>>) dst(%arg10 : memref<16x64xf32, #tpu.memory_space<vmem>>)
      %mul3A_2839 = arith.constant 4 : i32
      %mul3A_2840 = arith.muli %add3A_2568, %mul3A_2839 : i32
      %get3A_2841 = arith.constant 0 : i32
      %get3A_2842 = arith.index_cast %get3A_2841 : i32 to index
      %get3A_2843 = arith.constant 0 : index
      %get3A_2844 = tpu.vector_load %arg10[%get3A_2842, %get3A_2843] {strides = array<i32>} : memref<16x64xf32, #tpu.memory_space<vmem>>, vector<1x16xf32>,
      %get3A_2845 = vector.shape_cast %get3A_2844 : vector<1x16xf32> to vector<16xf32>
      %get3A_2846 = arith.constant 4 : i32
      %get3A_2847 = arith.index_cast %get3A_2846 : i32 to index
      %get3A_2848 = arith.constant 0 : index
      %get3A_2849 = tpu.vector_load %arg10[%get3A_2847, %get3A_2848] {strides = array<i32>} : memref<16x64xf32, #tpu.memory_space<vmem>>, vector<1x16xf32>,
      %get3A_2850 = vector.shape_cast %get3A_2849 : vector<1x16xf32> to vector<16xf32>
      %add3A_2851 = arith.addf %get3A_2845, %get3A_2850 : vector<16xf32>
      %get3A_2852 = arith.constant 8 : i32
      %get3A_2853 = arith.index_cast %get3A_2852 : i32 to index
      %get3A_2854 = arith.constant 0 : index
      %get3A_2855 = tpu.vector_load %arg10[%get3A_2853, %get3A_2854] {strides = array<i32>} : memref<16x64xf32, #tpu.memory_space<vmem>>, vector<1x16xf32>,
      %get3A_2856 = vector.shape_cast %get3A_2855 : vector<1x16xf32> to vector<16xf32>
      %add3A_2857 = arith.addf %add3A_2851, %get3A_2856 : vector<16xf32>
      %get3A_2858 = arith.constant 12 : i32
      %get3A_2859 = arith.index_cast %get3A_2858 : i32 to index
      %get3A_2860 = arith.constant 0 : index
      %get3A_2861 = tpu.vector_load %arg10[%get3A_2859, %get3A_2860] {strides = array<i32>} : memref<16x64xf32, #tpu.memory_space<vmem>>, vector<1x16xf32>,
      %get3A_2862 = vector.shape_cast %get3A_2861 : vector<1x16xf32> to vector<16xf32>
      %add3A_2863 = arith.addf %add3A_2857, %get3A_2862 : vector<16xf32>
      %add3A_2864 = arith.constant 0 : i32
      %add3A_2865 = arith.addi %mul3A_2840, %add3A_2864 : i32
      %swap3A_2866 = arith.index_cast %add3A_2865 : i32 to index
      %swap3A_2867 = arith.constant 0 : index
      %swap3A_2868 = tpu.vector_load %arg11[%swap3A_2866, %swap3A_2867] {strides = array<i32>} : memref<512x64xf32, #tpu.memory_space<vmem>>, vector<1x16xf32>,
      %swap3A_2869 = vector.shape_cast %swap3A_2868 : vector<1x16xf32> to vector<16xf32>
      %swap3A_2870 = vector.shape_cast %add3A_2863 : vector<16xf32> to vector<1x16xf32>
      tpu.vector_store %arg11[%swap3A_2866, %swap3A_2867], %swap3A_2870 {strides = array<i32>} : memref<512x64xf32, #tpu.memory_space<vmem>>, vector<1x16xf32>,
      %get3A_2871 = arith.constant 0 : i32
      %get3A_2872 = arith.index_cast %get3A_2871 : i32 to index
      %get3A_2873 = arith.constant 16 : index
      %get3A_2874 = tpu.vector_load %arg10[%get3A_2872, %get3A_2873] {strides = array<i32>} : memref<16x64xf32, #tpu.memory_space<vmem>>, vector<1x16xf32>,
      %get3A_2875 = vector.shape_cast %get3A_2874 : vector<1x16xf32> to vector<16xf32>
      %get3A_2876 = arith.constant 4 : i32
      %get3A_2877 = arith.index_cast %get3A_2876 : i32 to index
      %get3A_2878 = arith.constant 16 : index
      %get3A_2879 = tpu.vector_load %arg10[%get3A_2877, %get3A_2878] {strides = array<i32>} : memref<16x64xf32, #tpu.memory_space<vmem>>, vector<1x16xf32>,
      %get3A_2880 = vector.shape_cast %get3A_2879 : vector<1x16xf32> to vector<16xf32>
      %add3A_2881 = arith.addf %get3A_2875, %get3A_2880 : vector<16xf32>
      %get3A_2882 = arith.constant 8 : i32
      %get3A_2883 = arith.index_cast %get3A_2882 : i32 to index
      %get3A_2884 = arith.constant 16 : index
      %get3A_2885 = tpu.vector_load %arg10[%get3A_2883, %get3A_2884] {strides = array<i32>} : memref<16x64xf32, #tpu.memory_space<vmem>>, vector<1x16xf32>,
      %get3A_2886 = vector.shape_cast %get3A_2885 : vector<1x16xf32> to vector<16xf32>
      %add3A_2887 = arith.addf %add3A_2881, %get3A_2886 : vector<16xf32>
      %get3A_2888 = arith.constant 12 : i32
      %get3A_2889 = arith.index_cast %get3A_2888 : i32 to index
      %get3A_2890 = arith.constant 16 : index
      %get3A_2891 = tpu.vector_load %arg10[%get3A_2889, %get3A_2890] {strides = array<i32>} : memref<16x64xf32, #tpu.memory_space<vmem>>, vector<1x16xf32>,
      %get3A_2892 = vector.shape_cast %get3A_2891 : vector<1x16xf32> to vector<16xf32>
      %add3A_2893 = arith.addf %add3A_2887, %get3A_2892 : vector<16xf32>
      %add3A_2894 = arith.constant 0 : i32
      %add3A_2895 = arith.addi %mul3A_2840, %add3A_2894 : i32
      %swap3A_2896 = arith.index_cast %add3A_2895 : i32 to index
      %swap3A_2897 = arith.constant 16 : index
      %swap3A_2898 = tpu.vector_load %arg11[%swap3A_2896, %swap3A_2897] {strides = array<i32>} : memref<512x64xf32, #tpu.memory_space<vmem>>, vector<1x16xf32>,
      %swap3A_2899 = vector.shape_cast %swap3A_2898 : vector<1x16xf32> to vector<16xf32>
      %swap3A_2900 = vector.shape_cast %add3A_2893 : vector<16xf32> to vector<1x16xf32>
      tpu.vector_store %arg11[%swap3A_2896, %swap3A_2897], %swap3A_2900 {strides = array<i32>} : memref<512x64xf32, #tpu.memory_space<vmem>>, vector<1x16xf32>,
      %get3A_2901 = arith.constant 0 : i32
      %get3A_2902 = arith.index_cast %get3A_2901 : i32 to index
      %get3A_2903 = arith.constant 32 : index
      %get3A_2904 = tpu.vector_load %arg10[%get3A_2902, %get3A_2903] {strides = array<i32>} : memref<16x64xf32, #tpu.memory_space<vmem>>, vector<1x16xf32>,
      %get3A_2905 = vector.shape_cast %get3A_2904 : vector<1x16xf32> to vector<16xf32>
      %get3A_2906 = arith.constant 4 : i32
      %get3A_2907 = arith.index_cast %get3A_2906 : i32 to index
      %get3A_2908 = arith.constant 32 : index
      %get3A_2909 = tpu.vector_load %arg10[%get3A_2907, %get3A_2908] {strides = array<i32>} : memref<16x64xf32, #tpu.memory_space<vmem>>, vector<1x16xf32>,
      %get3A_2910 = vector.shape_cast %get3A_2909 : vector<1x16xf32> to vector<16xf32>
      %add3A_2911 = arith.addf %get3A_2905, %get3A_2910 : vector<16xf32>
      %get3A_2912 = arith.constant 8 : i32
      %get3A_2913 = arith.index_cast %get3A_2912 : i32 to index
      %get3A_2914 = arith.constant 32 : index
      %get3A_2915 = tpu.vector_load %arg10[%get3A_2913, %get3A_2914] {strides = array<i32>} : memref<16x64xf32, #tpu.memory_space<vmem>>, vector<1x16xf32>,
      %get3A_2916 = vector.shape_cast %get3A_2915 : vector<1x16xf32> to vector<16xf32>
      %add3A_2917 = arith.addf %add3A_2911, %get3A_2916 : vector<16xf32>
      %get3A_2918 = arith.constant 12 : i32
      %get3A_2919 = arith.index_cast %get3A_2918 : i32 to index
      %get3A_2920 = arith.constant 32 : index
      %get3A_2921 = tpu.vector_load %arg10[%get3A_2919, %get3A_2920] {strides = array<i32>} : memref<16x64xf32, #tpu.memory_space<vmem>>, vector<1x16xf32>,
      %get3A_2922 = vector.shape_cast %get3A_2921 : vector<1x16xf32> to vector<16xf32>
      %add3A_2923 = arith.addf %add3A_2917, %get3A_2922 : vector<16xf32>
      %add3A_2924 = arith.constant 0 : i32
      %add3A_2925 = arith.addi %mul3A_2840, %add3A_2924 : i32
      %swap3A_2926 = arith.index_cast %add3A_2925 : i32 to index
      %swap3A_2927 = arith.constant 32 : index
      %swap3A_2928 = tpu.vector_load %arg11[%swap3A_2926, %swap3A_2927] {strides = array<i32>} : memref<512x64xf32, #tpu.memory_space<vmem>>, vector<1x16xf32>,
      %swap3A_2929 = vector.shape_cast %swap3A_2928 : vector<1x16xf32> to vector<16xf32>
      %swap3A_2930 = vector.shape_cast %add3A_2923 : vector<16xf32> to vector<1x16xf32>
      tpu.vector_store %arg11[%swap3A_2926, %swap3A_2927], %swap3A_2930 {strides = array<i32>} : memref<512x64xf32, #tpu.memory_space<vmem>>, vector<1x16xf32>,
      %get3A_2931 = arith.constant 0 : i32
      %get3A_2932 = arith.index_cast %get3A_2931 : i32 to index
      %get3A_2933 = arith.constant 48 : index
      %get3A_2934 = tpu.vector_load %arg10[%get3A_2932, %get3A_2933] {strides = array<i32>} : memref<16x64xf32, #tpu.memory_space<vmem>>, vector<1x16xf32>,
      %get3A_2935 = vector.shape_cast %get3A_2934 : vector<1x16xf32> to vector<16xf32>
      %get3A_2936 = arith.constant 4 : i32
      %get3A_2937 = arith.index_cast %get3A_2936 : i32 to index
      %get3A_2938 = arith.constant 48 : index
      %get3A_2939 = tpu.vector_load %arg10[%get3A_2937, %get3A_2938] {strides = array<i32>} : memref<16x64xf32, #tpu.memory_space<vmem>>, vector<1x16xf32>,
      %get3A_2940 = vector.shape_cast %get3A_2939 : vector<1x16xf32> to vector<16xf32>
      %add3A_2941 = arith.addf %get3A_2935, %get3A_2940 : vector<16xf32>
      %get3A_2942 = arith.constant 8 : i32
      %get3A_2943 = arith.index_cast %get3A_2942 : i32 to index
      %get3A_2944 = arith.constant 48 : index
      %get3A_2945 = tpu.vector_load %arg10[%get3A_2943, %get3A_2944] {strides = array<i32>} : memref<16x64xf32, #tpu.memory_space<vmem>>, vector<1x16xf32>,
      %get3A_2946 = vector.shape_cast %get3A_2945 : vector<1x16xf32> to vector<16xf32>
      %add3A_2947 = arith.addf %add3A_2941, %get3A_2946 : vector<16xf32>
      %get3A_2948 = arith.constant 12 : i32
      %get3A_2949 = arith.index_cast %get3A_2948 : i32 to index
      %get3A_2950 = arith.constant 48 : index
      %get3A_2951 = tpu.vector_load %arg10[%get3A_2949, %get3A_2950] {strides = array<i32>} : memref<16x64xf32, #tpu.memory_space<vmem>>, vector<1x16xf32>,
      %get3A_2952 = vector.shape_cast %get3A_2951 : vector<1x16xf32> to vector<16xf32>
      %add3A_2953 = arith.addf %add3A_2947, %get3A_2952 : vector<16xf32>
      %add3A_2954 = arith.constant 0 : i32
      %add3A_2955 = arith.addi %mul3A_2840, %add3A_2954 : i32
      %swap3A_2956 = arith.index_cast %add3A_2955 : i32 to index
      %swap3A_2957 = arith.constant 48 : index
      %swap3A_2958 = tpu.vector_load %arg11[%swap3A_2956, %swap3A_2957] {strides = array<i32>} : memref<512x64xf32, #tpu.memory_space<vmem>>, vector<1x16xf32>,
      %swap3A_2959 = vector.shape_cast %swap3A_2958 : vector<1x16xf32> to vector<16xf32>
      %swap3A_2960 = vector.shape_cast %add3A_2953 : vector<16xf32> to vector<1x16xf32>
      tpu.vector_store %arg11[%swap3A_2956, %swap3A_2957], %swap3A_2960 {strides = array<i32>} : memref<512x64xf32, #tpu.memory_space<vmem>>, vector<1x16xf32>,
      %get3A_2961 = arith.constant 1 : i32
      %get3A_2962 = arith.index_cast %get3A_2961 : i32 to index
      %get3A_2963 = arith.constant 0 : index
      %get3A_2964 = tpu.vector_load %arg10[%get3A_2962, %get3A_2963] {strides = array<i32>} : memref<16x64xf32, #tpu.memory_space<vmem>>, vector<1x16xf32>,
      %get3A_2965 = vector.shape_cast %get3A_2964 : vector<1x16xf32> to vector<16xf32>
      %get3A_2966 = arith.constant 5 : i32
      %get3A_2967 = arith.index_cast %get3A_2966 : i32 to index
      %get3A_2968 = arith.constant 0 : index
      %get3A_2969 = tpu.vector_load %arg10[%get3A_2967, %get3A_2968] {strides = array<i32>} : memref<16x64xf32, #tpu.memory_space<vmem>>, vector<1x16xf32>,
      %get3A_2970 = vector.shape_cast %get3A_2969 : vector<1x16xf32> to vector<16xf32>
      %add3A_2971 = arith.addf %get3A_2965, %get3A_2970 : vector<16xf32>
      %get3A_2972 = arith.constant 9 : i32
      %get3A_2973 = arith.index_cast %get3A_2972 : i32 to index
      %get3A_2974 = arith.constant 0 : index
      %get3A_2975 = tpu.vector_load %arg10[%get3A_2973, %get3A_2974] {strides = array<i32>} : memref<16x64xf32, #tpu.memory_space<vmem>>, vector<1x16xf32>,
      %get3A_2976 = vector.shape_cast %get3A_2975 : vector<1x16xf32> to vector<16xf32>
      %add3A_2977 = arith.addf %add3A_2971, %get3A_2976 : vector<16xf32>
      %get3A_2978 = arith.constant 13 : i32
      %get3A_2979 = arith.index_cast %get3A_2978 : i32 to index
      %get3A_2980 = arith.constant 0 : index
      %get3A_2981 = tpu.vector_load %arg10[%get3A_2979, %get3A_2980] {strides = array<i32>} : memref<16x64xf32, #tpu.memory_space<vmem>>, vector<1x16xf32>,
      %get3A_2982 = vector.shape_cast %get3A_2981 : vector<1x16xf32> to vector<16xf32>
      %add3A_2983 = arith.addf %add3A_2977, %get3A_2982 : vector<16xf32>
      %add3A_2984 = arith.constant 1 : i32
      %add3A_2985 = arith.addi %mul3A_2840, %add3A_2984 : i32
      %swap3A_2986 = arith.index_cast %add3A_2985 : i32 to index
      %swap3A_2987 = arith.constant 0 : index
      %swap3A_2988 = tpu.vector_load %arg11[%swap3A_2986, %swap3A_2987] {strides = array<i32>} : memref<512x64xf32, #tpu.memory_space<vmem>>, vector<1x16xf32>,
      %swap3A_2989 = vector.shape_cast %swap3A_2988 : vector<1x16xf32> to vector<16xf32>
      %swap3A_2990 = vector.shape_cast %add3A_2983 : vector<16xf32> to vector<1x16xf32>
      tpu.vector_store %arg11[%swap3A_2986, %swap3A_2987], %swap3A_2990 {strides = array<i32>} : memref<512x64xf32, #tpu.memory_space<vmem>>, vector<1x16xf32>,
      %get3A_2991 = arith.constant 1 : i32
      %get3A_2992 = arith.index_cast %get3A_2991 : i32 to index
      %get3A_2993 = arith.constant 16 : index
      %get3A_2994 = tpu.vector_load %arg10[%get3A_2992, %get3A_2993] {strides = array<i32>} : memref<16x64xf32, #tpu.memory_space<vmem>>, vector<1x16xf32>,
      %get3A_2995 = vector.shape_cast %get3A_2994 : vector<1x16xf32> to vector<16xf32>
      %get3A_2996 = arith.constant 5 : i32
      %get3A_2997 = arith.index_cast %get3A_2996 : i32 to index
      %get3A_2998 = arith.constant 16 : index
      %get3A_2999 = tpu.vector_load %arg10[%get3A_2997, %get3A_2998] {strides = array<i32>} : memref<16x64xf32, #tpu.memory_space<vmem>>, vector<1x16xf32>,
      %get3A_3000 = vector.shape_cast %get3A_2999 : vector<1x16xf32> to vector<16xf32>
      %add3A_3001 = arith.addf %get3A_2995, %get3A_3000 : vector<16xf32>
      %get3A_3002 = arith.constant 9 : i32
      %get3A_3003 = arith.index_cast %get3A_3002 : i32 to index
      %get3A_3004 = arith.constant 16 : index
      %get3A_3005 = tpu.vector_load %arg10[%get3A_3003, %get3A_3004] {strides = array<i32>} : memref<16x64xf32, #tpu.memory_space<vmem>>, vector<1x16xf32>,
      %get3A_3006 = vector.shape_cast %get3A_3005 : vector<1x16xf32> to vector<16xf32>
      %add3A_3007 = arith.addf %add3A_3001, %get3A_3006 : vector<16xf32>
      %get3A_3008 = arith.constant 13 : i32
      %get3A_3009 = arith.index_cast %get3A_3008 : i32 to index
      %get3A_3010 = arith.constant 16 : index
      %get3A_3011 = tpu.vector_load %arg10[%get3A_3009, %get3A_3010] {strides = array<i32>} : memref<16x64xf32, #tpu.memory_space<vmem>>, vector<1x16xf32>,
      %get3A_3012 = vector.shape_cast %get3A_3011 : vector<1x16xf32> to vector<16xf32>
      %add3A_3013 = arith.addf %add3A_3007, %get3A_3012 : vector<16xf32>
      %add3A_3014 = arith.constant 1 : i32
      %add3A_3015 = arith.addi %mul3A_2840, %add3A_3014 : i32
      %swap3A_3016 = arith.index_cast %add3A_3015 : i32 to index
      %swap3A_3017 = arith.constant 16 : index
      %swap3A_3018 = tpu.vector_load %arg11[%swap3A_3016, %swap3A_3017] {strides = array<i32>} : memref<512x64xf32, #tpu.memory_space<vmem>>, vector<1x16xf32>,
      %swap3A_3019 = vector.shape_cast %swap3A_3018 : vector<1x16xf32> to vector<16xf32>
      %swap3A_3020 = vector.shape_cast %add3A_3013 : vector<16xf32> to vector<1x16xf32>
      tpu.vector_store %arg11[%swap3A_3016, %swap3A_3017], %swap3A_3020 {strides = array<i32>} : memref<512x64xf32, #tpu.memory_space<vmem>>, vector<1x16xf32>,
      %get3A_3021 = arith.constant 1 : i32
      %get3A_3022 = arith.index_cast %get3A_3021 : i32 to index
      %get3A_3023 = arith.constant 32 : index
      %get3A_3024 = tpu.vector_load %arg10[%get3A_3022, %get3A_3023] {strides = array<i32>} : memref<16x64xf32, #tpu.memory_space<vmem>>, vector<1x16xf32>,
      %get3A_3025 = vector.shape_cast %get3A_3024 : vector<1x16xf32> to vector<16xf32>
      %get3A_3026 = arith.constant 5 : i32
      %get3A_3027 = arith.index_cast %get3A_3026 : i32 to index
      %get3A_3028 = arith.constant 32 : index
      %get3A_3029 = tpu.vector_load %arg10[%get3A_3027, %get3A_3028] {strides = array<i32>} : memref<16x64xf32, #tpu.memory_space<vmem>>, vector<1x16xf32>,
      %get3A_3030 = vector.shape_cast %get3A_3029 : vector<1x16xf32> to vector<16xf32>
      %add3A_3031 = arith.addf %get3A_3025, %get3A_3030 : vector<16xf32>
      %get3A_3032 = arith.constant 9 : i32
      %get3A_3033 = arith.index_cast %get3A_3032 : i32 to index
      %get3A_3034 = arith.constant 32 : index
      %get3A_3035 = tpu.vector_load %arg10[%get3A_3033, %get3A_3034] {strides = array<i32>} : memref<16x64xf32, #tpu.memory_space<vmem>>, vector<1x16xf32>,
      %get3A_3036 = vector.shape_cast %get3A_3035 : vector<1x16xf32> to vector<16xf32>
      %add3A_3037 = arith.addf %add3A_3031, %get3A_3036 : vector<16xf32>
      %get3A_3038 = arith.constant 13 : i32
      %get3A_3039 = arith.index_cast %get3A_3038 : i32 to index
      %get3A_3040 = arith.constant 32 : index
      %get3A_3041 = tpu.vector_load %arg10[%get3A_3039, %get3A_3040] {strides = array<i32>} : memref<16x64xf32, #tpu.memory_space<vmem>>, vector<1x16xf32>,
      %get3A_3042 = vector.shape_cast %get3A_3041 : vector<1x16xf32> to vector<16xf32>
      %add3A_3043 = arith.addf %add3A_3037, %get3A_3042 : vector<16xf32>
      %add3A_3044 = arith.constant 1 : i32
      %add3A_3045 = arith.addi %mul3A_2840, %add3A_3044 : i32
      %swap3A_3046 = arith.index_cast %add3A_3045 : i32 to index
      %swap3A_3047 = arith.constant 32 : index
      %swap3A_3048 = tpu.vector_load %arg11[%swap3A_3046, %swap3A_3047] {strides = array<i32>} : memref<512x64xf32, #tpu.memory_space<vmem>>, vector<1x16xf32>,
      %swap3A_3049 = vector.shape_cast %swap3A_3048 : vector<1x16xf32> to vector<16xf32>
      %swap3A_3050 = vector.shape_cast %add3A_3043 : vector<16xf32> to vector<1x16xf32>
      tpu.vector_store %arg11[%swap3A_3046, %swap3A_3047], %swap3A_3050 {strides = array<i32>} : memref<512x64xf32, #tpu.memory_space<vmem>>, vector<1x16xf32>,
      %get3A_3051 = arith.constant 1 : i32
      %get3A_3052 = arith.index_cast %get3A_3051 : i32 to index
      %get3A_3053 = arith.constant 48 : index
      %get3A_3054 = tpu.vector_load %arg10[%get3A_3052, %get3A_3053] {strides = array<i32>} : memref<16x64xf32, #tpu.memory_space<vmem>>, vector<1x16xf32>,
      %get3A_3055 = vector.shape_cast %get3A_3054 : vector<1x16xf32> to vector<16xf32>
      %get3A_3056 = arith.constant 5 : i32
      %get3A_3057 = arith.index_cast %get3A_3056 : i32 to index
      %get3A_3058 = arith.constant 48 : index
      %get3A_3059 = tpu.vector_load %arg10[%get3A_3057, %get3A_3058] {strides = array<i32>} : memref<16x64xf32, #tpu.memory_space<vmem>>, vector<1x16xf32>,
      %get3A_3060 = vector.shape_cast %get3A_3059 : vector<1x16xf32> to vector<16xf32>
      %add3A_3061 = arith.addf %get3A_3055, %get3A_3060 : vector<16xf32>
      %get3A_3062 = arith.constant 9 : i32
      %get3A_3063 = arith.index_cast %get3A_3062 : i32 to index
      %get3A_3064 = arith.constant 48 : index
      %get3A_3065 = tpu.vector_load %arg10[%get3A_3063, %get3A_3064] {strides = array<i32>} : memref<16x64xf32, #tpu.memory_space<vmem>>, vector<1x16xf32>,
      %get3A_3066 = vector.shape_cast %get3A_3065 : vector<1x16xf32> to vector<16xf32>
      %add3A_3067 = arith.addf %add3A_3061, %get3A_3066 : vector<16xf32>
      %get3A_3068 = arith.constant 13 : i32
      %get3A_3069 = arith.index_cast %get3A_3068 : i32 to index
      %get3A_3070 = arith.constant 48 : index
      %get3A_3071 = tpu.vector_load %arg10[%get3A_3069, %get3A_3070] {strides = array<i32>} : memref<16x64xf32, #tpu.memory_space<vmem>>, vector<1x16xf32>,
      %get3A_3072 = vector.shape_cast %get3A_3071 : vector<1x16xf32> to vector<16xf32>
      %add3A_3073 = arith.addf %add3A_3067, %get3A_3072 : vector<16xf32>
      %add3A_3074 = arith.constant 1 : i32
      %add3A_3075 = arith.addi %mul3A_2840, %add3A_3074 : i32
      %swap3A_3076 = arith.index_cast %add3A_3075 : i32 to index
      %swap3A_3077 = arith.constant 48 : index
      %swap3A_3078 = tpu.vector_load %arg11[%swap3A_3076, %swap3A_3077] {strides = array<i32>} : memref<512x64xf32, #tpu.memory_space<vmem>>, vector<1x16xf32>,
      %swap3A_3079 = vector.shape_cast %swap3A_3078 : vector<1x16xf32> to vector<16xf32>
      %swap3A_3080 = vector.shape_cast %add3A_3073 : vector<16xf32> to vector<1x16xf32>
      tpu.vector_store %arg11[%swap3A_3076, %swap3A_3077], %swap3A_3080 {strides = array<i32>} : memref<512x64xf32, #tpu.memory_space<vmem>>, vector<1x16xf32>,
      %get3A_3081 = arith.constant 2 : i32
      %get3A_3082 = arith.index_cast %get3A_3081 : i32 to index
      %get3A_3083 = arith.constant 0 : index
      %get3A_3084 = tpu.vector_load %arg10[%get3A_3082, %get3A_3083] {strides = array<i32>} : memref<16x64xf32, #tpu.memory_space<vmem>>, vector<1x16xf32>,
      %get3A_3085 = vector.shape_cast %get3A_3084 : vector<1x16xf32> to vector<16xf32>
      %get3A_3086 = arith.constant 6 : i32
      %get3A_3087 = arith.index_cast %get3A_3086 : i32 to index
      %get3A_3088 = arith.constant 0 : index
      %get3A_3089 = tpu.vector_load %arg10[%get3A_3087, %get3A_3088] {strides = array<i32>} : memref<16x64xf32, #tpu.memory_space<vmem>>, vector<1x16xf32>,
      %get3A_3090 = vector.shape_cast %get3A_3089 : vector<1x16xf32> to vector<16xf32>
      %add3A_3091 = arith.addf %get3A_3085, %get3A_3090 : vector<16xf32>
      %get3A_3092 = arith.constant 10 : i32
      %get3A_3093 = arith.index_cast %get3A_3092 : i32 to index
      %get3A_3094 = arith.constant 0 : index
      %get3A_3095 = tpu.vector_load %arg10[%get3A_3093, %get3A_3094] {strides = array<i32>} : memref<16x64xf32, #tpu.memory_space<vmem>>, vector<1x16xf32>,
      %get3A_3096 = vector.shape_cast %get3A_3095 : vector<1x16xf32> to vector<16xf32>
      %add3A_3097 = arith.addf %add3A_3091, %get3A_3096 : vector<16xf32>
      %get3A_3098 = arith.constant 14 : i32
      %get3A_3099 = arith.index_cast %get3A_3098 : i32 to index
      %get3A_3100 = arith.constant 0 : index
      %get3A_3101 = tpu.vector_load %arg10[%get3A_3099, %get3A_3100] {strides = array<i32>} : memref<16x64xf32, #tpu.memory_space<vmem>>, vector<1x16xf32>,
      %get3A_3102 = vector.shape_cast %get3A_3101 : vector<1x16xf32> to vector<16xf32>
      %add3A_3103 = arith.addf %add3A_3097, %get3A_3102 : vector<16xf32>
      %add3A_3104 = arith.constant 2 : i32
      %add3A_3105 = arith.addi %mul3A_2840, %add3A_3104 : i32
      %swap3A_3106 = arith.index_cast %add3A_3105 : i32 to index
      %swap3A_3107 = arith.constant 0 : index
      %swap3A_3108 = tpu.vector_load %arg11[%swap3A_3106, %swap3A_3107] {strides = array<i32>} : memref<512x64xf32, #tpu.memory_space<vmem>>, vector<1x16xf32>,
      %swap3A_3109 = vector.shape_cast %swap3A_3108 : vector<1x16xf32> to vector<16xf32>
      %swap3A_3110 = vector.shape_cast %add3A_3103 : vector<16xf32> to vector<1x16xf32>
      tpu.vector_store %arg11[%swap3A_3106, %swap3A_3107], %swap3A_3110 {strides = array<i32>} : memref<512x64xf32, #tpu.memory_space<vmem>>, vector<1x16xf32>,
      %get3A_3111 = arith.constant 2 : i32
      %get3A_3112 = arith.index_cast %get3A_3111 : i32 to index
      %get3A_3113 = arith.constant 16 : index
      %get3A_3114 = tpu.vector_load %arg10[%get3A_3112, %get3A_3113] {strides = array<i32>} : memref<16x64xf32, #tpu.memory_space<vmem>>, vector<1x16xf32>,
      %get3A_3115 = vector.shape_cast %get3A_3114 : vector<1x16xf32> to vector<16xf32>
      %get3A_3116 = arith.constant 6 : i32
      %get3A_3117 = arith.index_cast %get3A_3116 : i32 to index
      %get3A_3118 = arith.constant 16 : index
      %get3A_3119 = tpu.vector_load %arg10[%get3A_3117, %get3A_3118] {strides = array<i32>} : memref<16x64xf32, #tpu.memory_space<vmem>>, vector<1x16xf32>,
      %get3A_3120 = vector.shape_cast %get3A_3119 : vector<1x16xf32> to vector<16xf32>
      %add3A_3121 = arith.addf %get3A_3115, %get3A_3120 : vector<16xf32>
      %get3A_3122 = arith.constant 10 : i32
      %get3A_3123 = arith.index_cast %get3A_3122 : i32 to index
      %get3A_3124 = arith.constant 16 : index
      %get3A_3125 = tpu.vector_load %arg10[%get3A_3123, %get3A_3124] {strides = array<i32>} : memref<16x64xf32, #tpu.memory_space<vmem>>, vector<1x16xf32>,
      %get3A_3126 = vector.shape_cast %get3A_3125 : vector<1x16xf32> to vector<16xf32>
      %add3A_3127 = arith.addf %add3A_3121, %get3A_3126 : vector<16xf32>
      %get3A_3128 = arith.constant 14 : i32
      %get3A_3129 = arith.index_cast %get3A_3128 : i32 to index
      %get3A_3130 = arith.constant 16 : index
      %get3A_3131 = tpu.vector_load %arg10[%get3A_3129, %get3A_3130] {strides = array<i32>} : memref<16x64xf32, #tpu.memory_space<vmem>>, vector<1x16xf32>,
      %get3A_3132 = vector.shape_cast %get3A_3131 : vector<1x16xf32> to vector<16xf32>
      %add3A_3133 = arith.addf %add3A_3127, %get3A_3132 : vector<16xf32>
      %add3A_3134 = arith.constant 2 : i32
      %add3A_3135 = arith.addi %mul3A_2840, %add3A_3134 : i32
      %swap3A_3136 = arith.index_cast %add3A_3135 : i32 to index
      %swap3A_3137 = arith.constant 16 : index
      %swap3A_3138 = tpu.vector_load %arg11[%swap3A_3136, %swap3A_3137] {strides = array<i32>} : memref<512x64xf32, #tpu.memory_space<vmem>>, vector<1x16xf32>,
      %swap3A_3139 = vector.shape_cast %swap3A_3138 : vector<1x16xf32> to vector<16xf32>
      %swap3A_3140 = vector.shape_cast %add3A_3133 : vector<16xf32> to vector<1x16xf32>
      tpu.vector_store %arg11[%swap3A_3136, %swap3A_3137], %swap3A_3140 {strides = array<i32>} : memref<512x64xf32, #tpu.memory_space<vmem>>, vector<1x16xf32>,
      %get3A_3141 = arith.constant 2 : i32
      %get3A_3142 = arith.index_cast %get3A_3141 : i32 to index
      %get3A_3143 = arith.constant 32 : index
      %get3A_3144 = tpu.vector_load %arg10[%get3A_3142, %get3A_3143] {strides = array<i32>} : memref<16x64xf32, #tpu.memory_space<vmem>>, vector<1x16xf32>,
      %get3A_3145 = vector.shape_cast %get3A_3144 : vector<1x16xf32> to vector<16xf32>
      %get3A_3146 = arith.constant 6 : i32
      %get3A_3147 = arith.index_cast %get3A_3146 : i32 to index
      %get3A_3148 = arith.constant 32 : index
      %get3A_3149 = tpu.vector_load %arg10[%get3A_3147, %get3A_3148] {strides = array<i32>} : memref<16x64xf32, #tpu.memory_space<vmem>>, vector<1x16xf32>,
      %get3A_3150 = vector.shape_cast %get3A_3149 : vector<1x16xf32> to vector<16xf32>
      %add3A_3151 = arith.addf %get3A_3145, %get3A_3150 : vector<16xf32>
      %get3A_3152 = arith.constant 10 : i32
      %get3A_3153 = arith.index_cast %get3A_3152 : i32 to index
      %get3A_3154 = arith.constant 32 : index
      %get3A_3155 = tpu.vector_load %arg10[%get3A_3153, %get3A_3154] {strides = array<i32>} : memref<16x64xf32, #tpu.memory_space<vmem>>, vector<1x16xf32>,
      %get3A_3156 = vector.shape_cast %get3A_3155 : vector<1x16xf32> to vector<16xf32>
      %add3A_3157 = arith.addf %add3A_3151, %get3A_3156 : vector<16xf32>
      %get3A_3158 = arith.constant 14 : i32
      %get3A_3159 = arith.index_cast %get3A_3158 : i32 to index
      %get3A_3160 = arith.constant 32 : index
      %get3A_3161 = tpu.vector_load %arg10[%get3A_3159, %get3A_3160] {strides = array<i32>} : memref<16x64xf32, #tpu.memory_space<vmem>>, vector<1x16xf32>,
      %get3A_3162 = vector.shape_cast %get3A_3161 : vector<1x16xf32> to vector<16xf32>
      %add3A_3163 = arith.addf %add3A_3157, %get3A_3162 : vector<16xf32>
      %add3A_3164 = arith.constant 2 : i32
      %add3A_3165 = arith.addi %mul3A_2840, %add3A_3164 : i32
      %swap3A_3166 = arith.index_cast %add3A_3165 : i32 to index
      %swap3A_3167 = arith.constant 32 : index
      %swap3A_3168 = tpu.vector_load %arg11[%swap3A_3166, %swap3A_3167] {strides = array<i32>} : memref<512x64xf32, #tpu.memory_space<vmem>>, vector<1x16xf32>,
      %swap3A_3169 = vector.shape_cast %swap3A_3168 : vector<1x16xf32> to vector<16xf32>
      %swap3A_3170 = vector.shape_cast %add3A_3163 : vector<16xf32> to vector<1x16xf32>
      tpu.vector_store %arg11[%swap3A_3166, %swap3A_3167], %swap3A_3170 {strides = array<i32>} : memref<512x64xf32, #tpu.memory_space<vmem>>, vector<1x16xf32>,
      %get3A_3171 = arith.constant 2 : i32
      %get3A_3172 = arith.index_cast %get3A_3171 : i32 to index
      %get3A_3173 = arith.constant 48 : index
      %get3A_3174 = tpu.vector_load %arg10[%get3A_3172, %get3A_3173] {strides = array<i32>} : memref<16x64xf32, #tpu.memory_space<vmem>>, vector<1x16xf32>,
      %get3A_3175 = vector.shape_cast %get3A_3174 : vector<1x16xf32> to vector<16xf32>
      %get3A_3176 = arith.constant 6 : i32
      %get3A_3177 = arith.index_cast %get3A_3176 : i32 to index
      %get3A_3178 = arith.constant 48 : index
      %get3A_3179 = tpu.vector_load %arg10[%get3A_3177, %get3A_3178] {strides = array<i32>} : memref<16x64xf32, #tpu.memory_space<vmem>>, vector<1x16xf32>,
      %get3A_3180 = vector.shape_cast %get3A_3179 : vector<1x16xf32> to vector<16xf32>
      %add3A_3181 = arith.addf %get3A_3175, %get3A_3180 : vector<16xf32>
      %get3A_3182 = arith.constant 10 : i32
      %get3A_3183 = arith.index_cast %get3A_3182 : i32 to index
      %get3A_3184 = arith.constant 48 : index
      %get3A_3185 = tpu.vector_load %arg10[%get3A_3183, %get3A_3184] {strides = array<i32>} : memref<16x64xf32, #tpu.memory_space<vmem>>, vector<1x16xf32>,
      %get3A_3186 = vector.shape_cast %get3A_3185 : vector<1x16xf32> to vector<16xf32>
      %add3A_3187 = arith.addf %add3A_3181, %get3A_3186 : vector<16xf32>
      %get3A_3188 = arith.constant 14 : i32
      %get3A_3189 = arith.index_cast %get3A_3188 : i32 to index
      %get3A_3190 = arith.constant 48 : index
      %get3A_3191 = tpu.vector_load %arg10[%get3A_3189, %get3A_3190] {strides = array<i32>} : memref<16x64xf32, #tpu.memory_space<vmem>>, vector<1x16xf32>,
      %get3A_3192 = vector.shape_cast %get3A_3191 : vector<1x16xf32> to vector<16xf32>
      %add3A_3193 = arith.addf %add3A_3187, %get3A_3192 : vector<16xf32>
      %add3A_3194 = arith.constant 2 : i32
      %add3A_3195 = arith.addi %mul3A_2840, %add3A_3194 : i32
      %swap3A_3196 = arith.index_cast %add3A_3195 : i32 to index
      %swap3A_3197 = arith.constant 48 : index
      %swap3A_3198 = tpu.vector_load %arg11[%swap3A_3196, %swap3A_3197] {strides = array<i32>} : memref<512x64xf32, #tpu.memory_space<vmem>>, vector<1x16xf32>,
      %swap3A_3199 = vector.shape_cast %swap3A_3198 : vector<1x16xf32> to vector<16xf32>
      %swap3A_3200 = vector.shape_cast %add3A_3193 : vector<16xf32> to vector<1x16xf32>
      tpu.vector_store %arg11[%swap3A_3196, %swap3A_3197], %swap3A_3200 {strides = array<i32>} : memref<512x64xf32, #tpu.memory_space<vmem>>, vector<1x16xf32>,
      %get3A_3201 = arith.constant 3 : i32
      %get3A_3202 = arith.index_cast %get3A_3201 : i32 to index
      %get3A_3203 = arith.constant 0 : index
      %get3A_3204 = tpu.vector_load %arg10[%get3A_3202, %get3A_3203] {strides = array<i32>} : memref<16x64xf32, #tpu.memory_space<vmem>>, vector<1x16xf32>,
      %get3A_3205 = vector.shape_cast %get3A_3204 : vector<1x16xf32> to vector<16xf32>
      %get3A_3206 = arith.constant 7 : i32
      %get3A_3207 = arith.index_cast %get3A_3206 : i32 to index
      %get3A_3208 = arith.constant 0 : index
      %get3A_3209 = tpu.vector_load %arg10[%get3A_3207, %get3A_3208] {strides = array<i32>} : memref<16x64xf32, #tpu.memory_space<vmem>>, vector<1x16xf32>,
      %get3A_3210 = vector.shape_cast %get3A_3209 : vector<1x16xf32> to vector<16xf32>
      %add3A_3211 = arith.addf %get3A_3205, %get3A_3210 : vector<16xf32>
      %get3A_3212 = arith.constant 11 : i32
      %get3A_3213 = arith.index_cast %get3A_3212 : i32 to index
      %get3A_3214 = arith.constant 0 : index
      %get3A_3215 = tpu.vector_load %arg10[%get3A_3213, %get3A_3214] {strides = array<i32>} : memref<16x64xf32, #tpu.memory_space<vmem>>, vector<1x16xf32>,
      %get3A_3216 = vector.shape_cast %get3A_3215 : vector<1x16xf32> to vector<16xf32>
      %add3A_3217 = arith.addf %add3A_3211, %get3A_3216 : vector<16xf32>
      %get3A_3218 = arith.constant 15 : i32
      %get3A_3219 = arith.index_cast %get3A_3218 : i32 to index
      %get3A_3220 = arith.constant 0 : index
      %get3A_3221 = tpu.vector_load %arg10[%get3A_3219, %get3A_3220] {strides = array<i32>} : memref<16x64xf32, #tpu.memory_space<vmem>>, vector<1x16xf32>,
      %get3A_3222 = vector.shape_cast %get3A_3221 : vector<1x16xf32> to vector<16xf32>
      %add3A_3223 = arith.addf %add3A_3217, %get3A_3222 : vector<16xf32>
      %add3A_3224 = arith.constant 3 : i32
      %add3A_3225 = arith.addi %mul3A_2840, %add3A_3224 : i32
      %swap3A_3226 = arith.index_cast %add3A_3225 : i32 to index
      %swap3A_3227 = arith.constant 0 : index
      %swap3A_3228 = tpu.vector_load %arg11[%swap3A_3226, %swap3A_3227] {strides = array<i32>} : memref<512x64xf32, #tpu.memory_space<vmem>>, vector<1x16xf32>,
      %swap3A_3229 = vector.shape_cast %swap3A_3228 : vector<1x16xf32> to vector<16xf32>
      %swap3A_3230 = vector.shape_cast %add3A_3223 : vector<16xf32> to vector<1x16xf32>
      tpu.vector_store %arg11[%swap3A_3226, %swap3A_3227], %swap3A_3230 {strides = array<i32>} : memref<512x64xf32, #tpu.memory_space<vmem>>, vector<1x16xf32>,
      %get3A_3231 = arith.constant 3 : i32
      %get3A_3232 = arith.index_cast %get3A_3231 : i32 to index
      %get3A_3233 = arith.constant 16 : index
      %get3A_3234 = tpu.vector_load %arg10[%get3A_3232, %get3A_3233] {strides = array<i32>} : memref<16x64xf32, #tpu.memory_space<vmem>>, vector<1x16xf32>,
      %get3A_3235 = vector.shape_cast %get3A_3234 : vector<1x16xf32> to vector<16xf32>
      %get3A_3236 = arith.constant 7 : i32
      %get3A_3237 = arith.index_cast %get3A_3236 : i32 to index
      %get3A_3238 = arith.constant 16 : index
      %get3A_3239 = tpu.vector_load %arg10[%get3A_3237, %get3A_3238] {strides = array<i32>} : memref<16x64xf32, #tpu.memory_space<vmem>>, vector<1x16xf32>,
      %get3A_3240 = vector.shape_cast %get3A_3239 : vector<1x16xf32> to vector<16xf32>
      %add3A_3241 = arith.addf %get3A_3235, %get3A_3240 : vector<16xf32>
      %get3A_3242 = arith.constant 11 : i32
      %get3A_3243 = arith.index_cast %get3A_3242 : i32 to index
      %get3A_3244 = arith.constant 16 : index
      %get3A_3245 = tpu.vector_load %arg10[%get3A_3243, %get3A_3244] {strides = array<i32>} : memref<16x64xf32, #tpu.memory_space<vmem>>, vector<1x16xf32>,
      %get3A_3246 = vector.shape_cast %get3A_3245 : vector<1x16xf32> to vector<16xf32>
      %add3A_3247 = arith.addf %add3A_3241, %get3A_3246 : vector<16xf32>
      %get3A_3248 = arith.constant 15 : i32
      %get3A_3249 = arith.index_cast %get3A_3248 : i32 to index
      %get3A_3250 = arith.constant 16 : index
      %get3A_3251 = tpu.vector_load %arg10[%get3A_3249, %get3A_3250] {strides = array<i32>} : memref<16x64xf32, #tpu.memory_space<vmem>>, vector<1x16xf32>,
      %get3A_3252 = vector.shape_cast %get3A_3251 : vector<1x16xf32> to vector<16xf32>
      %add3A_3253 = arith.addf %add3A_3247, %get3A_3252 : vector<16xf32>
      %add3A_3254 = arith.constant 3 : i32
      %add3A_3255 = arith.addi %mul3A_2840, %add3A_3254 : i32
      %swap3A_3256 = arith.index_cast %add3A_3255 : i32 to index
      %swap3A_3257 = arith.constant 16 : index
      %swap3A_3258 = tpu.vector_load %arg11[%swap3A_3256, %swap3A_3257] {strides = array<i32>} : memref<512x64xf32, #tpu.memory_space<vmem>>, vector<1x16xf32>,
      %swap3A_3259 = vector.shape_cast %swap3A_3258 : vector<1x16xf32> to vector<16xf32>
      %swap3A_3260 = vector.shape_cast %add3A_3253 : vector<16xf32> to vector<1x16xf32>
      tpu.vector_store %arg11[%swap3A_3256, %swap3A_3257], %swap3A_3260 {strides = array<i32>} : memref<512x64xf32, #tpu.memory_space<vmem>>, vector<1x16xf32>,
      %get3A_3261 = arith.constant 3 : i32
      %get3A_3262 = arith.index_cast %get3A_3261 : i32 to index
      %get3A_3263 = arith.constant 32 : index
      %get3A_3264 = tpu.vector_load %arg10[%get3A_3262, %get3A_3263] {strides = array<i32>} : memref<16x64xf32, #tpu.memory_space<vmem>>, vector<1x16xf32>,
      %get3A_3265 = vector.shape_cast %get3A_3264 : vector<1x16xf32> to vector<16xf32>
      %get3A_3266 = arith.constant 7 : i32
      %get3A_3267 = arith.index_cast %get3A_3266 : i32 to index
      %get3A_3268 = arith.constant 32 : index
      %get3A_3269 = tpu.vector_load %arg10[%get3A_3267, %get3A_3268] {strides = array<i32>} : memref<16x64xf32, #tpu.memory_space<vmem>>, vector<1x16xf32>,
      %get3A_3270 = vector.shape_cast %get3A_3269 : vector<1x16xf32> to vector<16xf32>
      %add3A_3271 = arith.addf %get3A_3265, %get3A_3270 : vector<16xf32>
      %get3A_3272 = arith.constant 11 : i32
      %get3A_3273 = arith.index_cast %get3A_3272 : i32 to index
      %get3A_3274 = arith.constant 32 : index
      %get3A_3275 = tpu.vector_load %arg10[%get3A_3273, %get3A_3274] {strides = array<i32>} : memref<16x64xf32, #tpu.memory_space<vmem>>, vector<1x16xf32>,
      %get3A_3276 = vector.shape_cast %get3A_3275 : vector<1x16xf32> to vector<16xf32>
      %add3A_3277 = arith.addf %add3A_3271, %get3A_3276 : vector<16xf32>
      %get3A_3278 = arith.constant 15 : i32
      %get3A_3279 = arith.index_cast %get3A_3278 : i32 to index
      %get3A_3280 = arith.constant 32 : index
      %get3A_3281 = tpu.vector_load %arg10[%get3A_3279, %get3A_3280] {strides = array<i32>} : memref<16x64xf32, #tpu.memory_space<vmem>>, vector<1x16xf32>,
      %get3A_3282 = vector.shape_cast %get3A_3281 : vector<1x16xf32> to vector<16xf32>
      %add3A_3283 = arith.addf %add3A_3277, %get3A_3282 : vector<16xf32>
      %add3A_3284 = arith.constant 3 : i32
      %add3A_3285 = arith.addi %mul3A_2840, %add3A_3284 : i32
      %swap3A_3286 = arith.index_cast %add3A_3285 : i32 to index
      %swap3A_3287 = arith.constant 32 : index
      %swap3A_3288 = tpu.vector_load %arg11[%swap3A_3286, %swap3A_3287] {strides = array<i32>} : memref<512x64xf32, #tpu.memory_space<vmem>>, vector<1x16xf32>,
      %swap3A_3289 = vector.shape_cast %swap3A_3288 : vector<1x16xf32> to vector<16xf32>
      %swap3A_3290 = vector.shape_cast %add3A_3283 : vector<16xf32> to vector<1x16xf32>
      tpu.vector_store %arg11[%swap3A_3286, %swap3A_3287], %swap3A_3290 {strides = array<i32>} : memref<512x64xf32, #tpu.memory_space<vmem>>, vector<1x16xf32>,
      %get3A_3291 = arith.constant 3 : i32
      %get3A_3292 = arith.index_cast %get3A_3291 : i32 to index
      %get3A_3293 = arith.constant 48 : index
      %get3A_3294 = tpu.vector_load %arg10[%get3A_3292, %get3A_3293] {strides = array<i32>} : memref<16x64xf32, #tpu.memory_space<vmem>>, vector<1x16xf32>,
      %get3A_3295 = vector.shape_cast %get3A_3294 : vector<1x16xf32> to vector<16xf32>
      %get3A_3296 = arith.constant 7 : i32
      %get3A_3297 = arith.index_cast %get3A_3296 : i32 to index
      %get3A_3298 = arith.constant 48 : index
      %get3A_3299 = tpu.vector_load %arg10[%get3A_3297, %get3A_3298] {strides = array<i32>} : memref<16x64xf32, #tpu.memory_space<vmem>>, vector<1x16xf32>,
      %get3A_3300 = vector.shape_cast %get3A_3299 : vector<1x16xf32> to vector<16xf32>
      %add3A_3301 = arith.addf %get3A_3295, %get3A_3300 : vector<16xf32>
      %get3A_3302 = arith.constant 11 : i32
      %get3A_3303 = arith.index_cast %get3A_3302 : i32 to index
      %get3A_3304 = arith.constant 48 : index
      %get3A_3305 = tpu.vector_load %arg10[%get3A_3303, %get3A_3304] {strides = array<i32>} : memref<16x64xf32, #tpu.memory_space<vmem>>, vector<1x16xf32>,
      %get3A_3306 = vector.shape_cast %get3A_3305 : vector<1x16xf32> to vector<16xf32>
      %add3A_3307 = arith.addf %add3A_3301, %get3A_3306 : vector<16xf32>
      %get3A_3308 = arith.constant 15 : i32
      %get3A_3309 = arith.index_cast %get3A_3308 : i32 to index
      %get3A_3310 = arith.constant 48 : index
      %get3A_3311 = tpu.vector_load %arg10[%get3A_3309, %get3A_3310] {strides = array<i32>} : memref<16x64xf32, #tpu.memory_space<vmem>>, vector<1x16xf32>,
      %get3A_3312 = vector.shape_cast %get3A_3311 : vector<1x16xf32> to vector<16xf32>
      %add3A_3313 = arith.addf %add3A_3307, %get3A_3312 : vector<16xf32>
      %add3A_3314 = arith.constant 3 : i32
      %add3A_3315 = arith.addi %mul3A_2840, %add3A_3314 : i32
      %swap3A_3316 = arith.index_cast %add3A_3315 : i32 to index
      %swap3A_3317 = arith.constant 48 : index
      %swap3A_3318 = tpu.vector_load %arg11[%swap3A_3316, %swap3A_3317] {strides = array<i32>} : memref<512x64xf32, #tpu.memory_space<vmem>>, vector<1x16xf32>,
      %swap3A_3319 = vector.shape_cast %swap3A_3318 : vector<1x16xf32> to vector<16xf32>
      %swap3A_3320 = vector.shape_cast %add3A_3313 : vector<16xf32> to vector<1x16xf32>
      tpu.vector_store %arg11[%swap3A_3316, %swap3A_3317], %swap3A_3320 {strides = array<i32>} : memref<512x64xf32, #tpu.memory_space<vmem>>, vector<1x16xf32>,
      %scan3A_3321 = arith.constant 0 : i32
      scf.yield %scan3A_3321 : i32
    }
    %scan3A_295 = arith.constant 32 : i32
    %dma_wait3A = arith.constant 0 : i32
    %dma_wait3A_296 = arith.constant 0 : i32
    %dma_wait3A_297 = tpu.memref_slice %arg3[%dma_wait3A, %dma_wait3A_296] : memref<100000x64xf32, #tpu.memory_space<hbm>> -> memref<16x64xf32, #tpu.memory_space<hbm>>
    %dma_wait3A_298 = arith.constant 0 : i32
    %dma_wait3A_299 = arith.constant 0 : i32
    %dma_wait3A_300 = tpu.memref_slice %arg3[%dma_wait3A_298, %dma_wait3A_299] : memref<100000x64xf32, #tpu.memory_space<hbm>> -> memref<16x64xf32, #tpu.memory_space<hbm>>
    tpu.wait_dma2 semaphore(%arg12 : memref<!tpu.dma_semaphore, #tpu.memory_space<semaphore_mem>>) src(%dma_wait3A_300 : memref<16x64xf32, #tpu.memory_space<hbm>>) dst(%arg9 : memref<16x64xf32, #tpu.memory_space<vmem>>)
    "tpu.region"() ({
      %run_scoped3A_301 = tpu.sem_alloc : memref<!tpu.dma_semaphore, #tpu.memory_space<semaphore_mem>>
      %dma_start3A_302 = arith.constant 0 : i32
      %dma_start3A_303 = tpu.memref_slice %arg7[%mul3A_2, %dma_start3A_302] : memref<16384x64xf32, #tpu.memory_space<hbm>> -> memref<512x64xf32, #tpu.memory_space<hbm>>
      %dma_start3A_304 = arith.constant 0 : i32
      %dma_start3A_305 = tpu.memref_slice %arg7[%mul3A_2, %dma_start3A_304] : memref<16384x64xf32, #tpu.memory_space<hbm>> -> memref<512x64xf32, #tpu.memory_space<hbm>>
      tpu.enqueue_dma source(%arg11 : memref<512x64xf32, #tpu.memory_space<vmem>>) target(%dma_start3A_305 : memref<512x64xf32, #tpu.memory_space<hbm>>) target_semaphore(%run_scoped3A_301 : memref<!tpu.dma_semaphore, #tpu.memory_space<semaphore_mem>>)
      %dma_wait3A_306 = arith.constant 0 : i32
      %dma_wait3A_307 = tpu.memref_slice %arg7[%mul3A_2, %dma_wait3A_306] : memref<16384x64xf32, #tpu.memory_space<hbm>> -> memref<512x64xf32, #tpu.memory_space<hbm>>
      %dma_wait3A_308 = arith.constant 0 : i32
      %dma_wait3A_309 = tpu.memref_slice %arg7[%mul3A_2, %dma_wait3A_308] : memref<16384x64xf32, #tpu.memory_space<hbm>> -> memref<512x64xf32, #tpu.memory_space<hbm>>
      tpu.wait_dma2 semaphore(%run_scoped3A_301 : memref<!tpu.dma_semaphore, #tpu.memory_space<semaphore_mem>>) src(%arg11 : memref<512x64xf32, #tpu.memory_space<vmem>>) dst(%dma_wait3A_309 : memref<512x64xf32, #tpu.memory_space<hbm>>)
      tpu.yield
    }) : () -> ()
    return
  }
}

</mosaic_0001>

<sc_bundles>
// kernel: kernel.3.cloned.1.call-start
scs
__scs_entry_jumppad:
0x0: {  	(pc) =	sbr.rel $0x88, $3  }
0x1: {  	(tag) =	ssettag $0x0;
	lr =	simm.s32 $0x1  }
0x2: {  	[smem:$0x3F9C] =	sst lr;
	_ =	strace $0xD0000000  }
0x3: {  	_ = 	snop  }
0x4: {  	_ = 	snop  }
0x5: {  	_ = 	snop  }
0x6: {  	_ = 	snop  }
0x7: {  	_ = 	snop  }
__scs_overlays_trampoline_lowered:
0x8: {  	[smem:$0x3FAB] =	sst s0  }
0x9: {  	[smem:$0x3FAC] =	sst s1  }
0xa: {  	[smem:$0x3FAD] =	sst s2  }
0xb: {  	[smem:$0x3FAE] =	sst s3  }
0xc: {  	[smem:$0x3FAF] =	sst s4  }
0xd: {  	[smem:$0x3FB0] =	sst s5  }
0xe: {  	[smem:$0x3FB1] =	sst s6  }
0xf: {  	[smem:$0x3FB2] =	sst s7  }
0x10: {  	[smem:$0x3FB3] =	sst s8  }
0x11: {  	[smem:$0x3FB4] =	sst s9;
	s0 =	simm.s32 @!p0 $0x0  }
0x12: {  	s1 =	sld [smem:$0x3F9A];
	s0 =	simm.s32 @p0 $0x1  }
0x13: {  	[smem:$0x3FB5] =	sst s0;
	s0 =	simm.s32 @!p1 $0x0  }
0x14: {  	s2 =	sld [smem:$0x3F99];
	s0 =	simm.s32 @p1 $0x1  }
0x15: {  	[smem:$0x3FB6] =	sst s0;
	s0 =	simm.s32 @!p2 $0x0  }
0x16: {  	s3 =	sld [smem:$0x3FDB];
	s0 =	simm.s32 @p2 $0x1  }
0x17: {  	s4 =	simm.s32 $0x1BF5;
	[smem:$0x3FB8] =	sst s0  }
0x18: {  	s0 =	sld [smem:$0x3F9B];
	_ =	swait.ge [sflag:s4], $0x0  }
0x19: {  	s7 =	sld [smem:$0x3F9C]  }
0x1a: {  	s8 =	sadd.s32 $0xFFFFE003, lr  }
0x1b: {  	s9 =	sadd.s32 $0xFFFFFEF7, lr;
	s5 =	simm.s32 $0xFFFFFFFF;
	p2 =	slt.u32 s8, $0xFFFFF086  }
0x1c: {  	p1 =	slt.u32 s9, $0xF7A;
	s5 =	simm.s32 @!p2 $0x0  }
0x1d: {  	s5 =	simm.s32 @p1 $0x1;
	p0 =	seq.s32 s7, s2  }
0x1e: {  	s7 =	smul.u32 @!p0 $0xF7A, s2;
	p2 =	seq.s32 @!p0 s5, $0x0  }
0x1f: {  	s9 =	smul.u32 $0xF7A, s1;
	s8 =	simm.s32 @!p0 $0x1BF5;
	p2 =	por !p2, p0  }
0x20: {  	[sflag:s8] =	ssyncset.s32 @!p0 $0xFFFFF086;
	s6 =	sadd.s32 @!p0 s3, s7;
	s7 =	simm.s32 @!p0 $0x108  }
0x21: {  	s3 =	sadd.s32 s3, s9;
	s6 =	sadd.s32 @!p0 $0x88, s6;
	s7 =	simm.s32 @p2 $0x1082  }
0x22: {  	[simem:s7], [sflag:s8] =	dma.local @!p0 [hbm:s6], $0xF7A  }
0x23: {  	s9 =	sor.u32 $0xD0000000, s2;
	s6 =	simm.s32 $0x108;
	_ =	swait.ge @!p0 [sflag:s8], $0x0  }
0x24: {  	s3 =	sadd.s32 $0x88, s3;
	s6 =	simm.s32 @!p1 $0x1082;
	[sflag:s4] =	ssyncset.s32 $0xFFFFF086  }
0x25: {  	[simem:s6], [sflag:s4] =	dma.local [hbm:s3], $0xF7A  }
0x26: {  	[smem:$0x3F9C] =	sst s1;
	(tag) =	ssettag s2;
	_ =	strace s9  }
0x27: {  	s1 =	sld [smem:$0x3FAC]  }
0x28: {  	s2 =	sld [smem:$0x3FAD]  }
0x29: {  	s4 =	sld [smem:$0x3FAF]  }
0x2a: {  	p0 =	seq.s32 s5, $0x0;
	s5 =	sld [smem:$0x3FB0]  }
0x2b: {  	s6 =	sld [smem:$0x3FB1]  }
0x2c: {  	s7 =	sld [smem:$0x3FB2]  }
0x2d: {  	s3 =	simm.s32 $0x108;
	s8 =	sld [smem:$0x3FB3]  }
0x2e: {  	s3 =	simm.s32 @!p0 $0x1082;
	s9 =	sld [smem:$0x3FB4]  }
0x2f: {  	lr =	sadd.s32 s0, s3;
	s0 =	sld [smem:$0x3FAB]  }
0x30: {  	s3 =	sld [smem:$0x3FAE]  }
0x31: {  	[smem:$0x3FB7] =	sst s10  }
0x32: {  	s10 =	sld [smem:$0x3FB5];
	_ =	sdelay $0x3  }
0x33: {  	p0 =	seq.s32 s10, $0x1;
	s10 =	sld [smem:$0x3FB7];
	_ =	sdelay $0x3  }
0x34: {  	[smem:$0x3FB7] =	sst s10  }
0x35: {  	s10 =	sld [smem:$0x3FB6];
	_ =	sdelay $0x3  }
0x36: {  	p1 =	seq.s32 s10, $0x1;
	s10 =	sld [smem:$0x3FB7];
	_ =	sdelay $0x3  }
0x37: {  	[smem:$0x3FB7] =	sst s10  }
0x38: {  	s10 =	sld [smem:$0x3FB8]  }
0x39: {  	_ = 	snop;
	(pc) =	sbr.ind lr, $3  }
0x3a: {  	_ = 	snop  }
0x3b: {  	_ = 	snop  }
0x3c: {  	p2 =	seq.s32 s10, $0x1;
	s10 =	sld [smem:$0x3FB7]  }
0x3d: {  	_ =	shalt  }
0x3e: {  	_ =	shalt  }
0x3f: {  	_ =	shalt  }
0x40: {  	_ =	shalt  }
0x41: {  	_ =	shalt  }
0x42: {  	_ =	shalt  }
0x43: {  	_ =	shalt  }
0x44: {  	_ =	shalt  }
0x45: {  	_ =	shalt  }
0x46: {  	_ =	shalt  }
0x47: {  	_ =	shalt  }
0x48: {  	_ =	shalt  }
0x49: {  	_ =	shalt  }
0x4a: {  	_ =	shalt  }
0x4b: {  	_ =	shalt  }
0x4c: {  	_ =	shalt  }
0x4d: {  	_ =	shalt  }
0x4e: {  	_ =	shalt  }
0x4f: {  	_ =	shalt  }
0x50: {  	_ =	shalt  }
0x51: {  	_ =	shalt  }
0x52: {  	_ =	shalt  }
0x53: {  	_ =	shalt  }
0x54: {  	_ =	shalt  }
0x55: {  	_ =	shalt  }
0x56: {  	_ =	shalt  }
0x57: {  	_ =	shalt  }
0x58: {  	_ =	shalt  }
0x59: {  	_ =	shalt  }
0x5a: {  	_ =	shalt  }
0x5b: {  	_ =	shalt  }
0x5c: {  	_ =	shalt  }
0x5d: {  	_ =	shalt  }
0x5e: {  	_ =	shalt  }
0x5f: {  	_ =	shalt  }
0x60: {  	_ =	shalt  }
0x61: {  	_ =	shalt  }
0x62: {  	_ =	shalt  }
0x63: {  	_ =	shalt  }
0x64: {  	_ =	shalt  }
0x65: {  	_ =	shalt  }
0x66: {  	_ =	shalt  }
0x67: {  	_ =	shalt  }
0x68: {  	_ =	shalt  }
0x69: {  	_ =	shalt  }
0x6a: {  	_ =	shalt  }
0x6b: {  	_ =	shalt  }
0x6c: {  	_ =	shalt  }
0x6d: {  	_ =	shalt  }
0x6e: {  	_ =	shalt  }
0x6f: {  	_ =	shalt  }
0x70: {  	_ =	shalt  }
0x71: {  	_ =	shalt  }
0x72: {  	_ =	shalt  }
0x73: {  	_ =	shalt  }
0x74: {  	_ =	shalt  }
0x75: {  	_ =	shalt  }
0x76: {  	_ =	shalt  }
0x77: {  	_ =	shalt  }
0x78: {  	_ =	shalt  }
0x79: {  	_ =	shalt  }
0x7a: {  	_ =	shalt  }
0x7b: {  	_ =	shalt  }
0x7c: {  	_ =	shalt  }
0x7d: {  	_ =	shalt  }
0x7e: {  	_ =	shalt  }
0x7f: {  	_ =	shalt  }
0x80: {  	_ =	shalt  }
0x81: {  	_ =	shalt  }
0x82: {  	_ =	shalt  }
0x83: {  	_ =	shalt  }
0x84: {  	_ =	shalt  }
0x85: {  	_ =	shalt  }
0x86: {  	_ =	shalt  }
0x87: {  	_ =	shalt  }
.Lfunc_end0:
.L_simem_size_0:
called_computation_lowered:
.L_overlay_start_0:
0x88: {  	s2 =	sld [smem:$0x3FD9]  }
0x89: {  	s3 =	sld [smem:$0x3FFE];
	_ =	sdelay $0x1  }
0x8a: {  	s1 =	srdreg.scid  }
0x8b: {  	s0 =	sand.u32 $0x1, s1  }
0x8c: {  	s17 =	sshll.u32 s0, $0xA;
	s2 =	sadd.s32 s3, s2  }
0x8d: {  	s2 =	sadd.s32 s2, s17  }
0x8e: {  	[smem:$0x3FC3] =	sst s2  }
0x8f: {  	_ = 	snop  }
0x90: {  	s2 =	sld [smem:$0x3FC9];
	(tm) =	ssettm $0x1  }
0x91: {  	s18 =	sld [smem:$0x3FFB];
	_ =	sdelay $0x3  }
0x92: {  	_ =	strace s18  }
0x93: {  	s3 =	sld [smem:$0x3FFC];
	_ =	sdelay $0x3  }
0x94: {  	_ =	strace s3  }
0x95: {  	s3 =	sld [smem:$0x3FFD];
	_ =	sdelay $0x3  }
0x96: {  	_ =	strace s3  }
0x97: {  	_ =	strace $0x8FFFFFFF  }
0x98: {  	s19 =	sld [smem:$0x3FDB];
	_ =	sdelay $0x1  }
0x99: {  	s4 =	simm.s32 $_scs_section_size  }
0x9a: {  	s5 =	simm.s32 $_size__tile_overlayer_lowered;
	s6 =	simm.s32 $_tile_overlayer_lowered  }
0x9b: {  	s22 =	simm.s32 $0x1BFF;
	s21 =	sshll.u32 s6, $0x1;
	s3 =	sadd.s32 s4, s19  }
0x9c: {  	s7 =	simm.s32 $0x0;
	s20 =	sshll.u32 s5, $0x1;
	s5 =	sadd.s32 s21, s3  }
0x9d: {  	[timem:s7], [sflag:s22] =	dma.local [hbm:s5], s20  }
0x9e: {  	_ =	swait.ge [sflag:s22], s20  }
0x9f: {  	s4 =	ssub.s32 $0x0, s20;
	[sflag:s22] =	ssyncset.done $0x0  }
0xa0: {  	[sflag:s22] =	ssyncadd.s32 s4;
	_ =	sdelay $0x1  }
0xa1: {  	s23 =	simm.s32 $0x1B8B  }
0xa2: {  	_ =	swait.ge [sflag:s23], $0x1  }
0xa3: {  	[sflag:s23] =	ssyncset.done $0x0  }
0xa4: {  	s25 =	simm.s32 $0x1B8E;
	s24 =	sld [smem:$0x3FFE];
	[sflag:s23] =	ssyncadd.s32 $0xFFFFFFFF  }
0xa5: {  	s26 =	simm.s32 $execute0_lowered;
	[smem:$0x3FD2] =	sst s25  }
0xa6: {  	s5 =	sshll.u32 s26, $0x1;
	_ =	strace $0x80000046;
	[dreg:$0x1] =	wrdreg $0xFFFFFFFF  }
0xa7: {  	s28 =	simm.s32 $_size_execute0_lowered;
	s3 =	sadd.s32 s3, s5;
	[dreg:$0x0] =	wrdreg $0x0  }
0xa8: {  	s5 =	sshll.u32 s28, $0x1;
	[dreg:$0x2] =	wrdreg s3  }
0xa9: {  	[dreg:$0x3] =	wrdreg s5  }
0xaa: {  	[dreg:$0x4] =	wrdreg $0xC0  }
0xab: {  	_ =	task [dreg:s7], $0x5FFFF  }
0xac: {  	[dreg:$0x1] =	wrdreg $0xFFFFFFFF  }
0xad: {  	[dreg:$0x0] =	wrdreg $0x60  }
0xae: {  	[dreg:$0x2] =	wrdreg s2  }
0xaf: {  	[dreg:$0x3] =	wrdreg s24  }
0xb0: {  	[dreg:$0x4] =	wrdreg $0x9  }
0xb1: {  	_ =	task.clear_ibuf [dreg:s7], $0x5FFFF;
	_ =	strace $0x90000046  }
0xb2: {  	s29 =	simm.s32 $0x9;
	_ =	strace $0x80000048  }
0xb3: {  	_ =	swait.ge [sflag:s29], $0x1  }
0xb4: {  	[sflag:s29] =	ssyncadd.s32 $0xFFFFFFFF  }
0xb5: {  	_ =	strace $0x90000048  }
0xb6: {  	_ =	sfence  }
0xb7: {  	s30 =	sld [smem:$0x0];
	_ =	sdelay $0x2  }
0xb8: {  	s31 =	sshll.u32 s1, $0xD;
	s1 =	sshrl.u32 s1, $0x2  }
0xb9: {  	s3 =	sand.u32 $0x4000, s31;
	s1 =	sadd.s32 s1, s30  }
0xba: {  	s0 =	sor.u32 s3, s0;
	s1 =	sshll.u32 s1, $0x11  }
0xbb: {  	s0 =	sor.u32 s1, s0  }
0xbc: {  	s0 =	sadd.s32 $0x8F2B, s0  }
0xbd: {  	[sflag:s0] =	ssyncadd.remote.s32 $0x1  }
0xbe: {  	_ =	sfence.sel $0xFFFF  }
0xbf: {  	[dreg:$0x0] =	wrdreg $0xFFFFFFFF;
	(pc) =	sbr.abs _section_cstart, $3  }
0xc0: {  	[dreg:$0x1] =	wrdreg $0xFFFFFFFF  }
0xc1: {  	_ =	task.clear_ibuf [dreg:s7], $0x2FFFF;
	_ =	strace $0x9FFFFFFF  }
0xc2: {  	(tm) =	ssettm $0x7FFFFFFF  }
0xc3: {  	_ =	shalt  }
tec
execute0_lowered:
.L_overlay_start_1:
0x0: {  	(tag) =	ssettag $0x1  }
0x1: {  	s0 =	rddreg [dreg:$0x0]  }
0x2: {  	s2 =	rddreg [dreg:$0x1];
	s1 =	simm.s32 $0x0;
	s5 =	srdreg.scid  }
0x3: {  	s6 =	stileid.u32;
	s25 =	simm.s32 $0x3;
	s29 =	simm.s32 $0xA00  }
0x4: {  	s28 =	simm.s32 $0xB00;
	s30 =	simm.s32 $0xC00;
	s14 =	simm.s32 $0xD80  }
0x5: {  	s16 =	simm.s32 $0xF00;
	s15 =	simm.s32 $0xF80;
	s17 =	simm.s32 $0x1000  }
0x6: {  	s11 =	simm.s32 $0x1080;
	s12 =	simm.s32 $0x1100;
	s13 =	simm.s32 $0x1180  }
0x7: {  	s31 =	simm.s32 $0xF80;
	[smem:$0x7FF] =	sst s1;
	s7 =	sand.u32 $0x1, s5  }
0x8: {  	s3 =	sadd.s32 $0x600, s2;
	s9 =	sshll.u32 s7, $0x9;
	s7 =	ssub.s32 $0x2, s7  }
0x9: {  	s4 =	sadd.s32 $0x187000, s2;
	s8 =	sshll.u32 s6, $0xA;
	s10 =	sshrl.u32 s7, $0x1  }
0xa: {  	s5 =	sadd.s32 $0x30DA00, s2;
	s8 =	sor.u32 s9, s8;
	s7 =	ssub.s32 s7, s10  }
0xb: {  	s9 =	sshll.u32 s8, $0x4;
	s8 =	sshrl.u32 s8, $0x1;
	s20 =	smax.u32 s7, $0x1  }
0xc: {  	_ =	strace $0x80000047;
	s0 =	sadd.s32 s0, s8;
	[dreg:$0x8] =	wrdreg s20  }
0xd: {  	s6 =	sadd.s32 $0x494400, s2;
	s18 =	sadd.s32 $0x20, s0;
	[dreg:$0x3] =	wrdreg s0  }
0xe: {  	s2 =	sadd.s32 s9, s2;
	s19 =	sadd.s32 $0x30, s0;
	[dreg:$0x5] =	wrdreg s18  }
0xf: {  	s10 =	simm.s32 $0xB80;
	s2 =	sadd.s32 $0x61AE00, s2;
	[dreg:$0x6] =	wrdreg s19  }
0x10: {  	s9 =	simm.s32 $0xA80;
	s21 =	sadd.s32 $0x40, s0;
	[dreg:$0x7] =	wrdreg s2  }
0x11: {  	s8 =	sadd.s32 $0x10, s0;
	s22 =	sadd.s32 $0x80, s0;
	[dreg:$0x9] =	wrdreg s21  }
0x12: {  	s0 =	sadd.s32 $0xC0, s0;
	s20 =	simm.s32 $0x1680;
	[dreg:$0xa] =	wrdreg s22  }
0x13: {  	[dreg:$0xb] =	wrdreg s0;
	s23 =	sadd.s32 $0x40, s8;
	s24 =	sadd.s32 $0x80, s8  }
0x14: {  	[dreg:$0x4] =	wrdreg s8;
	s26 =	sadd.s32 $0xC0, s8;
	s19 =	simm.s32 $0xC80  }
0x15: {  	s0 =	simm.s32 $0xD00;
	s2 =	simm.s32 $0xE00;
	[dreg:$0xc] =	wrdreg s23  }
0x16: {  	s18 =	simm.s32 $0xE80;
	s8 =	simm.s32 $0x0;
	[dreg:$0xd] =	wrdreg s24  }
0x17: {  	v0 =	vimm.s32 $0x0;
	[dreg:$0xe] =	wrdreg s26;
	s24 =	simm.s32 $0x1380;
	s23 =	simm.s32 $0x1400  }
.LBB2_1:
0x18: {  	[dreg:$0xf] =	wrdreg s8  }
0x19: {  	s7 =	rddreg [dreg:$0x3]  }
0x1a: {  	[tilespmem:s1], [sflag:$0x3] =	stream.linear.gather [hbm4b:s7+s1], $0x80, $0x38;
	[tilespmem:$0x11A00] =	vst v63  }
0x1b: {  	s22 =	rddreg [dreg:$0x9];
	s26 =	simm.s32 $0x200  }
0x1c: {  	[tilespmem:s26], [sflag:$0x3] =	stream.linear.gather [hbm4b:s22+s1], $0x80, $0x38;
	[tilespmem:$0x11A00] =	vst v63  }
0x1d: {  	s8 =	rddreg [dreg:$0xa];
	s21 =	simm.s32 $0x400  }
0x1e: {  	[tilespmem:s21], [sflag:$0x3] =	stream.linear.gather [hbm4b:s8+s1], $0x80, $0x38;
	[tilespmem:$0x11A00] =	vst v63  }
0x1f: {  	s22 =	rddreg [dreg:$0xb];
	s26 =	simm.s32 $0x600  }
0x20: {  	[tilespmem:s26], [sflag:$0x3] =	stream.linear.gather [hbm4b:s22+s1], $0x80, $0x38;
	[tilespmem:$0x11A00] =	vst v63  }
0x21: {  	_ =	swait.ge [sflag:s25], $0x200  }
0x22: {  	[sflag:s25] =	ssyncset.done $0x0  }
0x23: {  	s21 =	simm.s32 $0x80;
	s8 =	rddreg [dreg:$0x4];
	[sflag:s25] =	ssyncadd.s32 $0xFFFFFE00  }
0x24: {  	[tilespmem:s21], [sflag:$0x3] =	stream.linear.gather [hbm4b:s8+s1], $0x80, $0x38;
	[tilespmem:$0x11A00] =	vst v63  }
0x25: {  	s26 =	simm.s32 $0x280;
	s22 =	rddreg [dreg:$0xc]  }
0x26: {  	[tilespmem:s26], [sflag:$0x3] =	stream.linear.gather [hbm4b:s22+s1], $0x80, $0x38;
	[tilespmem:$0x11A00] =	vst v63  }
0x27: {  	s8 =	rddreg [dreg:$0xd];
	s21 =	simm.s32 $0x480  }
0x28: {  	[tilespmem:s21], [sflag:$0x3] =	stream.linear.gather [hbm4b:s8+s1], $0x80, $0x38;
	[tilespmem:$0x11A00] =	vst v63  }
0x29: {  	s22 =	rddreg [dreg:$0xe];
	s26 =	simm.s32 $0x680  }
0x2a: {  	[tilespmem:s26], [sflag:$0x3] =	stream.linear.gather [hbm4b:s22+s1], $0x80, $0x38;
	[tilespmem:$0x11A00] =	vst v63  }
0x2b: {  	_ =	swait.ge [sflag:s25], $0x200  }
0x2c: {  	[sflag:s25] =	ssyncset.done $0x0  }
0x2d: {  	s21 =	simm.s32 $0x100;
	s7 =	rddreg [dreg:$0x5];
	[sflag:s25] =	ssyncadd.s32 $0xFFFFFE00  }
0x2e: {  	[tilespmem:s21], [sflag:$0x3] =	stream.linear.gather [hbm4b:s7+s1], $0x80, $0x38;
	[tilespmem:$0x11A00] =	vst v63  }
0x2f: {  	s26 =	simm.s32 $0x300;
	s22 =	sadd.s32 $0x40, s7  }
0x30: {  	[tilespmem:s26], [sflag:$0x3] =	stream.linear.gather [hbm4b:s22+s1], $0x80, $0x38;
	[tilespmem:$0x11A00] =	vst v63  }
0x31: {  	s21 =	sadd.s32 $0x80, s7;
	s22 =	simm.s32 $0x500  }
0x32: {  	[tilespmem:s22], [sflag:$0x3] =	stream.linear.gather [hbm4b:s21+s1], $0x80, $0x38;
	[tilespmem:$0x11A00] =	vst v63  }
0x33: {  	s21 =	sadd.s32 $0xC0, s7;
	s22 =	simm.s32 $0x700  }
0x34: {  	[tilespmem:s22], [sflag:$0x3] =	stream.linear.gather [hbm4b:s21+s1], $0x80, $0x38;
	[tilespmem:$0x11A00] =	vst v63  }
0x35: {  	_ =	swait.ge [sflag:s25], $0x200  }
0x36: {  	[sflag:s25] =	ssyncset.done $0x0  }
0x37: {  	s26 =	simm.s32 $0x180;
	s7 =	rddreg [dreg:$0x6];
	[sflag:s25] =	ssyncadd.s32 $0xFFFFFE00  }
0x38: {  	[tilespmem:s26], [sflag:$0x3] =	stream.linear.gather [hbm4b:s7+s1], $0x80, $0x38;
	[tilespmem:$0x11A00] =	vst v63  }
0x39: {  	s22 =	simm.s32 $0x380;
	s21 =	sadd.s32 $0x40, s7  }
0x3a: {  	[tilespmem:s22], [sflag:$0x3] =	stream.linear.gather [hbm4b:s21+s1], $0x80, $0x38;
	[tilespmem:$0x11A00] =	vst v63  }
0x3b: {  	s26 =	sadd.s32 $0x80, s7;
	s21 =	simm.s32 $0x580  }
0x3c: {  	[tilespmem:s21], [sflag:$0x3] =	stream.linear.gather [hbm4b:s26+s1], $0x80, $0x38;
	[tilespmem:$0x11A00] =	vst v63  }
0x3d: {  	s22 =	sadd.s32 $0xC0, s7;
	s26 =	simm.s32 $0x780  }
0x3e: {  	[tilespmem:s26], [sflag:$0x3] =	stream.linear.gather [hbm4b:s22+s1], $0x80, $0x38;
	[tilespmem:$0x11A00] =	vst v63  }
0x3f: {  	_ =	swait.ge [sflag:s25], $0x200  }
0x40: {  	[sflag:s25] =	ssyncset.done $0x0  }
0x41: {  	[sflag:s25] =	ssyncadd.s32 $0xFFFFFE00  }
0x42: {  	v1 =	vld [tilespmem:$0x0];
	_ =	sdelay $0x4  }
0x43: {  	v1 =	vshll.u32 v1, $0x4  }
0x44: {  	(v2sf) =	vpush v1, $0x0  }
0x45: {  	(v2sf) =	vpush v1, $0x1;
	_ =	sdelay $0x5  }
0x46: {  	(v2sf) =	vpush v1, $0x2;
	_ =	sdelay $0x1  }
0x47: {  	v2 =	vld [tilespmem:$0x80]  }
0x48: {  	(v2sf) =	vpush v1, $0x3;
	_ =	sdelay $0x3  }
0x49: {  	v1 =	vshll.u32 v2, $0x4  }
0x4a: {  	s7 =	spop (v2sf);
	(v2sf) =	vpush v1, $0x0  }
0x4b: {  	[tilespmem:$0x800] =	vst v0;
	s21 =	spop (v2sf);
	(v2sf) =	vpush v1, $0x1  }
0x4c: {  	[tilespmem:$0x880] =	vst v0  }
0x4d: {  	[tilespmem:$0x900] =	vst v0;
	s8 =	sand.u32 $0x1FFFFFF0, s7  }
0x4e: {  	[tilespmem:$0x980] =	vst v0;
	v3 =	vld [tilespmem:$0x180];
	s8 =	sadd.s32 s3, s8  }
0x4f: {  	v2 =	vld [tilespmem:$0x100];
	(v2sf) =	vpush v1, $0x2;
	[tilespmem:s29], [sflag:$0x1] =	stream.linear.gather [hbm4b:s8+s1], $0x80, $0x38  }
0x50: {  	s8 =	sand.u32 $0x1FFFFFF0, s21  }
0x51: {  	s22 =	spop (v2sf);
	s8 =	sadd.s32 s3, s8  }
0x52: {  	[tilespmem:s9], [sflag:$0x1] =	stream.linear.gather [hbm4b:s8+s1], $0x80, $0x38;
	[tilespmem:$0x11A00] =	vst v63  }
0x53: {  	s8 =	sand.u32 $0x1FFFFFF0, s22  }
0x54: {  	s25 =	spop (v2sf);
	(v2sf) =	vpush v1, $0x3;
	s8 =	sadd.s32 s3, s8  }
0x55: {  	[tilespmem:s28], [sflag:$0x1] =	stream.linear.gather [hbm4b:s8+s1], $0x80, $0x38;
	[tilespmem:$0x11A00] =	vst v63  }
0x56: {  	s8 =	sand.u32 $0x1FFFFFF0, s25  }
0x57: {  	s8 =	sadd.s32 s3, s8  }
0x58: {  	v1 =	vshll.u32 v2, $0x4;
	[tilespmem:s10], [sflag:$0x1] =	stream.linear.gather [hbm4b:s8+s1], $0x80, $0x38;
	[tilespmem:$0x11A00] =	vst v63  }
0x59: {  	s26 =	spop (v2sf);
	(v2sf) =	vpush v1, $0x0  }
0x5a: {  	s8 =	sand.u32 $0x1FFFFFF0, s26;
	s28 =	spop (v2sf);
	(v2sf) =	vpush v1, $0x1  }
0x5b: {  	s8 =	sadd.s32 s4, s8  }
0x5c: {  	[tilespmem:s30], [sflag:$0x1] =	stream.linear.gather [hbm4b:s8+s1], $0x80, $0x38;
	[tilespmem:$0x11A00] =	vst v63  }
0x5d: {  	(v2sf) =	vpush v1, $0x2;
	s8 =	sand.u32 $0x1FFFFFF0, s28  }
0x5e: {  	s30 =	spop (v2sf);
	s8 =	sadd.s32 s4, s8  }
0x5f: {  	[tilespmem:s19], [sflag:$0x1] =	stream.linear.gather [hbm4b:s8+s1], $0x80, $0x38;
	[tilespmem:$0x11A00] =	vst v63  }
0x60: {  	s8 =	sand.u32 $0x1FFFFFF0, s30  }
0x61: {  	(v2sf) =	vpush v1, $0x3;
	s8 =	sadd.s32 s4, s8  }
0x62: {  	v1 =	vshll.u32 v3, $0x4;
	[tilespmem:s0], [sflag:$0x1] =	stream.linear.gather [hbm4b:s8+s1], $0x80, $0x38;
	[tilespmem:$0x11A00] =	vst v63  }
0x63: {  	s0 =	spop (v2sf);
	(v2sf) =	vpush v1, $0x0;
	_ =	sdelay $0x1  }
0x64: {  	s8 =	sand.u32 $0x1FFFFFF0, s0  }
0x65: {  	s8 =	sadd.s32 s4, s8  }
0x66: {  	[tilespmem:s14], [sflag:$0x1] =	stream.linear.gather [hbm4b:s8+s1], $0x80, $0x38;
	[tilespmem:$0x11A00] =	vst v63  }
0x67: {  	s7 =	spop (v2sf);
	(v2sf) =	vpush v1, $0x1  }
0x68: {  	s8 =	sand.u32 $0x1FFFFFF0, s7;
	s9 =	spop (v2sf);
	(v2sf) =	vpush v1, $0x2  }
0x69: {  	s8 =	sadd.s32 s5, s8  }
0x6a: {  	[tilespmem:s2], [sflag:$0x1] =	stream.linear.gather [hbm4b:s8+s1], $0x80, $0x38;
	[tilespmem:$0x11A00] =	vst v63  }
0x6b: {  	s10 =	spop (v2sf);
	(v2sf) =	vpush v1, $0x3;
	s8 =	sand.u32 $0x1FFFFFF0, s9  }
0x6c: {  	s8 =	sadd.s32 s5, s8  }
0x6d: {  	[tilespmem:s18], [sflag:$0x1] =	stream.linear.gather [hbm4b:s8+s1], $0x80, $0x38;
	[tilespmem:$0x11A00] =	vst v63  }
0x6e: {  	s8 =	sand.u32 $0x1FFFFFF0, s10  }
0x6f: {  	s14 =	spop (v2sf);
	s8 =	sadd.s32 s5, s8  }
0x70: {  	[tilespmem:s16], [sflag:$0x1] =	stream.linear.gather [hbm4b:s8+s1], $0x80, $0x38;
	[tilespmem:$0x11A00] =	vst v63  }
0x71: {  	s18 =	sand.u32 $0x1FFFFFF0, s14;
	s19 =	spop (v2sf)  }
0x72: {  	s8 =	sadd.s32 s5, s18;
	s21 =	sand.u32 $0x1FFFFFF0, s19  }
0x73: {  	[tilespmem:s15], [sflag:$0x1] =	stream.linear.gather [hbm4b:s8+s1], $0x80, $0x38;
	[tilespmem:$0x11A00] =	vst v63  }
0x74: {  	s8 =	sadd.s32 s6, s21  }
0x75: {  	[tilespmem:s17], [sflag:$0x1] =	stream.linear.gather [hbm4b:s8+s1], $0x80, $0x38;
	[tilespmem:$0x11A00] =	vst v63  }
0x76: {  	s22 =	spop (v2sf)  }
0x77: {  	s25 =	sand.u32 $0x1FFFFFF0, s22;
	s26 =	spop (v2sf)  }
0x78: {  	s8 =	sadd.s32 s6, s25;
	s28 =	sand.u32 $0x1FFFFFF0, s26  }
0x79: {  	[tilespmem:s11], [sflag:$0x1] =	stream.linear.gather [hbm4b:s8+s1], $0x80, $0x38;
	[tilespmem:$0x11A00] =	vst v63  }
0x7a: {  	s30 =	spop (v2sf);
	s8 =	sadd.s32 s6, s28  }
0x7b: {  	[tilespmem:s12], [sflag:$0x1] =	stream.linear.gather [hbm4b:s8+s1], $0x80, $0x38;
	[tilespmem:$0x11A00] =	vst v63  }
0x7c: {  	s8 =	sand.u32 $0x1FFFFFF0, s30  }
0x7d: {  	s8 =	sadd.s32 s6, s8  }
0x7e: {  	[tilespmem:s13], [sflag:$0x1] =	stream.linear.gather [hbm4b:s8+s1], $0x80, $0x38;
	[tilespmem:$0x11A00] =	vst v63  }
0x7f: {  	s25 =	simm.s32 $0x1E00;
	s26 =	simm.s32 $0x0;
	s8 =	simm.s32 $0x0  }
.LBB2_2:
0x80: {  	s28 =	sand.u32 $0x70, s8;
	s7 =	sand.u32 $0x600, s26  }
0x81: {  	s28 =	sor.u32 s28, s7  }
0x82: {  	v1 =	vld [tilespmem:s28+$0x0];
	_ =	sdelay $0x4  }
0x83: {  	v1 =	vshll.u32 v1, $0x4  }
0x84: {  	(v2sf) =	vpush v1, $0x4;
	_ =	sdelay $0x1  }
0x85: {  	(v2sf) =	vpush v1, $0x5;
	_ =	sdelay $0x1  }
0x86: {  	(v2sf) =	vpush v1, $0x6;
	_ =	sdelay $0x4  }
0x87: {  	v2 =	vld [tilespmem:s28+$0x80];
	(v2sf) =	vpush v1, $0x7;
	_ =	sdelay $0x4  }
0x88: {  	v1 =	vshll.u32 v2, $0x4  }
0x89: {  	s16 =	spop (v2sf);
	(v2sf) =	vpush v1, $0x4;
	_ =	sdelay $0x1  }
0x8a: {  	s17 =	spop (v2sf);
	(v2sf) =	vpush v1, $0x5;
	_ =	sdelay $0x1  }
0x8b: {  	s18 =	spop (v2sf);
	(v2sf) =	vpush v1, $0x6  }
0x8c: {  	s7 =	sand.u32 $0x1FFFFFF0, s16  }
0x8d: {  	s2 =	simm.s32 $0x1200;
	v3 =	vld [tilespmem:s28+$0x180];
	s7 =	sadd.s32 s3, s7  }
0x8e: {  	v2 =	vld [tilespmem:s28+$0x100];
	[tilespmem:s2], [sflag:$0x2] =	stream.linear.gather [hbm4b:s7+s1], $0x80, $0x38  }
0x8f: {  	s7 =	sand.u32 $0x1FFFFFF0, s17  }
0x90: {  	s16 =	simm.s32 $0x1280;
	s19 =	spop (v2sf);
	s7 =	sadd.s32 s3, s7  }
0x91: {  	(v2sf) =	vpush v1, $0x7;
	[tilespmem:s16], [sflag:$0x2] =	stream.linear.gather [hbm4b:s7+s1], $0x80, $0x38;
	[tilespmem:$0x11A00] =	vst v63  }
0x92: {  	s7 =	sand.u32 $0x1FFFFFF0, s18  }
0x93: {  	s17 =	simm.s32 $0x1300;
	s7 =	sadd.s32 s3, s7  }
0x94: {  	[tilespmem:s17], [sflag:$0x2] =	stream.linear.gather [hbm4b:s7+s1], $0x80, $0x38;
	[tilespmem:$0x11A00] =	vst v63  }
0x95: {  	v1 =	vshll.u32 v2, $0x4;
	s7 =	sand.u32 $0x1FFFFFF0, s19  }
0x96: {  	s7 =	sadd.s32 s3, s7;
	s21 =	spop (v2sf);
	(v2sf) =	vpush v1, $0x4  }
0x97: {  	[tilespmem:s24], [sflag:$0x2] =	stream.linear.gather [hbm4b:s7+s1], $0x80, $0x38;
	[tilespmem:$0x11A00] =	vst v63  }
0x98: {  	s22 =	spop (v2sf);
	(v2sf) =	vpush v1, $0x5  }
0x99: {  	s7 =	sand.u32 $0x1FFFFFF0, s21  }
0x9a: {  	s7 =	sadd.s32 s4, s7;
	s30 =	spop (v2sf)  }
0x9b: {  	(v2sf) =	vpush v1, $0x6;
	[tilespmem:s23], [sflag:$0x2] =	stream.linear.gather [hbm4b:s7+s1], $0x80, $0x38;
	[tilespmem:$0x11A00] =	vst v63  }
0x9c: {  	s7 =	sand.u32 $0x1FFFFFF0, s22  }
0x9d: {  	s9 =	simm.s32 $0x1480;
	s7 =	sadd.s32 s4, s7  }
0x9e: {  	[tilespmem:s9], [sflag:$0x2] =	stream.linear.gather [hbm4b:s7+s1], $0x80, $0x38;
	[tilespmem:$0x11A00] =	vst v63  }
0x9f: {  	s7 =	sand.u32 $0x1FFFFFF0, s30  }
0xa0: {  	s10 =	simm.s32 $0x1500;
	s0 =	spop (v2sf);
	s7 =	sadd.s32 s4, s7  }
0xa1: {  	[tilespmem:s10], [sflag:$0x2] =	stream.linear.gather [hbm4b:s7+s1], $0x80, $0x38;
	[tilespmem:$0x11A00] =	vst v63  }
0xa2: {  	s7 =	sand.u32 $0x1FFFFFF0, s0  }
0xa3: {  	s18 =	simm.s32 $0x1580;
	s7 =	sadd.s32 s4, s7  }
0xa4: {  	[tilespmem:s18], [sflag:$0x2] =	stream.linear.gather [hbm4b:s7+s1], $0x80, $0x38;
	[tilespmem:$0x11A00] =	vst v63  }
0xa5: {  	s11 =	spop (v2sf)  }
0xa6: {  	s7 =	sand.u32 $0x1FFFFFF0, s11  }
0xa7: {  	s19 =	simm.s32 $0x1600;
	s12 =	spop (v2sf);
	s7 =	sadd.s32 s5, s7  }
0xa8: {  	[tilespmem:s19], [sflag:$0x2] =	stream.linear.gather [hbm4b:s7+s1], $0x80, $0x38;
	[tilespmem:$0x11A00] =	vst v63  }
0xa9: {  	s7 =	sand.u32 $0x1FFFFFF0, s12  }
0xaa: {  	s13 =	spop (v2sf);
	s7 =	sadd.s32 s5, s7  }
0xab: {  	[tilespmem:s20], [sflag:$0x2] =	stream.linear.gather [hbm4b:s7+s1], $0x80, $0x38;
	[tilespmem:$0x11A00] =	vst v63  }
0xac: {  	s7 =	sand.u32 $0x1FFFFFF0, s13  }
0xad: {  	s0 =	simm.s32 $0x1700;
	s7 =	sadd.s32 s5, s7  }
0xae: {  	[tilespmem:s0], [sflag:$0x2] =	stream.linear.gather [hbm4b:s7+s1], $0x80, $0x38;
	[tilespmem:$0x11A00] =	vst v63  }
0xaf: {  	(v2sf) =	vpush v1, $0x7;
	_ =	sdelay $0x2  }
0xb0: {  	v1 =	vshll.u32 v3, $0x4  }
0xb1: {  	(v2sf) =	vpush v1, $0x4;
	_ =	sdelay $0x2  }
0xb2: {  	(v2sf) =	vpush v1, $0x5;
	_ =	sdelay $0x2  }
0xb3: {  	(v2sf) =	vpush v1, $0x6;
	_ =	sdelay $0x4  }
0xb4: {  	s7 =	spop (v2sf);
	(v2sf) =	vpush v1, $0x7;
	_ =	sdelay $0x2  }
0xb5: {  	s7 =	sand.u32 $0x1FFFFFF0, s7  }
0xb6: {  	s11 =	simm.s32 $0x1780;
	s14 =	spop (v2sf);
	s7 =	sadd.s32 s5, s7  }
0xb7: {  	[tilespmem:s11], [sflag:$0x2] =	stream.linear.gather [hbm4b:s7+s1], $0x80, $0x38;
	[tilespmem:$0x11A00] =	vst v63  }
0xb8: {  	s7 =	sand.u32 $0x1FFFFFF0, s14  }
0xb9: {  	s12 =	simm.s32 $0x1800;
	s15 =	spop (v2sf);
	s7 =	sadd.s32 s6, s7  }
0xba: {  	[tilespmem:s12], [sflag:$0x2] =	stream.linear.gather [hbm4b:s7+s1], $0x80, $0x38;
	[tilespmem:$0x11A00] =	vst v63  }
0xbb: {  	s7 =	sand.u32 $0x1FFFFFF0, s15  }
0xbc: {  	s13 =	simm.s32 $0x1880;
	s21 =	spop (v2sf);
	s7 =	sadd.s32 s6, s7  }
0xbd: {  	[tilespmem:s13], [sflag:$0x2] =	stream.linear.gather [hbm4b:s7+s1], $0x80, $0x38;
	[tilespmem:$0x11A00] =	vst v63  }
0xbe: {  	s7 =	sand.u32 $0x1FFFFFF0, s21  }
0xbf: {  	s14 =	simm.s32 $0x1900;
	s7 =	sadd.s32 s6, s7  }
0xc0: {  	[tilespmem:s14], [sflag:$0x2] =	stream.linear.gather [hbm4b:s7+s1], $0x80, $0x38;
	[tilespmem:$0x11A00] =	vst v63  }
0xc1: {  	s22 =	spop (v2sf)  }
0xc2: {  	s7 =	sand.u32 $0x1FFFFFF0, s22  }
0xc3: {  	s0 =	simm.s32 $0x1;
	s15 =	simm.s32 $0x1980;
	s7 =	sadd.s32 s6, s7  }
0xc4: {  	[tilespmem:s15], [sflag:$0x2] =	stream.linear.gather [hbm4b:s7+s1], $0x80, $0x38;
	[tilespmem:$0x11A00] =	vst v63  }
0xc5: {  	_ =	swait.ge [sflag:s0], $0x800  }
0xc6: {  	[sflag:s0] =	ssyncset.done $0x0  }
0xc7: {  	[sflag:s0] =	ssyncadd.s32 $0xFFFFF800  }
0xc8: {  	v1 =	vld [tilespmem:$0xA00]  }
0xc9: {  	v2 =	vld [tilespmem:$0xC00];
	_ =	sdelay $0x1  }
0xca: {  	v3 =	vld [tilespmem:$0xE00];
	_ =	sdelay $0x1  }
0xcb: {  	v4 =	vld [tilespmem:$0x1000]  }
0xcc: {  	v1 =	vadd.f32 v2, v1;
	_ =	sdelay $0x1  }
0xcd: {  	v1 =	vadd.f32 v3, v1;
	_ =	sdelay $0x1  }
0xce: {  	v1 =	vadd.f32 v4, v1;
	_ =	sdelay $0x1  }
0xcf: {  	[tilespmem:s25+$0xFFFFFC00] =	vst v1  }
0xd0: {  	v1 =	vld [tilespmem:$0xA10]  }
0xd1: {  	v2 =	vld [tilespmem:$0xC10];
	_ =	sdelay $0x1  }
0xd2: {  	v3 =	vld [tilespmem:$0xE10];
	_ =	sdelay $0x1  }
0xd3: {  	v57 =	vld [tilespmem:$0x1010]  }
0xd4: {  	v1 =	vadd.f32 v2, v1;
	_ =	sdelay $0x1  }
0xd5: {  	v1 =	vadd.f32 v3, v1;
	_ =	sdelay $0x1  }
0xd6: {  	v1 =	vadd.f32 v57, v1;
	_ =	sdelay $0x1  }
0xd7: {  	[tilespmem:s25+$0xFFFFFC10] =	vst v1  }
0xd8: {  	v1 =	vld [tilespmem:$0xA20]  }
0xd9: {  	v2 =	vld [tilespmem:$0xC20];
	_ =	sdelay $0x1  }
0xda: {  	v3 =	vld [tilespmem:$0xE20];
	_ =	sdelay $0x1  }
0xdb: {  	v58 =	vld [tilespmem:$0x1020]  }
0xdc: {  	v1 =	vadd.f32 v2, v1;
	_ =	sdelay $0x1  }
0xdd: {  	v1 =	vadd.f32 v3, v1;
	_ =	sdelay $0x1  }
0xde: {  	v1 =	vadd.f32 v58, v1;
	_ =	sdelay $0x1  }
0xdf: {  	[tilespmem:s25+$0xFFFFFC20] =	vst v1  }
0xe0: {  	v1 =	vld [tilespmem:$0xA30]  }
0xe1: {  	v2 =	vld [tilespmem:$0xC30];
	_ =	sdelay $0x1  }
0xe2: {  	v3 =	vld [tilespmem:$0xE30];
	_ =	sdelay $0x1  }
0xe3: {  	v59 =	vld [tilespmem:$0x1030]  }
0xe4: {  	v1 =	vadd.f32 v2, v1;
	_ =	sdelay $0x1  }
0xe5: {  	v1 =	vadd.f32 v3, v1;
	_ =	sdelay $0x1  }
0xe6: {  	v1 =	vadd.f32 v59, v1;
	_ =	sdelay $0x1  }
0xe7: {  	[tilespmem:s25+$0xFFFFFC30] =	vst v1  }
0xe8: {  	v1 =	vld [tilespmem:$0xA80]  }
0xe9: {  	v2 =	vld [tilespmem:$0xC80];
	_ =	sdelay $0x1  }
0xea: {  	v3 =	vld [tilespmem:$0xE80];
	_ =	sdelay $0x1  }
0xeb: {  	v60 =	vld [tilespmem:$0x1080]  }
0xec: {  	v1 =	vadd.f32 v2, v1;
	_ =	sdelay $0x1  }
0xed: {  	v1 =	vadd.f32 v3, v1;
	_ =	sdelay $0x1  }
0xee: {  	v1 =	vadd.f32 v60, v1;
	_ =	sdelay $0x1  }
0xef: {  	[tilespmem:s25+$0xFFFFFC80] =	vst v1  }
0xf0: {  	v1 =	vld [tilespmem:$0xA90]  }
0xf1: {  	v2 =	vld [tilespmem:$0xC90];
	_ =	sdelay $0x1  }
0xf2: {  	v3 =	vld [tilespmem:$0xE90];
	_ =	sdelay $0x1  }
0xf3: {  	v61 =	vld [tilespmem:$0x1090]  }
0xf4: {  	v1 =	vadd.f32 v2, v1;
	_ =	sdelay $0x1  }
0xf5: {  	v1 =	vadd.f32 v3, v1;
	_ =	sdelay $0x1  }
0xf6: {  	v1 =	vadd.f32 v61, v1;
	_ =	sdelay $0x1  }
0xf7: {  	[tilespmem:s25+$0xFFFFFC90] =	vst v1  }
0xf8: {  	v1 =	vld [tilespmem:$0xAA0]  }
0xf9: {  	v2 =	vld [tilespmem:$0xCA0];
	_ =	sdelay $0x1  }
0xfa: {  	v3 =	vld [tilespmem:$0xEA0];
	_ =	sdelay $0x1  }
0xfb: {  	v62 =	vld [tilespmem:$0x10A0]  }
0xfc: {  	v1 =	vadd.f32 v2, v1;
	_ =	sdelay $0x1  }
0xfd: {  	v1 =	vadd.f32 v3, v1;
	_ =	sdelay $0x1  }
0xfe: {  	v1 =	vadd.f32 v62, v1;
	_ =	sdelay $0x1  }
0xff: {  	[tilespmem:s25+$0xFFFFFCA0] =	vst v1  }
0x100: {  	v1 =	vld [tilespmem:$0xAB0]  }
0x101: {  	v2 =	vld [tilespmem:$0xCB0];
	_ =	sdelay $0x1  }
0x102: {  	v3 =	vld [tilespmem:$0xEB0];
	_ =	sdelay $0x1  }
0x103: {  	v63 =	vld [tilespmem:$0x10B0]  }
0x104: {  	v1 =	vadd.f32 v2, v1;
	_ =	sdelay $0x1  }
0x105: {  	v1 =	vadd.f32 v3, v1;
	_ =	sdelay $0x1  }
0x106: {  	v1 =	vadd.f32 v63, v1;
	_ =	sdelay $0x1  }
0x107: {  	[tilespmem:s25+$0xFFFFFCB0] =	vst v1  }
0x108: {  	v1 =	vld [tilespmem:$0xB00]  }
0x109: {  	v2 =	vld [tilespmem:$0xD00];
	_ =	sdelay $0x1  }
0x10a: {  	v3 =	vld [tilespmem:$0xF00];
	_ =	sdelay $0x1  }
0x10b: {  	v8 =	vld [tilespmem:$0x1100]  }
0x10c: {  	v1 =	vadd.f32 v2, v1;
	_ =	sdelay $0x1  }
0x10d: {  	v1 =	vadd.f32 v3, v1;
	_ =	sdelay $0x1  }
0x10e: {  	v1 =	vadd.f32 v8, v1;
	_ =	sdelay $0x1  }
0x10f: {  	[tilespmem:s25+$0xFFFFFD00] =	vst v1  }
0x110: {  	v1 =	vld [tilespmem:$0xB10]  }
0x111: {  	v2 =	vld [tilespmem:$0xD10];
	_ =	sdelay $0x1  }
0x112: {  	v3 =	vld [tilespmem:$0xF10];
	_ =	sdelay $0x1  }
0x113: {  	v9 =	vld [tilespmem:$0x1110]  }
0x114: {  	v1 =	vadd.f32 v2, v1;
	_ =	sdelay $0x1  }
0x115: {  	v1 =	vadd.f32 v3, v1;
	_ =	sdelay $0x1  }
0x116: {  	v1 =	vadd.f32 v9, v1;
	_ =	sdelay $0x1  }
0x117: {  	[tilespmem:s25+$0xFFFFFD10] =	vst v1  }
0x118: {  	v1 =	vld [tilespmem:$0xB20]  }
0x119: {  	v2 =	vld [tilespmem:$0xD20];
	_ =	sdelay $0x1  }
0x11a: {  	v3 =	vld [tilespmem:$0xF20];
	_ =	sdelay $0x1  }
0x11b: {  	v10 =	vld [tilespmem:$0x1120]  }
0x11c: {  	v1 =	vadd.f32 v2, v1;
	_ =	sdelay $0x1  }
0x11d: {  	v1 =	vadd.f32 v3, v1;
	_ =	sdelay $0x1  }
0x11e: {  	v1 =	vadd.f32 v10, v1;
	_ =	sdelay $0x1  }
0x11f: {  	[tilespmem:s25+$0xFFFFFD20] =	vst v1  }
0x120: {  	v1 =	vld [tilespmem:$0xB30]  }
0x121: {  	v2 =	vld [tilespmem:$0xD30];
	_ =	sdelay $0x1  }
0x122: {  	v3 =	vld [tilespmem:$0xF30];
	_ =	sdelay $0x1  }
0x123: {  	v11 =	vld [tilespmem:$0x1130]  }
0x124: {  	v1 =	vadd.f32 v2, v1;
	_ =	sdelay $0x1  }
0x125: {  	v1 =	vadd.f32 v3, v1;
	_ =	sdelay $0x1  }
0x126: {  	v1 =	vadd.f32 v11, v1;
	_ =	sdelay $0x1  }
0x127: {  	[tilespmem:s25+$0xFFFFFD30] =	vst v1  }
0x128: {  	v1 =	vld [tilespmem:$0xB80]  }
0x129: {  	v2 =	vld [tilespmem:$0xD80];
	_ =	sdelay $0x1  }
0x12a: {  	v3 =	vld [tilespmem:$0xF80];
	_ =	sdelay $0x1  }
0x12b: {  	v12 =	vld [tilespmem:$0x1180]  }
0x12c: {  	v1 =	vadd.f32 v2, v1;
	_ =	sdelay $0x1  }
0x12d: {  	v1 =	vadd.f32 v3, v1;
	_ =	sdelay $0x1  }
0x12e: {  	v1 =	vadd.f32 v12, v1;
	_ =	sdelay $0x1  }
0x12f: {  	[tilespmem:s25+$0xFFFFFD80] =	vst v1  }
0x130: {  	v1 =	vld [tilespmem:$0xB90]  }
0x131: {  	v2 =	vld [tilespmem:$0xD90];
	_ =	sdelay $0x1  }
0x132: {  	v3 =	vld [tilespmem:$0xF90];
	_ =	sdelay $0x1  }
0x133: {  	v13 =	vld [tilespmem:$0x1190]  }
0x134: {  	v1 =	vadd.f32 v2, v1;
	_ =	sdelay $0x1  }
0x135: {  	v1 =	vadd.f32 v3, v1;
	_ =	sdelay $0x1  }
0x136: {  	v1 =	vadd.f32 v13, v1;
	_ =	sdelay $0x1  }
0x137: {  	[tilespmem:s25+$0xFFFFFD90] =	vst v1  }
0x138: {  	v1 =	vld [tilespmem:$0xBA0]  }
0x139: {  	v2 =	vld [tilespmem:$0xDA0];
	_ =	sdelay $0x1  }
0x13a: {  	v3 =	vld [tilespmem:$0xFA0];
	_ =	sdelay $0x1  }
0x13b: {  	v14 =	vld [tilespmem:$0x11A0]  }
0x13c: {  	v1 =	vadd.f32 v2, v1;
	_ =	sdelay $0x1  }
0x13d: {  	v1 =	vadd.f32 v3, v1;
	_ =	sdelay $0x1  }
0x13e: {  	v1 =	vadd.f32 v14, v1;
	_ =	sdelay $0x1  }
0x13f: {  	[tilespmem:s25+$0xFFFFFDA0] =	vst v1  }
0x140: {  	v1 =	vld [tilespmem:$0xBB0]  }
0x141: {  	v2 =	vld [tilespmem:$0xDB0];
	_ =	sdelay $0x1  }
0x142: {  	v3 =	vld [tilespmem:$0xFB0];
	_ =	sdelay $0x1  }
0x143: {  	v15 =	vld [tilespmem:$0x11B0]  }
0x144: {  	v1 =	vadd.f32 v2, v1;
	_ =	sdelay $0x1  }
0x145: {  	v1 =	vadd.f32 v3, v1;
	_ =	sdelay $0x1  }
0x146: {  	v1 =	vadd.f32 v15, v1;
	_ =	sdelay $0x1  }
0x147: {  	[tilespmem:s25+$0xFFFFFDB0] =	vst v1  }
0x148: {  	v1 =	vld [tilespmem:s28+$0x0];
	_ =	sdelay $0x4  }
0x149: {  	v1 =	vshll.u32 v1, $0x4  }
0x14a: {  	(v2sf) =	vpush v1, $0x8;
	_ =	sdelay $0x1  }
0x14b: {  	(v2sf) =	vpush v1, $0x9;
	_ =	sdelay $0x2  }
0x14c: {  	(v2sf) =	vpush v1, $0xA;
	_ =	sdelay $0x2  }
0x14d: {  	(v2sf) =	vpush v1, $0xB  }
0x14e: {  	v2 =	vld [tilespmem:s28+$0x80];
	_ =	sdelay $0x4  }
0x14f: {  	v1 =	vshll.u32 v2, $0x4  }
0x150: {  	s30 =	spop (v2sf);
	(v2sf) =	vpush v1, $0x8;
	_ =	sdelay $0x1  }
0x151: {  	s7 =	sand.u32 $0x1FFFFFF0, s30;
	s21 =	spop (v2sf);
	(v2sf) =	vpush v1, $0x9  }
0x152: {  	v3 =	vld [tilespmem:s28+$0x180];
	s7 =	sadd.s32 s3, s7  }
0x153: {  	v2 =	vld [tilespmem:s28+$0x100];
	[tilespmem:s29], [sflag:$0x1] =	stream.linear.gather [hbm4b:s7+s1], $0x80, $0x38  }
0x154: {  	s22 =	spop (v2sf);
	(v2sf) =	vpush v1, $0xA;
	s7 =	sand.u32 $0x1FFFFFF0, s21  }
0x155: {  	s21 =	simm.s32 $0xA80;
	s7 =	sadd.s32 s3, s7  }
0x156: {  	[tilespmem:s21], [sflag:$0x1] =	stream.linear.gather [hbm4b:s7+s1], $0x80, $0x38;
	[tilespmem:$0x11A00] =	vst v63  }
0x157: {  	s7 =	sand.u32 $0x1FFFFFF0, s22;
	s22 =	spop (v2sf);
	(v2sf) =	vpush v1, $0xB;
	_ =	sdelay $0x3  }
0x158: {  	s30 =	simm.s32 $0xB00;
	s7 =	sadd.s32 s3, s7  }
0x159: {  	[tilespmem:s30], [sflag:$0x1] =	stream.linear.gather [hbm4b:s7+s1], $0x80, $0x38;
	[tilespmem:$0x11A00] =	vst v63  }
0x15a: {  	v1 =	vshll.u32 v2, $0x4;
	s7 =	sand.u32 $0x1FFFFFF0, s22  }
0x15b: {  	s30 =	simm.s32 $0xB80;
	s7 =	sadd.s32 s3, s7;
	s22 =	spop (v2sf);
	(v2sf) =	vpush v1, $0x8  }
0x15c: {  	[tilespmem:s30], [sflag:$0x1] =	stream.linear.gather [hbm4b:s7+s1], $0x80, $0x38;
	[tilespmem:$0x11A00] =	vst v63  }
0x15d: {  	s7 =	sand.u32 $0x1FFFFFF0, s22;
	s30 =	spop (v2sf);
	(v2sf) =	vpush v1, $0x9  }
0x15e: {  	s22 =	simm.s32 $0xC00;
	s7 =	sadd.s32 s4, s7  }
0x15f: {  	[tilespmem:s22], [sflag:$0x1] =	stream.linear.gather [hbm4b:s7+s1], $0x80, $0x38;
	[tilespmem:$0x11A00] =	vst v63  }
0x160: {  	s22 =	spop (v2sf);
	(v2sf) =	vpush v1, $0xA;
	_ =	sdelay $0x2  }
0x161: {  	s7 =	sand.u32 $0x1FFFFFF0, s30;
	s30 =	spop (v2sf);
	(v2sf) =	vpush v1, $0xB  }
0x162: {  	s21 =	simm.s32 $0xC80;
	s7 =	sadd.s32 s4, s7  }
0x163: {  	[tilespmem:s21], [sflag:$0x1] =	stream.linear.gather [hbm4b:s7+s1], $0x80, $0x38;
	[tilespmem:$0x11A00] =	vst v63  }
0x164: {  	s7 =	sand.u32 $0x1FFFFFF0, s22  }
0x165: {  	s22 =	simm.s32 $0xD00;
	s7 =	sadd.s32 s4, s7  }
0x166: {  	[tilespmem:s22], [sflag:$0x1] =	stream.linear.gather [hbm4b:s7+s1], $0x80, $0x38;
	[tilespmem:$0x11A00] =	vst v63  }
0x167: {  	v1 =	vshll.u32 v3, $0x4;
	s7 =	sand.u32 $0x1FFFFFF0, s30  }
0x168: {  	s29 =	simm.s32 $0xD80;
	s7 =	sadd.s32 s4, s7;
	s21 =	spop (v2sf);
	(v2sf) =	vpush v1, $0x8  }
0x169: {  	[tilespmem:s29], [sflag:$0x1] =	stream.linear.gather [hbm4b:s7+s1], $0x80, $0x38;
	[tilespmem:$0x11A00] =	vst v63  }
0x16a: {  	s7 =	sand.u32 $0x1FFFFFF0, s21;
	s30 =	spop (v2sf);
	(v2sf) =	vpush v1, $0x9  }
0x16b: {  	s29 =	simm.s32 $0xE00;
	s7 =	sadd.s32 s5, s7  }
0x16c: {  	[tilespmem:s29], [sflag:$0x1] =	stream.linear.gather [hbm4b:s7+s1], $0x80, $0x38;
	[tilespmem:$0x11A00] =	vst v63  }
0x16d: {  	s7 =	sand.u32 $0x1FFFFFF0, s30;
	s21 =	spop (v2sf);
	(v2sf) =	vpush v1, $0xA  }
0x16e: {  	s30 =	simm.s32 $0xE80;
	s7 =	sadd.s32 s5, s7  }
0x16f: {  	[tilespmem:s30], [sflag:$0x1] =	stream.linear.gather [hbm4b:s7+s1], $0x80, $0x38;
	[tilespmem:$0x11A00] =	vst v63  }
0x170: {  	s7 =	sand.u32 $0x1FFFFFF0, s21;
	s21 =	spop (v2sf);
	(v2sf) =	vpush v1, $0xB;
	_ =	sdelay $0x1  }
0x171: {  	s29 =	simm.s32 $0xF00;
	s7 =	sadd.s32 s5, s7  }
0x172: {  	[tilespmem:s29], [sflag:$0x1] =	stream.linear.gather [hbm4b:s7+s1], $0x80, $0x38;
	[tilespmem:$0x11A00] =	vst v63  }
0x173: {  	s7 =	sand.u32 $0x1FFFFFF0, s21  }
0x174: {  	s7 =	sadd.s32 s5, s7  }
0x175: {  	[tilespmem:s31], [sflag:$0x1] =	stream.linear.gather [hbm4b:s7+s1], $0x80, $0x38;
	[tilespmem:$0x11A00] =	vst v63  }
0x176: {  	s21 =	spop (v2sf)  }
0x177: {  	s7 =	sand.u32 $0x1FFFFFF0, s21  }
0x178: {  	s29 =	simm.s32 $0x1000;
	s21 =	spop (v2sf);
	s7 =	sadd.s32 s6, s7  }
0x179: {  	[tilespmem:s29], [sflag:$0x1] =	stream.linear.gather [hbm4b:s7+s1], $0x80, $0x38;
	[tilespmem:$0x11A00] =	vst v63  }
0x17a: {  	s7 =	sand.u32 $0x1FFFFFF0, s21  }
0x17b: {  	s29 =	simm.s32 $0x1080;
	s21 =	spop (v2sf);
	s7 =	sadd.s32 s6, s7  }
0x17c: {  	[tilespmem:s29], [sflag:$0x1] =	stream.linear.gather [hbm4b:s7+s1], $0x80, $0x38;
	[tilespmem:$0x11A00] =	vst v63  }
0x17d: {  	s7 =	sand.u32 $0x1FFFFFF0, s21  }
0x17e: {  	s29 =	simm.s32 $0x1100;
	s21 =	spop (v2sf);
	s7 =	sadd.s32 s6, s7  }
0x17f: {  	[tilespmem:s29], [sflag:$0x1] =	stream.linear.gather [hbm4b:s7+s1], $0x80, $0x38;
	[tilespmem:$0x11A00] =	vst v63  }
0x180: {  	s7 =	sand.u32 $0x1FFFFFF0, s21  }
0x181: {  	s29 =	simm.s32 $0x2;
	s21 =	simm.s32 $0x1180;
	s7 =	sadd.s32 s6, s7  }
0x182: {  	[tilespmem:s21], [sflag:$0x1] =	stream.linear.gather [hbm4b:s7+s1], $0x80, $0x38;
	[tilespmem:$0x11A00] =	vst v63  }
0x183: {  	_ =	swait.ge [sflag:s29], $0x800  }
0x184: {  	[sflag:s29] =	ssyncset.done $0x0  }
0x185: {  	[sflag:s29] =	ssyncadd.s32 $0xFFFFF800  }
0x186: {  	v1 =	vld [tilespmem:$0x1200]  }
0x187: {  	v2 =	vld [tilespmem:$0x1400];
	_ =	sdelay $0x1  }
0x188: {  	v3 =	vld [tilespmem:$0x1600];
	_ =	sdelay $0x1  }
0x189: {  	v16 =	vld [tilespmem:$0x1800]  }
0x18a: {  	v1 =	vadd.f32 v2, v1;
	_ =	sdelay $0x1  }
0x18b: {  	v1 =	vadd.f32 v3, v1;
	_ =	sdelay $0x1  }
0x18c: {  	v1 =	vadd.f32 v16, v1;
	_ =	sdelay $0x1  }
0x18d: {  	[tilespmem:s25+$0xFFFFFE00] =	vst v1  }
0x18e: {  	v1 =	vld [tilespmem:$0x1210]  }
0x18f: {  	v2 =	vld [tilespmem:$0x1410];
	_ =	sdelay $0x1  }
0x190: {  	v3 =	vld [tilespmem:$0x1610];
	_ =	sdelay $0x1  }
0x191: {  	v17 =	vld [tilespmem:$0x1810]  }
0x192: {  	v1 =	vadd.f32 v2, v1;
	_ =	sdelay $0x1  }
0x193: {  	v1 =	vadd.f32 v3, v1;
	_ =	sdelay $0x1  }
0x194: {  	v1 =	vadd.f32 v17, v1;
	_ =	sdelay $0x1  }
0x195: {  	[tilespmem:s25+$0xFFFFFE10] =	vst v1  }
0x196: {  	v1 =	vld [tilespmem:$0x1220]  }
0x197: {  	v2 =	vld [tilespmem:$0x1420];
	_ =	sdelay $0x1  }
0x198: {  	v3 =	vld [tilespmem:$0x1620];
	_ =	sdelay $0x1  }
0x199: {  	v18 =	vld [tilespmem:$0x1820]  }
0x19a: {  	v1 =	vadd.f32 v2, v1;
	_ =	sdelay $0x1  }
0x19b: {  	v1 =	vadd.f32 v3, v1;
	_ =	sdelay $0x1  }
0x19c: {  	v1 =	vadd.f32 v18, v1;
	_ =	sdelay $0x1  }
0x19d: {  	[tilespmem:s25+$0xFFFFFE20] =	vst v1  }
0x19e: {  	v1 =	vld [tilespmem:$0x1230]  }
0x19f: {  	v2 =	vld [tilespmem:$0x1430];
	_ =	sdelay $0x1  }
0x1a0: {  	v3 =	vld [tilespmem:$0x1630];
	_ =	sdelay $0x1  }
0x1a1: {  	v19 =	vld [tilespmem:$0x1830]  }
0x1a2: {  	v1 =	vadd.f32 v2, v1;
	_ =	sdelay $0x1  }
0x1a3: {  	v1 =	vadd.f32 v3, v1;
	_ =	sdelay $0x1  }
0x1a4: {  	v1 =	vadd.f32 v19, v1;
	_ =	sdelay $0x1  }
0x1a5: {  	[tilespmem:s25+$0xFFFFFE30] =	vst v1  }
0x1a6: {  	v1 =	vld [tilespmem:$0x1280]  }
0x1a7: {  	v2 =	vld [tilespmem:$0x1480];
	_ =	sdelay $0x1  }
0x1a8: {  	v3 =	vld [tilespmem:$0x1680];
	_ =	sdelay $0x1  }
0x1a9: {  	v20 =	vld [tilespmem:$0x1880]  }
0x1aa: {  	v1 =	vadd.f32 v2, v1;
	_ =	sdelay $0x1  }
0x1ab: {  	v1 =	vadd.f32 v3, v1;
	_ =	sdelay $0x1  }
0x1ac: {  	v1 =	vadd.f32 v20, v1;
	_ =	sdelay $0x1  }
0x1ad: {  	[tilespmem:s25+$0xFFFFFE80] =	vst v1  }
0x1ae: {  	v1 =	vld [tilespmem:$0x1290]  }
0x1af: {  	v2 =	vld [tilespmem:$0x1490];
	_ =	sdelay $0x1  }
0x1b0: {  	v3 =	vld [tilespmem:$0x1690];
	_ =	sdelay $0x1  }
0x1b1: {  	v21 =	vld [tilespmem:$0x1890]  }
0x1b2: {  	v1 =	vadd.f32 v2, v1;
	_ =	sdelay $0x1  }
0x1b3: {  	v1 =	vadd.f32 v3, v1;
	_ =	sdelay $0x1  }
0x1b4: {  	v1 =	vadd.f32 v21, v1;
	_ =	sdelay $0x1  }
0x1b5: {  	[tilespmem:s25+$0xFFFFFE90] =	vst v1  }
0x1b6: {  	v1 =	vld [tilespmem:$0x12A0]  }
0x1b7: {  	v2 =	vld [tilespmem:$0x14A0];
	_ =	sdelay $0x1  }
0x1b8: {  	v3 =	vld [tilespmem:$0x16A0];
	_ =	sdelay $0x1  }
0x1b9: {  	v22 =	vld [tilespmem:$0x18A0]  }
0x1ba: {  	v1 =	vadd.f32 v2, v1;
	_ =	sdelay $0x1  }
0x1bb: {  	v1 =	vadd.f32 v3, v1;
	_ =	sdelay $0x1  }
0x1bc: {  	v1 =	vadd.f32 v22, v1;
	_ =	sdelay $0x1  }
0x1bd: {  	[tilespmem:s25+$0xFFFFFEA0] =	vst v1  }
0x1be: {  	v1 =	vld [tilespmem:$0x12B0]  }
0x1bf: {  	v2 =	vld [tilespmem:$0x14B0];
	_ =	sdelay $0x1  }
0x1c0: {  	v3 =	vld [tilespmem:$0x16B0];
	_ =	sdelay $0x1  }
0x1c1: {  	v23 =	vld [tilespmem:$0x18B0]  }
0x1c2: {  	v1 =	vadd.f32 v2, v1;
	_ =	sdelay $0x1  }
0x1c3: {  	v1 =	vadd.f32 v3, v1;
	_ =	sdelay $0x1  }
0x1c4: {  	v1 =	vadd.f32 v23, v1;
	_ =	sdelay $0x1  }
0x1c5: {  	[tilespmem:s25+$0xFFFFFEB0] =	vst v1  }
0x1c6: {  	v1 =	vld [tilespmem:$0x1300]  }
0x1c7: {  	v2 =	vld [tilespmem:$0x1500];
	_ =	sdelay $0x1  }
0x1c8: {  	v3 =	vld [tilespmem:$0x1700];
	_ =	sdelay $0x1  }
0x1c9: {  	v24 =	vld [tilespmem:$0x1900]  }
0x1ca: {  	v1 =	vadd.f32 v2, v1;
	_ =	sdelay $0x1  }
0x1cb: {  	v1 =	vadd.f32 v3, v1;
	_ =	sdelay $0x1  }
0x1cc: {  	v1 =	vadd.f32 v24, v1;
	_ =	sdelay $0x1  }
0x1cd: {  	[tilespmem:s25+$0xFFFFFF00] =	vst v1  }
0x1ce: {  	v1 =	vld [tilespmem:$0x1310]  }
0x1cf: {  	v2 =	vld [tilespmem:$0x1510];
	_ =	sdelay $0x1  }
0x1d0: {  	v3 =	vld [tilespmem:$0x1710];
	_ =	sdelay $0x1  }
0x1d1: {  	v25 =	vld [tilespmem:$0x1910]  }
0x1d2: {  	v1 =	vadd.f32 v2, v1;
	_ =	sdelay $0x1  }
0x1d3: {  	v1 =	vadd.f32 v3, v1;
	_ =	sdelay $0x1  }
0x1d4: {  	v1 =	vadd.f32 v25, v1;
	_ =	sdelay $0x1  }
0x1d5: {  	[tilespmem:s25+$0xFFFFFF10] =	vst v1  }
0x1d6: {  	v1 =	vld [tilespmem:$0x1320]  }
0x1d7: {  	v2 =	vld [tilespmem:$0x1520];
	_ =	sdelay $0x1  }
0x1d8: {  	v3 =	vld [tilespmem:$0x1720];
	_ =	sdelay $0x1  }
0x1d9: {  	v26 =	vld [tilespmem:$0x1920]  }
0x1da: {  	v1 =	vadd.f32 v2, v1;
	_ =	sdelay $0x1  }
0x1db: {  	v1 =	vadd.f32 v3, v1;
	_ =	sdelay $0x1  }
0x1dc: {  	v1 =	vadd.f32 v26, v1;
	_ =	sdelay $0x1  }
0x1dd: {  	[tilespmem:s25+$0xFFFFFF20] =	vst v1  }
0x1de: {  	v1 =	vld [tilespmem:$0x1330]  }
0x1df: {  	v2 =	vld [tilespmem:$0x1530];
	_ =	sdelay $0x1  }
0x1e0: {  	v3 =	vld [tilespmem:$0x1730];
	_ =	sdelay $0x1  }
0x1e1: {  	v27 =	vld [tilespmem:$0x1930]  }
0x1e2: {  	v1 =	vadd.f32 v2, v1;
	_ =	sdelay $0x1  }
0x1e3: {  	v1 =	vadd.f32 v3, v1;
	_ =	sdelay $0x1  }
0x1e4: {  	v1 =	vadd.f32 v27, v1;
	_ =	sdelay $0x1  }
0x1e5: {  	[tilespmem:s25+$0xFFFFFF30] =	vst v1  }
0x1e6: {  	v1 =	vld [tilespmem:$0x1380]  }
0x1e7: {  	v2 =	vld [tilespmem:$0x1580];
	_ =	sdelay $0x1  }
0x1e8: {  	v3 =	vld [tilespmem:$0x1780];
	_ =	sdelay $0x1  }
0x1e9: {  	v28 =	vld [tilespmem:$0x1980]  }
0x1ea: {  	v1 =	vadd.f32 v2, v1;
	_ =	sdelay $0x1  }
0x1eb: {  	v1 =	vadd.f32 v3, v1;
	_ =	sdelay $0x1  }
0x1ec: {  	v1 =	vadd.f32 v28, v1;
	_ =	sdelay $0x1  }
0x1ed: {  	[tilespmem:s25+$0xFFFFFF80] =	vst v1  }
0x1ee: {  	v1 =	vld [tilespmem:$0x1390]  }
0x1ef: {  	v2 =	vld [tilespmem:$0x1590];
	_ =	sdelay $0x1  }
0x1f0: {  	v3 =	vld [tilespmem:$0x1790];
	_ =	sdelay $0x1  }
0x1f1: {  	v29 =	vld [tilespmem:$0x1990]  }
0x1f2: {  	v1 =	vadd.f32 v2, v1;
	_ =	sdelay $0x1  }
0x1f3: {  	v1 =	vadd.f32 v3, v1;
	_ =	sdelay $0x1  }
0x1f4: {  	v1 =	vadd.f32 v29, v1;
	_ =	sdelay $0x1  }
0x1f5: {  	[tilespmem:s25+$0xFFFFFF90] =	vst v1  }
0x1f6: {  	v1 =	vld [tilespmem:$0x13A0]  }
0x1f7: {  	v2 =	vld [tilespmem:$0x15A0];
	_ =	sdelay $0x1  }
0x1f8: {  	v3 =	vld [tilespmem:$0x17A0];
	_ =	sdelay $0x1  }
0x1f9: {  	v30 =	vld [tilespmem:$0x19A0]  }
0x1fa: {  	v1 =	vadd.f32 v2, v1;
	_ =	sdelay $0x1  }
0x1fb: {  	v1 =	vadd.f32 v3, v1;
	_ =	sdelay $0x1  }
0x1fc: {  	v1 =	vadd.f32 v30, v1;
	_ =	sdelay $0x1  }
0x1fd: {  	[tilespmem:s25+$0xFFFFFFA0] =	vst v1  }
0x1fe: {  	v1 =	vld [tilespmem:$0x13B0]  }
0x1ff: {  	v2 =	vld [tilespmem:$0x15B0];
	_ =	sdelay $0x1  }
0x200: {  	v3 =	vld [tilespmem:$0x17B0];
	_ =	sdelay $0x1  }
0x201: {  	v31 =	vld [tilespmem:$0x19B0]  }
0x202: {  	v1 =	vadd.f32 v2, v1;
	_ =	sdelay $0x1  }
0x203: {  	v1 =	vadd.f32 v3, v1;
	_ =	sdelay $0x1  }
0x204: {  	v1 =	vadd.f32 v31, v1;
	_ =	sdelay $0x1  }
0x205: {  	[tilespmem:s25+$0xFFFFFFB0] =	vst v1  }
0x206: {  	v1 =	vld [tilespmem:s28+$0x0];
	_ =	sdelay $0x4  }
0x207: {  	v1 =	vshll.u32 v1, $0x4  }
0x208: {  	(v2sf) =	vpush v1, $0xC;
	_ =	sdelay $0x3  }
0x209: {  	(v2sf) =	vpush v1, $0xD;
	_ =	sdelay $0x3  }
0x20a: {  	(v2sf) =	vpush v1, $0xE;
	_ =	sdelay $0x1  }
0x20b: {  	v2 =	vld [tilespmem:s28+$0x80];
	_ =	sdelay $0x1  }
0x20c: {  	(v2sf) =	vpush v1, $0xF;
	_ =	sdelay $0x2  }
0x20d: {  	v1 =	vshll.u32 v2, $0x4;
	s7 =	spop (v2sf)  }
0x20e: {  	(v2sf) =	vpush v1, $0xC;
	s7 =	sand.u32 $0x1FFFFFF0, s7  }
0x20f: {  	v3 =	vld [tilespmem:s28+$0x180];
	s7 =	sadd.s32 s3, s7  }
0x210: {  	v2 =	vld [tilespmem:s28+$0x100];
	[tilespmem:s2], [sflag:$0x2] =	stream.linear.gather [hbm4b:s7+s1], $0x80, $0x38  }
0x211: {  	s2 =	spop (v2sf)  }
0x212: {  	(v2sf) =	vpush v1, $0xD;
	s7 =	sand.u32 $0x1FFFFFF0, s2  }
0x213: {  	s7 =	sadd.s32 s3, s7  }
0x214: {  	[tilespmem:s16], [sflag:$0x2] =	stream.linear.gather [hbm4b:s7+s1], $0x80, $0x38;
	[tilespmem:$0x11A00] =	vst v63  }
0x215: {  	s16 =	spop (v2sf)  }
0x216: {  	(v2sf) =	vpush v1, $0xE;
	s7 =	sand.u32 $0x1FFFFFF0, s16  }
0x217: {  	s7 =	sadd.s32 s3, s7  }
0x218: {  	[tilespmem:s17], [sflag:$0x2] =	stream.linear.gather [hbm4b:s7+s1], $0x80, $0x38;
	[tilespmem:$0x11A00] =	vst v63  }
0x219: {  	s17 =	spop (v2sf)  }
0x21a: {  	(v2sf) =	vpush v1, $0xF;
	s7 =	sand.u32 $0x1FFFFFF0, s17  }
0x21b: {  	s7 =	sadd.s32 s3, s7  }
0x21c: {  	[tilespmem:s24], [sflag:$0x2] =	stream.linear.gather [hbm4b:s7+s1], $0x80, $0x38;
	[tilespmem:$0x11A00] =	vst v63  }
0x21d: {  	v1 =	vshll.u32 v2, $0x4;
	s28 =	spop (v2sf)  }
0x21e: {  	(v2sf) =	vpush v1, $0xC;
	s7 =	sand.u32 $0x1FFFFFF0, s28  }
0x21f: {  	s7 =	sadd.s32 s4, s7  }
0x220: {  	[tilespmem:s23], [sflag:$0x2] =	stream.linear.gather [hbm4b:s7+s1], $0x80, $0x38;
	[tilespmem:$0x11A00] =	vst v63  }
0x221: {  	s2 =	spop (v2sf)  }
0x222: {  	(v2sf) =	vpush v1, $0xD;
	s7 =	sand.u32 $0x1FFFFFF0, s2  }
0x223: {  	s7 =	sadd.s32 s4, s7  }
0x224: {  	[tilespmem:s9], [sflag:$0x2] =	stream.linear.gather [hbm4b:s7+s1], $0x80, $0x38;
	[tilespmem:$0x11A00] =	vst v63  }
0x225: {  	s16 =	spop (v2sf)  }
0x226: {  	(v2sf) =	vpush v1, $0xE;
	s7 =	sand.u32 $0x1FFFFFF0, s16  }
0x227: {  	s7 =	sadd.s32 s4, s7  }
0x228: {  	[tilespmem:s10], [sflag:$0x2] =	stream.linear.gather [hbm4b:s7+s1], $0x80, $0x38;
	[tilespmem:$0x11A00] =	vst v63  }
0x229: {  	s17 =	spop (v2sf)  }
0x22a: {  	(v2sf) =	vpush v1, $0xF;
	s7 =	sand.u32 $0x1FFFFFF0, s17  }
0x22b: {  	s7 =	sadd.s32 s4, s7  }
0x22c: {  	[tilespmem:s18], [sflag:$0x2] =	stream.linear.gather [hbm4b:s7+s1], $0x80, $0x38;
	[tilespmem:$0x11A00] =	vst v63  }
0x22d: {  	v1 =	vshll.u32 v3, $0x4;
	s18 =	spop (v2sf)  }
0x22e: {  	(v2sf) =	vpush v1, $0xC;
	s7 =	sand.u32 $0x1FFFFFF0, s18  }
0x22f: {  	s7 =	sadd.s32 s5, s7  }
0x230: {  	[tilespmem:s19], [sflag:$0x2] =	stream.linear.gather [hbm4b:s7+s1], $0x80, $0x38;
	[tilespmem:$0x11A00] =	vst v63  }
0x231: {  	s28 =	spop (v2sf)  }
0x232: {  	(v2sf) =	vpush v1, $0xD;
	s7 =	sand.u32 $0x1FFFFFF0, s28  }
0x233: {  	s7 =	sadd.s32 s5, s7  }
0x234: {  	[tilespmem:s20], [sflag:$0x2] =	stream.linear.gather [hbm4b:s7+s1], $0x80, $0x38;
	[tilespmem:$0x11A00] =	vst v63  }
0x235: {  	s2 =	spop (v2sf)  }
0x236: {  	(v2sf) =	vpush v1, $0xE;
	s7 =	sand.u32 $0x1FFFFFF0, s2  }
0x237: {  	s9 =	simm.s32 $0x1700;
	s7 =	sadd.s32 s5, s7  }
0x238: {  	[tilespmem:s9], [sflag:$0x2] =	stream.linear.gather [hbm4b:s7+s1], $0x80, $0x38;
	[tilespmem:$0x11A00] =	vst v63  }
0x239: {  	s10 =	spop (v2sf)  }
0x23a: {  	(v2sf) =	vpush v1, $0xF;
	s7 =	sand.u32 $0x1FFFFFF0, s10  }
0x23b: {  	s7 =	sadd.s32 s5, s7  }
0x23c: {  	[tilespmem:s11], [sflag:$0x2] =	stream.linear.gather [hbm4b:s7+s1], $0x80, $0x38;
	[tilespmem:$0x11A00] =	vst v63  }
0x23d: {  	s11 =	spop (v2sf)  }
0x23e: {  	s7 =	sand.u32 $0x1FFFFFF0, s11  }
0x23f: {  	s7 =	sadd.s32 s6, s7  }
0x240: {  	[tilespmem:s12], [sflag:$0x2] =	stream.linear.gather [hbm4b:s7+s1], $0x80, $0x38;
	[tilespmem:$0x11A00] =	vst v63  }
0x241: {  	s16 =	spop (v2sf)  }
0x242: {  	s7 =	sand.u32 $0x1FFFFFF0, s16  }
0x243: {  	s7 =	sadd.s32 s6, s7  }
0x244: {  	[tilespmem:s13], [sflag:$0x2] =	stream.linear.gather [hbm4b:s7+s1], $0x80, $0x38;
	[tilespmem:$0x11A00] =	vst v63  }
0x245: {  	s17 =	spop (v2sf)  }
0x246: {  	s7 =	sand.u32 $0x1FFFFFF0, s17  }
0x247: {  	s7 =	sadd.s32 s6, s7  }
0x248: {  	[tilespmem:s14], [sflag:$0x2] =	stream.linear.gather [hbm4b:s7+s1], $0x80, $0x38;
	[tilespmem:$0x11A00] =	vst v63  }
0x249: {  	s18 =	spop (v2sf)  }
0x24a: {  	s7 =	sand.u32 $0x1FFFFFF0, s18  }
0x24b: {  	s7 =	sadd.s32 s6, s7  }
0x24c: {  	[tilespmem:s15], [sflag:$0x2] =	stream.linear.gather [hbm4b:s7+s1], $0x80, $0x38;
	[tilespmem:$0x11A00] =	vst v63  }
0x24d: {  	_ =	swait.ge [sflag:s0], $0x800  }
0x24e: {  	[sflag:s0] =	ssyncset.done $0x0  }
0x24f: {  	[sflag:s0] =	ssyncadd.s32 $0xFFFFF800  }
0x250: {  	v1 =	vld [tilespmem:$0xA00]  }
0x251: {  	v2 =	vld [tilespmem:$0xC00];
	_ =	sdelay $0x1  }
0x252: {  	v3 =	vld [tilespmem:$0xE00];
	_ =	sdelay $0x1  }
0x253: {  	v32 =	vld [tilespmem:$0x1000]  }
0x254: {  	v1 =	vadd.f32 v2, v1;
	_ =	sdelay $0x1  }
0x255: {  	v1 =	vadd.f32 v3, v1;
	_ =	sdelay $0x1  }
0x256: {  	v1 =	vadd.f32 v32, v1;
	_ =	sdelay $0x1  }
0x257: {  	[tilespmem:s25+$0x0] =	vst v1  }
0x258: {  	v1 =	vld [tilespmem:$0xA10]  }
0x259: {  	v2 =	vld [tilespmem:$0xC10];
	_ =	sdelay $0x1  }
0x25a: {  	v3 =	vld [tilespmem:$0xE10];
	_ =	sdelay $0x1  }
0x25b: {  	v33 =	vld [tilespmem:$0x1010]  }
0x25c: {  	v1 =	vadd.f32 v2, v1;
	_ =	sdelay $0x1  }
0x25d: {  	v1 =	vadd.f32 v3, v1;
	_ =	sdelay $0x1  }
0x25e: {  	v1 =	vadd.f32 v33, v1;
	_ =	sdelay $0x1  }
0x25f: {  	[tilespmem:s25+$0x10] =	vst v1  }
0x260: {  	v1 =	vld [tilespmem:$0xA20]  }
0x261: {  	v2 =	vld [tilespmem:$0xC20];
	_ =	sdelay $0x1  }
0x262: {  	v3 =	vld [tilespmem:$0xE20];
	_ =	sdelay $0x1  }
0x263: {  	v34 =	vld [tilespmem:$0x1020]  }
0x264: {  	v1 =	vadd.f32 v2, v1;
	_ =	sdelay $0x1  }
0x265: {  	v1 =	vadd.f32 v3, v1;
	_ =	sdelay $0x1  }
0x266: {  	v1 =	vadd.f32 v34, v1;
	_ =	sdelay $0x1  }
0x267: {  	[tilespmem:s25+$0x20] =	vst v1  }
0x268: {  	v1 =	vld [tilespmem:$0xA30]  }
0x269: {  	v2 =	vld [tilespmem:$0xC30];
	_ =	sdelay $0x1  }
0x26a: {  	v3 =	vld [tilespmem:$0xE30];
	_ =	sdelay $0x1  }
0x26b: {  	v35 =	vld [tilespmem:$0x1030]  }
0x26c: {  	v1 =	vadd.f32 v2, v1;
	_ =	sdelay $0x1  }
0x26d: {  	v1 =	vadd.f32 v3, v1;
	_ =	sdelay $0x1  }
0x26e: {  	v1 =	vadd.f32 v35, v1;
	_ =	sdelay $0x1  }
0x26f: {  	[tilespmem:s25+$0x30] =	vst v1  }
0x270: {  	v1 =	vld [tilespmem:$0xA80]  }
0x271: {  	v2 =	vld [tilespmem:$0xC80];
	_ =	sdelay $0x1  }
0x272: {  	v3 =	vld [tilespmem:$0xE80];
	_ =	sdelay $0x1  }
0x273: {  	v36 =	vld [tilespmem:$0x1080]  }
0x274: {  	v1 =	vadd.f32 v2, v1;
	_ =	sdelay $0x1  }
0x275: {  	v1 =	vadd.f32 v3, v1;
	_ =	sdelay $0x1  }
0x276: {  	v1 =	vadd.f32 v36, v1;
	_ =	sdelay $0x1  }
0x277: {  	[tilespmem:s25+$0x80] =	vst v1  }
0x278: {  	v1 =	vld [tilespmem:$0xA90]  }
0x279: {  	v2 =	vld [tilespmem:$0xC90];
	_ =	sdelay $0x1  }
0x27a: {  	v3 =	vld [tilespmem:$0xE90];
	_ =	sdelay $0x1  }
0x27b: {  	v37 =	vld [tilespmem:$0x1090]  }
0x27c: {  	v1 =	vadd.f32 v2, v1;
	_ =	sdelay $0x1  }
0x27d: {  	v1 =	vadd.f32 v3, v1;
	_ =	sdelay $0x1  }
0x27e: {  	v1 =	vadd.f32 v37, v1;
	_ =	sdelay $0x1  }
0x27f: {  	[tilespmem:s25+$0x90] =	vst v1  }
0x280: {  	v1 =	vld [tilespmem:$0xAA0]  }
0x281: {  	v2 =	vld [tilespmem:$0xCA0];
	_ =	sdelay $0x1  }
0x282: {  	v3 =	vld [tilespmem:$0xEA0];
	_ =	sdelay $0x1  }
0x283: {  	v38 =	vld [tilespmem:$0x10A0]  }
0x284: {  	v1 =	vadd.f32 v2, v1;
	_ =	sdelay $0x1  }
0x285: {  	v1 =	vadd.f32 v3, v1;
	_ =	sdelay $0x1  }
0x286: {  	v1 =	vadd.f32 v38, v1;
	_ =	sdelay $0x1  }
0x287: {  	[tilespmem:s25+$0xA0] =	vst v1  }
0x288: {  	v1 =	vld [tilespmem:$0xAB0]  }
0x289: {  	v2 =	vld [tilespmem:$0xCB0];
	_ =	sdelay $0x1  }
0x28a: {  	v3 =	vld [tilespmem:$0xEB0];
	_ =	sdelay $0x1  }
0x28b: {  	v39 =	vld [tilespmem:$0x10B0]  }
0x28c: {  	v1 =	vadd.f32 v2, v1;
	_ =	sdelay $0x1  }
0x28d: {  	v1 =	vadd.f32 v3, v1;
	_ =	sdelay $0x1  }
0x28e: {  	v1 =	vadd.f32 v39, v1;
	_ =	sdelay $0x1  }
0x28f: {  	[tilespmem:s25+$0xB0] =	vst v1  }
0x290: {  	v1 =	vld [tilespmem:$0xB00]  }
0x291: {  	v2 =	vld [tilespmem:$0xD00];
	_ =	sdelay $0x1  }
0x292: {  	v3 =	vld [tilespmem:$0xF00];
	_ =	sdelay $0x1  }
0x293: {  	v40 =	vld [tilespmem:$0x1100]  }
0x294: {  	v1 =	vadd.f32 v2, v1;
	_ =	sdelay $0x1  }
0x295: {  	v1 =	vadd.f32 v3, v1;
	_ =	sdelay $0x1  }
0x296: {  	v1 =	vadd.f32 v40, v1;
	_ =	sdelay $0x1  }
0x297: {  	[tilespmem:s25+$0x100] =	vst v1  }
0x298: {  	v1 =	vld [tilespmem:$0xB10]  }
0x299: {  	v2 =	vld [tilespmem:$0xD10];
	_ =	sdelay $0x1  }
0x29a: {  	v3 =	vld [tilespmem:$0xF10];
	_ =	sdelay $0x1  }
0x29b: {  	v41 =	vld [tilespmem:$0x1110]  }
0x29c: {  	v1 =	vadd.f32 v2, v1;
	_ =	sdelay $0x1  }
0x29d: {  	v1 =	vadd.f32 v3, v1;
	_ =	sdelay $0x1  }
0x29e: {  	v1 =	vadd.f32 v41, v1;
	_ =	sdelay $0x1  }
0x29f: {  	[tilespmem:s25+$0x110] =	vst v1  }
0x2a0: {  	v1 =	vld [tilespmem:$0xB20]  }
0x2a1: {  	v2 =	vld [tilespmem:$0xD20];
	_ =	sdelay $0x1  }
0x2a2: {  	v3 =	vld [tilespmem:$0xF20];
	_ =	sdelay $0x1  }
0x2a3: {  	v42 =	vld [tilespmem:$0x1120]  }
0x2a4: {  	v1 =	vadd.f32 v2, v1;
	_ =	sdelay $0x1  }
0x2a5: {  	v1 =	vadd.f32 v3, v1;
	_ =	sdelay $0x1  }
0x2a6: {  	v1 =	vadd.f32 v42, v1;
	_ =	sdelay $0x1  }
0x2a7: {  	[tilespmem:s25+$0x120] =	vst v1  }
0x2a8: {  	v1 =	vld [tilespmem:$0xB30]  }
0x2a9: {  	v2 =	vld [tilespmem:$0xD30];
	_ =	sdelay $0x1  }
0x2aa: {  	v3 =	vld [tilespmem:$0xF30];
	_ =	sdelay $0x1  }
0x2ab: {  	v43 =	vld [tilespmem:$0x1130]  }
0x2ac: {  	v1 =	vadd.f32 v2, v1;
	_ =	sdelay $0x1  }
0x2ad: {  	v1 =	vadd.f32 v3, v1;
	_ =	sdelay $0x1  }
0x2ae: {  	v1 =	vadd.f32 v43, v1;
	_ =	sdelay $0x1  }
0x2af: {  	[tilespmem:s25+$0x130] =	vst v1  }
0x2b0: {  	v1 =	vld [tilespmem:$0xB80]  }
0x2b1: {  	v2 =	vld [tilespmem:$0xD80];
	_ =	sdelay $0x1  }
0x2b2: {  	v3 =	vld [tilespmem:$0xF80];
	_ =	sdelay $0x1  }
0x2b3: {  	v44 =	vld [tilespmem:$0x1180]  }
0x2b4: {  	v1 =	vadd.f32 v2, v1;
	_ =	sdelay $0x1  }
0x2b5: {  	v1 =	vadd.f32 v3, v1;
	_ =	sdelay $0x1  }
0x2b6: {  	v1 =	vadd.f32 v44, v1;
	_ =	sdelay $0x1  }
0x2b7: {  	[tilespmem:s25+$0x180] =	vst v1  }
0x2b8: {  	v1 =	vld [tilespmem:$0xB90]  }
0x2b9: {  	v2 =	vld [tilespmem:$0xD90];
	_ =	sdelay $0x1  }
0x2ba: {  	v3 =	vld [tilespmem:$0xF90];
	_ =	sdelay $0x1  }
0x2bb: {  	v45 =	vld [tilespmem:$0x1190]  }
0x2bc: {  	v1 =	vadd.f32 v2, v1;
	_ =	sdelay $0x1  }
0x2bd: {  	v1 =	vadd.f32 v3, v1;
	_ =	sdelay $0x1  }
0x2be: {  	v1 =	vadd.f32 v45, v1;
	_ =	sdelay $0x1  }
0x2bf: {  	[tilespmem:s25+$0x190] =	vst v1  }
0x2c0: {  	v1 =	vld [tilespmem:$0xBA0]  }
0x2c1: {  	v2 =	vld [tilespmem:$0xDA0];
	_ =	sdelay $0x1  }
0x2c2: {  	v3 =	vld [tilespmem:$0xFA0];
	_ =	sdelay $0x1  }
0x2c3: {  	v46 =	vld [tilespmem:$0x11A0]  }
0x2c4: {  	v1 =	vadd.f32 v2, v1;
	_ =	sdelay $0x1  }
0x2c5: {  	v1 =	vadd.f32 v3, v1;
	_ =	sdelay $0x1  }
0x2c6: {  	v1 =	vadd.f32 v46, v1;
	_ =	sdelay $0x1  }
0x2c7: {  	[tilespmem:s25+$0x1A0] =	vst v1  }
0x2c8: {  	v1 =	vld [tilespmem:$0xBB0]  }
0x2c9: {  	v2 =	vld [tilespmem:$0xDB0];
	_ =	sdelay $0x1  }
0x2ca: {  	v3 =	vld [tilespmem:$0xFB0];
	_ =	sdelay $0x1  }
0x2cb: {  	v47 =	vld [tilespmem:$0x11B0]  }
0x2cc: {  	v1 =	vadd.f32 v2, v1;
	_ =	sdelay $0x1  }
0x2cd: {  	v1 =	vadd.f32 v3, v1;
	_ =	sdelay $0x1  }
0x2ce: {  	s26 =	sadd.s32 $0x40, s26;
	s28 =	sadd.s32 $0x10, s8;
	v1 =	vadd.f32 v47, v1  }
0x2cf: {  	s29 =	sand.u32 $0xE00, s26;
	s19 =	sand.u32 $0x70, s28  }
0x2d0: {  	s7 =	sor.u32 s19, s29;
	[tilespmem:s25+$0x1B0] =	vst v1  }
0x2d1: {  	v1 =	vld [tilespmem:s7+$0x0];
	_ =	sdelay $0x4  }
0x2d2: {  	v1 =	vshll.u32 v1, $0x4  }
0x2d3: {  	(v2sf) =	vpush v1, $0x0;
	_ =	sdelay $0x1  }
0x2d4: {  	(v2sf) =	vpush v1, $0x1;
	_ =	sdelay $0x1  }
0x2d5: {  	(v2sf) =	vpush v1, $0x2;
	_ =	sdelay $0x2  }
0x2d6: {  	(v2sf) =	vpush v1, $0x3;
	_ =	sdelay $0x1  }
0x2d7: {  	v2 =	vld [tilespmem:s7+$0x80];
	_ =	sdelay $0x4  }
0x2d8: {  	v1 =	vshll.u32 v2, $0x4  }
0x2d9: {  	s29 =	spop (v2sf);
	(v2sf) =	vpush v1, $0x0;
	_ =	sdelay $0x1  }
0x2da: {  	s2 =	spop (v2sf);
	(v2sf) =	vpush v1, $0x1;
	_ =	sdelay $0x1  }
0x2db: {  	s10 =	spop (v2sf);
	(v2sf) =	vpush v1, $0x2;
	_ =	sdelay $0x2  }
0x2dc: {  	v3 =	vld [tilespmem:s7+$0x180];
	s29 =	sand.u32 $0x1FFFFFF0, s29;
	s12 =	spop (v2sf);
	(v2sf) =	vpush v1, $0x3  }
0x2dd: {  	v2 =	vld [tilespmem:s7+$0x100];
	s0 =	sadd.s32 s3, s29;
	s29 =	simm.s32 $0xA00;
	s7 =	sand.u32 $0x1FFFFFF0, s2  }
0x2de: {  	[tilespmem:s29], [sflag:$0x1] =	stream.linear.gather [hbm4b:s0+s1], $0x80, $0x38;
	[tilespmem:$0x11A00] =	vst v63  }
0x2df: {  	s9 =	simm.s32 $0xA80;
	s7 =	sadd.s32 s3, s7  }
0x2e0: {  	[tilespmem:s9], [sflag:$0x1] =	stream.linear.gather [hbm4b:s7+s1], $0x80, $0x38;
	[tilespmem:$0x11A00] =	vst v63  }
0x2e1: {  	s7 =	sand.u32 $0x1FFFFFF0, s10  }
0x2e2: {  	s11 =	simm.s32 $0xB00;
	s7 =	sadd.s32 s3, s7  }
0x2e3: {  	v1 =	vshll.u32 v2, $0x4;
	[tilespmem:s11], [sflag:$0x1] =	stream.linear.gather [hbm4b:s7+s1], $0x80, $0x38;
	[tilespmem:$0x11A00] =	vst v63  }
0x2e4: {  	s14 =	spop (v2sf);
	(v2sf) =	vpush v1, $0x0  }
0x2e5: {  	s7 =	sand.u32 $0x1FFFFFF0, s12  }
0x2e6: {  	s13 =	simm.s32 $0xB80;
	s7 =	sadd.s32 s3, s7;
	s16 =	spop (v2sf);
	(v2sf) =	vpush v1, $0x1  }
0x2e7: {  	[tilespmem:s13], [sflag:$0x1] =	stream.linear.gather [hbm4b:s7+s1], $0x80, $0x38;
	[tilespmem:$0x11A00] =	vst v63  }
0x2e8: {  	s7 =	sand.u32 $0x1FFFFFF0, s14;
	s18 =	spop (v2sf);
	(v2sf) =	vpush v1, $0x2  }
0x2e9: {  	s15 =	simm.s32 $0xC00;
	s7 =	sadd.s32 s4, s7  }
0x2ea: {  	[tilespmem:s15], [sflag:$0x1] =	stream.linear.gather [hbm4b:s7+s1], $0x80, $0x38;
	[tilespmem:$0x11A00] =	vst v63  }
0x2eb: {  	s19 =	spop (v2sf);
	(v2sf) =	vpush v1, $0x3  }
0x2ec: {  	s7 =	sand.u32 $0x1FFFFFF0, s16  }
0x2ed: {  	s17 =	simm.s32 $0xC80;
	s7 =	sadd.s32 s4, s7  }
0x2ee: {  	[tilespmem:s17], [sflag:$0x1] =	stream.linear.gather [hbm4b:s7+s1], $0x80, $0x38;
	[tilespmem:$0x11A00] =	vst v63  }
0x2ef: {  	s7 =	sand.u32 $0x1FFFFFF0, s18  }
0x2f0: {  	s7 =	sadd.s32 s4, s7  }
0x2f1: {  	[tilespmem:s22], [sflag:$0x1] =	stream.linear.gather [hbm4b:s7+s1], $0x80, $0x38;
	[tilespmem:$0x11A00] =	vst v63  }
0x2f2: {  	v1 =	vshll.u32 v3, $0x4;
	s7 =	sand.u32 $0x1FFFFFF0, s19  }
0x2f3: {  	s22 =	simm.s32 $0xD80;
	s7 =	sadd.s32 s4, s7;
	s2 =	spop (v2sf);
	(v2sf) =	vpush v1, $0x0  }
0x2f4: {  	[tilespmem:s22], [sflag:$0x1] =	stream.linear.gather [hbm4b:s7+s1], $0x80, $0x38;
	[tilespmem:$0x11A00] =	vst v63  }
0x2f5: {  	s10 =	spop (v2sf);
	(v2sf) =	vpush v1, $0x1  }
0x2f6: {  	s7 =	sand.u32 $0x1FFFFFF0, s2  }
0x2f7: {  	s9 =	simm.s32 $0xE00;
	s7 =	sadd.s32 s5, s7;
	s11 =	spop (v2sf)  }
0x2f8: {  	(v2sf) =	vpush v1, $0x2;
	[tilespmem:s9], [sflag:$0x1] =	stream.linear.gather [hbm4b:s7+s1], $0x80, $0x38;
	[tilespmem:$0x11A00] =	vst v63  }
0x2f9: {  	s7 =	sand.u32 $0x1FFFFFF0, s10  }
0x2fa: {  	s13 =	spop (v2sf);
	s7 =	sadd.s32 s5, s7  }
0x2fb: {  	(v2sf) =	vpush v1, $0x3;
	[tilespmem:s30], [sflag:$0x1] =	stream.linear.gather [hbm4b:s7+s1], $0x80, $0x38;
	[tilespmem:$0x11A00] =	vst v63  }
0x2fc: {  	s7 =	sand.u32 $0x1FFFFFF0, s11  }
0x2fd: {  	s12 =	simm.s32 $0xF00;
	s7 =	sadd.s32 s5, s7  }
0x2fe: {  	[tilespmem:s12], [sflag:$0x1] =	stream.linear.gather [hbm4b:s7+s1], $0x80, $0x38;
	[tilespmem:$0x11A00] =	vst v63  }
0x2ff: {  	s7 =	sand.u32 $0x1FFFFFF0, s13  }
0x300: {  	s7 =	sadd.s32 s5, s7  }
0x301: {  	[tilespmem:s31], [sflag:$0x1] =	stream.linear.gather [hbm4b:s7+s1], $0x80, $0x38;
	[tilespmem:$0x11A00] =	vst v63  }
0x302: {  	s14 =	spop (v2sf)  }
0x303: {  	s7 =	sand.u32 $0x1FFFFFF0, s14  }
0x304: {  	s15 =	simm.s32 $0x1000;
	s16 =	spop (v2sf);
	s7 =	sadd.s32 s6, s7  }
0x305: {  	[tilespmem:s15], [sflag:$0x1] =	stream.linear.gather [hbm4b:s7+s1], $0x80, $0x38;
	[tilespmem:$0x11A00] =	vst v63  }
0x306: {  	s7 =	sand.u32 $0x1FFFFFF0, s16  }
0x307: {  	s17 =	simm.s32 $0x1080;
	s18 =	spop (v2sf);
	s7 =	sadd.s32 s6, s7  }
0x308: {  	[tilespmem:s17], [sflag:$0x1] =	stream.linear.gather [hbm4b:s7+s1], $0x80, $0x38;
	[tilespmem:$0x11A00] =	vst v63  }
0x309: {  	s7 =	sand.u32 $0x1FFFFFF0, s18  }
0x30a: {  	s19 =	simm.s32 $0x1100;
	s22 =	spop (v2sf);
	s7 =	sadd.s32 s6, s7  }
0x30b: {  	[tilespmem:s19], [sflag:$0x1] =	stream.linear.gather [hbm4b:s7+s1], $0x80, $0x38;
	[tilespmem:$0x11A00] =	vst v63  }
0x30c: {  	s7 =	sand.u32 $0x1FFFFFF0, s22  }
0x30d: {  	s21 =	simm.s32 $0x1180;
	s30 =	simm.s32 $0x2;
	s7 =	sadd.s32 s6, s7  }
0x30e: {  	[tilespmem:s21], [sflag:$0x1] =	stream.linear.gather [hbm4b:s7+s1], $0x80, $0x38;
	[tilespmem:$0x11A00] =	vst v63  }
0x30f: {  	_ =	swait.ge [sflag:s30], $0x800  }
0x310: {  	[sflag:s30] =	ssyncset.done $0x0  }
0x311: {  	[sflag:s30] =	ssyncadd.s32 $0xFFFFF800  }
0x312: {  	v1 =	vld [tilespmem:$0x1200]  }
0x313: {  	v2 =	vld [tilespmem:$0x1400];
	_ =	sdelay $0x1  }
0x314: {  	v3 =	vld [tilespmem:$0x1600];
	_ =	sdelay $0x1  }
0x315: {  	v48 =	vld [tilespmem:$0x1800]  }
0x316: {  	v1 =	vadd.f32 v2, v1;
	_ =	sdelay $0x1  }
0x317: {  	v1 =	vadd.f32 v3, v1;
	_ =	sdelay $0x1  }
0x318: {  	v1 =	vadd.f32 v48, v1;
	_ =	sdelay $0x1  }
0x319: {  	[tilespmem:s25+$0x200] =	vst v1  }
0x31a: {  	v1 =	vld [tilespmem:$0x1210]  }
0x31b: {  	v2 =	vld [tilespmem:$0x1410];
	_ =	sdelay $0x1  }
0x31c: {  	v3 =	vld [tilespmem:$0x1610];
	_ =	sdelay $0x1  }
0x31d: {  	v49 =	vld [tilespmem:$0x1810]  }
0x31e: {  	v1 =	vadd.f32 v2, v1;
	_ =	sdelay $0x1  }
0x31f: {  	v1 =	vadd.f32 v3, v1;
	_ =	sdelay $0x1  }
0x320: {  	v1 =	vadd.f32 v49, v1;
	_ =	sdelay $0x1  }
0x321: {  	[tilespmem:s25+$0x210] =	vst v1  }
0x322: {  	v1 =	vld [tilespmem:$0x1220]  }
0x323: {  	v2 =	vld [tilespmem:$0x1420];
	_ =	sdelay $0x1  }
0x324: {  	v3 =	vld [tilespmem:$0x1620];
	_ =	sdelay $0x1  }
0x325: {  	v50 =	vld [tilespmem:$0x1820]  }
0x326: {  	v1 =	vadd.f32 v2, v1;
	_ =	sdelay $0x1  }
0x327: {  	v1 =	vadd.f32 v3, v1;
	_ =	sdelay $0x1  }
0x328: {  	v1 =	vadd.f32 v50, v1;
	_ =	sdelay $0x1  }
0x329: {  	[tilespmem:s25+$0x220] =	vst v1  }
0x32a: {  	v1 =	vld [tilespmem:$0x1230]  }
0x32b: {  	v2 =	vld [tilespmem:$0x1430];
	_ =	sdelay $0x1  }
0x32c: {  	v3 =	vld [tilespmem:$0x1630];
	_ =	sdelay $0x1  }
0x32d: {  	v51 =	vld [tilespmem:$0x1830]  }
0x32e: {  	v1 =	vadd.f32 v2, v1;
	_ =	sdelay $0x1  }
0x32f: {  	v1 =	vadd.f32 v3, v1;
	_ =	sdelay $0x1  }
0x330: {  	v1 =	vadd.f32 v51, v1;
	_ =	sdelay $0x1  }
0x331: {  	[tilespmem:s25+$0x230] =	vst v1  }
0x332: {  	v1 =	vld [tilespmem:$0x1280]  }
0x333: {  	v2 =	vld [tilespmem:$0x1480];
	_ =	sdelay $0x1  }
0x334: {  	v3 =	vld [tilespmem:$0x1680];
	_ =	sdelay $0x1  }
0x335: {  	v52 =	vld [tilespmem:$0x1880]  }
0x336: {  	v1 =	vadd.f32 v2, v1;
	_ =	sdelay $0x1  }
0x337: {  	v1 =	vadd.f32 v3, v1;
	_ =	sdelay $0x1  }
0x338: {  	v1 =	vadd.f32 v52, v1;
	_ =	sdelay $0x1  }
0x339: {  	[tilespmem:s25+$0x280] =	vst v1  }
0x33a: {  	v1 =	vld [tilespmem:$0x1290]  }
0x33b: {  	v2 =	vld [tilespmem:$0x1490];
	_ =	sdelay $0x1  }
0x33c: {  	v3 =	vld [tilespmem:$0x1690];
	_ =	sdelay $0x1  }
0x33d: {  	v53 =	vld [tilespmem:$0x1890]  }
0x33e: {  	v1 =	vadd.f32 v2, v1;
	_ =	sdelay $0x1  }
0x33f: {  	v1 =	vadd.f32 v3, v1;
	_ =	sdelay $0x1  }
0x340: {  	v1 =	vadd.f32 v53, v1;
	_ =	sdelay $0x1  }
0x341: {  	[tilespmem:s25+$0x290] =	vst v1  }
0x342: {  	v1 =	vld [tilespmem:$0x12A0]  }
0x343: {  	v2 =	vld [tilespmem:$0x14A0];
	_ =	sdelay $0x1  }
0x344: {  	v3 =	vld [tilespmem:$0x16A0];
	_ =	sdelay $0x1  }
0x345: {  	v54 =	vld [tilespmem:$0x18A0]  }
0x346: {  	v1 =	vadd.f32 v2, v1;
	_ =	sdelay $0x1  }
0x347: {  	v1 =	vadd.f32 v3, v1;
	_ =	sdelay $0x1  }
0x348: {  	v1 =	vadd.f32 v54, v1;
	_ =	sdelay $0x1  }
0x349: {  	[tilespmem:s25+$0x2A0] =	vst v1  }
0x34a: {  	v1 =	vld [tilespmem:$0x12B0]  }
0x34b: {  	v2 =	vld [tilespmem:$0x14B0];
	_ =	sdelay $0x1  }
0x34c: {  	v3 =	vld [tilespmem:$0x16B0];
	_ =	sdelay $0x1  }
0x34d: {  	v55 =	vld [tilespmem:$0x18B0]  }
0x34e: {  	v1 =	vadd.f32 v2, v1;
	_ =	sdelay $0x1  }
0x34f: {  	v1 =	vadd.f32 v3, v1;
	_ =	sdelay $0x1  }
0x350: {  	v1 =	vadd.f32 v55, v1;
	_ =	sdelay $0x1  }
0x351: {  	[tilespmem:s25+$0x2B0] =	vst v1  }
0x352: {  	v1 =	vld [tilespmem:$0x1300]  }
0x353: {  	v2 =	vld [tilespmem:$0x1500];
	_ =	sdelay $0x1  }
0x354: {  	v3 =	vld [tilespmem:$0x1700];
	_ =	sdelay $0x1  }
0x355: {  	v56 =	vld [tilespmem:$0x1900]  }
0x356: {  	v1 =	vadd.f32 v2, v1;
	_ =	sdelay $0x1  }
0x357: {  	v1 =	vadd.f32 v3, v1;
	_ =	sdelay $0x1  }
0x358: {  	v1 =	vadd.f32 v56, v1;
	_ =	sdelay $0x1  }
0x359: {  	[tilespmem:s25+$0x300] =	vst v1  }
0x35a: {  	v1 =	vld [tilespmem:$0x1310]  }
0x35b: {  	v2 =	vld [tilespmem:$0x1510];
	_ =	sdelay $0x1  }
0x35c: {  	v3 =	vld [tilespmem:$0x1710];
	_ =	sdelay $0x1  }
0x35d: {  	v57 =	vld [tilespmem:$0x1910]  }
0x35e: {  	v1 =	vadd.f32 v2, v1;
	_ =	sdelay $0x1  }
0x35f: {  	v1 =	vadd.f32 v3, v1;
	_ =	sdelay $0x1  }
0x360: {  	v1 =	vadd.f32 v57, v1;
	_ =	sdelay $0x1  }
0x361: {  	[tilespmem:s25+$0x310] =	vst v1  }
0x362: {  	v1 =	vld [tilespmem:$0x1320]  }
0x363: {  	v2 =	vld [tilespmem:$0x1520];
	_ =	sdelay $0x1  }
0x364: {  	v3 =	vld [tilespmem:$0x1720];
	_ =	sdelay $0x1  }
0x365: {  	v58 =	vld [tilespmem:$0x1920]  }
0x366: {  	v1 =	vadd.f32 v2, v1;
	_ =	sdelay $0x1  }
0x367: {  	v1 =	vadd.f32 v3, v1;
	_ =	sdelay $0x1  }
0x368: {  	v1 =	vadd.f32 v58, v1;
	_ =	sdelay $0x1  }
0x369: {  	[tilespmem:s25+$0x320] =	vst v1  }
0x36a: {  	v1 =	vld [tilespmem:$0x1330]  }
0x36b: {  	v2 =	vld [tilespmem:$0x1530];
	_ =	sdelay $0x1  }
0x36c: {  	v3 =	vld [tilespmem:$0x1730];
	_ =	sdelay $0x1  }
0x36d: {  	v59 =	vld [tilespmem:$0x1930]  }
0x36e: {  	v1 =	vadd.f32 v2, v1;
	_ =	sdelay $0x1  }
0x36f: {  	v1 =	vadd.f32 v3, v1;
	_ =	sdelay $0x1  }
0x370: {  	v1 =	vadd.f32 v59, v1;
	_ =	sdelay $0x1  }
0x371: {  	[tilespmem:s25+$0x330] =	vst v1  }
0x372: {  	v1 =	vld [tilespmem:$0x1380]  }
0x373: {  	v2 =	vld [tilespmem:$0x1580];
	_ =	sdelay $0x1  }
0x374: {  	v3 =	vld [tilespmem:$0x1780];
	_ =	sdelay $0x1  }
0x375: {  	v60 =	vld [tilespmem:$0x1980]  }
0x376: {  	v1 =	vadd.f32 v2, v1;
	_ =	sdelay $0x1  }
0x377: {  	v1 =	vadd.f32 v3, v1;
	_ =	sdelay $0x1  }
0x378: {  	v1 =	vadd.f32 v60, v1;
	_ =	sdelay $0x1  }
0x379: {  	[tilespmem:s25+$0x380] =	vst v1  }
0x37a: {  	v1 =	vld [tilespmem:$0x1390]  }
0x37b: {  	v2 =	vld [tilespmem:$0x1590];
	_ =	sdelay $0x1  }
0x37c: {  	v3 =	vld [tilespmem:$0x1790];
	_ =	sdelay $0x1  }
0x37d: {  	v61 =	vld [tilespmem:$0x1990]  }
0x37e: {  	v1 =	vadd.f32 v2, v1;
	_ =	sdelay $0x1  }
0x37f: {  	v1 =	vadd.f32 v3, v1;
	_ =	sdelay $0x1  }
0x380: {  	v1 =	vadd.f32 v61, v1;
	_ =	sdelay $0x1  }
0x381: {  	[tilespmem:s25+$0x390] =	vst v1  }
0x382: {  	v1 =	vld [tilespmem:$0x13A0]  }
0x383: {  	v2 =	vld [tilespmem:$0x15A0];
	_ =	sdelay $0x1  }
0x384: {  	v3 =	vld [tilespmem:$0x17A0];
	_ =	sdelay $0x1  }
0x385: {  	v62 =	vld [tilespmem:$0x19A0]  }
0x386: {  	v1 =	vadd.f32 v2, v1;
	_ =	sdelay $0x1  }
0x387: {  	v1 =	vadd.f32 v3, v1;
	_ =	sdelay $0x1  }
0x388: {  	v1 =	vadd.f32 v62, v1;
	_ =	sdelay $0x1  }
0x389: {  	[tilespmem:s25+$0x3A0] =	vst v1  }
0x38a: {  	v1 =	vld [tilespmem:$0x13B0]  }
0x38b: {  	v2 =	vld [tilespmem:$0x15B0];
	_ =	sdelay $0x1  }
0x38c: {  	v3 =	vld [tilespmem:$0x17B0];
	_ =	sdelay $0x1  }
0x38d: {  	v63 =	vld [tilespmem:$0x19B0]  }
0x38e: {  	v1 =	vadd.f32 v2, v1  }
0x38f: {  	p0 =	sne.s32 s8, $0x1F0  }
.Ltmp0:
0x390: {  	v1 =	vadd.f32 v3, v1;
	(pc) =	sbr.rel @p0 .LBB2_2-.Ltmp0, $3  }
0x391: {  	_ = 	snop  }
0x392: {  	v1 =	vadd.f32 v63, v1;
	_ =	sdelay $0x1  }
0x393: {  	s8 =	smov.u32 s28;
	[tilespmem:s25+$0x3B0] =	vst v1;
	s25 =	sadd.s32 $0x800, s25  }
0x394: {  	s0 =	simm.s32 $0x1  }
0x395: {  	_ =	swait.ge [sflag:s0], $0x800  }
0x396: {  	[sflag:s0] =	ssyncset.done $0x0  }
0x397: {  	s25 =	simm.s32 $0x1A00;
	s7 =	rddreg [dreg:$0x7];
	[sflag:s0] =	ssyncadd.s32 $0xFFFFF800  }
0x398: {  	[hbm4b:s7+s1] =	stream.linear.scatter [tilespmem:s25], [sflag:$0x3], $0x10000, $0x38;
	[tilespmem:$0x11A00] =	vst v63  }
0x399: {  	s25 =	simm.s32 $0x3  }
0x39a: {  	_ =	swait.ge [sflag:s25], $0x10000  }
0x39b: {  	s8 =	rddreg [dreg:$0xf]  }
0x39c: {  	s9 =	simm.s32 $0xA80;
	s26 =	rddreg [dreg:$0x8];
	s8 =	sadd.s32 $0x1, s8  }
0x39d: {  	s28 =	simm.s32 $0xB00;
	s10 =	simm.s32 $0xB80;
	p0 =	sne.s32 s8, s26  }
.Ltmp1:
0x39e: {  	s30 =	simm.s32 $0xC00;
	s19 =	simm.s32 $0xC80;
	(pc) =	sbr.rel @p0 .LBB2_1-.Ltmp1, $4  }
0x39f: {  	s14 =	simm.s32 $0xD80;
	s2 =	simm.s32 $0xE00;
	s18 =	simm.s32 $0xE80  }
0x3a0: {  	s16 =	simm.s32 $0xF00;
	s15 =	simm.s32 $0xF80;
	s17 =	simm.s32 $0x1000  }
0x3a1: {  	s11 =	simm.s32 $0x1080;
	s12 =	simm.s32 $0x1100;
	[sflag:s25] =	ssyncset.done $0x0  }
0x3a2: {  	s13 =	simm.s32 $0x1180;
	s0 =	simm.s32 $0xD00;
	[sflag:s25] =	ssyncadd.s32 $0xFFFF0000  }
0x3a3: {  	_ =	sfence.sel $0x180000  }
0x3a4: {  	[bflag:$0x0] =	sbarrier.arrive $0xFFFF  }
0x3a5: {  	_ =	strace $0x90000047  }
0x3a6: {  	s0 =	stileid.u32;
	[bflag:$0x2] =	sbarrier.arrive $0xFFFF  }
0x3a7: {  	p0 =	sne.s32 s0, $0x0;
	s0 =	rddreg [dreg:$0x2]  }
0x3a8: {  	s0 =	sadd.s32 @!p0 $0x100000, s0  }
0x3a9: {  	[sflag:s0] =	ssyncadd.tile.s32 @!p0 $0x1;
	_ =	shalt  }
.Lfunc_end2:
_tile_overlayer_lowered:
.L_overlay_start_2:
0x3aa: {  	(tag) =	ssettag $0x2  }
0x3ab: {  	s0 =	rddreg [dreg:$0x0];
	s2 =	stileid.u32  }
0x3ac: {  	s1 =	rddreg [dreg:$0x1];
	p0 =	sne.s32 s2, $0x0  }
0x3ad: {  	s3 =	rddreg [dreg:$0x2];
	[bflag:$0x3] =	sbarrier.arrive $0xFFFF;
	s2 =	simm.s32 @!p0 $0x1C03  }
0x3ae: {  	[timem:s3], [sflag:s2] =	dma.local @!p0 [hbm:s0], s1  }
0x3af: {  	s0 =	simm.s32 @!p0 $0x3  }
0x3b0: {  	_ =	swait.ge @!p0 [sflag:s0], s1  }
0x3b1: {  	s1 =	ssub.s32 @!p0 $0x0, s1;
	[sflag:s0] =	ssyncset.done @!p0 $0x0  }
0x3b2: {  	[sflag:s0] =	ssyncadd.s32 @!p0 s1  }
0x3b3: {  	[bflag:$0x3] =	sbarrier.arrive $0xFFFF  }
0x3b4: {  	_ =	shalt  }

</sc_bundles>
